<compile_context>
chip_gen: v7x
topology: tpu7x:2x2x1
jax: 0.10.2.dev20260603
libtpu: 0.0.44.dev20260713+nightly
codegen_flags: <defaults>
</compile_context>

<pallas_src>
import functools

import jax
import jax.numpy as jnp
from jax import lax
from jax.experimental import pallas as pl
from jax.experimental.pallas import tpu as pltpu
from jax.experimental.pallas import tpu_sc as plsc

_SEQ = 128
_D = 64
_C = 64
_BS = 256
_BQ = 256

_NC = 2
_NS = 16
_NW = _NC * _NS
_SC_ROWS = 1024
_RPW = _SC_ROWS // _NW


def _bcast_sum16(v):
    iota = lax.broadcasted_iota(jnp.int32, (16,), 0)
    dnums = lax.GatherDimensionNumbers(
        offset_dims=(), collapsed_slice_dims=(0,), start_index_map=(0,))
    for sh in (8, 4, 2, 1):
        idx = jnp.bitwise_xor(iota, sh)
        shuf = lax.gather(v, idx[:, None], dnums, (1,),
                          mode=lax.GatherScatterMode.PROMISE_IN_BOUNDS)
        v = v + shuf
    return v


def _sc_body(n_sup, sup_hbm, labels_hbm, w_hbm, parts_hbm,
             x_v, lbl_v, w_v, acc_v, sem):
    wid = lax.axis_index("s") * _NC + lax.axis_index("c")
    base = (n_sup - _SC_ROWS) + wid * _RPW
    pltpu.sync_copy(w_hbm, w_v)
    pltpu.sync_copy(labels_hbm.at[pl.ds(base, _RPW)], lbl_v)

    zero16 = jnp.zeros((16,), jnp.float32)

    def zero_body(i, _):
        acc_v[i, pl.ds(0, 16)] = zero16
        acc_v[i, pl.ds(16, 16)] = zero16
        acc_v[i, pl.ds(32, 16)] = zero16
        acc_v[i, pl.ds(48, 16)] = zero16
        return 0

    lax.fori_loop(0, _C, zero_body, 0)

    def chunk_body(k, _):
        lbl16 = lbl_v[pl.ds(k * 16, 16)]
        for j in range(16):
            r = k * 16 + j
            pltpu.sync_copy(sup_hbm.at[base + r], x_v)

            def d_body(d, carry):
                s8 = x_v[d, pl.ds(0, 16)]
                for c in range(1, 8):
                    s8 = s8 + x_v[d, pl.ds(c * 16, 16)]
                s = _bcast_sum16(s8)
                return tuple(
                    carry[c] + s * w_v[d, pl.ds(c * 16, 16)]
                    for c in range(4)
                )

            emb = lax.fori_loop(0, _D, d_body,
                                (zero16, zero16, zero16, zero16))
            lbl = lbl16[j]
            for c in range(4):
                plsc.addupdate(acc_v.at[lbl, pl.ds(c * 16, 16)], emb[c])
        return 0

    lax.fori_loop(0, _RPW // 16, chunk_body, 0)
    pltpu.sync_copy(acc_v, parts_hbm.at[wid])


def sc_partial_sums(sup_t, labels_i32, W):
    n_sup = sup_t.shape[0]
    mesh = plsc.VectorSubcoreMesh(core_axis_name="c", subcore_axis_name="s")
    w_scaled = W * (1.0 / _SEQ)
    return pl.kernel(
        functools.partial(_sc_body, n_sup),
        out_type=jax.ShapeDtypeStruct((_NW, _C, _D), jnp.float32),
        mesh=mesh,
        scratch_types=[
            pltpu.VMEM((_D, _SEQ), jnp.float32),
            pltpu.VMEM((_RPW,), jnp.int32),
            pltpu.VMEM((_D, _D), jnp.float32),
            pltpu.VMEM((_C, _D), jnp.float32),
            pltpu.SemaphoreType.DMA,
        ],
    )(sup_t, labels_i32, w_scaled)


def _pool_project(x, w):
    pooled = jnp.sum(x, axis=2) * (1.0 / _SEQ)
    return jnp.dot(pooled, w, preferred_element_type=jnp.float32)


def _support_body(nbs_tc, labels_ref, x_ref, w_ref, sums_ref, counts_ref):
    i = pl.program_id(0)
    lbl = labels_ref[0, 0, :]
    onehot = (lbl[:, None] == lax.broadcasted_iota(jnp.int32, (_BS, _C), 1)
              ).astype(jnp.float32)
    ones_col = jnp.ones((_BS, 1), jnp.float32)
    part_counts = lax.dot_general(onehot, ones_col, (((0,), (0,)), ((), ())),
                                  preferred_element_type=jnp.float32)

    @pl.when(i == 0)
    def _():
        sums_ref[...] = jnp.zeros((_C, _D), jnp.float32)
        counts_ref[...] = part_counts

    @pl.when(i > 0)
    def _():
        counts_ref[...] += part_counts

    @pl.when(i < nbs_tc)
    def _():
        emb = _pool_project(x_ref[...], w_ref[...])
        part_sums = lax.dot_general(onehot, emb, (((0,), (0,)), ((), ())),
                                    preferred_element_type=jnp.float32)
        sums_ref[...] += part_sums


def _query_body(x_ref, w_ref, b_ref, sums_ref, counts_ref, parts_ref,
                logits_t_ref, protos_ref):
    j = pl.program_id(0)
    counts = counts_ref[...]
    denom = jnp.maximum(counts, 1.0)
    sums = sums_ref[...] + jnp.sum(parts_ref[...], axis=0)
    protos = (sums + counts * b_ref[...]) / denom

    @pl.when(j == 0)
    def _():
        protos_ref[...] = protos

    qe = _pool_project(x_ref[...], w_ref[...]) + b_ref[...]
    p2 = jnp.sum(protos * protos, axis=1, keepdims=True)
    ones_row = jnp.ones((1, _D), jnp.float32)
    q2t = lax.dot_general(ones_row, qe * qe, (((1,), (1,)), ((), ())),
                          preferred_element_type=jnp.float32)
    cross_t = lax.dot_general(protos, qe, (((1,), (1,)), ((), ())),
                              preferred_element_type=jnp.float32)
    logits_t_ref[...] = -(p2 + q2t - 2.0 * cross_t + 1e-8)


@jax.jit
def kernel(support, support_labels, query, W, b):
    n_sup = support.shape[0]
    n_q = query.shape[0]
    nbs = n_sup // _BS
    nbs_tc = (n_sup - _SC_ROWS) // _BS
    nbq = n_q // _BQ
    sup_t = support.transpose(0, 2, 1)
    q_t = query.transpose(0, 2, 1)
    labels_i32 = support_labels.astype(jnp.int32)
    labels = labels_i32.reshape(nbs, 1, _BS)
    b_row = b.reshape(1, _D)

    parts = sc_partial_sums(sup_t, labels_i32, W)

    sums, counts = pl.pallas_call(
        functools.partial(_support_body, nbs_tc),
        grid=(nbs,),
        in_specs=[
            pl.BlockSpec((1, 1, _BS), lambda i: (i, 0, 0)),
            pl.BlockSpec((_BS, _D, _SEQ),
                         lambda i: (jnp.minimum(i, nbs_tc - 1), 0, 0)),
            pl.BlockSpec((_D, _D), lambda i: (0, 0)),
        ],
        out_specs=[
            pl.BlockSpec((_C, _D), lambda i: (0, 0)),
            pl.BlockSpec((_C, 1), lambda i: (0, 0)),
        ],
        out_shape=[
            jax.ShapeDtypeStruct((_C, _D), jnp.float32),
            jax.ShapeDtypeStruct((_C, 1), jnp.float32),
        ],
    )(labels, sup_t, W)

    logits_t, protos = pl.pallas_call(
        _query_body,
        grid=(nbq,),
        in_specs=[
            pl.BlockSpec((_BQ, _D, _SEQ), lambda j: (j, 0, 0)),
            pl.BlockSpec((_D, _D), lambda j: (0, 0)),
            pl.BlockSpec((1, _D), lambda j: (0, 0)),
            pl.BlockSpec((_C, _D), lambda j: (0, 0)),
            pl.BlockSpec((_C, 1), lambda j: (0, 0)),
            pl.BlockSpec((_NW, _C, _D), lambda j: (0, 0, 0)),
        ],
        out_specs=[
            pl.BlockSpec((_C, _BQ), lambda j: (0, j)),
            pl.BlockSpec((_C, _D), lambda j: (0, 0)),
        ],
        out_shape=[
            jax.ShapeDtypeStruct((_C, n_q), jnp.float32),
            jax.ShapeDtypeStruct((_C, _D), jnp.float32),
        ],
    )(q_t, W, b_row, sums, counts, parts)

    return (logits_t.T, protos)

# --- scband reference (transcript-rebuilt; emitter-appended) ---
"""Pipeline reference for scband-prototypical-network-69595650064482 (READ-ONLY COPY).

The authoritative reference and input builder live on the scoring server;
editing this copy changes nothing except your own understanding.
"""

import jax, jax.numpy as jnp
import numpy as np

N_SUPPORT = 4096
N_QUERY = 2048
SEQ_LEN = 128
INPUT_DIM = 64
EMBED_DIM = 64
N_CLASSES = 64


def setup_inputs(seed: int = 0) -> dict:
    key = jax.random.key(seed)
    k1, k2, k3, k4 = jax.random.split(key, 4)
    support = jax.random.normal(k1, (N_SUPPORT, SEQ_LEN, INPUT_DIM), dtype=jnp.float32)
    support_labels = jnp.sort(jax.random.randint(k2, (N_SUPPORT,), 0, N_CLASSES).astype(jnp.int64))
    query = jax.random.normal(k3, (N_QUERY, SEQ_LEN, INPUT_DIM), dtype=jnp.float32)
    # encoder params: mean-pool over seq then dense projection
    W = jax.random.normal(k4, (INPUT_DIM, EMBED_DIM), dtype=jnp.float32) * 0.05
    b = jnp.zeros((EMBED_DIM,), dtype=jnp.float32)
    return {"support": support, "support_labels": support_labels, "query": query, "W": W, "b": b}


def _encode(x, W, b):
    # encoder: mean pool over sequence dim, then linear projection
    pooled = jnp.mean(x, axis=1)
    return pooled @ W + b


def reference(support, support_labels, query, W, b):
    support_embeddings = _encode(support, W, b)  # [N_SUPPORT, EMBED_DIM]
    query_embeddings = _encode(query, W, b)      # [N_QUERY, EMBED_DIM]
    # prototype = per-class mean of support embeddings (segment mean)
    seg_ids = support_labels.astype(jnp.int32)
    sums = jax.ops.segment_sum(support_embeddings, seg_ids, num_segments=N_CLASSES)
    counts = jnp.bincount(seg_ids, length=N_CLASSES).astype(jnp.float32)
    prototypes = sums / jnp.maximum(counts, 1.0)[:, None]  # [N_CLASSES, EMBED_DIM]
    # pairwise euclidean distances query->prototypes
    diff = query_embeddings[:, None, :] - prototypes[None, :, :]
    distances = jnp.sqrt(jnp.sum(jnp.square(diff), axis=2) + 1e-08)
    logits = -jnp.square(distances)
    return (logits, prototypes)

if __name__ == "__main__":
    import jax
    _d = setup_inputs()
    print(jax.jit(kernel)(*tuple(_d.values())))

</pallas_src>

<mosaic_0001>
#map = affine_map<(d0, d1) -> (0, 0, 0)>
#map1 = affine_map<(d0, d1) -> (0)>
#map2 = affine_map<(d0, d1) -> (0, 0)>
module attributes {stable_mosaic.version = 14 : i64} {
  func.func @_sc_body(%arg0: i32, %arg1: i32, %arg2: memref<4096x64x128xf32, #tpu.memory_space<hbm>>, %arg3: memref<4096xi32, #tpu.memory_space<hbm>>, %arg4: memref<64x64xf32, #tpu.memory_space<hbm>>, %arg5: memref<32x64x64xf32, #tpu.memory_space<hbm>>, %arg6: memref<64x128xf32, #tpu.memory_space<vmem>>, %arg7: memref<32xi32, #tpu.memory_space<vmem>>, %arg8: memref<64x64xf32, #tpu.memory_space<vmem>>, %arg9: memref<64x64xf32, #tpu.memory_space<vmem>>, %arg10: memref<!tpu.dma_semaphore, #tpu.memory_space<semaphore_mem>>) attributes {dimension_semantics = [#tpu.dimension_semantics<core_parallel>, #tpu.dimension_semantics<subcore_parallel>], iteration_bounds = array<i64: 2, 16>, scalar_prefetch = 0 : i64, scratch_operands = 5 : i64, tpu.core_type = #tpu.core_type<sc_vector_subcore>, window_params = [{transform_indices = #map}, {transform_indices = #map1}, {transform_indices = #map2}, {transform_indices = #map}]} {
    %mul3A = arith.constant 2 : i32
    %mul3A_0 = arith.muli %arg1, %mul3A : i32
    %add3A = arith.addi %mul3A_0, %arg0 : i32
    %mul3A_1 = arith.constant 32 : i32
    %mul3A_2 = arith.muli %add3A, %mul3A_1 : i32
    %add3A_3 = arith.constant 3072 : i32
    %add3A_4 = arith.addi %add3A_3, %mul3A_2 : i32
    "tpu.region"() ({
      %run_scoped3A = tpu.sem_alloc : memref<!tpu.dma_semaphore, #tpu.memory_space<semaphore_mem>>
      tpu.enqueue_dma source(%arg4 : memref<64x64xf32, #tpu.memory_space<hbm>>) target(%arg8 : memref<64x64xf32, #tpu.memory_space<vmem>>) target_semaphore(%run_scoped3A : memref<!tpu.dma_semaphore, #tpu.memory_space<semaphore_mem>>)
      tpu.wait_dma2 semaphore(%run_scoped3A : memref<!tpu.dma_semaphore, #tpu.memory_space<semaphore_mem>>) src(%arg4 : memref<64x64xf32, #tpu.memory_space<hbm>>) dst(%arg8 : memref<64x64xf32, #tpu.memory_space<vmem>>)
      tpu.yield
    }) : () -> ()
    "tpu.region"() ({
      %run_scoped3A = tpu.sem_alloc : memref<!tpu.dma_semaphore, #tpu.memory_space<semaphore_mem>>
      %dma_start3A = tpu.memref_slice %arg3[%add3A_4] : memref<4096xi32, #tpu.memory_space<hbm>> -> memref<32xi32, #tpu.memory_space<hbm>>
      %dma_start3A_19 = tpu.memref_slice %arg3[%add3A_4] : memref<4096xi32, #tpu.memory_space<hbm>> -> memref<32xi32, #tpu.memory_space<hbm>>
      tpu.enqueue_dma source(%dma_start3A_19 : memref<32xi32, #tpu.memory_space<hbm>>) target(%arg7 : memref<32xi32, #tpu.memory_space<vmem>>) target_semaphore(%run_scoped3A : memref<!tpu.dma_semaphore, #tpu.memory_space<semaphore_mem>>)
      %dma_wait3A = tpu.memref_slice %arg3[%add3A_4] : memref<4096xi32, #tpu.memory_space<hbm>> -> memref<32xi32, #tpu.memory_space<hbm>>
      %dma_wait3A_20 = tpu.memref_slice %arg3[%add3A_4] : memref<4096xi32, #tpu.memory_space<hbm>> -> memref<32xi32, #tpu.memory_space<hbm>>
      tpu.wait_dma2 semaphore(%run_scoped3A : memref<!tpu.dma_semaphore, #tpu.memory_space<semaphore_mem>>) src(%dma_wait3A_20 : memref<32xi32, #tpu.memory_space<hbm>>) dst(%arg7 : memref<32xi32, #tpu.memory_space<vmem>>)
      tpu.yield
    }) : () -> ()
    %broadcast_in_dim3A = arith.constant 0.000000e+00 : f32
    %broadcast_in_dim3A_5 = vector.broadcast %broadcast_in_dim3A : f32 to vector<16xf32>
    %scan3A = arith.constant 0 : i32
    %scan3A_6 = arith.constant 0 : i32
    %scan3A_7 = arith.constant 64 : i32
    %scan3A_8 = arith.addi %scan3A_6, %scan3A_7 : i32
    %scan3A_9 = arith.constant 1 : i32
    %scan3A_10 = scf.for %scan3A_19 = %scan3A_6 to %scan3A_8 step %scan3A_9 iter_args(%scan3A_20 = %scan3A) -> (i32)  : i32 {
      %swap3A = arith.index_cast %scan3A_19 : i32 to index
      %swap3A_21 = arith.constant 0 : index
      %swap3A_22 = tpu.vector_load %arg9[%swap3A, %swap3A_21] {strides = array<i32>} : memref<64x64xf32, #tpu.memory_space<vmem>>, vector<1x16xf32>,
      %swap3A_23 = vector.shape_cast %swap3A_22 : vector<1x16xf32> to vector<16xf32>
      %swap3A_24 = vector.shape_cast %broadcast_in_dim3A_5 : vector<16xf32> to vector<1x16xf32>
      tpu.vector_store %arg9[%swap3A, %swap3A_21], %swap3A_24 {strides = array<i32>} : memref<64x64xf32, #tpu.memory_space<vmem>>, vector<1x16xf32>,
      %swap3A_25 = arith.index_cast %scan3A_19 : i32 to index
      %swap3A_26 = arith.constant 16 : index
      %swap3A_27 = tpu.vector_load %arg9[%swap3A_25, %swap3A_26] {strides = array<i32>} : memref<64x64xf32, #tpu.memory_space<vmem>>, vector<1x16xf32>,
      %swap3A_28 = vector.shape_cast %swap3A_27 : vector<1x16xf32> to vector<16xf32>
      %swap3A_29 = vector.shape_cast %broadcast_in_dim3A_5 : vector<16xf32> to vector<1x16xf32>
      tpu.vector_store %arg9[%swap3A_25, %swap3A_26], %swap3A_29 {strides = array<i32>} : memref<64x64xf32, #tpu.memory_space<vmem>>, vector<1x16xf32>,
      %swap3A_30 = arith.index_cast %scan3A_19 : i32 to index
      %swap3A_31 = arith.constant 32 : index
      %swap3A_32 = tpu.vector_load %arg9[%swap3A_30, %swap3A_31] {strides = array<i32>} : memref<64x64xf32, #tpu.memory_space<vmem>>, vector<1x16xf32>,
      %swap3A_33 = vector.shape_cast %swap3A_32 : vector<1x16xf32> to vector<16xf32>
      %swap3A_34 = vector.shape_cast %broadcast_in_dim3A_5 : vector<16xf32> to vector<1x16xf32>
      tpu.vector_store %arg9[%swap3A_30, %swap3A_31], %swap3A_34 {strides = array<i32>} : memref<64x64xf32, #tpu.memory_space<vmem>>, vector<1x16xf32>,
      %swap3A_35 = arith.index_cast %scan3A_19 : i32 to index
      %swap3A_36 = arith.constant 48 : index
      %swap3A_37 = tpu.vector_load %arg9[%swap3A_35, %swap3A_36] {strides = array<i32>} : memref<64x64xf32, #tpu.memory_space<vmem>>, vector<1x16xf32>,
      %swap3A_38 = vector.shape_cast %swap3A_37 : vector<1x16xf32> to vector<16xf32>
      %swap3A_39 = vector.shape_cast %broadcast_in_dim3A_5 : vector<16xf32> to vector<1x16xf32>
      tpu.vector_store %arg9[%swap3A_35, %swap3A_36], %swap3A_39 {strides = array<i32>} : memref<64x64xf32, #tpu.memory_space<vmem>>, vector<1x16xf32>,
      %scan3A_40 = arith.constant 0 : i32
      scf.yield %scan3A_40 : i32
    }
    %scan3A_11 = arith.constant 64 : i32
    %scan3A_12 = arith.constant 0 : i32
    %scan3A_13 = arith.constant 0 : i32
    %scan3A_14 = arith.constant 2 : i32
    %scan3A_15 = arith.addi %scan3A_13, %scan3A_14 : i32
    %scan3A_16 = arith.constant 1 : i32
    %scan3A_17 = scf.for %scan3A_19 = %scan3A_13 to %scan3A_15 step %scan3A_16 iter_args(%scan3A_20 = %scan3A_12) -> (i32)  : i32 {
      %mul3A_21 = arith.constant 16 : i32
      %mul3A_22 = arith.muli %scan3A_19, %mul3A_21 : i32
      %get3A = arith.index_cast %mul3A_22 : i32 to index
      %get3A_23 = tpu.vector_load %arg7[%get3A] {strides = array<i32>} : memref<32xi32, #tpu.memory_space<vmem>>, vector<16xi32>,
      %get3A_24 = vector.shape_cast %get3A_23 : vector<16xi32> to vector<16xi32>
      %mul3A_25 = arith.constant 16 : i32
      %mul3A_26 = arith.muli %scan3A_19, %mul3A_25 : i32
      %add3A_27 = arith.constant 0 : i32
      %add3A_28 = arith.addi %mul3A_26, %add3A_27 : i32
      %add3A_29 = arith.addi %add3A_4, %add3A_28 : i32
      "tpu.region"() ({
        %run_scoped3A = tpu.sem_alloc : memref<!tpu.dma_semaphore, #tpu.memory_space<semaphore_mem>>
        %dma_start3A = arith.constant 0 : i32
        %dma_start3A_551 = arith.constant 0 : i32
        %dma_start3A_552 = tpu.memref_slice %arg2[%add3A_29, %dma_start3A, %dma_start3A_551] : memref<4096x64x128xf32, #tpu.memory_space<hbm>> -> memref<1x64x128xf32, #tpu.memory_space<hbm>>
        %dma_start3A_553 = tpu.memref_squeeze %dma_start3A_552 : memref<1x64x128xf32, #tpu.memory_space<hbm>> -> memref<64x128xf32, #tpu.memory_space<hbm>>
        %dma_start3A_554 = arith.constant 0 : i32
        %dma_start3A_555 = arith.constant 0 : i32
        %dma_start3A_556 = tpu.memref_slice %arg2[%add3A_29, %dma_start3A_554, %dma_start3A_555] : memref<4096x64x128xf32, #tpu.memory_space<hbm>> -> memref<1x64x128xf32, #tpu.memory_space<hbm>>
        %dma_start3A_557 = tpu.memref_squeeze %dma_start3A_556 : memref<1x64x128xf32, #tpu.memory_space<hbm>> -> memref<64x128xf32, #tpu.memory_space<hbm>>
        tpu.enqueue_dma source(%dma_start3A_557 : memref<64x128xf32, #tpu.memory_space<hbm>>) target(%arg6 : memref<64x128xf32, #tpu.memory_space<vmem>>) target_semaphore(%run_scoped3A : memref<!tpu.dma_semaphore, #tpu.memory_space<semaphore_mem>>)
        %dma_wait3A = arith.constant 0 : i32
        %dma_wait3A_558 = arith.constant 0 : i32
        %dma_wait3A_559 = tpu.memref_slice %arg2[%add3A_29, %dma_wait3A, %dma_wait3A_558] : memref<4096x64x128xf32, #tpu.memory_space<hbm>> -> memref<1x64x128xf32, #tpu.memory_space<hbm>>
        %dma_wait3A_560 = tpu.memref_squeeze %dma_wait3A_559 : memref<1x64x128xf32, #tpu.memory_space<hbm>> -> memref<64x128xf32, #tpu.memory_space<hbm>>
        %dma_wait3A_561 = arith.constant 0 : i32
        %dma_wait3A_562 = arith.constant 0 : i32
        %dma_wait3A_563 = tpu.memref_slice %arg2[%add3A_29, %dma_wait3A_561, %dma_wait3A_562] : memref<4096x64x128xf32, #tpu.memory_space<hbm>> -> memref<1x64x128xf32, #tpu.memory_space<hbm>>
        %dma_wait3A_564 = tpu.memref_squeeze %dma_wait3A_563 : memref<1x64x128xf32, #tpu.memory_space<hbm>> -> memref<64x128xf32, #tpu.memory_space<hbm>>
        tpu.wait_dma2 semaphore(%run_scoped3A : memref<!tpu.dma_semaphore, #tpu.memory_space<semaphore_mem>>) src(%dma_wait3A_564 : memref<64x128xf32, #tpu.memory_space<hbm>>) dst(%arg6 : memref<64x128xf32, #tpu.memory_space<vmem>>)
        tpu.yield
      }) : () -> ()
      %scan3A_30 = arith.constant 0 : i32
      %scan3A_31 = arith.constant 64 : i32
      %scan3A_32 = arith.addi %scan3A_30, %scan3A_31 : i32
      %scan3A_33 = arith.constant 1 : i32
      %scan3A_34:4 = scf.for %scan3A_551 = %scan3A_30 to %scan3A_32 step %scan3A_33 iter_args(%scan3A_552 = %broadcast_in_dim3A_5, %scan3A_553 = %broadcast_in_dim3A_5, %scan3A_554 = %broadcast_in_dim3A_5, %scan3A_555 = %broadcast_in_dim3A_5) -> (vector<16xf32>, vector<16xf32>, vector<16xf32>, vector<16xf32>)  : i32 {
        %get3A_556 = arith.index_cast %scan3A_551 : i32 to index
        %get3A_557 = arith.constant 0 : index
        %get3A_558 = tpu.vector_load %arg6[%get3A_556, %get3A_557] {strides = array<i32>} : memref<64x128xf32, #tpu.memory_space<vmem>>, vector<1x16xf32>,
        %get3A_559 = vector.shape_cast %get3A_558 : vector<1x16xf32> to vector<16xf32>
        %get3A_560 = arith.index_cast %scan3A_551 : i32 to index
        %get3A_561 = arith.constant 16 : index
        %get3A_562 = tpu.vector_load %arg6[%get3A_560, %get3A_561] {strides = array<i32>} : memref<64x128xf32, #tpu.memory_space<vmem>>, vector<1x16xf32>,
        %get3A_563 = vector.shape_cast %get3A_562 : vector<1x16xf32> to vector<16xf32>
        %add3A_564 = arith.addf %get3A_559, %get3A_563 : vector<16xf32>
        %get3A_565 = arith.index_cast %scan3A_551 : i32 to index
        %get3A_566 = arith.constant 32 : index
        %get3A_567 = tpu.vector_load %arg6[%get3A_565, %get3A_566] {strides = array<i32>} : memref<64x128xf32, #tpu.memory_space<vmem>>, vector<1x16xf32>,
        %get3A_568 = vector.shape_cast %get3A_567 : vector<1x16xf32> to vector<16xf32>
        %add3A_569 = arith.addf %add3A_564, %get3A_568 : vector<16xf32>
        %get3A_570 = arith.index_cast %scan3A_551 : i32 to index
        %get3A_571 = arith.constant 48 : index
        %get3A_572 = tpu.vector_load %arg6[%get3A_570, %get3A_571] {strides = array<i32>} : memref<64x128xf32, #tpu.memory_space<vmem>>, vector<1x16xf32>,
        %get3A_573 = vector.shape_cast %get3A_572 : vector<1x16xf32> to vector<16xf32>
        %add3A_574 = arith.addf %add3A_569, %get3A_573 : vector<16xf32>
        %get3A_575 = arith.index_cast %scan3A_551 : i32 to index
        %get3A_576 = arith.constant 64 : index
        %get3A_577 = tpu.vector_load %arg6[%get3A_575, %get3A_576] {strides = array<i32>} : memref<64x128xf32, #tpu.memory_space<vmem>>, vector<1x16xf32>,
        %get3A_578 = vector.shape_cast %get3A_577 : vector<1x16xf32> to vector<16xf32>
        %add3A_579 = arith.addf %add3A_574, %get3A_578 : vector<16xf32>
        %get3A_580 = arith.index_cast %scan3A_551 : i32 to index
        %get3A_581 = arith.constant 80 : index
        %get3A_582 = tpu.vector_load %arg6[%get3A_580, %get3A_581] {strides = array<i32>} : memref<64x128xf32, #tpu.memory_space<vmem>>, vector<1x16xf32>,
        %get3A_583 = vector.shape_cast %get3A_582 : vector<1x16xf32> to vector<16xf32>
        %add3A_584 = arith.addf %add3A_579, %get3A_583 : vector<16xf32>
        %get3A_585 = arith.index_cast %scan3A_551 : i32 to index
        %get3A_586 = arith.constant 96 : index
        %get3A_587 = tpu.vector_load %arg6[%get3A_585, %get3A_586] {strides = array<i32>} : memref<64x128xf32, #tpu.memory_space<vmem>>, vector<1x16xf32>,
        %get3A_588 = vector.shape_cast %get3A_587 : vector<1x16xf32> to vector<16xf32>
        %add3A_589 = arith.addf %add3A_584, %get3A_588 : vector<16xf32>
        %get3A_590 = arith.index_cast %scan3A_551 : i32 to index
        %get3A_591 = arith.constant 112 : index
        %get3A_592 = tpu.vector_load %arg6[%get3A_590, %get3A_591] {strides = array<i32>} : memref<64x128xf32, #tpu.memory_space<vmem>>, vector<1x16xf32>,
        %get3A_593 = vector.shape_cast %get3A_592 : vector<1x16xf32> to vector<16xf32>
        %add3A_594 = arith.addf %add3A_589, %get3A_593 : vector<16xf32>
        %iota3A = tpu.iota {dimensions = array<i32: 0>} : vector<16xi32>
        %xor3A = arith.constant 8 : i32
        %xor3A_595 = vector.broadcast %xor3A : i32 to vector<16xi32>
        %xor3A_596 = arith.xori %iota3A, %xor3A_595 : vector<16xi32>
        %broadcast_in_dim3A_597 = vector.shape_cast %xor3A_596 : vector<16xi32> to vector<16x1xi32>
        %gather3A = vector.shape_cast %broadcast_in_dim3A_597 : vector<16x1xi32> to vector<16xi32>
        %gather3A_598 = tpu.dynamic_gather %add3A_594[%gather3A] in [0] : vector<16xf32>, vector<16xi32> -> vector<16xf32>
        %add3A_599 = arith.addf %add3A_594, %gather3A_598 : vector<16xf32>
        %xor3A_600 = arith.constant 4 : i32
        %xor3A_601 = vector.broadcast %xor3A_600 : i32 to vector<16xi32>
        %xor3A_602 = arith.xori %iota3A, %xor3A_601 : vector<16xi32>
        %broadcast_in_dim3A_603 = vector.shape_cast %xor3A_602 : vector<16xi32> to vector<16x1xi32>
        %gather3A_604 = vector.shape_cast %broadcast_in_dim3A_603 : vector<16x1xi32> to vector<16xi32>
        %gather3A_605 = tpu.dynamic_gather %add3A_599[%gather3A_604] in [0] : vector<16xf32>, vector<16xi32> -> vector<16xf32>
        %add3A_606 = arith.addf %add3A_599, %gather3A_605 : vector<16xf32>
        %xor3A_607 = arith.constant 2 : i32
        %xor3A_608 = vector.broadcast %xor3A_607 : i32 to vector<16xi32>
        %xor3A_609 = arith.xori %iota3A, %xor3A_608 : vector<16xi32>
        %broadcast_in_dim3A_610 = vector.shape_cast %xor3A_609 : vector<16xi32> to vector<16x1xi32>
        %gather3A_611 = vector.shape_cast %broadcast_in_dim3A_610 : vector<16x1xi32> to vector<16xi32>
        %gather3A_612 = tpu.dynamic_gather %add3A_606[%gather3A_611] in [0] : vector<16xf32>, vector<16xi32> -> vector<16xf32>
        %add3A_613 = arith.addf %add3A_606, %gather3A_612 : vector<16xf32>
        %xor3A_614 = arith.constant 1 : i32
        %xor3A_615 = vector.broadcast %xor3A_614 : i32 to vector<16xi32>
        %xor3A_616 = arith.xori %iota3A, %xor3A_615 : vector<16xi32>
        %broadcast_in_dim3A_617 = vector.shape_cast %xor3A_616 : vector<16xi32> to vector<16x1xi32>
        %gather3A_618 = vector.shape_cast %broadcast_in_dim3A_617 : vector<16x1xi32> to vector<16xi32>
        %gather3A_619 = tpu.dynamic_gather %add3A_613[%gather3A_618] in [0] : vector<16xf32>, vector<16xi32> -> vector<16xf32>
        %add3A_620 = arith.addf %add3A_613, %gather3A_619 : vector<16xf32>
        %get3A_621 = arith.index_cast %scan3A_551 : i32 to index
        %get3A_622 = arith.constant 0 : index
        %get3A_623 = tpu.vector_load %arg8[%get3A_621, %get3A_622] {strides = array<i32>} : memref<64x64xf32, #tpu.memory_space<vmem>>, vector<1x16xf32>,
        %get3A_624 = vector.shape_cast %get3A_623 : vector<1x16xf32> to vector<16xf32>
        %mul3A_625 = arith.mulf %add3A_620, %get3A_624 : vector<16xf32>
        %add3A_626 = arith.addf %scan3A_552, %mul3A_625 : vector<16xf32>
        %get3A_627 = arith.index_cast %scan3A_551 : i32 to index
        %get3A_628 = arith.constant 16 : index
        %get3A_629 = tpu.vector_load %arg8[%get3A_627, %get3A_628] {strides = array<i32>} : memref<64x64xf32, #tpu.memory_space<vmem>>, vector<1x16xf32>,
        %get3A_630 = vector.shape_cast %get3A_629 : vector<1x16xf32> to vector<16xf32>
        %mul3A_631 = arith.mulf %add3A_620, %get3A_630 : vector<16xf32>
        %add3A_632 = arith.addf %scan3A_553, %mul3A_631 : vector<16xf32>
        %get3A_633 = arith.index_cast %scan3A_551 : i32 to index
        %get3A_634 = arith.constant 32 : index
        %get3A_635 = tpu.vector_load %arg8[%get3A_633, %get3A_634] {strides = array<i32>} : memref<64x64xf32, #tpu.memory_space<vmem>>, vector<1x16xf32>,
        %get3A_636 = vector.shape_cast %get3A_635 : vector<1x16xf32> to vector<16xf32>
        %mul3A_637 = arith.mulf %add3A_620, %get3A_636 : vector<16xf32>
        %add3A_638 = arith.addf %scan3A_554, %mul3A_637 : vector<16xf32>
        %get3A_639 = arith.index_cast %scan3A_551 : i32 to index
        %get3A_640 = arith.constant 48 : index
        %get3A_641 = tpu.vector_load %arg8[%get3A_639, %get3A_640] {strides = array<i32>} : memref<64x64xf32, #tpu.memory_space<vmem>>, vector<1x16xf32>,
        %get3A_642 = vector.shape_cast %get3A_641 : vector<1x16xf32> to vector<16xf32>
        %mul3A_643 = arith.mulf %add3A_620, %get3A_642 : vector<16xf32>
        %add3A_644 = arith.addf %scan3A_555, %mul3A_643 : vector<16xf32>
        scf.yield %add3A_626, %add3A_632, %add3A_638, %add3A_644 : vector<16xf32>, vector<16xf32>, vector<16xf32>, vector<16xf32>
      }
      %scan3A_35 = arith.constant 64 : i32
      %slice3A = vector.extract_strided_slice %get3A_24 {offsets = [0], sizes = [1], strides = [1]} : vector<16xi32> to vector<1xi32>
      %squeeze3A = vector.extract %slice3A[0] : i32 from vector<1xi32>
      %swap3A = arith.index_cast %squeeze3A : i32 to index
      %swap3A_36 = arith.constant 0 : index
      %swap3A_37 = tpu.vector_load %arg9[%swap3A, %swap3A_36] {strides = array<i32>} : memref<64x64xf32, #tpu.memory_space<vmem>>, vector<1x16xf32>,
      %swap3A_38 = vector.shape_cast %swap3A_37 : vector<1x16xf32> to vector<16xf32>
      %swap3A_39 = vector.shape_cast %scan3A_34#0 : vector<16xf32> to vector<1x16xf32>
      tpu.vector_store %arg9[%swap3A, %swap3A_36], %swap3A_39 {add = true, strides = array<i32>} : memref<64x64xf32, #tpu.memory_space<vmem>>, vector<1x16xf32>,
      %swap3A_40 = arith.index_cast %squeeze3A : i32 to index
      %swap3A_41 = arith.constant 16 : index
      %swap3A_42 = tpu.vector_load %arg9[%swap3A_40, %swap3A_41] {strides = array<i32>} : memref<64x64xf32, #tpu.memory_space<vmem>>, vector<1x16xf32>,
      %swap3A_43 = vector.shape_cast %swap3A_42 : vector<1x16xf32> to vector<16xf32>
      %swap3A_44 = vector.shape_cast %scan3A_34#1 : vector<16xf32> to vector<1x16xf32>
      tpu.vector_store %arg9[%swap3A_40, %swap3A_41], %swap3A_44 {add = true, strides = array<i32>} : memref<64x64xf32, #tpu.memory_space<vmem>>, vector<1x16xf32>,
      %swap3A_45 = arith.index_cast %squeeze3A : i32 to index
      %swap3A_46 = arith.constant 32 : index
      %swap3A_47 = tpu.vector_load %arg9[%swap3A_45, %swap3A_46] {strides = array<i32>} : memref<64x64xf32, #tpu.memory_space<vmem>>, vector<1x16xf32>,
      %swap3A_48 = vector.shape_cast %swap3A_47 : vector<1x16xf32> to vector<16xf32>
      %swap3A_49 = vector.shape_cast %scan3A_34#2 : vector<16xf32> to vector<1x16xf32>
      tpu.vector_store %arg9[%swap3A_45, %swap3A_46], %swap3A_49 {add = true, strides = array<i32>} : memref<64x64xf32, #tpu.memory_space<vmem>>, vector<1x16xf32>,
      %swap3A_50 = arith.index_cast %squeeze3A : i32 to index
      %swap3A_51 = arith.constant 48 : index
      %swap3A_52 = tpu.vector_load %arg9[%swap3A_50, %swap3A_51] {strides = array<i32>} : memref<64x64xf32, #tpu.memory_space<vmem>>, vector<1x16xf32>,
      %swap3A_53 = vector.shape_cast %swap3A_52 : vector<1x16xf32> to vector<16xf32>
      %swap3A_54 = vector.shape_cast %scan3A_34#3 : vector<16xf32> to vector<1x16xf32>
      tpu.vector_store %arg9[%swap3A_50, %swap3A_51], %swap3A_54 {add = true, strides = array<i32>} : memref<64x64xf32, #tpu.memory_space<vmem>>, vector<1x16xf32>,
      %mul3A_55 = arith.constant 16 : i32
      %mul3A_56 = arith.muli %scan3A_19, %mul3A_55 : i32
      %add3A_57 = arith.constant 1 : i32
      %add3A_58 = arith.addi %mul3A_56, %add3A_57 : i32
      %add3A_59 = arith.addi %add3A_4, %add3A_58 : i32
      "tpu.region"() ({
        %run_scoped3A = tpu.sem_alloc : memref<!tpu.dma_semaphore, #tpu.memory_space<semaphore_mem>>
        %dma_start3A = arith.constant 0 : i32
        %dma_start3A_551 = arith.constant 0 : i32
        %dma_start3A_552 = tpu.memref_slice %arg2[%add3A_59, %dma_start3A, %dma_start3A_551] : memref<4096x64x128xf32, #tpu.memory_space<hbm>> -> memref<1x64x128xf32, #tpu.memory_space<hbm>>
        %dma_start3A_553 = tpu.memref_squeeze %dma_start3A_552 : memref<1x64x128xf32, #tpu.memory_space<hbm>> -> memref<64x128xf32, #tpu.memory_space<hbm>>
        %dma_start3A_554 = arith.constant 0 : i32
        %dma_start3A_555 = arith.constant 0 : i32
        %dma_start3A_556 = tpu.memref_slice %arg2[%add3A_59, %dma_start3A_554, %dma_start3A_555] : memref<4096x64x128xf32, #tpu.memory_space<hbm>> -> memref<1x64x128xf32, #tpu.memory_space<hbm>>
        %dma_start3A_557 = tpu.memref_squeeze %dma_start3A_556 : memref<1x64x128xf32, #tpu.memory_space<hbm>> -> memref<64x128xf32, #tpu.memory_space<hbm>>
        tpu.enqueue_dma source(%dma_start3A_557 : memref<64x128xf32, #tpu.memory_space<hbm>>) target(%arg6 : memref<64x128xf32, #tpu.memory_space<vmem>>) target_semaphore(%run_scoped3A : memref<!tpu.dma_semaphore, #tpu.memory_space<semaphore_mem>>)
        %dma_wait3A = arith.constant 0 : i32
        %dma_wait3A_558 = arith.constant 0 : i32
        %dma_wait3A_559 = tpu.memref_slice %arg2[%add3A_59, %dma_wait3A, %dma_wait3A_558] : memref<4096x64x128xf32, #tpu.memory_space<hbm>> -> memref<1x64x128xf32, #tpu.memory_space<hbm>>
        %dma_wait3A_560 = tpu.memref_squeeze %dma_wait3A_559 : memref<1x64x128xf32, #tpu.memory_space<hbm>> -> memref<64x128xf32, #tpu.memory_space<hbm>>
        %dma_wait3A_561 = arith.constant 0 : i32
        %dma_wait3A_562 = arith.constant 0 : i32
        %dma_wait3A_563 = tpu.memref_slice %arg2[%add3A_59, %dma_wait3A_561, %dma_wait3A_562] : memref<4096x64x128xf32, #tpu.memory_space<hbm>> -> memref<1x64x128xf32, #tpu.memory_space<hbm>>
        %dma_wait3A_564 = tpu.memref_squeeze %dma_wait3A_563 : memref<1x64x128xf32, #tpu.memory_space<hbm>> -> memref<64x128xf32, #tpu.memory_space<hbm>>
        tpu.wait_dma2 semaphore(%run_scoped3A : memref<!tpu.dma_semaphore, #tpu.memory_space<semaphore_mem>>) src(%dma_wait3A_564 : memref<64x128xf32, #tpu.memory_space<hbm>>) dst(%arg6 : memref<64x128xf32, #tpu.memory_space<vmem>>)
        tpu.yield
      }) : () -> ()
      %scan3A_60 = arith.constant 0 : i32
      %scan3A_61 = arith.constant 64 : i32
      %scan3A_62 = arith.addi %scan3A_60, %scan3A_61 : i32
      %scan3A_63 = arith.constant 1 : i32
      %scan3A_64:4 = scf.for %scan3A_551 = %scan3A_60 to %scan3A_62 step %scan3A_63 iter_args(%scan3A_552 = %broadcast_in_dim3A_5, %scan3A_553 = %broadcast_in_dim3A_5, %scan3A_554 = %broadcast_in_dim3A_5, %scan3A_555 = %broadcast_in_dim3A_5) -> (vector<16xf32>, vector<16xf32>, vector<16xf32>, vector<16xf32>)  : i32 {
        %get3A_556 = arith.index_cast %scan3A_551 : i32 to index
        %get3A_557 = arith.constant 0 : index
        %get3A_558 = tpu.vector_load %arg6[%get3A_556, %get3A_557] {strides = array<i32>} : memref<64x128xf32, #tpu.memory_space<vmem>>, vector<1x16xf32>,
        %get3A_559 = vector.shape_cast %get3A_558 : vector<1x16xf32> to vector<16xf32>
        %get3A_560 = arith.index_cast %scan3A_551 : i32 to index
        %get3A_561 = arith.constant 16 : index
        %get3A_562 = tpu.vector_load %arg6[%get3A_560, %get3A_561] {strides = array<i32>} : memref<64x128xf32, #tpu.memory_space<vmem>>, vector<1x16xf32>,
        %get3A_563 = vector.shape_cast %get3A_562 : vector<1x16xf32> to vector<16xf32>
        %add3A_564 = arith.addf %get3A_559, %get3A_563 : vector<16xf32>
        %get3A_565 = arith.index_cast %scan3A_551 : i32 to index
        %get3A_566 = arith.constant 32 : index
        %get3A_567 = tpu.vector_load %arg6[%get3A_565, %get3A_566] {strides = array<i32>} : memref<64x128xf32, #tpu.memory_space<vmem>>, vector<1x16xf32>,
        %get3A_568 = vector.shape_cast %get3A_567 : vector<1x16xf32> to vector<16xf32>
        %add3A_569 = arith.addf %add3A_564, %get3A_568 : vector<16xf32>
        %get3A_570 = arith.index_cast %scan3A_551 : i32 to index
        %get3A_571 = arith.constant 48 : index
        %get3A_572 = tpu.vector_load %arg6[%get3A_570, %get3A_571] {strides = array<i32>} : memref<64x128xf32, #tpu.memory_space<vmem>>, vector<1x16xf32>,
        %get3A_573 = vector.shape_cast %get3A_572 : vector<1x16xf32> to vector<16xf32>
        %add3A_574 = arith.addf %add3A_569, %get3A_573 : vector<16xf32>
        %get3A_575 = arith.index_cast %scan3A_551 : i32 to index
        %get3A_576 = arith.constant 64 : index
        %get3A_577 = tpu.vector_load %arg6[%get3A_575, %get3A_576] {strides = array<i32>} : memref<64x128xf32, #tpu.memory_space<vmem>>, vector<1x16xf32>,
        %get3A_578 = vector.shape_cast %get3A_577 : vector<1x16xf32> to vector<16xf32>
        %add3A_579 = arith.addf %add3A_574, %get3A_578 : vector<16xf32>
        %get3A_580 = arith.index_cast %scan3A_551 : i32 to index
        %get3A_581 = arith.constant 80 : index
        %get3A_582 = tpu.vector_load %arg6[%get3A_580, %get3A_581] {strides = array<i32>} : memref<64x128xf32, #tpu.memory_space<vmem>>, vector<1x16xf32>,
        %get3A_583 = vector.shape_cast %get3A_582 : vector<1x16xf32> to vector<16xf32>
        %add3A_584 = arith.addf %add3A_579, %get3A_583 : vector<16xf32>
        %get3A_585 = arith.index_cast %scan3A_551 : i32 to index
        %get3A_586 = arith.constant 96 : index
        %get3A_587 = tpu.vector_load %arg6[%get3A_585, %get3A_586] {strides = array<i32>} : memref<64x128xf32, #tpu.memory_space<vmem>>, vector<1x16xf32>,
        %get3A_588 = vector.shape_cast %get3A_587 : vector<1x16xf32> to vector<16xf32>
        %add3A_589 = arith.addf %add3A_584, %get3A_588 : vector<16xf32>
        %get3A_590 = arith.index_cast %scan3A_551 : i32 to index
        %get3A_591 = arith.constant 112 : index
        %get3A_592 = tpu.vector_load %arg6[%get3A_590, %get3A_591] {strides = array<i32>} : memref<64x128xf32, #tpu.memory_space<vmem>>, vector<1x16xf32>,
        %get3A_593 = vector.shape_cast %get3A_592 : vector<1x16xf32> to vector<16xf32>
        %add3A_594 = arith.addf %add3A_589, %get3A_593 : vector<16xf32>
        %iota3A = tpu.iota {dimensions = array<i32: 0>} : vector<16xi32>
        %xor3A = arith.constant 8 : i32
        %xor3A_595 = vector.broadcast %xor3A : i32 to vector<16xi32>
        %xor3A_596 = arith.xori %iota3A, %xor3A_595 : vector<16xi32>
        %broadcast_in_dim3A_597 = vector.shape_cast %xor3A_596 : vector<16xi32> to vector<16x1xi32>
        %gather3A = vector.shape_cast %broadcast_in_dim3A_597 : vector<16x1xi32> to vector<16xi32>
        %gather3A_598 = tpu.dynamic_gather %add3A_594[%gather3A] in [0] : vector<16xf32>, vector<16xi32> -> vector<16xf32>
        %add3A_599 = arith.addf %add3A_594, %gather3A_598 : vector<16xf32>
        %xor3A_600 = arith.constant 4 : i32
        %xor3A_601 = vector.broadcast %xor3A_600 : i32 to vector<16xi32>
        %xor3A_602 = arith.xori %iota3A, %xor3A_601 : vector<16xi32>
        %broadcast_in_dim3A_603 = vector.shape_cast %xor3A_602 : vector<16xi32> to vector<16x1xi32>
        %gather3A_604 = vector.shape_cast %broadcast_in_dim3A_603 : vector<16x1xi32> to vector<16xi32>
        %gather3A_605 = tpu.dynamic_gather %add3A_599[%gather3A_604] in [0] : vector<16xf32>, vector<16xi32> -> vector<16xf32>
        %add3A_606 = arith.addf %add3A_599, %gather3A_605 : vector<16xf32>
        %xor3A_607 = arith.constant 2 : i32
        %xor3A_608 = vector.broadcast %xor3A_607 : i32 to vector<16xi32>
        %xor3A_609 = arith.xori %iota3A, %xor3A_608 : vector<16xi32>
        %broadcast_in_dim3A_610 = vector.shape_cast %xor3A_609 : vector<16xi32> to vector<16x1xi32>
        %gather3A_611 = vector.shape_cast %broadcast_in_dim3A_610 : vector<16x1xi32> to vector<16xi32>
        %gather3A_612 = tpu.dynamic_gather %add3A_606[%gather3A_611] in [0] : vector<16xf32>, vector<16xi32> -> vector<16xf32>
        %add3A_613 = arith.addf %add3A_606, %gather3A_612 : vector<16xf32>
        %xor3A_614 = arith.constant 1 : i32
        %xor3A_615 = vector.broadcast %xor3A_614 : i32 to vector<16xi32>
        %xor3A_616 = arith.xori %iota3A, %xor3A_615 : vector<16xi32>
        %broadcast_in_dim3A_617 = vector.shape_cast %xor3A_616 : vector<16xi32> to vector<16x1xi32>
        %gather3A_618 = vector.shape_cast %broadcast_in_dim3A_617 : vector<16x1xi32> to vector<16xi32>
        %gather3A_619 = tpu.dynamic_gather %add3A_613[%gather3A_618] in [0] : vector<16xf32>, vector<16xi32> -> vector<16xf32>
        %add3A_620 = arith.addf %add3A_613, %gather3A_619 : vector<16xf32>
        %get3A_621 = arith.index_cast %scan3A_551 : i32 to index
        %get3A_622 = arith.constant 0 : index
        %get3A_623 = tpu.vector_load %arg8[%get3A_621, %get3A_622] {strides = array<i32>} : memref<64x64xf32, #tpu.memory_space<vmem>>, vector<1x16xf32>,
        %get3A_624 = vector.shape_cast %get3A_623 : vector<1x16xf32> to vector<16xf32>
        %mul3A_625 = arith.mulf %add3A_620, %get3A_624 : vector<16xf32>
        %add3A_626 = arith.addf %scan3A_552, %mul3A_625 : vector<16xf32>
        %get3A_627 = arith.index_cast %scan3A_551 : i32 to index
        %get3A_628 = arith.constant 16 : index
        %get3A_629 = tpu.vector_load %arg8[%get3A_627, %get3A_628] {strides = array<i32>} : memref<64x64xf32, #tpu.memory_space<vmem>>, vector<1x16xf32>,
        %get3A_630 = vector.shape_cast %get3A_629 : vector<1x16xf32> to vector<16xf32>
        %mul3A_631 = arith.mulf %add3A_620, %get3A_630 : vector<16xf32>
        %add3A_632 = arith.addf %scan3A_553, %mul3A_631 : vector<16xf32>
        %get3A_633 = arith.index_cast %scan3A_551 : i32 to index
        %get3A_634 = arith.constant 32 : index
        %get3A_635 = tpu.vector_load %arg8[%get3A_633, %get3A_634] {strides = array<i32>} : memref<64x64xf32, #tpu.memory_space<vmem>>, vector<1x16xf32>,
        %get3A_636 = vector.shape_cast %get3A_635 : vector<1x16xf32> to vector<16xf32>
        %mul3A_637 = arith.mulf %add3A_620, %get3A_636 : vector<16xf32>
        %add3A_638 = arith.addf %scan3A_554, %mul3A_637 : vector<16xf32>
        %get3A_639 = arith.index_cast %scan3A_551 : i32 to index
        %get3A_640 = arith.constant 48 : index
        %get3A_641 = tpu.vector_load %arg8[%get3A_639, %get3A_640] {strides = array<i32>} : memref<64x64xf32, #tpu.memory_space<vmem>>, vector<1x16xf32>,
        %get3A_642 = vector.shape_cast %get3A_641 : vector<1x16xf32> to vector<16xf32>
        %mul3A_643 = arith.mulf %add3A_620, %get3A_642 : vector<16xf32>
        %add3A_644 = arith.addf %scan3A_555, %mul3A_643 : vector<16xf32>
        scf.yield %add3A_626, %add3A_632, %add3A_638, %add3A_644 : vector<16xf32>, vector<16xf32>, vector<16xf32>, vector<16xf32>
      }
      %scan3A_65 = arith.constant 64 : i32
      %slice3A_66 = vector.extract_strided_slice %get3A_24 {offsets = [1], sizes = [1], strides = [1]} : vector<16xi32> to vector<1xi32>
      %squeeze3A_67 = vector.extract %slice3A_66[0] : i32 from vector<1xi32>
      %swap3A_68 = arith.index_cast %squeeze3A_67 : i32 to index
      %swap3A_69 = arith.constant 0 : index
      %swap3A_70 = tpu.vector_load %arg9[%swap3A_68, %swap3A_69] {strides = array<i32>} : memref<64x64xf32, #tpu.memory_space<vmem>>, vector<1x16xf32>,
      %swap3A_71 = vector.shape_cast %swap3A_70 : vector<1x16xf32> to vector<16xf32>
      %swap3A_72 = vector.shape_cast %scan3A_64#0 : vector<16xf32> to vector<1x16xf32>
      tpu.vector_store %arg9[%swap3A_68, %swap3A_69], %swap3A_72 {add = true, strides = array<i32>} : memref<64x64xf32, #tpu.memory_space<vmem>>, vector<1x16xf32>,
      %swap3A_73 = arith.index_cast %squeeze3A_67 : i32 to index
      %swap3A_74 = arith.constant 16 : index
      %swap3A_75 = tpu.vector_load %arg9[%swap3A_73, %swap3A_74] {strides = array<i32>} : memref<64x64xf32, #tpu.memory_space<vmem>>, vector<1x16xf32>,
      %swap3A_76 = vector.shape_cast %swap3A_75 : vector<1x16xf32> to vector<16xf32>
      %swap3A_77 = vector.shape_cast %scan3A_64#1 : vector<16xf32> to vector<1x16xf32>
      tpu.vector_store %arg9[%swap3A_73, %swap3A_74], %swap3A_77 {add = true, strides = array<i32>} : memref<64x64xf32, #tpu.memory_space<vmem>>, vector<1x16xf32>,
      %swap3A_78 = arith.index_cast %squeeze3A_67 : i32 to index
      %swap3A_79 = arith.constant 32 : index
      %swap3A_80 = tpu.vector_load %arg9[%swap3A_78, %swap3A_79] {strides = array<i32>} : memref<64x64xf32, #tpu.memory_space<vmem>>, vector<1x16xf32>,
      %swap3A_81 = vector.shape_cast %swap3A_80 : vector<1x16xf32> to vector<16xf32>
      %swap3A_82 = vector.shape_cast %scan3A_64#2 : vector<16xf32> to vector<1x16xf32>
      tpu.vector_store %arg9[%swap3A_78, %swap3A_79], %swap3A_82 {add = true, strides = array<i32>} : memref<64x64xf32, #tpu.memory_space<vmem>>, vector<1x16xf32>,
      %swap3A_83 = arith.index_cast %squeeze3A_67 : i32 to index
      %swap3A_84 = arith.constant 48 : index
      %swap3A_85 = tpu.vector_load %arg9[%swap3A_83, %swap3A_84] {strides = array<i32>} : memref<64x64xf32, #tpu.memory_space<vmem>>, vector<1x16xf32>,
      %swap3A_86 = vector.shape_cast %swap3A_85 : vector<1x16xf32> to vector<16xf32>
      %swap3A_87 = vector.shape_cast %scan3A_64#3 : vector<16xf32> to vector<1x16xf32>
      tpu.vector_store %arg9[%swap3A_83, %swap3A_84], %swap3A_87 {add = true, strides = array<i32>} : memref<64x64xf32, #tpu.memory_space<vmem>>, vector<1x16xf32>,
      %mul3A_88 = arith.constant 16 : i32
      %mul3A_89 = arith.muli %scan3A_19, %mul3A_88 : i32
      %add3A_90 = arith.constant 2 : i32
      %add3A_91 = arith.addi %mul3A_89, %add3A_90 : i32
      %add3A_92 = arith.addi %add3A_4, %add3A_91 : i32
      "tpu.region"() ({
        %run_scoped3A = tpu.sem_alloc : memref<!tpu.dma_semaphore, #tpu.memory_space<semaphore_mem>>
        %dma_start3A = arith.constant 0 : i32
        %dma_start3A_551 = arith.constant 0 : i32
        %dma_start3A_552 = tpu.memref_slice %arg2[%add3A_92, %dma_start3A, %dma_start3A_551] : memref<4096x64x128xf32, #tpu.memory_space<hbm>> -> memref<1x64x128xf32, #tpu.memory_space<hbm>>
        %dma_start3A_553 = tpu.memref_squeeze %dma_start3A_552 : memref<1x64x128xf32, #tpu.memory_space<hbm>> -> memref<64x128xf32, #tpu.memory_space<hbm>>
        %dma_start3A_554 = arith.constant 0 : i32
        %dma_start3A_555 = arith.constant 0 : i32
        %dma_start3A_556 = tpu.memref_slice %arg2[%add3A_92, %dma_start3A_554, %dma_start3A_555] : memref<4096x64x128xf32, #tpu.memory_space<hbm>> -> memref<1x64x128xf32, #tpu.memory_space<hbm>>
        %dma_start3A_557 = tpu.memref_squeeze %dma_start3A_556 : memref<1x64x128xf32, #tpu.memory_space<hbm>> -> memref<64x128xf32, #tpu.memory_space<hbm>>
        tpu.enqueue_dma source(%dma_start3A_557 : memref<64x128xf32, #tpu.memory_space<hbm>>) target(%arg6 : memref<64x128xf32, #tpu.memory_space<vmem>>) target_semaphore(%run_scoped3A : memref<!tpu.dma_semaphore, #tpu.memory_space<semaphore_mem>>)
        %dma_wait3A = arith.constant 0 : i32
        %dma_wait3A_558 = arith.constant 0 : i32
        %dma_wait3A_559 = tpu.memref_slice %arg2[%add3A_92, %dma_wait3A, %dma_wait3A_558] : memref<4096x64x128xf32, #tpu.memory_space<hbm>> -> memref<1x64x128xf32, #tpu.memory_space<hbm>>
        %dma_wait3A_560 = tpu.memref_squeeze %dma_wait3A_559 : memref<1x64x128xf32, #tpu.memory_space<hbm>> -> memref<64x128xf32, #tpu.memory_space<hbm>>
        %dma_wait3A_561 = arith.constant 0 : i32
        %dma_wait3A_562 = arith.constant 0 : i32
        %dma_wait3A_563 = tpu.memref_slice %arg2[%add3A_92, %dma_wait3A_561, %dma_wait3A_562] : memref<4096x64x128xf32, #tpu.memory_space<hbm>> -> memref<1x64x128xf32, #tpu.memory_space<hbm>>
        %dma_wait3A_564 = tpu.memref_squeeze %dma_wait3A_563 : memref<1x64x128xf32, #tpu.memory_space<hbm>> -> memref<64x128xf32, #tpu.memory_space<hbm>>
        tpu.wait_dma2 semaphore(%run_scoped3A : memref<!tpu.dma_semaphore, #tpu.memory_space<semaphore_mem>>) src(%dma_wait3A_564 : memref<64x128xf32, #tpu.memory_space<hbm>>) dst(%arg6 : memref<64x128xf32, #tpu.memory_space<vmem>>)
        tpu.yield
      }) : () -> ()
      %scan3A_93 = arith.constant 0 : i32
      %scan3A_94 = arith.constant 64 : i32
      %scan3A_95 = arith.addi %scan3A_93, %scan3A_94 : i32
      %scan3A_96 = arith.constant 1 : i32
      %scan3A_97:4 = scf.for %scan3A_551 = %scan3A_93 to %scan3A_95 step %scan3A_96 iter_args(%scan3A_552 = %broadcast_in_dim3A_5, %scan3A_553 = %broadcast_in_dim3A_5, %scan3A_554 = %broadcast_in_dim3A_5, %scan3A_555 = %broadcast_in_dim3A_5) -> (vector<16xf32>, vector<16xf32>, vector<16xf32>, vector<16xf32>)  : i32 {
        %get3A_556 = arith.index_cast %scan3A_551 : i32 to index
        %get3A_557 = arith.constant 0 : index
        %get3A_558 = tpu.vector_load %arg6[%get3A_556, %get3A_557] {strides = array<i32>} : memref<64x128xf32, #tpu.memory_space<vmem>>, vector<1x16xf32>,
        %get3A_559 = vector.shape_cast %get3A_558 : vector<1x16xf32> to vector<16xf32>
        %get3A_560 = arith.index_cast %scan3A_551 : i32 to index
        %get3A_561 = arith.constant 16 : index
        %get3A_562 = tpu.vector_load %arg6[%get3A_560, %get3A_561] {strides = array<i32>} : memref<64x128xf32, #tpu.memory_space<vmem>>, vector<1x16xf32>,
        %get3A_563 = vector.shape_cast %get3A_562 : vector<1x16xf32> to vector<16xf32>
        %add3A_564 = arith.addf %get3A_559, %get3A_563 : vector<16xf32>
        %get3A_565 = arith.index_cast %scan3A_551 : i32 to index
        %get3A_566 = arith.constant 32 : index
        %get3A_567 = tpu.vector_load %arg6[%get3A_565, %get3A_566] {strides = array<i32>} : memref<64x128xf32, #tpu.memory_space<vmem>>, vector<1x16xf32>,
        %get3A_568 = vector.shape_cast %get3A_567 : vector<1x16xf32> to vector<16xf32>
        %add3A_569 = arith.addf %add3A_564, %get3A_568 : vector<16xf32>
        %get3A_570 = arith.index_cast %scan3A_551 : i32 to index
        %get3A_571 = arith.constant 48 : index
        %get3A_572 = tpu.vector_load %arg6[%get3A_570, %get3A_571] {strides = array<i32>} : memref<64x128xf32, #tpu.memory_space<vmem>>, vector<1x16xf32>,
        %get3A_573 = vector.shape_cast %get3A_572 : vector<1x16xf32> to vector<16xf32>
        %add3A_574 = arith.addf %add3A_569, %get3A_573 : vector<16xf32>
        %get3A_575 = arith.index_cast %scan3A_551 : i32 to index
        %get3A_576 = arith.constant 64 : index
        %get3A_577 = tpu.vector_load %arg6[%get3A_575, %get3A_576] {strides = array<i32>} : memref<64x128xf32, #tpu.memory_space<vmem>>, vector<1x16xf32>,
        %get3A_578 = vector.shape_cast %get3A_577 : vector<1x16xf32> to vector<16xf32>
        %add3A_579 = arith.addf %add3A_574, %get3A_578 : vector<16xf32>
        %get3A_580 = arith.index_cast %scan3A_551 : i32 to index
        %get3A_581 = arith.constant 80 : index
        %get3A_582 = tpu.vector_load %arg6[%get3A_580, %get3A_581] {strides = array<i32>} : memref<64x128xf32, #tpu.memory_space<vmem>>, vector<1x16xf32>,
        %get3A_583 = vector.shape_cast %get3A_582 : vector<1x16xf32> to vector<16xf32>
        %add3A_584 = arith.addf %add3A_579, %get3A_583 : vector<16xf32>
        %get3A_585 = arith.index_cast %scan3A_551 : i32 to index
        %get3A_586 = arith.constant 96 : index
        %get3A_587 = tpu.vector_load %arg6[%get3A_585, %get3A_586] {strides = array<i32>} : memref<64x128xf32, #tpu.memory_space<vmem>>, vector<1x16xf32>,
        %get3A_588 = vector.shape_cast %get3A_587 : vector<1x16xf32> to vector<16xf32>
        %add3A_589 = arith.addf %add3A_584, %get3A_588 : vector<16xf32>
        %get3A_590 = arith.index_cast %scan3A_551 : i32 to index
        %get3A_591 = arith.constant 112 : index
        %get3A_592 = tpu.vector_load %arg6[%get3A_590, %get3A_591] {strides = array<i32>} : memref<64x128xf32, #tpu.memory_space<vmem>>, vector<1x16xf32>,
        %get3A_593 = vector.shape_cast %get3A_592 : vector<1x16xf32> to vector<16xf32>
        %add3A_594 = arith.addf %add3A_589, %get3A_593 : vector<16xf32>
        %iota3A = tpu.iota {dimensions = array<i32: 0>} : vector<16xi32>
        %xor3A = arith.constant 8 : i32
        %xor3A_595 = vector.broadcast %xor3A : i32 to vector<16xi32>
        %xor3A_596 = arith.xori %iota3A, %xor3A_595 : vector<16xi32>
        %broadcast_in_dim3A_597 = vector.shape_cast %xor3A_596 : vector<16xi32> to vector<16x1xi32>
        %gather3A = vector.shape_cast %broadcast_in_dim3A_597 : vector<16x1xi32> to vector<16xi32>
        %gather3A_598 = tpu.dynamic_gather %add3A_594[%gather3A] in [0] : vector<16xf32>, vector<16xi32> -> vector<16xf32>
        %add3A_599 = arith.addf %add3A_594, %gather3A_598 : vector<16xf32>
        %xor3A_600 = arith.constant 4 : i32
        %xor3A_601 = vector.broadcast %xor3A_600 : i32 to vector<16xi32>
        %xor3A_602 = arith.xori %iota3A, %xor3A_601 : vector<16xi32>
        %broadcast_in_dim3A_603 = vector.shape_cast %xor3A_602 : vector<16xi32> to vector<16x1xi32>
        %gather3A_604 = vector.shape_cast %broadcast_in_dim3A_603 : vector<16x1xi32> to vector<16xi32>
        %gather3A_605 = tpu.dynamic_gather %add3A_599[%gather3A_604] in [0] : vector<16xf32>, vector<16xi32> -> vector<16xf32>
        %add3A_606 = arith.addf %add3A_599, %gather3A_605 : vector<16xf32>
        %xor3A_607 = arith.constant 2 : i32
        %xor3A_608 = vector.broadcast %xor3A_607 : i32 to vector<16xi32>
        %xor3A_609 = arith.xori %iota3A, %xor3A_608 : vector<16xi32>
        %broadcast_in_dim3A_610 = vector.shape_cast %xor3A_609 : vector<16xi32> to vector<16x1xi32>
        %gather3A_611 = vector.shape_cast %broadcast_in_dim3A_610 : vector<16x1xi32> to vector<16xi32>
        %gather3A_612 = tpu.dynamic_gather %add3A_606[%gather3A_611] in [0] : vector<16xf32>, vector<16xi32> -> vector<16xf32>
        %add3A_613 = arith.addf %add3A_606, %gather3A_612 : vector<16xf32>
        %xor3A_614 = arith.constant 1 : i32
        %xor3A_615 = vector.broadcast %xor3A_614 : i32 to vector<16xi32>
        %xor3A_616 = arith.xori %iota3A, %xor3A_615 : vector<16xi32>
        %broadcast_in_dim3A_617 = vector.shape_cast %xor3A_616 : vector<16xi32> to vector<16x1xi32>
        %gather3A_618 = vector.shape_cast %broadcast_in_dim3A_617 : vector<16x1xi32> to vector<16xi32>
        %gather3A_619 = tpu.dynamic_gather %add3A_613[%gather3A_618] in [0] : vector<16xf32>, vector<16xi32> -> vector<16xf32>
        %add3A_620 = arith.addf %add3A_613, %gather3A_619 : vector<16xf32>
        %get3A_621 = arith.index_cast %scan3A_551 : i32 to index
        %get3A_622 = arith.constant 0 : index
        %get3A_623 = tpu.vector_load %arg8[%get3A_621, %get3A_622] {strides = array<i32>} : memref<64x64xf32, #tpu.memory_space<vmem>>, vector<1x16xf32>,
        %get3A_624 = vector.shape_cast %get3A_623 : vector<1x16xf32> to vector<16xf32>
        %mul3A_625 = arith.mulf %add3A_620, %get3A_624 : vector<16xf32>
        %add3A_626 = arith.addf %scan3A_552, %mul3A_625 : vector<16xf32>
        %get3A_627 = arith.index_cast %scan3A_551 : i32 to index
        %get3A_628 = arith.constant 16 : index
        %get3A_629 = tpu.vector_load %arg8[%get3A_627, %get3A_628] {strides = array<i32>} : memref<64x64xf32, #tpu.memory_space<vmem>>, vector<1x16xf32>,
        %get3A_630 = vector.shape_cast %get3A_629 : vector<1x16xf32> to vector<16xf32>
        %mul3A_631 = arith.mulf %add3A_620, %get3A_630 : vector<16xf32>
        %add3A_632 = arith.addf %scan3A_553, %mul3A_631 : vector<16xf32>
        %get3A_633 = arith.index_cast %scan3A_551 : i32 to index
        %get3A_634 = arith.constant 32 : index
        %get3A_635 = tpu.vector_load %arg8[%get3A_633, %get3A_634] {strides = array<i32>} : memref<64x64xf32, #tpu.memory_space<vmem>>, vector<1x16xf32>,
        %get3A_636 = vector.shape_cast %get3A_635 : vector<1x16xf32> to vector<16xf32>
        %mul3A_637 = arith.mulf %add3A_620, %get3A_636 : vector<16xf32>
        %add3A_638 = arith.addf %scan3A_554, %mul3A_637 : vector<16xf32>
        %get3A_639 = arith.index_cast %scan3A_551 : i32 to index
        %get3A_640 = arith.constant 48 : index
        %get3A_641 = tpu.vector_load %arg8[%get3A_639, %get3A_640] {strides = array<i32>} : memref<64x64xf32, #tpu.memory_space<vmem>>, vector<1x16xf32>,
        %get3A_642 = vector.shape_cast %get3A_641 : vector<1x16xf32> to vector<16xf32>
        %mul3A_643 = arith.mulf %add3A_620, %get3A_642 : vector<16xf32>
        %add3A_644 = arith.addf %scan3A_555, %mul3A_643 : vector<16xf32>
        scf.yield %add3A_626, %add3A_632, %add3A_638, %add3A_644 : vector<16xf32>, vector<16xf32>, vector<16xf32>, vector<16xf32>
      }
      %scan3A_98 = arith.constant 64 : i32
      %slice3A_99 = vector.extract_strided_slice %get3A_24 {offsets = [2], sizes = [1], strides = [1]} : vector<16xi32> to vector<1xi32>
      %squeeze3A_100 = vector.extract %slice3A_99[0] : i32 from vector<1xi32>
      %swap3A_101 = arith.index_cast %squeeze3A_100 : i32 to index
      %swap3A_102 = arith.constant 0 : index
      %swap3A_103 = tpu.vector_load %arg9[%swap3A_101, %swap3A_102] {strides = array<i32>} : memref<64x64xf32, #tpu.memory_space<vmem>>, vector<1x16xf32>,
      %swap3A_104 = vector.shape_cast %swap3A_103 : vector<1x16xf32> to vector<16xf32>
      %swap3A_105 = vector.shape_cast %scan3A_97#0 : vector<16xf32> to vector<1x16xf32>
      tpu.vector_store %arg9[%swap3A_101, %swap3A_102], %swap3A_105 {add = true, strides = array<i32>} : memref<64x64xf32, #tpu.memory_space<vmem>>, vector<1x16xf32>,
      %swap3A_106 = arith.index_cast %squeeze3A_100 : i32 to index
      %swap3A_107 = arith.constant 16 : index
      %swap3A_108 = tpu.vector_load %arg9[%swap3A_106, %swap3A_107] {strides = array<i32>} : memref<64x64xf32, #tpu.memory_space<vmem>>, vector<1x16xf32>,
      %swap3A_109 = vector.shape_cast %swap3A_108 : vector<1x16xf32> to vector<16xf32>
      %swap3A_110 = vector.shape_cast %scan3A_97#1 : vector<16xf32> to vector<1x16xf32>
      tpu.vector_store %arg9[%swap3A_106, %swap3A_107], %swap3A_110 {add = true, strides = array<i32>} : memref<64x64xf32, #tpu.memory_space<vmem>>, vector<1x16xf32>,
      %swap3A_111 = arith.index_cast %squeeze3A_100 : i32 to index
      %swap3A_112 = arith.constant 32 : index
      %swap3A_113 = tpu.vector_load %arg9[%swap3A_111, %swap3A_112] {strides = array<i32>} : memref<64x64xf32, #tpu.memory_space<vmem>>, vector<1x16xf32>,
      %swap3A_114 = vector.shape_cast %swap3A_113 : vector<1x16xf32> to vector<16xf32>
      %swap3A_115 = vector.shape_cast %scan3A_97#2 : vector<16xf32> to vector<1x16xf32>
      tpu.vector_store %arg9[%swap3A_111, %swap3A_112], %swap3A_115 {add = true, strides = array<i32>} : memref<64x64xf32, #tpu.memory_space<vmem>>, vector<1x16xf32>,
      %swap3A_116 = arith.index_cast %squeeze3A_100 : i32 to index
      %swap3A_117 = arith.constant 48 : index
      %swap3A_118 = tpu.vector_load %arg9[%swap3A_116, %swap3A_117] {strides = array<i32>} : memref<64x64xf32, #tpu.memory_space<vmem>>, vector<1x16xf32>,
      %swap3A_119 = vector.shape_cast %swap3A_118 : vector<1x16xf32> to vector<16xf32>
      %swap3A_120 = vector.shape_cast %scan3A_97#3 : vector<16xf32> to vector<1x16xf32>
      tpu.vector_store %arg9[%swap3A_116, %swap3A_117], %swap3A_120 {add = true, strides = array<i32>} : memref<64x64xf32, #tpu.memory_space<vmem>>, vector<1x16xf32>,
      %mul3A_121 = arith.constant 16 : i32
      %mul3A_122 = arith.muli %scan3A_19, %mul3A_121 : i32
      %add3A_123 = arith.constant 3 : i32
      %add3A_124 = arith.addi %mul3A_122, %add3A_123 : i32
      %add3A_125 = arith.addi %add3A_4, %add3A_124 : i32
      "tpu.region"() ({
        %run_scoped3A = tpu.sem_alloc : memref<!tpu.dma_semaphore, #tpu.memory_space<semaphore_mem>>
        %dma_start3A = arith.constant 0 : i32
        %dma_start3A_551 = arith.constant 0 : i32
        %dma_start3A_552 = tpu.memref_slice %arg2[%add3A_125, %dma_start3A, %dma_start3A_551] : memref<4096x64x128xf32, #tpu.memory_space<hbm>> -> memref<1x64x128xf32, #tpu.memory_space<hbm>>
        %dma_start3A_553 = tpu.memref_squeeze %dma_start3A_552 : memref<1x64x128xf32, #tpu.memory_space<hbm>> -> memref<64x128xf32, #tpu.memory_space<hbm>>
        %dma_start3A_554 = arith.constant 0 : i32
        %dma_start3A_555 = arith.constant 0 : i32
        %dma_start3A_556 = tpu.memref_slice %arg2[%add3A_125, %dma_start3A_554, %dma_start3A_555] : memref<4096x64x128xf32, #tpu.memory_space<hbm>> -> memref<1x64x128xf32, #tpu.memory_space<hbm>>
        %dma_start3A_557 = tpu.memref_squeeze %dma_start3A_556 : memref<1x64x128xf32, #tpu.memory_space<hbm>> -> memref<64x128xf32, #tpu.memory_space<hbm>>
        tpu.enqueue_dma source(%dma_start3A_557 : memref<64x128xf32, #tpu.memory_space<hbm>>) target(%arg6 : memref<64x128xf32, #tpu.memory_space<vmem>>) target_semaphore(%run_scoped3A : memref<!tpu.dma_semaphore, #tpu.memory_space<semaphore_mem>>)
        %dma_wait3A = arith.constant 0 : i32
        %dma_wait3A_558 = arith.constant 0 : i32
        %dma_wait3A_559 = tpu.memref_slice %arg2[%add3A_125, %dma_wait3A, %dma_wait3A_558] : memref<4096x64x128xf32, #tpu.memory_space<hbm>> -> memref<1x64x128xf32, #tpu.memory_space<hbm>>
        %dma_wait3A_560 = tpu.memref_squeeze %dma_wait3A_559 : memref<1x64x128xf32, #tpu.memory_space<hbm>> -> memref<64x128xf32, #tpu.memory_space<hbm>>
        %dma_wait3A_561 = arith.constant 0 : i32
        %dma_wait3A_562 = arith.constant 0 : i32
        %dma_wait3A_563 = tpu.memref_slice %arg2[%add3A_125, %dma_wait3A_561, %dma_wait3A_562] : memref<4096x64x128xf32, #tpu.memory_space<hbm>> -> memref<1x64x128xf32, #tpu.memory_space<hbm>>
        %dma_wait3A_564 = tpu.memref_squeeze %dma_wait3A_563 : memref<1x64x128xf32, #tpu.memory_space<hbm>> -> memref<64x128xf32, #tpu.memory_space<hbm>>
        tpu.wait_dma2 semaphore(%run_scoped3A : memref<!tpu.dma_semaphore, #tpu.memory_space<semaphore_mem>>) src(%dma_wait3A_564 : memref<64x128xf32, #tpu.memory_space<hbm>>) dst(%arg6 : memref<64x128xf32, #tpu.memory_space<vmem>>)
        tpu.yield
      }) : () -> ()
      %scan3A_126 = arith.constant 0 : i32
      %scan3A_127 = arith.constant 64 : i32
      %scan3A_128 = arith.addi %scan3A_126, %scan3A_127 : i32
      %scan3A_129 = arith.constant 1 : i32
      %scan3A_130:4 = scf.for %scan3A_551 = %scan3A_126 to %scan3A_128 step %scan3A_129 iter_args(%scan3A_552 = %broadcast_in_dim3A_5, %scan3A_553 = %broadcast_in_dim3A_5, %scan3A_554 = %broadcast_in_dim3A_5, %scan3A_555 = %broadcast_in_dim3A_5) -> (vector<16xf32>, vector<16xf32>, vector<16xf32>, vector<16xf32>)  : i32 {
        %get3A_556 = arith.index_cast %scan3A_551 : i32 to index
        %get3A_557 = arith.constant 0 : index
        %get3A_558 = tpu.vector_load %arg6[%get3A_556, %get3A_557] {strides = array<i32>} : memref<64x128xf32, #tpu.memory_space<vmem>>, vector<1x16xf32>,
        %get3A_559 = vector.shape_cast %get3A_558 : vector<1x16xf32> to vector<16xf32>
        %get3A_560 = arith.index_cast %scan3A_551 : i32 to index
        %get3A_561 = arith.constant 16 : index
        %get3A_562 = tpu.vector_load %arg6[%get3A_560, %get3A_561] {strides = array<i32>} : memref<64x128xf32, #tpu.memory_space<vmem>>, vector<1x16xf32>,
        %get3A_563 = vector.shape_cast %get3A_562 : vector<1x16xf32> to vector<16xf32>
        %add3A_564 = arith.addf %get3A_559, %get3A_563 : vector<16xf32>
        %get3A_565 = arith.index_cast %scan3A_551 : i32 to index
        %get3A_566 = arith.constant 32 : index
        %get3A_567 = tpu.vector_load %arg6[%get3A_565, %get3A_566] {strides = array<i32>} : memref<64x128xf32, #tpu.memory_space<vmem>>, vector<1x16xf32>,
        %get3A_568 = vector.shape_cast %get3A_567 : vector<1x16xf32> to vector<16xf32>
        %add3A_569 = arith.addf %add3A_564, %get3A_568 : vector<16xf32>
        %get3A_570 = arith.index_cast %scan3A_551 : i32 to index
        %get3A_571 = arith.constant 48 : index
        %get3A_572 = tpu.vector_load %arg6[%get3A_570, %get3A_571] {strides = array<i32>} : memref<64x128xf32, #tpu.memory_space<vmem>>, vector<1x16xf32>,
        %get3A_573 = vector.shape_cast %get3A_572 : vector<1x16xf32> to vector<16xf32>
        %add3A_574 = arith.addf %add3A_569, %get3A_573 : vector<16xf32>
        %get3A_575 = arith.index_cast %scan3A_551 : i32 to index
        %get3A_576 = arith.constant 64 : index
        %get3A_577 = tpu.vector_load %arg6[%get3A_575, %get3A_576] {strides = array<i32>} : memref<64x128xf32, #tpu.memory_space<vmem>>, vector<1x16xf32>,
        %get3A_578 = vector.shape_cast %get3A_577 : vector<1x16xf32> to vector<16xf32>
        %add3A_579 = arith.addf %add3A_574, %get3A_578 : vector<16xf32>
        %get3A_580 = arith.index_cast %scan3A_551 : i32 to index
        %get3A_581 = arith.constant 80 : index
        %get3A_582 = tpu.vector_load %arg6[%get3A_580, %get3A_581] {strides = array<i32>} : memref<64x128xf32, #tpu.memory_space<vmem>>, vector<1x16xf32>,
        %get3A_583 = vector.shape_cast %get3A_582 : vector<1x16xf32> to vector<16xf32>
        %add3A_584 = arith.addf %add3A_579, %get3A_583 : vector<16xf32>
        %get3A_585 = arith.index_cast %scan3A_551 : i32 to index
        %get3A_586 = arith.constant 96 : index
        %get3A_587 = tpu.vector_load %arg6[%get3A_585, %get3A_586] {strides = array<i32>} : memref<64x128xf32, #tpu.memory_space<vmem>>, vector<1x16xf32>,
        %get3A_588 = vector.shape_cast %get3A_587 : vector<1x16xf32> to vector<16xf32>
        %add3A_589 = arith.addf %add3A_584, %get3A_588 : vector<16xf32>
        %get3A_590 = arith.index_cast %scan3A_551 : i32 to index
        %get3A_591 = arith.constant 112 : index
        %get3A_592 = tpu.vector_load %arg6[%get3A_590, %get3A_591] {strides = array<i32>} : memref<64x128xf32, #tpu.memory_space<vmem>>, vector<1x16xf32>,
        %get3A_593 = vector.shape_cast %get3A_592 : vector<1x16xf32> to vector<16xf32>
        %add3A_594 = arith.addf %add3A_589, %get3A_593 : vector<16xf32>
        %iota3A = tpu.iota {dimensions = array<i32: 0>} : vector<16xi32>
        %xor3A = arith.constant 8 : i32
        %xor3A_595 = vector.broadcast %xor3A : i32 to vector<16xi32>
        %xor3A_596 = arith.xori %iota3A, %xor3A_595 : vector<16xi32>
        %broadcast_in_dim3A_597 = vector.shape_cast %xor3A_596 : vector<16xi32> to vector<16x1xi32>
        %gather3A = vector.shape_cast %broadcast_in_dim3A_597 : vector<16x1xi32> to vector<16xi32>
        %gather3A_598 = tpu.dynamic_gather %add3A_594[%gather3A] in [0] : vector<16xf32>, vector<16xi32> -> vector<16xf32>
        %add3A_599 = arith.addf %add3A_594, %gather3A_598 : vector<16xf32>
        %xor3A_600 = arith.constant 4 : i32
        %xor3A_601 = vector.broadcast %xor3A_600 : i32 to vector<16xi32>
        %xor3A_602 = arith.xori %iota3A, %xor3A_601 : vector<16xi32>
        %broadcast_in_dim3A_603 = vector.shape_cast %xor3A_602 : vector<16xi32> to vector<16x1xi32>
        %gather3A_604 = vector.shape_cast %broadcast_in_dim3A_603 : vector<16x1xi32> to vector<16xi32>
        %gather3A_605 = tpu.dynamic_gather %add3A_599[%gather3A_604] in [0] : vector<16xf32>, vector<16xi32> -> vector<16xf32>
        %add3A_606 = arith.addf %add3A_599, %gather3A_605 : vector<16xf32>
        %xor3A_607 = arith.constant 2 : i32
        %xor3A_608 = vector.broadcast %xor3A_607 : i32 to vector<16xi32>
        %xor3A_609 = arith.xori %iota3A, %xor3A_608 : vector<16xi32>
        %broadcast_in_dim3A_610 = vector.shape_cast %xor3A_609 : vector<16xi32> to vector<16x1xi32>
        %gather3A_611 = vector.shape_cast %broadcast_in_dim3A_610 : vector<16x1xi32> to vector<16xi32>
        %gather3A_612 = tpu.dynamic_gather %add3A_606[%gather3A_611] in [0] : vector<16xf32>, vector<16xi32> -> vector<16xf32>
        %add3A_613 = arith.addf %add3A_606, %gather3A_612 : vector<16xf32>
        %xor3A_614 = arith.constant 1 : i32
        %xor3A_615 = vector.broadcast %xor3A_614 : i32 to vector<16xi32>
        %xor3A_616 = arith.xori %iota3A, %xor3A_615 : vector<16xi32>
        %broadcast_in_dim3A_617 = vector.shape_cast %xor3A_616 : vector<16xi32> to vector<16x1xi32>
        %gather3A_618 = vector.shape_cast %broadcast_in_dim3A_617 : vector<16x1xi32> to vector<16xi32>
        %gather3A_619 = tpu.dynamic_gather %add3A_613[%gather3A_618] in [0] : vector<16xf32>, vector<16xi32> -> vector<16xf32>
        %add3A_620 = arith.addf %add3A_613, %gather3A_619 : vector<16xf32>
        %get3A_621 = arith.index_cast %scan3A_551 : i32 to index
        %get3A_622 = arith.constant 0 : index
        %get3A_623 = tpu.vector_load %arg8[%get3A_621, %get3A_622] {strides = array<i32>} : memref<64x64xf32, #tpu.memory_space<vmem>>, vector<1x16xf32>,
        %get3A_624 = vector.shape_cast %get3A_623 : vector<1x16xf32> to vector<16xf32>
        %mul3A_625 = arith.mulf %add3A_620, %get3A_624 : vector<16xf32>
        %add3A_626 = arith.addf %scan3A_552, %mul3A_625 : vector<16xf32>
        %get3A_627 = arith.index_cast %scan3A_551 : i32 to index
        %get3A_628 = arith.constant 16 : index
        %get3A_629 = tpu.vector_load %arg8[%get3A_627, %get3A_628] {strides = array<i32>} : memref<64x64xf32, #tpu.memory_space<vmem>>, vector<1x16xf32>,
        %get3A_630 = vector.shape_cast %get3A_629 : vector<1x16xf32> to vector<16xf32>
        %mul3A_631 = arith.mulf %add3A_620, %get3A_630 : vector<16xf32>
        %add3A_632 = arith.addf %scan3A_553, %mul3A_631 : vector<16xf32>
        %get3A_633 = arith.index_cast %scan3A_551 : i32 to index
        %get3A_634 = arith.constant 32 : index
        %get3A_635 = tpu.vector_load %arg8[%get3A_633, %get3A_634] {strides = array<i32>} : memref<64x64xf32, #tpu.memory_space<vmem>>, vector<1x16xf32>,
        %get3A_636 = vector.shape_cast %get3A_635 : vector<1x16xf32> to vector<16xf32>
        %mul3A_637 = arith.mulf %add3A_620, %get3A_636 : vector<16xf32>
        %add3A_638 = arith.addf %scan3A_554, %mul3A_637 : vector<16xf32>
        %get3A_639 = arith.index_cast %scan3A_551 : i32 to index
        %get3A_640 = arith.constant 48 : index
        %get3A_641 = tpu.vector_load %arg8[%get3A_639, %get3A_640] {strides = array<i32>} : memref<64x64xf32, #tpu.memory_space<vmem>>, vector<1x16xf32>,
        %get3A_642 = vector.shape_cast %get3A_641 : vector<1x16xf32> to vector<16xf32>
        %mul3A_643 = arith.mulf %add3A_620, %get3A_642 : vector<16xf32>
        %add3A_644 = arith.addf %scan3A_555, %mul3A_643 : vector<16xf32>
        scf.yield %add3A_626, %add3A_632, %add3A_638, %add3A_644 : vector<16xf32>, vector<16xf32>, vector<16xf32>, vector<16xf32>
      }
      %scan3A_131 = arith.constant 64 : i32
      %slice3A_132 = vector.extract_strided_slice %get3A_24 {offsets = [3], sizes = [1], strides = [1]} : vector<16xi32> to vector<1xi32>
      %squeeze3A_133 = vector.extract %slice3A_132[0] : i32 from vector<1xi32>
      %swap3A_134 = arith.index_cast %squeeze3A_133 : i32 to index
      %swap3A_135 = arith.constant 0 : index
      %swap3A_136 = tpu.vector_load %arg9[%swap3A_134, %swap3A_135] {strides = array<i32>} : memref<64x64xf32, #tpu.memory_space<vmem>>, vector<1x16xf32>,
      %swap3A_137 = vector.shape_cast %swap3A_136 : vector<1x16xf32> to vector<16xf32>
      %swap3A_138 = vector.shape_cast %scan3A_130#0 : vector<16xf32> to vector<1x16xf32>
      tpu.vector_store %arg9[%swap3A_134, %swap3A_135], %swap3A_138 {add = true, strides = array<i32>} : memref<64x64xf32, #tpu.memory_space<vmem>>, vector<1x16xf32>,
      %swap3A_139 = arith.index_cast %squeeze3A_133 : i32 to index
      %swap3A_140 = arith.constant 16 : index
      %swap3A_141 = tpu.vector_load %arg9[%swap3A_139, %swap3A_140] {strides = array<i32>} : memref<64x64xf32, #tpu.memory_space<vmem>>, vector<1x16xf32>,
      %swap3A_142 = vector.shape_cast %swap3A_141 : vector<1x16xf32> to vector<16xf32>
      %swap3A_143 = vector.shape_cast %scan3A_130#1 : vector<16xf32> to vector<1x16xf32>
      tpu.vector_store %arg9[%swap3A_139, %swap3A_140], %swap3A_143 {add = true, strides = array<i32>} : memref<64x64xf32, #tpu.memory_space<vmem>>, vector<1x16xf32>,
      %swap3A_144 = arith.index_cast %squeeze3A_133 : i32 to index
      %swap3A_145 = arith.constant 32 : index
      %swap3A_146 = tpu.vector_load %arg9[%swap3A_144, %swap3A_145] {strides = array<i32>} : memref<64x64xf32, #tpu.memory_space<vmem>>, vector<1x16xf32>,
      %swap3A_147 = vector.shape_cast %swap3A_146 : vector<1x16xf32> to vector<16xf32>
      %swap3A_148 = vector.shape_cast %scan3A_130#2 : vector<16xf32> to vector<1x16xf32>
      tpu.vector_store %arg9[%swap3A_144, %swap3A_145], %swap3A_148 {add = true, strides = array<i32>} : memref<64x64xf32, #tpu.memory_space<vmem>>, vector<1x16xf32>,
      %swap3A_149 = arith.index_cast %squeeze3A_133 : i32 to index
      %swap3A_150 = arith.constant 48 : index
      %swap3A_151 = tpu.vector_load %arg9[%swap3A_149, %swap3A_150] {strides = array<i32>} : memref<64x64xf32, #tpu.memory_space<vmem>>, vector<1x16xf32>,
      %swap3A_152 = vector.shape_cast %swap3A_151 : vector<1x16xf32> to vector<16xf32>
      %swap3A_153 = vector.shape_cast %scan3A_130#3 : vector<16xf32> to vector<1x16xf32>
      tpu.vector_store %arg9[%swap3A_149, %swap3A_150], %swap3A_153 {add = true, strides = array<i32>} : memref<64x64xf32, #tpu.memory_space<vmem>>, vector<1x16xf32>,
      %mul3A_154 = arith.constant 16 : i32
      %mul3A_155 = arith.muli %scan3A_19, %mul3A_154 : i32
      %add3A_156 = arith.constant 4 : i32
      %add3A_157 = arith.addi %mul3A_155, %add3A_156 : i32
      %add3A_158 = arith.addi %add3A_4, %add3A_157 : i32
      "tpu.region"() ({
        %run_scoped3A = tpu.sem_alloc : memref<!tpu.dma_semaphore, #tpu.memory_space<semaphore_mem>>
        %dma_start3A = arith.constant 0 : i32
        %dma_start3A_551 = arith.constant 0 : i32
        %dma_start3A_552 = tpu.memref_slice %arg2[%add3A_158, %dma_start3A, %dma_start3A_551] : memref<4096x64x128xf32, #tpu.memory_space<hbm>> -> memref<1x64x128xf32, #tpu.memory_space<hbm>>
        %dma_start3A_553 = tpu.memref_squeeze %dma_start3A_552 : memref<1x64x128xf32, #tpu.memory_space<hbm>> -> memref<64x128xf32, #tpu.memory_space<hbm>>
        %dma_start3A_554 = arith.constant 0 : i32
        %dma_start3A_555 = arith.constant 0 : i32
        %dma_start3A_556 = tpu.memref_slice %arg2[%add3A_158, %dma_start3A_554, %dma_start3A_555] : memref<4096x64x128xf32, #tpu.memory_space<hbm>> -> memref<1x64x128xf32, #tpu.memory_space<hbm>>
        %dma_start3A_557 = tpu.memref_squeeze %dma_start3A_556 : memref<1x64x128xf32, #tpu.memory_space<hbm>> -> memref<64x128xf32, #tpu.memory_space<hbm>>
        tpu.enqueue_dma source(%dma_start3A_557 : memref<64x128xf32, #tpu.memory_space<hbm>>) target(%arg6 : memref<64x128xf32, #tpu.memory_space<vmem>>) target_semaphore(%run_scoped3A : memref<!tpu.dma_semaphore, #tpu.memory_space<semaphore_mem>>)
        %dma_wait3A = arith.constant 0 : i32
        %dma_wait3A_558 = arith.constant 0 : i32
        %dma_wait3A_559 = tpu.memref_slice %arg2[%add3A_158, %dma_wait3A, %dma_wait3A_558] : memref<4096x64x128xf32, #tpu.memory_space<hbm>> -> memref<1x64x128xf32, #tpu.memory_space<hbm>>
        %dma_wait3A_560 = tpu.memref_squeeze %dma_wait3A_559 : memref<1x64x128xf32, #tpu.memory_space<hbm>> -> memref<64x128xf32, #tpu.memory_space<hbm>>
        %dma_wait3A_561 = arith.constant 0 : i32
        %dma_wait3A_562 = arith.constant 0 : i32
        %dma_wait3A_563 = tpu.memref_slice %arg2[%add3A_158, %dma_wait3A_561, %dma_wait3A_562] : memref<4096x64x128xf32, #tpu.memory_space<hbm>> -> memref<1x64x128xf32, #tpu.memory_space<hbm>>
        %dma_wait3A_564 = tpu.memref_squeeze %dma_wait3A_563 : memref<1x64x128xf32, #tpu.memory_space<hbm>> -> memref<64x128xf32, #tpu.memory_space<hbm>>
        tpu.wait_dma2 semaphore(%run_scoped3A : memref<!tpu.dma_semaphore, #tpu.memory_space<semaphore_mem>>) src(%dma_wait3A_564 : memref<64x128xf32, #tpu.memory_space<hbm>>) dst(%arg6 : memref<64x128xf32, #tpu.memory_space<vmem>>)
        tpu.yield
      }) : () -> ()
      %scan3A_159 = arith.constant 0 : i32
      %scan3A_160 = arith.constant 64 : i32
      %scan3A_161 = arith.addi %scan3A_159, %scan3A_160 : i32
      %scan3A_162 = arith.constant 1 : i32
      %scan3A_163:4 = scf.for %scan3A_551 = %scan3A_159 to %scan3A_161 step %scan3A_162 iter_args(%scan3A_552 = %broadcast_in_dim3A_5, %scan3A_553 = %broadcast_in_dim3A_5, %scan3A_554 = %broadcast_in_dim3A_5, %scan3A_555 = %broadcast_in_dim3A_5) -> (vector<16xf32>, vector<16xf32>, vector<16xf32>, vector<16xf32>)  : i32 {
        %get3A_556 = arith.index_cast %scan3A_551 : i32 to index
        %get3A_557 = arith.constant 0 : index
        %get3A_558 = tpu.vector_load %arg6[%get3A_556, %get3A_557] {strides = array<i32>} : memref<64x128xf32, #tpu.memory_space<vmem>>, vector<1x16xf32>,
        %get3A_559 = vector.shape_cast %get3A_558 : vector<1x16xf32> to vector<16xf32>
        %get3A_560 = arith.index_cast %scan3A_551 : i32 to index
        %get3A_561 = arith.constant 16 : index
        %get3A_562 = tpu.vector_load %arg6[%get3A_560, %get3A_561] {strides = array<i32>} : memref<64x128xf32, #tpu.memory_space<vmem>>, vector<1x16xf32>,
        %get3A_563 = vector.shape_cast %get3A_562 : vector<1x16xf32> to vector<16xf32>
        %add3A_564 = arith.addf %get3A_559, %get3A_563 : vector<16xf32>
        %get3A_565 = arith.index_cast %scan3A_551 : i32 to index
        %get3A_566 = arith.constant 32 : index
        %get3A_567 = tpu.vector_load %arg6[%get3A_565, %get3A_566] {strides = array<i32>} : memref<64x128xf32, #tpu.memory_space<vmem>>, vector<1x16xf32>,
        %get3A_568 = vector.shape_cast %get3A_567 : vector<1x16xf32> to vector<16xf32>
        %add3A_569 = arith.addf %add3A_564, %get3A_568 : vector<16xf32>
        %get3A_570 = arith.index_cast %scan3A_551 : i32 to index
        %get3A_571 = arith.constant 48 : index
        %get3A_572 = tpu.vector_load %arg6[%get3A_570, %get3A_571] {strides = array<i32>} : memref<64x128xf32, #tpu.memory_space<vmem>>, vector<1x16xf32>,
        %get3A_573 = vector.shape_cast %get3A_572 : vector<1x16xf32> to vector<16xf32>
        %add3A_574 = arith.addf %add3A_569, %get3A_573 : vector<16xf32>
        %get3A_575 = arith.index_cast %scan3A_551 : i32 to index
        %get3A_576 = arith.constant 64 : index
        %get3A_577 = tpu.vector_load %arg6[%get3A_575, %get3A_576] {strides = array<i32>} : memref<64x128xf32, #tpu.memory_space<vmem>>, vector<1x16xf32>,
        %get3A_578 = vector.shape_cast %get3A_577 : vector<1x16xf32> to vector<16xf32>
        %add3A_579 = arith.addf %add3A_574, %get3A_578 : vector<16xf32>
        %get3A_580 = arith.index_cast %scan3A_551 : i32 to index
        %get3A_581 = arith.constant 80 : index
        %get3A_582 = tpu.vector_load %arg6[%get3A_580, %get3A_581] {strides = array<i32>} : memref<64x128xf32, #tpu.memory_space<vmem>>, vector<1x16xf32>,
        %get3A_583 = vector.shape_cast %get3A_582 : vector<1x16xf32> to vector<16xf32>
        %add3A_584 = arith.addf %add3A_579, %get3A_583 : vector<16xf32>
        %get3A_585 = arith.index_cast %scan3A_551 : i32 to index
        %get3A_586 = arith.constant 96 : index
        %get3A_587 = tpu.vector_load %arg6[%get3A_585, %get3A_586] {strides = array<i32>} : memref<64x128xf32, #tpu.memory_space<vmem>>, vector<1x16xf32>,
        %get3A_588 = vector.shape_cast %get3A_587 : vector<1x16xf32> to vector<16xf32>
        %add3A_589 = arith.addf %add3A_584, %get3A_588 : vector<16xf32>
        %get3A_590 = arith.index_cast %scan3A_551 : i32 to index
        %get3A_591 = arith.constant 112 : index
        %get3A_592 = tpu.vector_load %arg6[%get3A_590, %get3A_591] {strides = array<i32>} : memref<64x128xf32, #tpu.memory_space<vmem>>, vector<1x16xf32>,
        %get3A_593 = vector.shape_cast %get3A_592 : vector<1x16xf32> to vector<16xf32>
        %add3A_594 = arith.addf %add3A_589, %get3A_593 : vector<16xf32>
        %iota3A = tpu.iota {dimensions = array<i32: 0>} : vector<16xi32>
        %xor3A = arith.constant 8 : i32
        %xor3A_595 = vector.broadcast %xor3A : i32 to vector<16xi32>
        %xor3A_596 = arith.xori %iota3A, %xor3A_595 : vector<16xi32>
        %broadcast_in_dim3A_597 = vector.shape_cast %xor3A_596 : vector<16xi32> to vector<16x1xi32>
        %gather3A = vector.shape_cast %broadcast_in_dim3A_597 : vector<16x1xi32> to vector<16xi32>
        %gather3A_598 = tpu.dynamic_gather %add3A_594[%gather3A] in [0] : vector<16xf32>, vector<16xi32> -> vector<16xf32>
        %add3A_599 = arith.addf %add3A_594, %gather3A_598 : vector<16xf32>
        %xor3A_600 = arith.constant 4 : i32
        %xor3A_601 = vector.broadcast %xor3A_600 : i32 to vector<16xi32>
        %xor3A_602 = arith.xori %iota3A, %xor3A_601 : vector<16xi32>
        %broadcast_in_dim3A_603 = vector.shape_cast %xor3A_602 : vector<16xi32> to vector<16x1xi32>
        %gather3A_604 = vector.shape_cast %broadcast_in_dim3A_603 : vector<16x1xi32> to vector<16xi32>
        %gather3A_605 = tpu.dynamic_gather %add3A_599[%gather3A_604] in [0] : vector<16xf32>, vector<16xi32> -> vector<16xf32>
        %add3A_606 = arith.addf %add3A_599, %gather3A_605 : vector<16xf32>
        %xor3A_607 = arith.constant 2 : i32
        %xor3A_608 = vector.broadcast %xor3A_607 : i32 to vector<16xi32>
        %xor3A_609 = arith.xori %iota3A, %xor3A_608 : vector<16xi32>
        %broadcast_in_dim3A_610 = vector.shape_cast %xor3A_609 : vector<16xi32> to vector<16x1xi32>
        %gather3A_611 = vector.shape_cast %broadcast_in_dim3A_610 : vector<16x1xi32> to vector<16xi32>
        %gather3A_612 = tpu.dynamic_gather %add3A_606[%gather3A_611] in [0] : vector<16xf32>, vector<16xi32> -> vector<16xf32>
        %add3A_613 = arith.addf %add3A_606, %gather3A_612 : vector<16xf32>
        %xor3A_614 = arith.constant 1 : i32
        %xor3A_615 = vector.broadcast %xor3A_614 : i32 to vector<16xi32>
        %xor3A_616 = arith.xori %iota3A, %xor3A_615 : vector<16xi32>
        %broadcast_in_dim3A_617 = vector.shape_cast %xor3A_616 : vector<16xi32> to vector<16x1xi32>
        %gather3A_618 = vector.shape_cast %broadcast_in_dim3A_617 : vector<16x1xi32> to vector<16xi32>
        %gather3A_619 = tpu.dynamic_gather %add3A_613[%gather3A_618] in [0] : vector<16xf32>, vector<16xi32> -> vector<16xf32>
        %add3A_620 = arith.addf %add3A_613, %gather3A_619 : vector<16xf32>
        %get3A_621 = arith.index_cast %scan3A_551 : i32 to index
        %get3A_622 = arith.constant 0 : index
        %get3A_623 = tpu.vector_load %arg8[%get3A_621, %get3A_622] {strides = array<i32>} : memref<64x64xf32, #tpu.memory_space<vmem>>, vector<1x16xf32>,
        %get3A_624 = vector.shape_cast %get3A_623 : vector<1x16xf32> to vector<16xf32>
        %mul3A_625 = arith.mulf %add3A_620, %get3A_624 : vector<16xf32>
        %add3A_626 = arith.addf %scan3A_552, %mul3A_625 : vector<16xf32>
        %get3A_627 = arith.index_cast %scan3A_551 : i32 to index
        %get3A_628 = arith.constant 16 : index
        %get3A_629 = tpu.vector_load %arg8[%get3A_627, %get3A_628] {strides = array<i32>} : memref<64x64xf32, #tpu.memory_space<vmem>>, vector<1x16xf32>,
        %get3A_630 = vector.shape_cast %get3A_629 : vector<1x16xf32> to vector<16xf32>
        %mul3A_631 = arith.mulf %add3A_620, %get3A_630 : vector<16xf32>
        %add3A_632 = arith.addf %scan3A_553, %mul3A_631 : vector<16xf32>
        %get3A_633 = arith.index_cast %scan3A_551 : i32 to index
        %get3A_634 = arith.constant 32 : index
        %get3A_635 = tpu.vector_load %arg8[%get3A_633, %get3A_634] {strides = array<i32>} : memref<64x64xf32, #tpu.memory_space<vmem>>, vector<1x16xf32>,
        %get3A_636 = vector.shape_cast %get3A_635 : vector<1x16xf32> to vector<16xf32>
        %mul3A_637 = arith.mulf %add3A_620, %get3A_636 : vector<16xf32>
        %add3A_638 = arith.addf %scan3A_554, %mul3A_637 : vector<16xf32>
        %get3A_639 = arith.index_cast %scan3A_551 : i32 to index
        %get3A_640 = arith.constant 48 : index
        %get3A_641 = tpu.vector_load %arg8[%get3A_639, %get3A_640] {strides = array<i32>} : memref<64x64xf32, #tpu.memory_space<vmem>>, vector<1x16xf32>,
        %get3A_642 = vector.shape_cast %get3A_641 : vector<1x16xf32> to vector<16xf32>
        %mul3A_643 = arith.mulf %add3A_620, %get3A_642 : vector<16xf32>
        %add3A_644 = arith.addf %scan3A_555, %mul3A_643 : vector<16xf32>
        scf.yield %add3A_626, %add3A_632, %add3A_638, %add3A_644 : vector<16xf32>, vector<16xf32>, vector<16xf32>, vector<16xf32>
      }
      %scan3A_164 = arith.constant 64 : i32
      %slice3A_165 = vector.extract_strided_slice %get3A_24 {offsets = [4], sizes = [1], strides = [1]} : vector<16xi32> to vector<1xi32>
      %squeeze3A_166 = vector.extract %slice3A_165[0] : i32 from vector<1xi32>
      %swap3A_167 = arith.index_cast %squeeze3A_166 : i32 to index
      %swap3A_168 = arith.constant 0 : index
      %swap3A_169 = tpu.vector_load %arg9[%swap3A_167, %swap3A_168] {strides = array<i32>} : memref<64x64xf32, #tpu.memory_space<vmem>>, vector<1x16xf32>,
      %swap3A_170 = vector.shape_cast %swap3A_169 : vector<1x16xf32> to vector<16xf32>
      %swap3A_171 = vector.shape_cast %scan3A_163#0 : vector<16xf32> to vector<1x16xf32>
      tpu.vector_store %arg9[%swap3A_167, %swap3A_168], %swap3A_171 {add = true, strides = array<i32>} : memref<64x64xf32, #tpu.memory_space<vmem>>, vector<1x16xf32>,
      %swap3A_172 = arith.index_cast %squeeze3A_166 : i32 to index
      %swap3A_173 = arith.constant 16 : index
      %swap3A_174 = tpu.vector_load %arg9[%swap3A_172, %swap3A_173] {strides = array<i32>} : memref<64x64xf32, #tpu.memory_space<vmem>>, vector<1x16xf32>,
      %swap3A_175 = vector.shape_cast %swap3A_174 : vector<1x16xf32> to vector<16xf32>
      %swap3A_176 = vector.shape_cast %scan3A_163#1 : vector<16xf32> to vector<1x16xf32>
      tpu.vector_store %arg9[%swap3A_172, %swap3A_173], %swap3A_176 {add = true, strides = array<i32>} : memref<64x64xf32, #tpu.memory_space<vmem>>, vector<1x16xf32>,
      %swap3A_177 = arith.index_cast %squeeze3A_166 : i32 to index
      %swap3A_178 = arith.constant 32 : index
      %swap3A_179 = tpu.vector_load %arg9[%swap3A_177, %swap3A_178] {strides = array<i32>} : memref<64x64xf32, #tpu.memory_space<vmem>>, vector<1x16xf32>,
      %swap3A_180 = vector.shape_cast %swap3A_179 : vector<1x16xf32> to vector<16xf32>
      %swap3A_181 = vector.shape_cast %scan3A_163#2 : vector<16xf32> to vector<1x16xf32>
      tpu.vector_store %arg9[%swap3A_177, %swap3A_178], %swap3A_181 {add = true, strides = array<i32>} : memref<64x64xf32, #tpu.memory_space<vmem>>, vector<1x16xf32>,
      %swap3A_182 = arith.index_cast %squeeze3A_166 : i32 to index
      %swap3A_183 = arith.constant 48 : index
      %swap3A_184 = tpu.vector_load %arg9[%swap3A_182, %swap3A_183] {strides = array<i32>} : memref<64x64xf32, #tpu.memory_space<vmem>>, vector<1x16xf32>,
      %swap3A_185 = vector.shape_cast %swap3A_184 : vector<1x16xf32> to vector<16xf32>
      %swap3A_186 = vector.shape_cast %scan3A_163#3 : vector<16xf32> to vector<1x16xf32>
      tpu.vector_store %arg9[%swap3A_182, %swap3A_183], %swap3A_186 {add = true, strides = array<i32>} : memref<64x64xf32, #tpu.memory_space<vmem>>, vector<1x16xf32>,
      %mul3A_187 = arith.constant 16 : i32
      %mul3A_188 = arith.muli %scan3A_19, %mul3A_187 : i32
      %add3A_189 = arith.constant 5 : i32
      %add3A_190 = arith.addi %mul3A_188, %add3A_189 : i32
      %add3A_191 = arith.addi %add3A_4, %add3A_190 : i32
      "tpu.region"() ({
        %run_scoped3A = tpu.sem_alloc : memref<!tpu.dma_semaphore, #tpu.memory_space<semaphore_mem>>
        %dma_start3A = arith.constant 0 : i32
        %dma_start3A_551 = arith.constant 0 : i32
        %dma_start3A_552 = tpu.memref_slice %arg2[%add3A_191, %dma_start3A, %dma_start3A_551] : memref<4096x64x128xf32, #tpu.memory_space<hbm>> -> memref<1x64x128xf32, #tpu.memory_space<hbm>>
        %dma_start3A_553 = tpu.memref_squeeze %dma_start3A_552 : memref<1x64x128xf32, #tpu.memory_space<hbm>> -> memref<64x128xf32, #tpu.memory_space<hbm>>
        %dma_start3A_554 = arith.constant 0 : i32
        %dma_start3A_555 = arith.constant 0 : i32
        %dma_start3A_556 = tpu.memref_slice %arg2[%add3A_191, %dma_start3A_554, %dma_start3A_555] : memref<4096x64x128xf32, #tpu.memory_space<hbm>> -> memref<1x64x128xf32, #tpu.memory_space<hbm>>
        %dma_start3A_557 = tpu.memref_squeeze %dma_start3A_556 : memref<1x64x128xf32, #tpu.memory_space<hbm>> -> memref<64x128xf32, #tpu.memory_space<hbm>>
        tpu.enqueue_dma source(%dma_start3A_557 : memref<64x128xf32, #tpu.memory_space<hbm>>) target(%arg6 : memref<64x128xf32, #tpu.memory_space<vmem>>) target_semaphore(%run_scoped3A : memref<!tpu.dma_semaphore, #tpu.memory_space<semaphore_mem>>)
        %dma_wait3A = arith.constant 0 : i32
        %dma_wait3A_558 = arith.constant 0 : i32
        %dma_wait3A_559 = tpu.memref_slice %arg2[%add3A_191, %dma_wait3A, %dma_wait3A_558] : memref<4096x64x128xf32, #tpu.memory_space<hbm>> -> memref<1x64x128xf32, #tpu.memory_space<hbm>>
        %dma_wait3A_560 = tpu.memref_squeeze %dma_wait3A_559 : memref<1x64x128xf32, #tpu.memory_space<hbm>> -> memref<64x128xf32, #tpu.memory_space<hbm>>
        %dma_wait3A_561 = arith.constant 0 : i32
        %dma_wait3A_562 = arith.constant 0 : i32
        %dma_wait3A_563 = tpu.memref_slice %arg2[%add3A_191, %dma_wait3A_561, %dma_wait3A_562] : memref<4096x64x128xf32, #tpu.memory_space<hbm>> -> memref<1x64x128xf32, #tpu.memory_space<hbm>>
        %dma_wait3A_564 = tpu.memref_squeeze %dma_wait3A_563 : memref<1x64x128xf32, #tpu.memory_space<hbm>> -> memref<64x128xf32, #tpu.memory_space<hbm>>
        tpu.wait_dma2 semaphore(%run_scoped3A : memref<!tpu.dma_semaphore, #tpu.memory_space<semaphore_mem>>) src(%dma_wait3A_564 : memref<64x128xf32, #tpu.memory_space<hbm>>) dst(%arg6 : memref<64x128xf32, #tpu.memory_space<vmem>>)
        tpu.yield
      }) : () -> ()
      %scan3A_192 = arith.constant 0 : i32
      %scan3A_193 = arith.constant 64 : i32
      %scan3A_194 = arith.addi %scan3A_192, %scan3A_193 : i32
      %scan3A_195 = arith.constant 1 : i32
      %scan3A_196:4 = scf.for %scan3A_551 = %scan3A_192 to %scan3A_194 step %scan3A_195 iter_args(%scan3A_552 = %broadcast_in_dim3A_5, %scan3A_553 = %broadcast_in_dim3A_5, %scan3A_554 = %broadcast_in_dim3A_5, %scan3A_555 = %broadcast_in_dim3A_5) -> (vector<16xf32>, vector<16xf32>, vector<16xf32>, vector<16xf32>)  : i32 {
        %get3A_556 = arith.index_cast %scan3A_551 : i32 to index
        %get3A_557 = arith.constant 0 : index
        %get3A_558 = tpu.vector_load %arg6[%get3A_556, %get3A_557] {strides = array<i32>} : memref<64x128xf32, #tpu.memory_space<vmem>>, vector<1x16xf32>,
        %get3A_559 = vector.shape_cast %get3A_558 : vector<1x16xf32> to vector<16xf32>
        %get3A_560 = arith.index_cast %scan3A_551 : i32 to index
        %get3A_561 = arith.constant 16 : index
        %get3A_562 = tpu.vector_load %arg6[%get3A_560, %get3A_561] {strides = array<i32>} : memref<64x128xf32, #tpu.memory_space<vmem>>, vector<1x16xf32>,
        %get3A_563 = vector.shape_cast %get3A_562 : vector<1x16xf32> to vector<16xf32>
        %add3A_564 = arith.addf %get3A_559, %get3A_563 : vector<16xf32>
        %get3A_565 = arith.index_cast %scan3A_551 : i32 to index
        %get3A_566 = arith.constant 32 : index
        %get3A_567 = tpu.vector_load %arg6[%get3A_565, %get3A_566] {strides = array<i32>} : memref<64x128xf32, #tpu.memory_space<vmem>>, vector<1x16xf32>,
        %get3A_568 = vector.shape_cast %get3A_567 : vector<1x16xf32> to vector<16xf32>
        %add3A_569 = arith.addf %add3A_564, %get3A_568 : vector<16xf32>
        %get3A_570 = arith.index_cast %scan3A_551 : i32 to index
        %get3A_571 = arith.constant 48 : index
        %get3A_572 = tpu.vector_load %arg6[%get3A_570, %get3A_571] {strides = array<i32>} : memref<64x128xf32, #tpu.memory_space<vmem>>, vector<1x16xf32>,
        %get3A_573 = vector.shape_cast %get3A_572 : vector<1x16xf32> to vector<16xf32>
        %add3A_574 = arith.addf %add3A_569, %get3A_573 : vector<16xf32>
        %get3A_575 = arith.index_cast %scan3A_551 : i32 to index
        %get3A_576 = arith.constant 64 : index
        %get3A_577 = tpu.vector_load %arg6[%get3A_575, %get3A_576] {strides = array<i32>} : memref<64x128xf32, #tpu.memory_space<vmem>>, vector<1x16xf32>,
        %get3A_578 = vector.shape_cast %get3A_577 : vector<1x16xf32> to vector<16xf32>
        %add3A_579 = arith.addf %add3A_574, %get3A_578 : vector<16xf32>
        %get3A_580 = arith.index_cast %scan3A_551 : i32 to index
        %get3A_581 = arith.constant 80 : index
        %get3A_582 = tpu.vector_load %arg6[%get3A_580, %get3A_581] {strides = array<i32>} : memref<64x128xf32, #tpu.memory_space<vmem>>, vector<1x16xf32>,
        %get3A_583 = vector.shape_cast %get3A_582 : vector<1x16xf32> to vector<16xf32>
        %add3A_584 = arith.addf %add3A_579, %get3A_583 : vector<16xf32>
        %get3A_585 = arith.index_cast %scan3A_551 : i32 to index
        %get3A_586 = arith.constant 96 : index
        %get3A_587 = tpu.vector_load %arg6[%get3A_585, %get3A_586] {strides = array<i32>} : memref<64x128xf32, #tpu.memory_space<vmem>>, vector<1x16xf32>,
        %get3A_588 = vector.shape_cast %get3A_587 : vector<1x16xf32> to vector<16xf32>
        %add3A_589 = arith.addf %add3A_584, %get3A_588 : vector<16xf32>
        %get3A_590 = arith.index_cast %scan3A_551 : i32 to index
        %get3A_591 = arith.constant 112 : index
        %get3A_592 = tpu.vector_load %arg6[%get3A_590, %get3A_591] {strides = array<i32>} : memref<64x128xf32, #tpu.memory_space<vmem>>, vector<1x16xf32>,
        %get3A_593 = vector.shape_cast %get3A_592 : vector<1x16xf32> to vector<16xf32>
        %add3A_594 = arith.addf %add3A_589, %get3A_593 : vector<16xf32>
        %iota3A = tpu.iota {dimensions = array<i32: 0>} : vector<16xi32>
        %xor3A = arith.constant 8 : i32
        %xor3A_595 = vector.broadcast %xor3A : i32 to vector<16xi32>
        %xor3A_596 = arith.xori %iota3A, %xor3A_595 : vector<16xi32>
        %broadcast_in_dim3A_597 = vector.shape_cast %xor3A_596 : vector<16xi32> to vector<16x1xi32>
        %gather3A = vector.shape_cast %broadcast_in_dim3A_597 : vector<16x1xi32> to vector<16xi32>
        %gather3A_598 = tpu.dynamic_gather %add3A_594[%gather3A] in [0] : vector<16xf32>, vector<16xi32> -> vector<16xf32>
        %add3A_599 = arith.addf %add3A_594, %gather3A_598 : vector<16xf32>
        %xor3A_600 = arith.constant 4 : i32
        %xor3A_601 = vector.broadcast %xor3A_600 : i32 to vector<16xi32>
        %xor3A_602 = arith.xori %iota3A, %xor3A_601 : vector<16xi32>
        %broadcast_in_dim3A_603 = vector.shape_cast %xor3A_602 : vector<16xi32> to vector<16x1xi32>
        %gather3A_604 = vector.shape_cast %broadcast_in_dim3A_603 : vector<16x1xi32> to vector<16xi32>
        %gather3A_605 = tpu.dynamic_gather %add3A_599[%gather3A_604] in [0] : vector<16xf32>, vector<16xi32> -> vector<16xf32>
        %add3A_606 = arith.addf %add3A_599, %gather3A_605 : vector<16xf32>
        %xor3A_607 = arith.constant 2 : i32
        %xor3A_608 = vector.broadcast %xor3A_607 : i32 to vector<16xi32>
        %xor3A_609 = arith.xori %iota3A, %xor3A_608 : vector<16xi32>
        %broadcast_in_dim3A_610 = vector.shape_cast %xor3A_609 : vector<16xi32> to vector<16x1xi32>
        %gather3A_611 = vector.shape_cast %broadcast_in_dim3A_610 : vector<16x1xi32> to vector<16xi32>
        %gather3A_612 = tpu.dynamic_gather %add3A_606[%gather3A_611] in [0] : vector<16xf32>, vector<16xi32> -> vector<16xf32>
        %add3A_613 = arith.addf %add3A_606, %gather3A_612 : vector<16xf32>
        %xor3A_614 = arith.constant 1 : i32
        %xor3A_615 = vector.broadcast %xor3A_614 : i32 to vector<16xi32>
        %xor3A_616 = arith.xori %iota3A, %xor3A_615 : vector<16xi32>
        %broadcast_in_dim3A_617 = vector.shape_cast %xor3A_616 : vector<16xi32> to vector<16x1xi32>
        %gather3A_618 = vector.shape_cast %broadcast_in_dim3A_617 : vector<16x1xi32> to vector<16xi32>
        %gather3A_619 = tpu.dynamic_gather %add3A_613[%gather3A_618] in [0] : vector<16xf32>, vector<16xi32> -> vector<16xf32>
        %add3A_620 = arith.addf %add3A_613, %gather3A_619 : vector<16xf32>
        %get3A_621 = arith.index_cast %scan3A_551 : i32 to index
        %get3A_622 = arith.constant 0 : index
        %get3A_623 = tpu.vector_load %arg8[%get3A_621, %get3A_622] {strides = array<i32>} : memref<64x64xf32, #tpu.memory_space<vmem>>, vector<1x16xf32>,
        %get3A_624 = vector.shape_cast %get3A_623 : vector<1x16xf32> to vector<16xf32>
        %mul3A_625 = arith.mulf %add3A_620, %get3A_624 : vector<16xf32>
        %add3A_626 = arith.addf %scan3A_552, %mul3A_625 : vector<16xf32>
        %get3A_627 = arith.index_cast %scan3A_551 : i32 to index
        %get3A_628 = arith.constant 16 : index
        %get3A_629 = tpu.vector_load %arg8[%get3A_627, %get3A_628] {strides = array<i32>} : memref<64x64xf32, #tpu.memory_space<vmem>>, vector<1x16xf32>,
        %get3A_630 = vector.shape_cast %get3A_629 : vector<1x16xf32> to vector<16xf32>
        %mul3A_631 = arith.mulf %add3A_620, %get3A_630 : vector<16xf32>
        %add3A_632 = arith.addf %scan3A_553, %mul3A_631 : vector<16xf32>
        %get3A_633 = arith.index_cast %scan3A_551 : i32 to index
        %get3A_634 = arith.constant 32 : index
        %get3A_635 = tpu.vector_load %arg8[%get3A_633, %get3A_634] {strides = array<i32>} : memref<64x64xf32, #tpu.memory_space<vmem>>, vector<1x16xf32>,
        %get3A_636 = vector.shape_cast %get3A_635 : vector<1x16xf32> to vector<16xf32>
        %mul3A_637 = arith.mulf %add3A_620, %get3A_636 : vector<16xf32>
        %add3A_638 = arith.addf %scan3A_554, %mul3A_637 : vector<16xf32>
        %get3A_639 = arith.index_cast %scan3A_551 : i32 to index
        %get3A_640 = arith.constant 48 : index
        %get3A_641 = tpu.vector_load %arg8[%get3A_639, %get3A_640] {strides = array<i32>} : memref<64x64xf32, #tpu.memory_space<vmem>>, vector<1x16xf32>,
        %get3A_642 = vector.shape_cast %get3A_641 : vector<1x16xf32> to vector<16xf32>
        %mul3A_643 = arith.mulf %add3A_620, %get3A_642 : vector<16xf32>
        %add3A_644 = arith.addf %scan3A_555, %mul3A_643 : vector<16xf32>
        scf.yield %add3A_626, %add3A_632, %add3A_638, %add3A_644 : vector<16xf32>, vector<16xf32>, vector<16xf32>, vector<16xf32>
      }
      %scan3A_197 = arith.constant 64 : i32
      %slice3A_198 = vector.extract_strided_slice %get3A_24 {offsets = [5], sizes = [1], strides = [1]} : vector<16xi32> to vector<1xi32>
      %squeeze3A_199 = vector.extract %slice3A_198[0] : i32 from vector<1xi32>
      %swap3A_200 = arith.index_cast %squeeze3A_199 : i32 to index
      %swap3A_201 = arith.constant 0 : index
      %swap3A_202 = tpu.vector_load %arg9[%swap3A_200, %swap3A_201] {strides = array<i32>} : memref<64x64xf32, #tpu.memory_space<vmem>>, vector<1x16xf32>,
      %swap3A_203 = vector.shape_cast %swap3A_202 : vector<1x16xf32> to vector<16xf32>
      %swap3A_204 = vector.shape_cast %scan3A_196#0 : vector<16xf32> to vector<1x16xf32>
      tpu.vector_store %arg9[%swap3A_200, %swap3A_201], %swap3A_204 {add = true, strides = array<i32>} : memref<64x64xf32, #tpu.memory_space<vmem>>, vector<1x16xf32>,
      %swap3A_205 = arith.index_cast %squeeze3A_199 : i32 to index
      %swap3A_206 = arith.constant 16 : index
      %swap3A_207 = tpu.vector_load %arg9[%swap3A_205, %swap3A_206] {strides = array<i32>} : memref<64x64xf32, #tpu.memory_space<vmem>>, vector<1x16xf32>,
      %swap3A_208 = vector.shape_cast %swap3A_207 : vector<1x16xf32> to vector<16xf32>
      %swap3A_209 = vector.shape_cast %scan3A_196#1 : vector<16xf32> to vector<1x16xf32>
      tpu.vector_store %arg9[%swap3A_205, %swap3A_206], %swap3A_209 {add = true, strides = array<i32>} : memref<64x64xf32, #tpu.memory_space<vmem>>, vector<1x16xf32>,
      %swap3A_210 = arith.index_cast %squeeze3A_199 : i32 to index
      %swap3A_211 = arith.constant 32 : index
      %swap3A_212 = tpu.vector_load %arg9[%swap3A_210, %swap3A_211] {strides = array<i32>} : memref<64x64xf32, #tpu.memory_space<vmem>>, vector<1x16xf32>,
      %swap3A_213 = vector.shape_cast %swap3A_212 : vector<1x16xf32> to vector<16xf32>
      %swap3A_214 = vector.shape_cast %scan3A_196#2 : vector<16xf32> to vector<1x16xf32>
      tpu.vector_store %arg9[%swap3A_210, %swap3A_211], %swap3A_214 {add = true, strides = array<i32>} : memref<64x64xf32, #tpu.memory_space<vmem>>, vector<1x16xf32>,
      %swap3A_215 = arith.index_cast %squeeze3A_199 : i32 to index
      %swap3A_216 = arith.constant 48 : index
      %swap3A_217 = tpu.vector_load %arg9[%swap3A_215, %swap3A_216] {strides = array<i32>} : memref<64x64xf32, #tpu.memory_space<vmem>>, vector<1x16xf32>,
      %swap3A_218 = vector.shape_cast %swap3A_217 : vector<1x16xf32> to vector<16xf32>
      %swap3A_219 = vector.shape_cast %scan3A_196#3 : vector<16xf32> to vector<1x16xf32>
      tpu.vector_store %arg9[%swap3A_215, %swap3A_216], %swap3A_219 {add = true, strides = array<i32>} : memref<64x64xf32, #tpu.memory_space<vmem>>, vector<1x16xf32>,
      %mul3A_220 = arith.constant 16 : i32
      %mul3A_221 = arith.muli %scan3A_19, %mul3A_220 : i32
      %add3A_222 = arith.constant 6 : i32
      %add3A_223 = arith.addi %mul3A_221, %add3A_222 : i32
      %add3A_224 = arith.addi %add3A_4, %add3A_223 : i32
      "tpu.region"() ({
        %run_scoped3A = tpu.sem_alloc : memref<!tpu.dma_semaphore, #tpu.memory_space<semaphore_mem>>
        %dma_start3A = arith.constant 0 : i32
        %dma_start3A_551 = arith.constant 0 : i32
        %dma_start3A_552 = tpu.memref_slice %arg2[%add3A_224, %dma_start3A, %dma_start3A_551] : memref<4096x64x128xf32, #tpu.memory_space<hbm>> -> memref<1x64x128xf32, #tpu.memory_space<hbm>>
        %dma_start3A_553 = tpu.memref_squeeze %dma_start3A_552 : memref<1x64x128xf32, #tpu.memory_space<hbm>> -> memref<64x128xf32, #tpu.memory_space<hbm>>
        %dma_start3A_554 = arith.constant 0 : i32
        %dma_start3A_555 = arith.constant 0 : i32
        %dma_start3A_556 = tpu.memref_slice %arg2[%add3A_224, %dma_start3A_554, %dma_start3A_555] : memref<4096x64x128xf32, #tpu.memory_space<hbm>> -> memref<1x64x128xf32, #tpu.memory_space<hbm>>
        %dma_start3A_557 = tpu.memref_squeeze %dma_start3A_556 : memref<1x64x128xf32, #tpu.memory_space<hbm>> -> memref<64x128xf32, #tpu.memory_space<hbm>>
        tpu.enqueue_dma source(%dma_start3A_557 : memref<64x128xf32, #tpu.memory_space<hbm>>) target(%arg6 : memref<64x128xf32, #tpu.memory_space<vmem>>) target_semaphore(%run_scoped3A : memref<!tpu.dma_semaphore, #tpu.memory_space<semaphore_mem>>)
        %dma_wait3A = arith.constant 0 : i32
        %dma_wait3A_558 = arith.constant 0 : i32
        %dma_wait3A_559 = tpu.memref_slice %arg2[%add3A_224, %dma_wait3A, %dma_wait3A_558] : memref<4096x64x128xf32, #tpu.memory_space<hbm>> -> memref<1x64x128xf32, #tpu.memory_space<hbm>>
        %dma_wait3A_560 = tpu.memref_squeeze %dma_wait3A_559 : memref<1x64x128xf32, #tpu.memory_space<hbm>> -> memref<64x128xf32, #tpu.memory_space<hbm>>
        %dma_wait3A_561 = arith.constant 0 : i32
        %dma_wait3A_562 = arith.constant 0 : i32
        %dma_wait3A_563 = tpu.memref_slice %arg2[%add3A_224, %dma_wait3A_561, %dma_wait3A_562] : memref<4096x64x128xf32, #tpu.memory_space<hbm>> -> memref<1x64x128xf32, #tpu.memory_space<hbm>>
        %dma_wait3A_564 = tpu.memref_squeeze %dma_wait3A_563 : memref<1x64x128xf32, #tpu.memory_space<hbm>> -> memref<64x128xf32, #tpu.memory_space<hbm>>
        tpu.wait_dma2 semaphore(%run_scoped3A : memref<!tpu.dma_semaphore, #tpu.memory_space<semaphore_mem>>) src(%dma_wait3A_564 : memref<64x128xf32, #tpu.memory_space<hbm>>) dst(%arg6 : memref<64x128xf32, #tpu.memory_space<vmem>>)
        tpu.yield
      }) : () -> ()
      %scan3A_225 = arith.constant 0 : i32
      %scan3A_226 = arith.constant 64 : i32
      %scan3A_227 = arith.addi %scan3A_225, %scan3A_226 : i32
      %scan3A_228 = arith.constant 1 : i32
      %scan3A_229:4 = scf.for %scan3A_551 = %scan3A_225 to %scan3A_227 step %scan3A_228 iter_args(%scan3A_552 = %broadcast_in_dim3A_5, %scan3A_553 = %broadcast_in_dim3A_5, %scan3A_554 = %broadcast_in_dim3A_5, %scan3A_555 = %broadcast_in_dim3A_5) -> (vector<16xf32>, vector<16xf32>, vector<16xf32>, vector<16xf32>)  : i32 {
        %get3A_556 = arith.index_cast %scan3A_551 : i32 to index
        %get3A_557 = arith.constant 0 : index
        %get3A_558 = tpu.vector_load %arg6[%get3A_556, %get3A_557] {strides = array<i32>} : memref<64x128xf32, #tpu.memory_space<vmem>>, vector<1x16xf32>,
        %get3A_559 = vector.shape_cast %get3A_558 : vector<1x16xf32> to vector<16xf32>
        %get3A_560 = arith.index_cast %scan3A_551 : i32 to index
        %get3A_561 = arith.constant 16 : index
        %get3A_562 = tpu.vector_load %arg6[%get3A_560, %get3A_561] {strides = array<i32>} : memref<64x128xf32, #tpu.memory_space<vmem>>, vector<1x16xf32>,
        %get3A_563 = vector.shape_cast %get3A_562 : vector<1x16xf32> to vector<16xf32>
        %add3A_564 = arith.addf %get3A_559, %get3A_563 : vector<16xf32>
        %get3A_565 = arith.index_cast %scan3A_551 : i32 to index
        %get3A_566 = arith.constant 32 : index
        %get3A_567 = tpu.vector_load %arg6[%get3A_565, %get3A_566] {strides = array<i32>} : memref<64x128xf32, #tpu.memory_space<vmem>>, vector<1x16xf32>,
        %get3A_568 = vector.shape_cast %get3A_567 : vector<1x16xf32> to vector<16xf32>
        %add3A_569 = arith.addf %add3A_564, %get3A_568 : vector<16xf32>
        %get3A_570 = arith.index_cast %scan3A_551 : i32 to index
        %get3A_571 = arith.constant 48 : index
        %get3A_572 = tpu.vector_load %arg6[%get3A_570, %get3A_571] {strides = array<i32>} : memref<64x128xf32, #tpu.memory_space<vmem>>, vector<1x16xf32>,
        %get3A_573 = vector.shape_cast %get3A_572 : vector<1x16xf32> to vector<16xf32>
        %add3A_574 = arith.addf %add3A_569, %get3A_573 : vector<16xf32>
        %get3A_575 = arith.index_cast %scan3A_551 : i32 to index
        %get3A_576 = arith.constant 64 : index
        %get3A_577 = tpu.vector_load %arg6[%get3A_575, %get3A_576] {strides = array<i32>} : memref<64x128xf32, #tpu.memory_space<vmem>>, vector<1x16xf32>,
        %get3A_578 = vector.shape_cast %get3A_577 : vector<1x16xf32> to vector<16xf32>
        %add3A_579 = arith.addf %add3A_574, %get3A_578 : vector<16xf32>
        %get3A_580 = arith.index_cast %scan3A_551 : i32 to index
        %get3A_581 = arith.constant 80 : index
        %get3A_582 = tpu.vector_load %arg6[%get3A_580, %get3A_581] {strides = array<i32>} : memref<64x128xf32, #tpu.memory_space<vmem>>, vector<1x16xf32>,
        %get3A_583 = vector.shape_cast %get3A_582 : vector<1x16xf32> to vector<16xf32>
        %add3A_584 = arith.addf %add3A_579, %get3A_583 : vector<16xf32>
        %get3A_585 = arith.index_cast %scan3A_551 : i32 to index
        %get3A_586 = arith.constant 96 : index
        %get3A_587 = tpu.vector_load %arg6[%get3A_585, %get3A_586] {strides = array<i32>} : memref<64x128xf32, #tpu.memory_space<vmem>>, vector<1x16xf32>,
        %get3A_588 = vector.shape_cast %get3A_587 : vector<1x16xf32> to vector<16xf32>
        %add3A_589 = arith.addf %add3A_584, %get3A_588 : vector<16xf32>
        %get3A_590 = arith.index_cast %scan3A_551 : i32 to index
        %get3A_591 = arith.constant 112 : index
        %get3A_592 = tpu.vector_load %arg6[%get3A_590, %get3A_591] {strides = array<i32>} : memref<64x128xf32, #tpu.memory_space<vmem>>, vector<1x16xf32>,
        %get3A_593 = vector.shape_cast %get3A_592 : vector<1x16xf32> to vector<16xf32>
        %add3A_594 = arith.addf %add3A_589, %get3A_593 : vector<16xf32>
        %iota3A = tpu.iota {dimensions = array<i32: 0>} : vector<16xi32>
        %xor3A = arith.constant 8 : i32
        %xor3A_595 = vector.broadcast %xor3A : i32 to vector<16xi32>
        %xor3A_596 = arith.xori %iota3A, %xor3A_595 : vector<16xi32>
        %broadcast_in_dim3A_597 = vector.shape_cast %xor3A_596 : vector<16xi32> to vector<16x1xi32>
        %gather3A = vector.shape_cast %broadcast_in_dim3A_597 : vector<16x1xi32> to vector<16xi32>
        %gather3A_598 = tpu.dynamic_gather %add3A_594[%gather3A] in [0] : vector<16xf32>, vector<16xi32> -> vector<16xf32>
        %add3A_599 = arith.addf %add3A_594, %gather3A_598 : vector<16xf32>
        %xor3A_600 = arith.constant 4 : i32
        %xor3A_601 = vector.broadcast %xor3A_600 : i32 to vector<16xi32>
        %xor3A_602 = arith.xori %iota3A, %xor3A_601 : vector<16xi32>
        %broadcast_in_dim3A_603 = vector.shape_cast %xor3A_602 : vector<16xi32> to vector<16x1xi32>
        %gather3A_604 = vector.shape_cast %broadcast_in_dim3A_603 : vector<16x1xi32> to vector<16xi32>
        %gather3A_605 = tpu.dynamic_gather %add3A_599[%gather3A_604] in [0] : vector<16xf32>, vector<16xi32> -> vector<16xf32>
        %add3A_606 = arith.addf %add3A_599, %gather3A_605 : vector<16xf32>
        %xor3A_607 = arith.constant 2 : i32
        %xor3A_608 = vector.broadcast %xor3A_607 : i32 to vector<16xi32>
        %xor3A_609 = arith.xori %iota3A, %xor3A_608 : vector<16xi32>
        %broadcast_in_dim3A_610 = vector.shape_cast %xor3A_609 : vector<16xi32> to vector<16x1xi32>
        %gather3A_611 = vector.shape_cast %broadcast_in_dim3A_610 : vector<16x1xi32> to vector<16xi32>
        %gather3A_612 = tpu.dynamic_gather %add3A_606[%gather3A_611] in [0] : vector<16xf32>, vector<16xi32> -> vector<16xf32>
        %add3A_613 = arith.addf %add3A_606, %gather3A_612 : vector<16xf32>
        %xor3A_614 = arith.constant 1 : i32
        %xor3A_615 = vector.broadcast %xor3A_614 : i32 to vector<16xi32>
        %xor3A_616 = arith.xori %iota3A, %xor3A_615 : vector<16xi32>
        %broadcast_in_dim3A_617 = vector.shape_cast %xor3A_616 : vector<16xi32> to vector<16x1xi32>
        %gather3A_618 = vector.shape_cast %broadcast_in_dim3A_617 : vector<16x1xi32> to vector<16xi32>
        %gather3A_619 = tpu.dynamic_gather %add3A_613[%gather3A_618] in [0] : vector<16xf32>, vector<16xi32> -> vector<16xf32>
        %add3A_620 = arith.addf %add3A_613, %gather3A_619 : vector<16xf32>
        %get3A_621 = arith.index_cast %scan3A_551 : i32 to index
        %get3A_622 = arith.constant 0 : index
        %get3A_623 = tpu.vector_load %arg8[%get3A_621, %get3A_622] {strides = array<i32>} : memref<64x64xf32, #tpu.memory_space<vmem>>, vector<1x16xf32>,
        %get3A_624 = vector.shape_cast %get3A_623 : vector<1x16xf32> to vector<16xf32>
        %mul3A_625 = arith.mulf %add3A_620, %get3A_624 : vector<16xf32>
        %add3A_626 = arith.addf %scan3A_552, %mul3A_625 : vector<16xf32>
        %get3A_627 = arith.index_cast %scan3A_551 : i32 to index
        %get3A_628 = arith.constant 16 : index
        %get3A_629 = tpu.vector_load %arg8[%get3A_627, %get3A_628] {strides = array<i32>} : memref<64x64xf32, #tpu.memory_space<vmem>>, vector<1x16xf32>,
        %get3A_630 = vector.shape_cast %get3A_629 : vector<1x16xf32> to vector<16xf32>
        %mul3A_631 = arith.mulf %add3A_620, %get3A_630 : vector<16xf32>
        %add3A_632 = arith.addf %scan3A_553, %mul3A_631 : vector<16xf32>
        %get3A_633 = arith.index_cast %scan3A_551 : i32 to index
        %get3A_634 = arith.constant 32 : index
        %get3A_635 = tpu.vector_load %arg8[%get3A_633, %get3A_634] {strides = array<i32>} : memref<64x64xf32, #tpu.memory_space<vmem>>, vector<1x16xf32>,
        %get3A_636 = vector.shape_cast %get3A_635 : vector<1x16xf32> to vector<16xf32>
        %mul3A_637 = arith.mulf %add3A_620, %get3A_636 : vector<16xf32>
        %add3A_638 = arith.addf %scan3A_554, %mul3A_637 : vector<16xf32>
        %get3A_639 = arith.index_cast %scan3A_551 : i32 to index
        %get3A_640 = arith.constant 48 : index
        %get3A_641 = tpu.vector_load %arg8[%get3A_639, %get3A_640] {strides = array<i32>} : memref<64x64xf32, #tpu.memory_space<vmem>>, vector<1x16xf32>,
        %get3A_642 = vector.shape_cast %get3A_641 : vector<1x16xf32> to vector<16xf32>
        %mul3A_643 = arith.mulf %add3A_620, %get3A_642 : vector<16xf32>
        %add3A_644 = arith.addf %scan3A_555, %mul3A_643 : vector<16xf32>
        scf.yield %add3A_626, %add3A_632, %add3A_638, %add3A_644 : vector<16xf32>, vector<16xf32>, vector<16xf32>, vector<16xf32>
      }
      %scan3A_230 = arith.constant 64 : i32
      %slice3A_231 = vector.extract_strided_slice %get3A_24 {offsets = [6], sizes = [1], strides = [1]} : vector<16xi32> to vector<1xi32>
      %squeeze3A_232 = vector.extract %slice3A_231[0] : i32 from vector<1xi32>
      %swap3A_233 = arith.index_cast %squeeze3A_232 : i32 to index
      %swap3A_234 = arith.constant 0 : index
      %swap3A_235 = tpu.vector_load %arg9[%swap3A_233, %swap3A_234] {strides = array<i32>} : memref<64x64xf32, #tpu.memory_space<vmem>>, vector<1x16xf32>,
      %swap3A_236 = vector.shape_cast %swap3A_235 : vector<1x16xf32> to vector<16xf32>
      %swap3A_237 = vector.shape_cast %scan3A_229#0 : vector<16xf32> to vector<1x16xf32>
      tpu.vector_store %arg9[%swap3A_233, %swap3A_234], %swap3A_237 {add = true, strides = array<i32>} : memref<64x64xf32, #tpu.memory_space<vmem>>, vector<1x16xf32>,
      %swap3A_238 = arith.index_cast %squeeze3A_232 : i32 to index
      %swap3A_239 = arith.constant 16 : index
      %swap3A_240 = tpu.vector_load %arg9[%swap3A_238, %swap3A_239] {strides = array<i32>} : memref<64x64xf32, #tpu.memory_space<vmem>>, vector<1x16xf32>,
      %swap3A_241 = vector.shape_cast %swap3A_240 : vector<1x16xf32> to vector<16xf32>
      %swap3A_242 = vector.shape_cast %scan3A_229#1 : vector<16xf32> to vector<1x16xf32>
      tpu.vector_store %arg9[%swap3A_238, %swap3A_239], %swap3A_242 {add = true, strides = array<i32>} : memref<64x64xf32, #tpu.memory_space<vmem>>, vector<1x16xf32>,
      %swap3A_243 = arith.index_cast %squeeze3A_232 : i32 to index
      %swap3A_244 = arith.constant 32 : index
      %swap3A_245 = tpu.vector_load %arg9[%swap3A_243, %swap3A_244] {strides = array<i32>} : memref<64x64xf32, #tpu.memory_space<vmem>>, vector<1x16xf32>,
      %swap3A_246 = vector.shape_cast %swap3A_245 : vector<1x16xf32> to vector<16xf32>
      %swap3A_247 = vector.shape_cast %scan3A_229#2 : vector<16xf32> to vector<1x16xf32>
      tpu.vector_store %arg9[%swap3A_243, %swap3A_244], %swap3A_247 {add = true, strides = array<i32>} : memref<64x64xf32, #tpu.memory_space<vmem>>, vector<1x16xf32>,
      %swap3A_248 = arith.index_cast %squeeze3A_232 : i32 to index
      %swap3A_249 = arith.constant 48 : index
      %swap3A_250 = tpu.vector_load %arg9[%swap3A_248, %swap3A_249] {strides = array<i32>} : memref<64x64xf32, #tpu.memory_space<vmem>>, vector<1x16xf32>,
      %swap3A_251 = vector.shape_cast %swap3A_250 : vector<1x16xf32> to vector<16xf32>
      %swap3A_252 = vector.shape_cast %scan3A_229#3 : vector<16xf32> to vector<1x16xf32>
      tpu.vector_store %arg9[%swap3A_248, %swap3A_249], %swap3A_252 {add = true, strides = array<i32>} : memref<64x64xf32, #tpu.memory_space<vmem>>, vector<1x16xf32>,
      %mul3A_253 = arith.constant 16 : i32
      %mul3A_254 = arith.muli %scan3A_19, %mul3A_253 : i32
      %add3A_255 = arith.constant 7 : i32
      %add3A_256 = arith.addi %mul3A_254, %add3A_255 : i32
      %add3A_257 = arith.addi %add3A_4, %add3A_256 : i32
      "tpu.region"() ({
        %run_scoped3A = tpu.sem_alloc : memref<!tpu.dma_semaphore, #tpu.memory_space<semaphore_mem>>
        %dma_start3A = arith.constant 0 : i32
        %dma_start3A_551 = arith.constant 0 : i32
        %dma_start3A_552 = tpu.memref_slice %arg2[%add3A_257, %dma_start3A, %dma_start3A_551] : memref<4096x64x128xf32, #tpu.memory_space<hbm>> -> memref<1x64x128xf32, #tpu.memory_space<hbm>>
        %dma_start3A_553 = tpu.memref_squeeze %dma_start3A_552 : memref<1x64x128xf32, #tpu.memory_space<hbm>> -> memref<64x128xf32, #tpu.memory_space<hbm>>
        %dma_start3A_554 = arith.constant 0 : i32
        %dma_start3A_555 = arith.constant 0 : i32
        %dma_start3A_556 = tpu.memref_slice %arg2[%add3A_257, %dma_start3A_554, %dma_start3A_555] : memref<4096x64x128xf32, #tpu.memory_space<hbm>> -> memref<1x64x128xf32, #tpu.memory_space<hbm>>
        %dma_start3A_557 = tpu.memref_squeeze %dma_start3A_556 : memref<1x64x128xf32, #tpu.memory_space<hbm>> -> memref<64x128xf32, #tpu.memory_space<hbm>>
        tpu.enqueue_dma source(%dma_start3A_557 : memref<64x128xf32, #tpu.memory_space<hbm>>) target(%arg6 : memref<64x128xf32, #tpu.memory_space<vmem>>) target_semaphore(%run_scoped3A : memref<!tpu.dma_semaphore, #tpu.memory_space<semaphore_mem>>)
        %dma_wait3A = arith.constant 0 : i32
        %dma_wait3A_558 = arith.constant 0 : i32
        %dma_wait3A_559 = tpu.memref_slice %arg2[%add3A_257, %dma_wait3A, %dma_wait3A_558] : memref<4096x64x128xf32, #tpu.memory_space<hbm>> -> memref<1x64x128xf32, #tpu.memory_space<hbm>>
        %dma_wait3A_560 = tpu.memref_squeeze %dma_wait3A_559 : memref<1x64x128xf32, #tpu.memory_space<hbm>> -> memref<64x128xf32, #tpu.memory_space<hbm>>
        %dma_wait3A_561 = arith.constant 0 : i32
        %dma_wait3A_562 = arith.constant 0 : i32
        %dma_wait3A_563 = tpu.memref_slice %arg2[%add3A_257, %dma_wait3A_561, %dma_wait3A_562] : memref<4096x64x128xf32, #tpu.memory_space<hbm>> -> memref<1x64x128xf32, #tpu.memory_space<hbm>>
        %dma_wait3A_564 = tpu.memref_squeeze %dma_wait3A_563 : memref<1x64x128xf32, #tpu.memory_space<hbm>> -> memref<64x128xf32, #tpu.memory_space<hbm>>
        tpu.wait_dma2 semaphore(%run_scoped3A : memref<!tpu.dma_semaphore, #tpu.memory_space<semaphore_mem>>) src(%dma_wait3A_564 : memref<64x128xf32, #tpu.memory_space<hbm>>) dst(%arg6 : memref<64x128xf32, #tpu.memory_space<vmem>>)
        tpu.yield
      }) : () -> ()
      %scan3A_258 = arith.constant 0 : i32
      %scan3A_259 = arith.constant 64 : i32
      %scan3A_260 = arith.addi %scan3A_258, %scan3A_259 : i32
      %scan3A_261 = arith.constant 1 : i32
      %scan3A_262:4 = scf.for %scan3A_551 = %scan3A_258 to %scan3A_260 step %scan3A_261 iter_args(%scan3A_552 = %broadcast_in_dim3A_5, %scan3A_553 = %broadcast_in_dim3A_5, %scan3A_554 = %broadcast_in_dim3A_5, %scan3A_555 = %broadcast_in_dim3A_5) -> (vector<16xf32>, vector<16xf32>, vector<16xf32>, vector<16xf32>)  : i32 {
        %get3A_556 = arith.index_cast %scan3A_551 : i32 to index
        %get3A_557 = arith.constant 0 : index
        %get3A_558 = tpu.vector_load %arg6[%get3A_556, %get3A_557] {strides = array<i32>} : memref<64x128xf32, #tpu.memory_space<vmem>>, vector<1x16xf32>,
        %get3A_559 = vector.shape_cast %get3A_558 : vector<1x16xf32> to vector<16xf32>
        %get3A_560 = arith.index_cast %scan3A_551 : i32 to index
        %get3A_561 = arith.constant 16 : index
        %get3A_562 = tpu.vector_load %arg6[%get3A_560, %get3A_561] {strides = array<i32>} : memref<64x128xf32, #tpu.memory_space<vmem>>, vector<1x16xf32>,
        %get3A_563 = vector.shape_cast %get3A_562 : vector<1x16xf32> to vector<16xf32>
        %add3A_564 = arith.addf %get3A_559, %get3A_563 : vector<16xf32>
        %get3A_565 = arith.index_cast %scan3A_551 : i32 to index
        %get3A_566 = arith.constant 32 : index
        %get3A_567 = tpu.vector_load %arg6[%get3A_565, %get3A_566] {strides = array<i32>} : memref<64x128xf32, #tpu.memory_space<vmem>>, vector<1x16xf32>,
        %get3A_568 = vector.shape_cast %get3A_567 : vector<1x16xf32> to vector<16xf32>
        %add3A_569 = arith.addf %add3A_564, %get3A_568 : vector<16xf32>
        %get3A_570 = arith.index_cast %scan3A_551 : i32 to index
        %get3A_571 = arith.constant 48 : index
        %get3A_572 = tpu.vector_load %arg6[%get3A_570, %get3A_571] {strides = array<i32>} : memref<64x128xf32, #tpu.memory_space<vmem>>, vector<1x16xf32>,
        %get3A_573 = vector.shape_cast %get3A_572 : vector<1x16xf32> to vector<16xf32>
        %add3A_574 = arith.addf %add3A_569, %get3A_573 : vector<16xf32>
        %get3A_575 = arith.index_cast %scan3A_551 : i32 to index
        %get3A_576 = arith.constant 64 : index
        %get3A_577 = tpu.vector_load %arg6[%get3A_575, %get3A_576] {strides = array<i32>} : memref<64x128xf32, #tpu.memory_space<vmem>>, vector<1x16xf32>,
        %get3A_578 = vector.shape_cast %get3A_577 : vector<1x16xf32> to vector<16xf32>
        %add3A_579 = arith.addf %add3A_574, %get3A_578 : vector<16xf32>
        %get3A_580 = arith.index_cast %scan3A_551 : i32 to index
        %get3A_581 = arith.constant 80 : index
        %get3A_582 = tpu.vector_load %arg6[%get3A_580, %get3A_581] {strides = array<i32>} : memref<64x128xf32, #tpu.memory_space<vmem>>, vector<1x16xf32>,
        %get3A_583 = vector.shape_cast %get3A_582 : vector<1x16xf32> to vector<16xf32>
        %add3A_584 = arith.addf %add3A_579, %get3A_583 : vector<16xf32>
        %get3A_585 = arith.index_cast %scan3A_551 : i32 to index
        %get3A_586 = arith.constant 96 : index
        %get3A_587 = tpu.vector_load %arg6[%get3A_585, %get3A_586] {strides = array<i32>} : memref<64x128xf32, #tpu.memory_space<vmem>>, vector<1x16xf32>,
        %get3A_588 = vector.shape_cast %get3A_587 : vector<1x16xf32> to vector<16xf32>
        %add3A_589 = arith.addf %add3A_584, %get3A_588 : vector<16xf32>
        %get3A_590 = arith.index_cast %scan3A_551 : i32 to index
        %get3A_591 = arith.constant 112 : index
        %get3A_592 = tpu.vector_load %arg6[%get3A_590, %get3A_591] {strides = array<i32>} : memref<64x128xf32, #tpu.memory_space<vmem>>, vector<1x16xf32>,
        %get3A_593 = vector.shape_cast %get3A_592 : vector<1x16xf32> to vector<16xf32>
        %add3A_594 = arith.addf %add3A_589, %get3A_593 : vector<16xf32>
        %iota3A = tpu.iota {dimensions = array<i32: 0>} : vector<16xi32>
        %xor3A = arith.constant 8 : i32
        %xor3A_595 = vector.broadcast %xor3A : i32 to vector<16xi32>
        %xor3A_596 = arith.xori %iota3A, %xor3A_595 : vector<16xi32>
        %broadcast_in_dim3A_597 = vector.shape_cast %xor3A_596 : vector<16xi32> to vector<16x1xi32>
        %gather3A = vector.shape_cast %broadcast_in_dim3A_597 : vector<16x1xi32> to vector<16xi32>
        %gather3A_598 = tpu.dynamic_gather %add3A_594[%gather3A] in [0] : vector<16xf32>, vector<16xi32> -> vector<16xf32>
        %add3A_599 = arith.addf %add3A_594, %gather3A_598 : vector<16xf32>
        %xor3A_600 = arith.constant 4 : i32
        %xor3A_601 = vector.broadcast %xor3A_600 : i32 to vector<16xi32>
        %xor3A_602 = arith.xori %iota3A, %xor3A_601 : vector<16xi32>
        %broadcast_in_dim3A_603 = vector.shape_cast %xor3A_602 : vector<16xi32> to vector<16x1xi32>
        %gather3A_604 = vector.shape_cast %broadcast_in_dim3A_603 : vector<16x1xi32> to vector<16xi32>
        %gather3A_605 = tpu.dynamic_gather %add3A_599[%gather3A_604] in [0] : vector<16xf32>, vector<16xi32> -> vector<16xf32>
        %add3A_606 = arith.addf %add3A_599, %gather3A_605 : vector<16xf32>
        %xor3A_607 = arith.constant 2 : i32
        %xor3A_608 = vector.broadcast %xor3A_607 : i32 to vector<16xi32>
        %xor3A_609 = arith.xori %iota3A, %xor3A_608 : vector<16xi32>
        %broadcast_in_dim3A_610 = vector.shape_cast %xor3A_609 : vector<16xi32> to vector<16x1xi32>
        %gather3A_611 = vector.shape_cast %broadcast_in_dim3A_610 : vector<16x1xi32> to vector<16xi32>
        %gather3A_612 = tpu.dynamic_gather %add3A_606[%gather3A_611] in [0] : vector<16xf32>, vector<16xi32> -> vector<16xf32>
        %add3A_613 = arith.addf %add3A_606, %gather3A_612 : vector<16xf32>
        %xor3A_614 = arith.constant 1 : i32
        %xor3A_615 = vector.broadcast %xor3A_614 : i32 to vector<16xi32>
        %xor3A_616 = arith.xori %iota3A, %xor3A_615 : vector<16xi32>
        %broadcast_in_dim3A_617 = vector.shape_cast %xor3A_616 : vector<16xi32> to vector<16x1xi32>
        %gather3A_618 = vector.shape_cast %broadcast_in_dim3A_617 : vector<16x1xi32> to vector<16xi32>
        %gather3A_619 = tpu.dynamic_gather %add3A_613[%gather3A_618] in [0] : vector<16xf32>, vector<16xi32> -> vector<16xf32>
        %add3A_620 = arith.addf %add3A_613, %gather3A_619 : vector<16xf32>
        %get3A_621 = arith.index_cast %scan3A_551 : i32 to index
        %get3A_622 = arith.constant 0 : index
        %get3A_623 = tpu.vector_load %arg8[%get3A_621, %get3A_622] {strides = array<i32>} : memref<64x64xf32, #tpu.memory_space<vmem>>, vector<1x16xf32>,
        %get3A_624 = vector.shape_cast %get3A_623 : vector<1x16xf32> to vector<16xf32>
        %mul3A_625 = arith.mulf %add3A_620, %get3A_624 : vector<16xf32>
        %add3A_626 = arith.addf %scan3A_552, %mul3A_625 : vector<16xf32>
        %get3A_627 = arith.index_cast %scan3A_551 : i32 to index
        %get3A_628 = arith.constant 16 : index
        %get3A_629 = tpu.vector_load %arg8[%get3A_627, %get3A_628] {strides = array<i32>} : memref<64x64xf32, #tpu.memory_space<vmem>>, vector<1x16xf32>,
        %get3A_630 = vector.shape_cast %get3A_629 : vector<1x16xf32> to vector<16xf32>
        %mul3A_631 = arith.mulf %add3A_620, %get3A_630 : vector<16xf32>
        %add3A_632 = arith.addf %scan3A_553, %mul3A_631 : vector<16xf32>
        %get3A_633 = arith.index_cast %scan3A_551 : i32 to index
        %get3A_634 = arith.constant 32 : index
        %get3A_635 = tpu.vector_load %arg8[%get3A_633, %get3A_634] {strides = array<i32>} : memref<64x64xf32, #tpu.memory_space<vmem>>, vector<1x16xf32>,
        %get3A_636 = vector.shape_cast %get3A_635 : vector<1x16xf32> to vector<16xf32>
        %mul3A_637 = arith.mulf %add3A_620, %get3A_636 : vector<16xf32>
        %add3A_638 = arith.addf %scan3A_554, %mul3A_637 : vector<16xf32>
        %get3A_639 = arith.index_cast %scan3A_551 : i32 to index
        %get3A_640 = arith.constant 48 : index
        %get3A_641 = tpu.vector_load %arg8[%get3A_639, %get3A_640] {strides = array<i32>} : memref<64x64xf32, #tpu.memory_space<vmem>>, vector<1x16xf32>,
        %get3A_642 = vector.shape_cast %get3A_641 : vector<1x16xf32> to vector<16xf32>
        %mul3A_643 = arith.mulf %add3A_620, %get3A_642 : vector<16xf32>
        %add3A_644 = arith.addf %scan3A_555, %mul3A_643 : vector<16xf32>
        scf.yield %add3A_626, %add3A_632, %add3A_638, %add3A_644 : vector<16xf32>, vector<16xf32>, vector<16xf32>, vector<16xf32>
      }
      %scan3A_263 = arith.constant 64 : i32
      %slice3A_264 = vector.extract_strided_slice %get3A_24 {offsets = [7], sizes = [1], strides = [1]} : vector<16xi32> to vector<1xi32>
      %squeeze3A_265 = vector.extract %slice3A_264[0] : i32 from vector<1xi32>
      %swap3A_266 = arith.index_cast %squeeze3A_265 : i32 to index
      %swap3A_267 = arith.constant 0 : index
      %swap3A_268 = tpu.vector_load %arg9[%swap3A_266, %swap3A_267] {strides = array<i32>} : memref<64x64xf32, #tpu.memory_space<vmem>>, vector<1x16xf32>,
      %swap3A_269 = vector.shape_cast %swap3A_268 : vector<1x16xf32> to vector<16xf32>
      %swap3A_270 = vector.shape_cast %scan3A_262#0 : vector<16xf32> to vector<1x16xf32>
      tpu.vector_store %arg9[%swap3A_266, %swap3A_267], %swap3A_270 {add = true, strides = array<i32>} : memref<64x64xf32, #tpu.memory_space<vmem>>, vector<1x16xf32>,
      %swap3A_271 = arith.index_cast %squeeze3A_265 : i32 to index
      %swap3A_272 = arith.constant 16 : index
      %swap3A_273 = tpu.vector_load %arg9[%swap3A_271, %swap3A_272] {strides = array<i32>} : memref<64x64xf32, #tpu.memory_space<vmem>>, vector<1x16xf32>,
      %swap3A_274 = vector.shape_cast %swap3A_273 : vector<1x16xf32> to vector<16xf32>
      %swap3A_275 = vector.shape_cast %scan3A_262#1 : vector<16xf32> to vector<1x16xf32>
      tpu.vector_store %arg9[%swap3A_271, %swap3A_272], %swap3A_275 {add = true, strides = array<i32>} : memref<64x64xf32, #tpu.memory_space<vmem>>, vector<1x16xf32>,
      %swap3A_276 = arith.index_cast %squeeze3A_265 : i32 to index
      %swap3A_277 = arith.constant 32 : index
      %swap3A_278 = tpu.vector_load %arg9[%swap3A_276, %swap3A_277] {strides = array<i32>} : memref<64x64xf32, #tpu.memory_space<vmem>>, vector<1x16xf32>,
      %swap3A_279 = vector.shape_cast %swap3A_278 : vector<1x16xf32> to vector<16xf32>
      %swap3A_280 = vector.shape_cast %scan3A_262#2 : vector<16xf32> to vector<1x16xf32>
      tpu.vector_store %arg9[%swap3A_276, %swap3A_277], %swap3A_280 {add = true, strides = array<i32>} : memref<64x64xf32, #tpu.memory_space<vmem>>, vector<1x16xf32>,
      %swap3A_281 = arith.index_cast %squeeze3A_265 : i32 to index
      %swap3A_282 = arith.constant 48 : index
      %swap3A_283 = tpu.vector_load %arg9[%swap3A_281, %swap3A_282] {strides = array<i32>} : memref<64x64xf32, #tpu.memory_space<vmem>>, vector<1x16xf32>,
      %swap3A_284 = vector.shape_cast %swap3A_283 : vector<1x16xf32> to vector<16xf32>
      %swap3A_285 = vector.shape_cast %scan3A_262#3 : vector<16xf32> to vector<1x16xf32>
      tpu.vector_store %arg9[%swap3A_281, %swap3A_282], %swap3A_285 {add = true, strides = array<i32>} : memref<64x64xf32, #tpu.memory_space<vmem>>, vector<1x16xf32>,
      %mul3A_286 = arith.constant 16 : i32
      %mul3A_287 = arith.muli %scan3A_19, %mul3A_286 : i32
      %add3A_288 = arith.constant 8 : i32
      %add3A_289 = arith.addi %mul3A_287, %add3A_288 : i32
      %add3A_290 = arith.addi %add3A_4, %add3A_289 : i32
      "tpu.region"() ({
        %run_scoped3A = tpu.sem_alloc : memref<!tpu.dma_semaphore, #tpu.memory_space<semaphore_mem>>
        %dma_start3A = arith.constant 0 : i32
        %dma_start3A_551 = arith.constant 0 : i32
        %dma_start3A_552 = tpu.memref_slice %arg2[%add3A_290, %dma_start3A, %dma_start3A_551] : memref<4096x64x128xf32, #tpu.memory_space<hbm>> -> memref<1x64x128xf32, #tpu.memory_space<hbm>>
        %dma_start3A_553 = tpu.memref_squeeze %dma_start3A_552 : memref<1x64x128xf32, #tpu.memory_space<hbm>> -> memref<64x128xf32, #tpu.memory_space<hbm>>
        %dma_start3A_554 = arith.constant 0 : i32
        %dma_start3A_555 = arith.constant 0 : i32
        %dma_start3A_556 = tpu.memref_slice %arg2[%add3A_290, %dma_start3A_554, %dma_start3A_555] : memref<4096x64x128xf32, #tpu.memory_space<hbm>> -> memref<1x64x128xf32, #tpu.memory_space<hbm>>
        %dma_start3A_557 = tpu.memref_squeeze %dma_start3A_556 : memref<1x64x128xf32, #tpu.memory_space<hbm>> -> memref<64x128xf32, #tpu.memory_space<hbm>>
        tpu.enqueue_dma source(%dma_start3A_557 : memref<64x128xf32, #tpu.memory_space<hbm>>) target(%arg6 : memref<64x128xf32, #tpu.memory_space<vmem>>) target_semaphore(%run_scoped3A : memref<!tpu.dma_semaphore, #tpu.memory_space<semaphore_mem>>)
        %dma_wait3A = arith.constant 0 : i32
        %dma_wait3A_558 = arith.constant 0 : i32
        %dma_wait3A_559 = tpu.memref_slice %arg2[%add3A_290, %dma_wait3A, %dma_wait3A_558] : memref<4096x64x128xf32, #tpu.memory_space<hbm>> -> memref<1x64x128xf32, #tpu.memory_space<hbm>>
        %dma_wait3A_560 = tpu.memref_squeeze %dma_wait3A_559 : memref<1x64x128xf32, #tpu.memory_space<hbm>> -> memref<64x128xf32, #tpu.memory_space<hbm>>
        %dma_wait3A_561 = arith.constant 0 : i32
        %dma_wait3A_562 = arith.constant 0 : i32
        %dma_wait3A_563 = tpu.memref_slice %arg2[%add3A_290, %dma_wait3A_561, %dma_wait3A_562] : memref<4096x64x128xf32, #tpu.memory_space<hbm>> -> memref<1x64x128xf32, #tpu.memory_space<hbm>>
        %dma_wait3A_564 = tpu.memref_squeeze %dma_wait3A_563 : memref<1x64x128xf32, #tpu.memory_space<hbm>> -> memref<64x128xf32, #tpu.memory_space<hbm>>
        tpu.wait_dma2 semaphore(%run_scoped3A : memref<!tpu.dma_semaphore, #tpu.memory_space<semaphore_mem>>) src(%dma_wait3A_564 : memref<64x128xf32, #tpu.memory_space<hbm>>) dst(%arg6 : memref<64x128xf32, #tpu.memory_space<vmem>>)
        tpu.yield
      }) : () -> ()
      %scan3A_291 = arith.constant 0 : i32
      %scan3A_292 = arith.constant 64 : i32
      %scan3A_293 = arith.addi %scan3A_291, %scan3A_292 : i32
      %scan3A_294 = arith.constant 1 : i32
      %scan3A_295:4 = scf.for %scan3A_551 = %scan3A_291 to %scan3A_293 step %scan3A_294 iter_args(%scan3A_552 = %broadcast_in_dim3A_5, %scan3A_553 = %broadcast_in_dim3A_5, %scan3A_554 = %broadcast_in_dim3A_5, %scan3A_555 = %broadcast_in_dim3A_5) -> (vector<16xf32>, vector<16xf32>, vector<16xf32>, vector<16xf32>)  : i32 {
        %get3A_556 = arith.index_cast %scan3A_551 : i32 to index
        %get3A_557 = arith.constant 0 : index
        %get3A_558 = tpu.vector_load %arg6[%get3A_556, %get3A_557] {strides = array<i32>} : memref<64x128xf32, #tpu.memory_space<vmem>>, vector<1x16xf32>,
        %get3A_559 = vector.shape_cast %get3A_558 : vector<1x16xf32> to vector<16xf32>
        %get3A_560 = arith.index_cast %scan3A_551 : i32 to index
        %get3A_561 = arith.constant 16 : index
        %get3A_562 = tpu.vector_load %arg6[%get3A_560, %get3A_561] {strides = array<i32>} : memref<64x128xf32, #tpu.memory_space<vmem>>, vector<1x16xf32>,
        %get3A_563 = vector.shape_cast %get3A_562 : vector<1x16xf32> to vector<16xf32>
        %add3A_564 = arith.addf %get3A_559, %get3A_563 : vector<16xf32>
        %get3A_565 = arith.index_cast %scan3A_551 : i32 to index
        %get3A_566 = arith.constant 32 : index
        %get3A_567 = tpu.vector_load %arg6[%get3A_565, %get3A_566] {strides = array<i32>} : memref<64x128xf32, #tpu.memory_space<vmem>>, vector<1x16xf32>,
        %get3A_568 = vector.shape_cast %get3A_567 : vector<1x16xf32> to vector<16xf32>
        %add3A_569 = arith.addf %add3A_564, %get3A_568 : vector<16xf32>
        %get3A_570 = arith.index_cast %scan3A_551 : i32 to index
        %get3A_571 = arith.constant 48 : index
        %get3A_572 = tpu.vector_load %arg6[%get3A_570, %get3A_571] {strides = array<i32>} : memref<64x128xf32, #tpu.memory_space<vmem>>, vector<1x16xf32>,
        %get3A_573 = vector.shape_cast %get3A_572 : vector<1x16xf32> to vector<16xf32>
        %add3A_574 = arith.addf %add3A_569, %get3A_573 : vector<16xf32>
        %get3A_575 = arith.index_cast %scan3A_551 : i32 to index
        %get3A_576 = arith.constant 64 : index
        %get3A_577 = tpu.vector_load %arg6[%get3A_575, %get3A_576] {strides = array<i32>} : memref<64x128xf32, #tpu.memory_space<vmem>>, vector<1x16xf32>,
        %get3A_578 = vector.shape_cast %get3A_577 : vector<1x16xf32> to vector<16xf32>
        %add3A_579 = arith.addf %add3A_574, %get3A_578 : vector<16xf32>
        %get3A_580 = arith.index_cast %scan3A_551 : i32 to index
        %get3A_581 = arith.constant 80 : index
        %get3A_582 = tpu.vector_load %arg6[%get3A_580, %get3A_581] {strides = array<i32>} : memref<64x128xf32, #tpu.memory_space<vmem>>, vector<1x16xf32>,
        %get3A_583 = vector.shape_cast %get3A_582 : vector<1x16xf32> to vector<16xf32>
        %add3A_584 = arith.addf %add3A_579, %get3A_583 : vector<16xf32>
        %get3A_585 = arith.index_cast %scan3A_551 : i32 to index
        %get3A_586 = arith.constant 96 : index
        %get3A_587 = tpu.vector_load %arg6[%get3A_585, %get3A_586] {strides = array<i32>} : memref<64x128xf32, #tpu.memory_space<vmem>>, vector<1x16xf32>,
        %get3A_588 = vector.shape_cast %get3A_587 : vector<1x16xf32> to vector<16xf32>
        %add3A_589 = arith.addf %add3A_584, %get3A_588 : vector<16xf32>
        %get3A_590 = arith.index_cast %scan3A_551 : i32 to index
        %get3A_591 = arith.constant 112 : index
        %get3A_592 = tpu.vector_load %arg6[%get3A_590, %get3A_591] {strides = array<i32>} : memref<64x128xf32, #tpu.memory_space<vmem>>, vector<1x16xf32>,
        %get3A_593 = vector.shape_cast %get3A_592 : vector<1x16xf32> to vector<16xf32>
        %add3A_594 = arith.addf %add3A_589, %get3A_593 : vector<16xf32>
        %iota3A = tpu.iota {dimensions = array<i32: 0>} : vector<16xi32>
        %xor3A = arith.constant 8 : i32
        %xor3A_595 = vector.broadcast %xor3A : i32 to vector<16xi32>
        %xor3A_596 = arith.xori %iota3A, %xor3A_595 : vector<16xi32>
        %broadcast_in_dim3A_597 = vector.shape_cast %xor3A_596 : vector<16xi32> to vector<16x1xi32>
        %gather3A = vector.shape_cast %broadcast_in_dim3A_597 : vector<16x1xi32> to vector<16xi32>
        %gather3A_598 = tpu.dynamic_gather %add3A_594[%gather3A] in [0] : vector<16xf32>, vector<16xi32> -> vector<16xf32>
        %add3A_599 = arith.addf %add3A_594, %gather3A_598 : vector<16xf32>
        %xor3A_600 = arith.constant 4 : i32
        %xor3A_601 = vector.broadcast %xor3A_600 : i32 to vector<16xi32>
        %xor3A_602 = arith.xori %iota3A, %xor3A_601 : vector<16xi32>
        %broadcast_in_dim3A_603 = vector.shape_cast %xor3A_602 : vector<16xi32> to vector<16x1xi32>
        %gather3A_604 = vector.shape_cast %broadcast_in_dim3A_603 : vector<16x1xi32> to vector<16xi32>
        %gather3A_605 = tpu.dynamic_gather %add3A_599[%gather3A_604] in [0] : vector<16xf32>, vector<16xi32> -> vector<16xf32>
        %add3A_606 = arith.addf %add3A_599, %gather3A_605 : vector<16xf32>
        %xor3A_607 = arith.constant 2 : i32
        %xor3A_608 = vector.broadcast %xor3A_607 : i32 to vector<16xi32>
        %xor3A_609 = arith.xori %iota3A, %xor3A_608 : vector<16xi32>
        %broadcast_in_dim3A_610 = vector.shape_cast %xor3A_609 : vector<16xi32> to vector<16x1xi32>
        %gather3A_611 = vector.shape_cast %broadcast_in_dim3A_610 : vector<16x1xi32> to vector<16xi32>
        %gather3A_612 = tpu.dynamic_gather %add3A_606[%gather3A_611] in [0] : vector<16xf32>, vector<16xi32> -> vector<16xf32>
        %add3A_613 = arith.addf %add3A_606, %gather3A_612 : vector<16xf32>
        %xor3A_614 = arith.constant 1 : i32
        %xor3A_615 = vector.broadcast %xor3A_614 : i32 to vector<16xi32>
        %xor3A_616 = arith.xori %iota3A, %xor3A_615 : vector<16xi32>
        %broadcast_in_dim3A_617 = vector.shape_cast %xor3A_616 : vector<16xi32> to vector<16x1xi32>
        %gather3A_618 = vector.shape_cast %broadcast_in_dim3A_617 : vector<16x1xi32> to vector<16xi32>
        %gather3A_619 = tpu.dynamic_gather %add3A_613[%gather3A_618] in [0] : vector<16xf32>, vector<16xi32> -> vector<16xf32>
        %add3A_620 = arith.addf %add3A_613, %gather3A_619 : vector<16xf32>
        %get3A_621 = arith.index_cast %scan3A_551 : i32 to index
        %get3A_622 = arith.constant 0 : index
        %get3A_623 = tpu.vector_load %arg8[%get3A_621, %get3A_622] {strides = array<i32>} : memref<64x64xf32, #tpu.memory_space<vmem>>, vector<1x16xf32>,
        %get3A_624 = vector.shape_cast %get3A_623 : vector<1x16xf32> to vector<16xf32>
        %mul3A_625 = arith.mulf %add3A_620, %get3A_624 : vector<16xf32>
        %add3A_626 = arith.addf %scan3A_552, %mul3A_625 : vector<16xf32>
        %get3A_627 = arith.index_cast %scan3A_551 : i32 to index
        %get3A_628 = arith.constant 16 : index
        %get3A_629 = tpu.vector_load %arg8[%get3A_627, %get3A_628] {strides = array<i32>} : memref<64x64xf32, #tpu.memory_space<vmem>>, vector<1x16xf32>,
        %get3A_630 = vector.shape_cast %get3A_629 : vector<1x16xf32> to vector<16xf32>
        %mul3A_631 = arith.mulf %add3A_620, %get3A_630 : vector<16xf32>
        %add3A_632 = arith.addf %scan3A_553, %mul3A_631 : vector<16xf32>
        %get3A_633 = arith.index_cast %scan3A_551 : i32 to index
        %get3A_634 = arith.constant 32 : index
        %get3A_635 = tpu.vector_load %arg8[%get3A_633, %get3A_634] {strides = array<i32>} : memref<64x64xf32, #tpu.memory_space<vmem>>, vector<1x16xf32>,
        %get3A_636 = vector.shape_cast %get3A_635 : vector<1x16xf32> to vector<16xf32>
        %mul3A_637 = arith.mulf %add3A_620, %get3A_636 : vector<16xf32>
        %add3A_638 = arith.addf %scan3A_554, %mul3A_637 : vector<16xf32>
        %get3A_639 = arith.index_cast %scan3A_551 : i32 to index
        %get3A_640 = arith.constant 48 : index
        %get3A_641 = tpu.vector_load %arg8[%get3A_639, %get3A_640] {strides = array<i32>} : memref<64x64xf32, #tpu.memory_space<vmem>>, vector<1x16xf32>,
        %get3A_642 = vector.shape_cast %get3A_641 : vector<1x16xf32> to vector<16xf32>
        %mul3A_643 = arith.mulf %add3A_620, %get3A_642 : vector<16xf32>
        %add3A_644 = arith.addf %scan3A_555, %mul3A_643 : vector<16xf32>
        scf.yield %add3A_626, %add3A_632, %add3A_638, %add3A_644 : vector<16xf32>, vector<16xf32>, vector<16xf32>, vector<16xf32>
      }
      %scan3A_296 = arith.constant 64 : i32
      %slice3A_297 = vector.extract_strided_slice %get3A_24 {offsets = [8], sizes = [1], strides = [1]} : vector<16xi32> to vector<1xi32>
      %squeeze3A_298 = vector.extract %slice3A_297[0] : i32 from vector<1xi32>
      %swap3A_299 = arith.index_cast %squeeze3A_298 : i32 to index
      %swap3A_300 = arith.constant 0 : index
      %swap3A_301 = tpu.vector_load %arg9[%swap3A_299, %swap3A_300] {strides = array<i32>} : memref<64x64xf32, #tpu.memory_space<vmem>>, vector<1x16xf32>,
      %swap3A_302 = vector.shape_cast %swap3A_301 : vector<1x16xf32> to vector<16xf32>
      %swap3A_303 = vector.shape_cast %scan3A_295#0 : vector<16xf32> to vector<1x16xf32>
      tpu.vector_store %arg9[%swap3A_299, %swap3A_300], %swap3A_303 {add = true, strides = array<i32>} : memref<64x64xf32, #tpu.memory_space<vmem>>, vector<1x16xf32>,
      %swap3A_304 = arith.index_cast %squeeze3A_298 : i32 to index
      %swap3A_305 = arith.constant 16 : index
      %swap3A_306 = tpu.vector_load %arg9[%swap3A_304, %swap3A_305] {strides = array<i32>} : memref<64x64xf32, #tpu.memory_space<vmem>>, vector<1x16xf32>,
      %swap3A_307 = vector.shape_cast %swap3A_306 : vector<1x16xf32> to vector<16xf32>
      %swap3A_308 = vector.shape_cast %scan3A_295#1 : vector<16xf32> to vector<1x16xf32>
      tpu.vector_store %arg9[%swap3A_304, %swap3A_305], %swap3A_308 {add = true, strides = array<i32>} : memref<64x64xf32, #tpu.memory_space<vmem>>, vector<1x16xf32>,
      %swap3A_309 = arith.index_cast %squeeze3A_298 : i32 to index
      %swap3A_310 = arith.constant 32 : index
      %swap3A_311 = tpu.vector_load %arg9[%swap3A_309, %swap3A_310] {strides = array<i32>} : memref<64x64xf32, #tpu.memory_space<vmem>>, vector<1x16xf32>,
      %swap3A_312 = vector.shape_cast %swap3A_311 : vector<1x16xf32> to vector<16xf32>
      %swap3A_313 = vector.shape_cast %scan3A_295#2 : vector<16xf32> to vector<1x16xf32>
      tpu.vector_store %arg9[%swap3A_309, %swap3A_310], %swap3A_313 {add = true, strides = array<i32>} : memref<64x64xf32, #tpu.memory_space<vmem>>, vector<1x16xf32>,
      %swap3A_314 = arith.index_cast %squeeze3A_298 : i32 to index
      %swap3A_315 = arith.constant 48 : index
      %swap3A_316 = tpu.vector_load %arg9[%swap3A_314, %swap3A_315] {strides = array<i32>} : memref<64x64xf32, #tpu.memory_space<vmem>>, vector<1x16xf32>,
      %swap3A_317 = vector.shape_cast %swap3A_316 : vector<1x16xf32> to vector<16xf32>
      %swap3A_318 = vector.shape_cast %scan3A_295#3 : vector<16xf32> to vector<1x16xf32>
      tpu.vector_store %arg9[%swap3A_314, %swap3A_315], %swap3A_318 {add = true, strides = array<i32>} : memref<64x64xf32, #tpu.memory_space<vmem>>, vector<1x16xf32>,
      %mul3A_319 = arith.constant 16 : i32
      %mul3A_320 = arith.muli %scan3A_19, %mul3A_319 : i32
      %add3A_321 = arith.constant 9 : i32
      %add3A_322 = arith.addi %mul3A_320, %add3A_321 : i32
      %add3A_323 = arith.addi %add3A_4, %add3A_322 : i32
      "tpu.region"() ({
        %run_scoped3A = tpu.sem_alloc : memref<!tpu.dma_semaphore, #tpu.memory_space<semaphore_mem>>
        %dma_start3A = arith.constant 0 : i32
        %dma_start3A_551 = arith.constant 0 : i32
        %dma_start3A_552 = tpu.memref_slice %arg2[%add3A_323, %dma_start3A, %dma_start3A_551] : memref<4096x64x128xf32, #tpu.memory_space<hbm>> -> memref<1x64x128xf32, #tpu.memory_space<hbm>>
        %dma_start3A_553 = tpu.memref_squeeze %dma_start3A_552 : memref<1x64x128xf32, #tpu.memory_space<hbm>> -> memref<64x128xf32, #tpu.memory_space<hbm>>
        %dma_start3A_554 = arith.constant 0 : i32
        %dma_start3A_555 = arith.constant 0 : i32
        %dma_start3A_556 = tpu.memref_slice %arg2[%add3A_323, %dma_start3A_554, %dma_start3A_555] : memref<4096x64x128xf32, #tpu.memory_space<hbm>> -> memref<1x64x128xf32, #tpu.memory_space<hbm>>
        %dma_start3A_557 = tpu.memref_squeeze %dma_start3A_556 : memref<1x64x128xf32, #tpu.memory_space<hbm>> -> memref<64x128xf32, #tpu.memory_space<hbm>>
        tpu.enqueue_dma source(%dma_start3A_557 : memref<64x128xf32, #tpu.memory_space<hbm>>) target(%arg6 : memref<64x128xf32, #tpu.memory_space<vmem>>) target_semaphore(%run_scoped3A : memref<!tpu.dma_semaphore, #tpu.memory_space<semaphore_mem>>)
        %dma_wait3A = arith.constant 0 : i32
        %dma_wait3A_558 = arith.constant 0 : i32
        %dma_wait3A_559 = tpu.memref_slice %arg2[%add3A_323, %dma_wait3A, %dma_wait3A_558] : memref<4096x64x128xf32, #tpu.memory_space<hbm>> -> memref<1x64x128xf32, #tpu.memory_space<hbm>>
        %dma_wait3A_560 = tpu.memref_squeeze %dma_wait3A_559 : memref<1x64x128xf32, #tpu.memory_space<hbm>> -> memref<64x128xf32, #tpu.memory_space<hbm>>
        %dma_wait3A_561 = arith.constant 0 : i32
        %dma_wait3A_562 = arith.constant 0 : i32
        %dma_wait3A_563 = tpu.memref_slice %arg2[%add3A_323, %dma_wait3A_561, %dma_wait3A_562] : memref<4096x64x128xf32, #tpu.memory_space<hbm>> -> memref<1x64x128xf32, #tpu.memory_space<hbm>>
        %dma_wait3A_564 = tpu.memref_squeeze %dma_wait3A_563 : memref<1x64x128xf32, #tpu.memory_space<hbm>> -> memref<64x128xf32, #tpu.memory_space<hbm>>
        tpu.wait_dma2 semaphore(%run_scoped3A : memref<!tpu.dma_semaphore, #tpu.memory_space<semaphore_mem>>) src(%dma_wait3A_564 : memref<64x128xf32, #tpu.memory_space<hbm>>) dst(%arg6 : memref<64x128xf32, #tpu.memory_space<vmem>>)
        tpu.yield
      }) : () -> ()
      %scan3A_324 = arith.constant 0 : i32
      %scan3A_325 = arith.constant 64 : i32
      %scan3A_326 = arith.addi %scan3A_324, %scan3A_325 : i32
      %scan3A_327 = arith.constant 1 : i32
      %scan3A_328:4 = scf.for %scan3A_551 = %scan3A_324 to %scan3A_326 step %scan3A_327 iter_args(%scan3A_552 = %broadcast_in_dim3A_5, %scan3A_553 = %broadcast_in_dim3A_5, %scan3A_554 = %broadcast_in_dim3A_5, %scan3A_555 = %broadcast_in_dim3A_5) -> (vector<16xf32>, vector<16xf32>, vector<16xf32>, vector<16xf32>)  : i32 {
        %get3A_556 = arith.index_cast %scan3A_551 : i32 to index
        %get3A_557 = arith.constant 0 : index
        %get3A_558 = tpu.vector_load %arg6[%get3A_556, %get3A_557] {strides = array<i32>} : memref<64x128xf32, #tpu.memory_space<vmem>>, vector<1x16xf32>,
        %get3A_559 = vector.shape_cast %get3A_558 : vector<1x16xf32> to vector<16xf32>
        %get3A_560 = arith.index_cast %scan3A_551 : i32 to index
        %get3A_561 = arith.constant 16 : index
        %get3A_562 = tpu.vector_load %arg6[%get3A_560, %get3A_561] {strides = array<i32>} : memref<64x128xf32, #tpu.memory_space<vmem>>, vector<1x16xf32>,
        %get3A_563 = vector.shape_cast %get3A_562 : vector<1x16xf32> to vector<16xf32>
        %add3A_564 = arith.addf %get3A_559, %get3A_563 : vector<16xf32>
        %get3A_565 = arith.index_cast %scan3A_551 : i32 to index
        %get3A_566 = arith.constant 32 : index
        %get3A_567 = tpu.vector_load %arg6[%get3A_565, %get3A_566] {strides = array<i32>} : memref<64x128xf32, #tpu.memory_space<vmem>>, vector<1x16xf32>,
        %get3A_568 = vector.shape_cast %get3A_567 : vector<1x16xf32> to vector<16xf32>
        %add3A_569 = arith.addf %add3A_564, %get3A_568 : vector<16xf32>
        %get3A_570 = arith.index_cast %scan3A_551 : i32 to index
        %get3A_571 = arith.constant 48 : index
        %get3A_572 = tpu.vector_load %arg6[%get3A_570, %get3A_571] {strides = array<i32>} : memref<64x128xf32, #tpu.memory_space<vmem>>, vector<1x16xf32>,
        %get3A_573 = vector.shape_cast %get3A_572 : vector<1x16xf32> to vector<16xf32>
        %add3A_574 = arith.addf %add3A_569, %get3A_573 : vector<16xf32>
        %get3A_575 = arith.index_cast %scan3A_551 : i32 to index
        %get3A_576 = arith.constant 64 : index
        %get3A_577 = tpu.vector_load %arg6[%get3A_575, %get3A_576] {strides = array<i32>} : memref<64x128xf32, #tpu.memory_space<vmem>>, vector<1x16xf32>,
        %get3A_578 = vector.shape_cast %get3A_577 : vector<1x16xf32> to vector<16xf32>
        %add3A_579 = arith.addf %add3A_574, %get3A_578 : vector<16xf32>
        %get3A_580 = arith.index_cast %scan3A_551 : i32 to index
        %get3A_581 = arith.constant 80 : index
        %get3A_582 = tpu.vector_load %arg6[%get3A_580, %get3A_581] {strides = array<i32>} : memref<64x128xf32, #tpu.memory_space<vmem>>, vector<1x16xf32>,
        %get3A_583 = vector.shape_cast %get3A_582 : vector<1x16xf32> to vector<16xf32>
        %add3A_584 = arith.addf %add3A_579, %get3A_583 : vector<16xf32>
        %get3A_585 = arith.index_cast %scan3A_551 : i32 to index
        %get3A_586 = arith.constant 96 : index
        %get3A_587 = tpu.vector_load %arg6[%get3A_585, %get3A_586] {strides = array<i32>} : memref<64x128xf32, #tpu.memory_space<vmem>>, vector<1x16xf32>,
        %get3A_588 = vector.shape_cast %get3A_587 : vector<1x16xf32> to vector<16xf32>
        %add3A_589 = arith.addf %add3A_584, %get3A_588 : vector<16xf32>
        %get3A_590 = arith.index_cast %scan3A_551 : i32 to index
        %get3A_591 = arith.constant 112 : index
        %get3A_592 = tpu.vector_load %arg6[%get3A_590, %get3A_591] {strides = array<i32>} : memref<64x128xf32, #tpu.memory_space<vmem>>, vector<1x16xf32>,
        %get3A_593 = vector.shape_cast %get3A_592 : vector<1x16xf32> to vector<16xf32>
        %add3A_594 = arith.addf %add3A_589, %get3A_593 : vector<16xf32>
        %iota3A = tpu.iota {dimensions = array<i32: 0>} : vector<16xi32>
        %xor3A = arith.constant 8 : i32
        %xor3A_595 = vector.broadcast %xor3A : i32 to vector<16xi32>
        %xor3A_596 = arith.xori %iota3A, %xor3A_595 : vector<16xi32>
        %broadcast_in_dim3A_597 = vector.shape_cast %xor3A_596 : vector<16xi32> to vector<16x1xi32>
        %gather3A = vector.shape_cast %broadcast_in_dim3A_597 : vector<16x1xi32> to vector<16xi32>
        %gather3A_598 = tpu.dynamic_gather %add3A_594[%gather3A] in [0] : vector<16xf32>, vector<16xi32> -> vector<16xf32>
        %add3A_599 = arith.addf %add3A_594, %gather3A_598 : vector<16xf32>
        %xor3A_600 = arith.constant 4 : i32
        %xor3A_601 = vector.broadcast %xor3A_600 : i32 to vector<16xi32>
        %xor3A_602 = arith.xori %iota3A, %xor3A_601 : vector<16xi32>
        %broadcast_in_dim3A_603 = vector.shape_cast %xor3A_602 : vector<16xi32> to vector<16x1xi32>
        %gather3A_604 = vector.shape_cast %broadcast_in_dim3A_603 : vector<16x1xi32> to vector<16xi32>
        %gather3A_605 = tpu.dynamic_gather %add3A_599[%gather3A_604] in [0] : vector<16xf32>, vector<16xi32> -> vector<16xf32>
        %add3A_606 = arith.addf %add3A_599, %gather3A_605 : vector<16xf32>
        %xor3A_607 = arith.constant 2 : i32
        %xor3A_608 = vector.broadcast %xor3A_607 : i32 to vector<16xi32>
        %xor3A_609 = arith.xori %iota3A, %xor3A_608 : vector<16xi32>
        %broadcast_in_dim3A_610 = vector.shape_cast %xor3A_609 : vector<16xi32> to vector<16x1xi32>
        %gather3A_611 = vector.shape_cast %broadcast_in_dim3A_610 : vector<16x1xi32> to vector<16xi32>
        %gather3A_612 = tpu.dynamic_gather %add3A_606[%gather3A_611] in [0] : vector<16xf32>, vector<16xi32> -> vector<16xf32>
        %add3A_613 = arith.addf %add3A_606, %gather3A_612 : vector<16xf32>
        %xor3A_614 = arith.constant 1 : i32
        %xor3A_615 = vector.broadcast %xor3A_614 : i32 to vector<16xi32>
        %xor3A_616 = arith.xori %iota3A, %xor3A_615 : vector<16xi32>
        %broadcast_in_dim3A_617 = vector.shape_cast %xor3A_616 : vector<16xi32> to vector<16x1xi32>
        %gather3A_618 = vector.shape_cast %broadcast_in_dim3A_617 : vector<16x1xi32> to vector<16xi32>
        %gather3A_619 = tpu.dynamic_gather %add3A_613[%gather3A_618] in [0] : vector<16xf32>, vector<16xi32> -> vector<16xf32>
        %add3A_620 = arith.addf %add3A_613, %gather3A_619 : vector<16xf32>
        %get3A_621 = arith.index_cast %scan3A_551 : i32 to index
        %get3A_622 = arith.constant 0 : index
        %get3A_623 = tpu.vector_load %arg8[%get3A_621, %get3A_622] {strides = array<i32>} : memref<64x64xf32, #tpu.memory_space<vmem>>, vector<1x16xf32>,
        %get3A_624 = vector.shape_cast %get3A_623 : vector<1x16xf32> to vector<16xf32>
        %mul3A_625 = arith.mulf %add3A_620, %get3A_624 : vector<16xf32>
        %add3A_626 = arith.addf %scan3A_552, %mul3A_625 : vector<16xf32>
        %get3A_627 = arith.index_cast %scan3A_551 : i32 to index
        %get3A_628 = arith.constant 16 : index
        %get3A_629 = tpu.vector_load %arg8[%get3A_627, %get3A_628] {strides = array<i32>} : memref<64x64xf32, #tpu.memory_space<vmem>>, vector<1x16xf32>,
        %get3A_630 = vector.shape_cast %get3A_629 : vector<1x16xf32> to vector<16xf32>
        %mul3A_631 = arith.mulf %add3A_620, %get3A_630 : vector<16xf32>
        %add3A_632 = arith.addf %scan3A_553, %mul3A_631 : vector<16xf32>
        %get3A_633 = arith.index_cast %scan3A_551 : i32 to index
        %get3A_634 = arith.constant 32 : index
        %get3A_635 = tpu.vector_load %arg8[%get3A_633, %get3A_634] {strides = array<i32>} : memref<64x64xf32, #tpu.memory_space<vmem>>, vector<1x16xf32>,
        %get3A_636 = vector.shape_cast %get3A_635 : vector<1x16xf32> to vector<16xf32>
        %mul3A_637 = arith.mulf %add3A_620, %get3A_636 : vector<16xf32>
        %add3A_638 = arith.addf %scan3A_554, %mul3A_637 : vector<16xf32>
        %get3A_639 = arith.index_cast %scan3A_551 : i32 to index
        %get3A_640 = arith.constant 48 : index
        %get3A_641 = tpu.vector_load %arg8[%get3A_639, %get3A_640] {strides = array<i32>} : memref<64x64xf32, #tpu.memory_space<vmem>>, vector<1x16xf32>,
        %get3A_642 = vector.shape_cast %get3A_641 : vector<1x16xf32> to vector<16xf32>
        %mul3A_643 = arith.mulf %add3A_620, %get3A_642 : vector<16xf32>
        %add3A_644 = arith.addf %scan3A_555, %mul3A_643 : vector<16xf32>
        scf.yield %add3A_626, %add3A_632, %add3A_638, %add3A_644 : vector<16xf32>, vector<16xf32>, vector<16xf32>, vector<16xf32>
      }
      %scan3A_329 = arith.constant 64 : i32
      %slice3A_330 = vector.extract_strided_slice %get3A_24 {offsets = [9], sizes = [1], strides = [1]} : vector<16xi32> to vector<1xi32>
      %squeeze3A_331 = vector.extract %slice3A_330[0] : i32 from vector<1xi32>
      %swap3A_332 = arith.index_cast %squeeze3A_331 : i32 to index
      %swap3A_333 = arith.constant 0 : index
      %swap3A_334 = tpu.vector_load %arg9[%swap3A_332, %swap3A_333] {strides = array<i32>} : memref<64x64xf32, #tpu.memory_space<vmem>>, vector<1x16xf32>,
      %swap3A_335 = vector.shape_cast %swap3A_334 : vector<1x16xf32> to vector<16xf32>
      %swap3A_336 = vector.shape_cast %scan3A_328#0 : vector<16xf32> to vector<1x16xf32>
      tpu.vector_store %arg9[%swap3A_332, %swap3A_333], %swap3A_336 {add = true, strides = array<i32>} : memref<64x64xf32, #tpu.memory_space<vmem>>, vector<1x16xf32>,
      %swap3A_337 = arith.index_cast %squeeze3A_331 : i32 to index
      %swap3A_338 = arith.constant 16 : index
      %swap3A_339 = tpu.vector_load %arg9[%swap3A_337, %swap3A_338] {strides = array<i32>} : memref<64x64xf32, #tpu.memory_space<vmem>>, vector<1x16xf32>,
      %swap3A_340 = vector.shape_cast %swap3A_339 : vector<1x16xf32> to vector<16xf32>
      %swap3A_341 = vector.shape_cast %scan3A_328#1 : vector<16xf32> to vector<1x16xf32>
      tpu.vector_store %arg9[%swap3A_337, %swap3A_338], %swap3A_341 {add = true, strides = array<i32>} : memref<64x64xf32, #tpu.memory_space<vmem>>, vector<1x16xf32>,
      %swap3A_342 = arith.index_cast %squeeze3A_331 : i32 to index
      %swap3A_343 = arith.constant 32 : index
      %swap3A_344 = tpu.vector_load %arg9[%swap3A_342, %swap3A_343] {strides = array<i32>} : memref<64x64xf32, #tpu.memory_space<vmem>>, vector<1x16xf32>,
      %swap3A_345 = vector.shape_cast %swap3A_344 : vector<1x16xf32> to vector<16xf32>
      %swap3A_346 = vector.shape_cast %scan3A_328#2 : vector<16xf32> to vector<1x16xf32>
      tpu.vector_store %arg9[%swap3A_342, %swap3A_343], %swap3A_346 {add = true, strides = array<i32>} : memref<64x64xf32, #tpu.memory_space<vmem>>, vector<1x16xf32>,
      %swap3A_347 = arith.index_cast %squeeze3A_331 : i32 to index
      %swap3A_348 = arith.constant 48 : index
      %swap3A_349 = tpu.vector_load %arg9[%swap3A_347, %swap3A_348] {strides = array<i32>} : memref<64x64xf32, #tpu.memory_space<vmem>>, vector<1x16xf32>,
      %swap3A_350 = vector.shape_cast %swap3A_349 : vector<1x16xf32> to vector<16xf32>
      %swap3A_351 = vector.shape_cast %scan3A_328#3 : vector<16xf32> to vector<1x16xf32>
      tpu.vector_store %arg9[%swap3A_347, %swap3A_348], %swap3A_351 {add = true, strides = array<i32>} : memref<64x64xf32, #tpu.memory_space<vmem>>, vector<1x16xf32>,
      %mul3A_352 = arith.constant 16 : i32
      %mul3A_353 = arith.muli %scan3A_19, %mul3A_352 : i32
      %add3A_354 = arith.constant 10 : i32
      %add3A_355 = arith.addi %mul3A_353, %add3A_354 : i32
      %add3A_356 = arith.addi %add3A_4, %add3A_355 : i32
      "tpu.region"() ({
        %run_scoped3A = tpu.sem_alloc : memref<!tpu.dma_semaphore, #tpu.memory_space<semaphore_mem>>
        %dma_start3A = arith.constant 0 : i32
        %dma_start3A_551 = arith.constant 0 : i32
        %dma_start3A_552 = tpu.memref_slice %arg2[%add3A_356, %dma_start3A, %dma_start3A_551] : memref<4096x64x128xf32, #tpu.memory_space<hbm>> -> memref<1x64x128xf32, #tpu.memory_space<hbm>>
        %dma_start3A_553 = tpu.memref_squeeze %dma_start3A_552 : memref<1x64x128xf32, #tpu.memory_space<hbm>> -> memref<64x128xf32, #tpu.memory_space<hbm>>
        %dma_start3A_554 = arith.constant 0 : i32
        %dma_start3A_555 = arith.constant 0 : i32
        %dma_start3A_556 = tpu.memref_slice %arg2[%add3A_356, %dma_start3A_554, %dma_start3A_555] : memref<4096x64x128xf32, #tpu.memory_space<hbm>> -> memref<1x64x128xf32, #tpu.memory_space<hbm>>
        %dma_start3A_557 = tpu.memref_squeeze %dma_start3A_556 : memref<1x64x128xf32, #tpu.memory_space<hbm>> -> memref<64x128xf32, #tpu.memory_space<hbm>>
        tpu.enqueue_dma source(%dma_start3A_557 : memref<64x128xf32, #tpu.memory_space<hbm>>) target(%arg6 : memref<64x128xf32, #tpu.memory_space<vmem>>) target_semaphore(%run_scoped3A : memref<!tpu.dma_semaphore, #tpu.memory_space<semaphore_mem>>)
        %dma_wait3A = arith.constant 0 : i32
        %dma_wait3A_558 = arith.constant 0 : i32
        %dma_wait3A_559 = tpu.memref_slice %arg2[%add3A_356, %dma_wait3A, %dma_wait3A_558] : memref<4096x64x128xf32, #tpu.memory_space<hbm>> -> memref<1x64x128xf32, #tpu.memory_space<hbm>>
        %dma_wait3A_560 = tpu.memref_squeeze %dma_wait3A_559 : memref<1x64x128xf32, #tpu.memory_space<hbm>> -> memref<64x128xf32, #tpu.memory_space<hbm>>
        %dma_wait3A_561 = arith.constant 0 : i32
        %dma_wait3A_562 = arith.constant 0 : i32
        %dma_wait3A_563 = tpu.memref_slice %arg2[%add3A_356, %dma_wait3A_561, %dma_wait3A_562] : memref<4096x64x128xf32, #tpu.memory_space<hbm>> -> memref<1x64x128xf32, #tpu.memory_space<hbm>>
        %dma_wait3A_564 = tpu.memref_squeeze %dma_wait3A_563 : memref<1x64x128xf32, #tpu.memory_space<hbm>> -> memref<64x128xf32, #tpu.memory_space<hbm>>
        tpu.wait_dma2 semaphore(%run_scoped3A : memref<!tpu.dma_semaphore, #tpu.memory_space<semaphore_mem>>) src(%dma_wait3A_564 : memref<64x128xf32, #tpu.memory_space<hbm>>) dst(%arg6 : memref<64x128xf32, #tpu.memory_space<vmem>>)
        tpu.yield
      }) : () -> ()
      %scan3A_357 = arith.constant 0 : i32
      %scan3A_358 = arith.constant 64 : i32
      %scan3A_359 = arith.addi %scan3A_357, %scan3A_358 : i32
      %scan3A_360 = arith.constant 1 : i32
      %scan3A_361:4 = scf.for %scan3A_551 = %scan3A_357 to %scan3A_359 step %scan3A_360 iter_args(%scan3A_552 = %broadcast_in_dim3A_5, %scan3A_553 = %broadcast_in_dim3A_5, %scan3A_554 = %broadcast_in_dim3A_5, %scan3A_555 = %broadcast_in_dim3A_5) -> (vector<16xf32>, vector<16xf32>, vector<16xf32>, vector<16xf32>)  : i32 {
        %get3A_556 = arith.index_cast %scan3A_551 : i32 to index
        %get3A_557 = arith.constant 0 : index
        %get3A_558 = tpu.vector_load %arg6[%get3A_556, %get3A_557] {strides = array<i32>} : memref<64x128xf32, #tpu.memory_space<vmem>>, vector<1x16xf32>,
        %get3A_559 = vector.shape_cast %get3A_558 : vector<1x16xf32> to vector<16xf32>
        %get3A_560 = arith.index_cast %scan3A_551 : i32 to index
        %get3A_561 = arith.constant 16 : index
        %get3A_562 = tpu.vector_load %arg6[%get3A_560, %get3A_561] {strides = array<i32>} : memref<64x128xf32, #tpu.memory_space<vmem>>, vector<1x16xf32>,
        %get3A_563 = vector.shape_cast %get3A_562 : vector<1x16xf32> to vector<16xf32>
        %add3A_564 = arith.addf %get3A_559, %get3A_563 : vector<16xf32>
        %get3A_565 = arith.index_cast %scan3A_551 : i32 to index
        %get3A_566 = arith.constant 32 : index
        %get3A_567 = tpu.vector_load %arg6[%get3A_565, %get3A_566] {strides = array<i32>} : memref<64x128xf32, #tpu.memory_space<vmem>>, vector<1x16xf32>,
        %get3A_568 = vector.shape_cast %get3A_567 : vector<1x16xf32> to vector<16xf32>
        %add3A_569 = arith.addf %add3A_564, %get3A_568 : vector<16xf32>
        %get3A_570 = arith.index_cast %scan3A_551 : i32 to index
        %get3A_571 = arith.constant 48 : index
        %get3A_572 = tpu.vector_load %arg6[%get3A_570, %get3A_571] {strides = array<i32>} : memref<64x128xf32, #tpu.memory_space<vmem>>, vector<1x16xf32>,
        %get3A_573 = vector.shape_cast %get3A_572 : vector<1x16xf32> to vector<16xf32>
        %add3A_574 = arith.addf %add3A_569, %get3A_573 : vector<16xf32>
        %get3A_575 = arith.index_cast %scan3A_551 : i32 to index
        %get3A_576 = arith.constant 64 : index
        %get3A_577 = tpu.vector_load %arg6[%get3A_575, %get3A_576] {strides = array<i32>} : memref<64x128xf32, #tpu.memory_space<vmem>>, vector<1x16xf32>,
        %get3A_578 = vector.shape_cast %get3A_577 : vector<1x16xf32> to vector<16xf32>
        %add3A_579 = arith.addf %add3A_574, %get3A_578 : vector<16xf32>
        %get3A_580 = arith.index_cast %scan3A_551 : i32 to index
        %get3A_581 = arith.constant 80 : index
        %get3A_582 = tpu.vector_load %arg6[%get3A_580, %get3A_581] {strides = array<i32>} : memref<64x128xf32, #tpu.memory_space<vmem>>, vector<1x16xf32>,
        %get3A_583 = vector.shape_cast %get3A_582 : vector<1x16xf32> to vector<16xf32>
        %add3A_584 = arith.addf %add3A_579, %get3A_583 : vector<16xf32>
        %get3A_585 = arith.index_cast %scan3A_551 : i32 to index
        %get3A_586 = arith.constant 96 : index
        %get3A_587 = tpu.vector_load %arg6[%get3A_585, %get3A_586] {strides = array<i32>} : memref<64x128xf32, #tpu.memory_space<vmem>>, vector<1x16xf32>,
        %get3A_588 = vector.shape_cast %get3A_587 : vector<1x16xf32> to vector<16xf32>
        %add3A_589 = arith.addf %add3A_584, %get3A_588 : vector<16xf32>
        %get3A_590 = arith.index_cast %scan3A_551 : i32 to index
        %get3A_591 = arith.constant 112 : index
        %get3A_592 = tpu.vector_load %arg6[%get3A_590, %get3A_591] {strides = array<i32>} : memref<64x128xf32, #tpu.memory_space<vmem>>, vector<1x16xf32>,
        %get3A_593 = vector.shape_cast %get3A_592 : vector<1x16xf32> to vector<16xf32>
        %add3A_594 = arith.addf %add3A_589, %get3A_593 : vector<16xf32>
        %iota3A = tpu.iota {dimensions = array<i32: 0>} : vector<16xi32>
        %xor3A = arith.constant 8 : i32
        %xor3A_595 = vector.broadcast %xor3A : i32 to vector<16xi32>
        %xor3A_596 = arith.xori %iota3A, %xor3A_595 : vector<16xi32>
        %broadcast_in_dim3A_597 = vector.shape_cast %xor3A_596 : vector<16xi32> to vector<16x1xi32>
        %gather3A = vector.shape_cast %broadcast_in_dim3A_597 : vector<16x1xi32> to vector<16xi32>
        %gather3A_598 = tpu.dynamic_gather %add3A_594[%gather3A] in [0] : vector<16xf32>, vector<16xi32> -> vector<16xf32>
        %add3A_599 = arith.addf %add3A_594, %gather3A_598 : vector<16xf32>
        %xor3A_600 = arith.constant 4 : i32
        %xor3A_601 = vector.broadcast %xor3A_600 : i32 to vector<16xi32>
        %xor3A_602 = arith.xori %iota3A, %xor3A_601 : vector<16xi32>
        %broadcast_in_dim3A_603 = vector.shape_cast %xor3A_602 : vector<16xi32> to vector<16x1xi32>
        %gather3A_604 = vector.shape_cast %broadcast_in_dim3A_603 : vector<16x1xi32> to vector<16xi32>
        %gather3A_605 = tpu.dynamic_gather %add3A_599[%gather3A_604] in [0] : vector<16xf32>, vector<16xi32> -> vector<16xf32>
        %add3A_606 = arith.addf %add3A_599, %gather3A_605 : vector<16xf32>
        %xor3A_607 = arith.constant 2 : i32
        %xor3A_608 = vector.broadcast %xor3A_607 : i32 to vector<16xi32>
        %xor3A_609 = arith.xori %iota3A, %xor3A_608 : vector<16xi32>
        %broadcast_in_dim3A_610 = vector.shape_cast %xor3A_609 : vector<16xi32> to vector<16x1xi32>
        %gather3A_611 = vector.shape_cast %broadcast_in_dim3A_610 : vector<16x1xi32> to vector<16xi32>
        %gather3A_612 = tpu.dynamic_gather %add3A_606[%gather3A_611] in [0] : vector<16xf32>, vector<16xi32> -> vector<16xf32>
        %add3A_613 = arith.addf %add3A_606, %gather3A_612 : vector<16xf32>
        %xor3A_614 = arith.constant 1 : i32
        %xor3A_615 = vector.broadcast %xor3A_614 : i32 to vector<16xi32>
        %xor3A_616 = arith.xori %iota3A, %xor3A_615 : vector<16xi32>
        %broadcast_in_dim3A_617 = vector.shape_cast %xor3A_616 : vector<16xi32> to vector<16x1xi32>
        %gather3A_618 = vector.shape_cast %broadcast_in_dim3A_617 : vector<16x1xi32> to vector<16xi32>
        %gather3A_619 = tpu.dynamic_gather %add3A_613[%gather3A_618] in [0] : vector<16xf32>, vector<16xi32> -> vector<16xf32>
        %add3A_620 = arith.addf %add3A_613, %gather3A_619 : vector<16xf32>
        %get3A_621 = arith.index_cast %scan3A_551 : i32 to index
        %get3A_622 = arith.constant 0 : index
        %get3A_623 = tpu.vector_load %arg8[%get3A_621, %get3A_622] {strides = array<i32>} : memref<64x64xf32, #tpu.memory_space<vmem>>, vector<1x16xf32>,
        %get3A_624 = vector.shape_cast %get3A_623 : vector<1x16xf32> to vector<16xf32>
        %mul3A_625 = arith.mulf %add3A_620, %get3A_624 : vector<16xf32>
        %add3A_626 = arith.addf %scan3A_552, %mul3A_625 : vector<16xf32>
        %get3A_627 = arith.index_cast %scan3A_551 : i32 to index
        %get3A_628 = arith.constant 16 : index
        %get3A_629 = tpu.vector_load %arg8[%get3A_627, %get3A_628] {strides = array<i32>} : memref<64x64xf32, #tpu.memory_space<vmem>>, vector<1x16xf32>,
        %get3A_630 = vector.shape_cast %get3A_629 : vector<1x16xf32> to vector<16xf32>
        %mul3A_631 = arith.mulf %add3A_620, %get3A_630 : vector<16xf32>
        %add3A_632 = arith.addf %scan3A_553, %mul3A_631 : vector<16xf32>
        %get3A_633 = arith.index_cast %scan3A_551 : i32 to index
        %get3A_634 = arith.constant 32 : index
        %get3A_635 = tpu.vector_load %arg8[%get3A_633, %get3A_634] {strides = array<i32>} : memref<64x64xf32, #tpu.memory_space<vmem>>, vector<1x16xf32>,
        %get3A_636 = vector.shape_cast %get3A_635 : vector<1x16xf32> to vector<16xf32>
        %mul3A_637 = arith.mulf %add3A_620, %get3A_636 : vector<16xf32>
        %add3A_638 = arith.addf %scan3A_554, %mul3A_637 : vector<16xf32>
        %get3A_639 = arith.index_cast %scan3A_551 : i32 to index
        %get3A_640 = arith.constant 48 : index
        %get3A_641 = tpu.vector_load %arg8[%get3A_639, %get3A_640] {strides = array<i32>} : memref<64x64xf32, #tpu.memory_space<vmem>>, vector<1x16xf32>,
        %get3A_642 = vector.shape_cast %get3A_641 : vector<1x16xf32> to vector<16xf32>
        %mul3A_643 = arith.mulf %add3A_620, %get3A_642 : vector<16xf32>
        %add3A_644 = arith.addf %scan3A_555, %mul3A_643 : vector<16xf32>
        scf.yield %add3A_626, %add3A_632, %add3A_638, %add3A_644 : vector<16xf32>, vector<16xf32>, vector<16xf32>, vector<16xf32>
      }
      %scan3A_362 = arith.constant 64 : i32
      %slice3A_363 = vector.extract_strided_slice %get3A_24 {offsets = [10], sizes = [1], strides = [1]} : vector<16xi32> to vector<1xi32>
      %squeeze3A_364 = vector.extract %slice3A_363[0] : i32 from vector<1xi32>
      %swap3A_365 = arith.index_cast %squeeze3A_364 : i32 to index
      %swap3A_366 = arith.constant 0 : index
      %swap3A_367 = tpu.vector_load %arg9[%swap3A_365, %swap3A_366] {strides = array<i32>} : memref<64x64xf32, #tpu.memory_space<vmem>>, vector<1x16xf32>,
      %swap3A_368 = vector.shape_cast %swap3A_367 : vector<1x16xf32> to vector<16xf32>
      %swap3A_369 = vector.shape_cast %scan3A_361#0 : vector<16xf32> to vector<1x16xf32>
      tpu.vector_store %arg9[%swap3A_365, %swap3A_366], %swap3A_369 {add = true, strides = array<i32>} : memref<64x64xf32, #tpu.memory_space<vmem>>, vector<1x16xf32>,
      %swap3A_370 = arith.index_cast %squeeze3A_364 : i32 to index
      %swap3A_371 = arith.constant 16 : index
      %swap3A_372 = tpu.vector_load %arg9[%swap3A_370, %swap3A_371] {strides = array<i32>} : memref<64x64xf32, #tpu.memory_space<vmem>>, vector<1x16xf32>,
      %swap3A_373 = vector.shape_cast %swap3A_372 : vector<1x16xf32> to vector<16xf32>
      %swap3A_374 = vector.shape_cast %scan3A_361#1 : vector<16xf32> to vector<1x16xf32>
      tpu.vector_store %arg9[%swap3A_370, %swap3A_371], %swap3A_374 {add = true, strides = array<i32>} : memref<64x64xf32, #tpu.memory_space<vmem>>, vector<1x16xf32>,
      %swap3A_375 = arith.index_cast %squeeze3A_364 : i32 to index
      %swap3A_376 = arith.constant 32 : index
      %swap3A_377 = tpu.vector_load %arg9[%swap3A_375, %swap3A_376] {strides = array<i32>} : memref<64x64xf32, #tpu.memory_space<vmem>>, vector<1x16xf32>,
      %swap3A_378 = vector.shape_cast %swap3A_377 : vector<1x16xf32> to vector<16xf32>
      %swap3A_379 = vector.shape_cast %scan3A_361#2 : vector<16xf32> to vector<1x16xf32>
      tpu.vector_store %arg9[%swap3A_375, %swap3A_376], %swap3A_379 {add = true, strides = array<i32>} : memref<64x64xf32, #tpu.memory_space<vmem>>, vector<1x16xf32>,
      %swap3A_380 = arith.index_cast %squeeze3A_364 : i32 to index
      %swap3A_381 = arith.constant 48 : index
      %swap3A_382 = tpu.vector_load %arg9[%swap3A_380, %swap3A_381] {strides = array<i32>} : memref<64x64xf32, #tpu.memory_space<vmem>>, vector<1x16xf32>,
      %swap3A_383 = vector.shape_cast %swap3A_382 : vector<1x16xf32> to vector<16xf32>
      %swap3A_384 = vector.shape_cast %scan3A_361#3 : vector<16xf32> to vector<1x16xf32>
      tpu.vector_store %arg9[%swap3A_380, %swap3A_381], %swap3A_384 {add = true, strides = array<i32>} : memref<64x64xf32, #tpu.memory_space<vmem>>, vector<1x16xf32>,
      %mul3A_385 = arith.constant 16 : i32
      %mul3A_386 = arith.muli %scan3A_19, %mul3A_385 : i32
      %add3A_387 = arith.constant 11 : i32
      %add3A_388 = arith.addi %mul3A_386, %add3A_387 : i32
      %add3A_389 = arith.addi %add3A_4, %add3A_388 : i32
      "tpu.region"() ({
        %run_scoped3A = tpu.sem_alloc : memref<!tpu.dma_semaphore, #tpu.memory_space<semaphore_mem>>
        %dma_start3A = arith.constant 0 : i32
        %dma_start3A_551 = arith.constant 0 : i32
        %dma_start3A_552 = tpu.memref_slice %arg2[%add3A_389, %dma_start3A, %dma_start3A_551] : memref<4096x64x128xf32, #tpu.memory_space<hbm>> -> memref<1x64x128xf32, #tpu.memory_space<hbm>>
        %dma_start3A_553 = tpu.memref_squeeze %dma_start3A_552 : memref<1x64x128xf32, #tpu.memory_space<hbm>> -> memref<64x128xf32, #tpu.memory_space<hbm>>
        %dma_start3A_554 = arith.constant 0 : i32
        %dma_start3A_555 = arith.constant 0 : i32
        %dma_start3A_556 = tpu.memref_slice %arg2[%add3A_389, %dma_start3A_554, %dma_start3A_555] : memref<4096x64x128xf32, #tpu.memory_space<hbm>> -> memref<1x64x128xf32, #tpu.memory_space<hbm>>
        %dma_start3A_557 = tpu.memref_squeeze %dma_start3A_556 : memref<1x64x128xf32, #tpu.memory_space<hbm>> -> memref<64x128xf32, #tpu.memory_space<hbm>>
        tpu.enqueue_dma source(%dma_start3A_557 : memref<64x128xf32, #tpu.memory_space<hbm>>) target(%arg6 : memref<64x128xf32, #tpu.memory_space<vmem>>) target_semaphore(%run_scoped3A : memref<!tpu.dma_semaphore, #tpu.memory_space<semaphore_mem>>)
        %dma_wait3A = arith.constant 0 : i32
        %dma_wait3A_558 = arith.constant 0 : i32
        %dma_wait3A_559 = tpu.memref_slice %arg2[%add3A_389, %dma_wait3A, %dma_wait3A_558] : memref<4096x64x128xf32, #tpu.memory_space<hbm>> -> memref<1x64x128xf32, #tpu.memory_space<hbm>>
        %dma_wait3A_560 = tpu.memref_squeeze %dma_wait3A_559 : memref<1x64x128xf32, #tpu.memory_space<hbm>> -> memref<64x128xf32, #tpu.memory_space<hbm>>
        %dma_wait3A_561 = arith.constant 0 : i32
        %dma_wait3A_562 = arith.constant 0 : i32
        %dma_wait3A_563 = tpu.memref_slice %arg2[%add3A_389, %dma_wait3A_561, %dma_wait3A_562] : memref<4096x64x128xf32, #tpu.memory_space<hbm>> -> memref<1x64x128xf32, #tpu.memory_space<hbm>>
        %dma_wait3A_564 = tpu.memref_squeeze %dma_wait3A_563 : memref<1x64x128xf32, #tpu.memory_space<hbm>> -> memref<64x128xf32, #tpu.memory_space<hbm>>
        tpu.wait_dma2 semaphore(%run_scoped3A : memref<!tpu.dma_semaphore, #tpu.memory_space<semaphore_mem>>) src(%dma_wait3A_564 : memref<64x128xf32, #tpu.memory_space<hbm>>) dst(%arg6 : memref<64x128xf32, #tpu.memory_space<vmem>>)
        tpu.yield
      }) : () -> ()
      %scan3A_390 = arith.constant 0 : i32
      %scan3A_391 = arith.constant 64 : i32
      %scan3A_392 = arith.addi %scan3A_390, %scan3A_391 : i32
      %scan3A_393 = arith.constant 1 : i32
      %scan3A_394:4 = scf.for %scan3A_551 = %scan3A_390 to %scan3A_392 step %scan3A_393 iter_args(%scan3A_552 = %broadcast_in_dim3A_5, %scan3A_553 = %broadcast_in_dim3A_5, %scan3A_554 = %broadcast_in_dim3A_5, %scan3A_555 = %broadcast_in_dim3A_5) -> (vector<16xf32>, vector<16xf32>, vector<16xf32>, vector<16xf32>)  : i32 {
        %get3A_556 = arith.index_cast %scan3A_551 : i32 to index
        %get3A_557 = arith.constant 0 : index
        %get3A_558 = tpu.vector_load %arg6[%get3A_556, %get3A_557] {strides = array<i32>} : memref<64x128xf32, #tpu.memory_space<vmem>>, vector<1x16xf32>,
        %get3A_559 = vector.shape_cast %get3A_558 : vector<1x16xf32> to vector<16xf32>
        %get3A_560 = arith.index_cast %scan3A_551 : i32 to index
        %get3A_561 = arith.constant 16 : index
        %get3A_562 = tpu.vector_load %arg6[%get3A_560, %get3A_561] {strides = array<i32>} : memref<64x128xf32, #tpu.memory_space<vmem>>, vector<1x16xf32>,
        %get3A_563 = vector.shape_cast %get3A_562 : vector<1x16xf32> to vector<16xf32>
        %add3A_564 = arith.addf %get3A_559, %get3A_563 : vector<16xf32>
        %get3A_565 = arith.index_cast %scan3A_551 : i32 to index
        %get3A_566 = arith.constant 32 : index
        %get3A_567 = tpu.vector_load %arg6[%get3A_565, %get3A_566] {strides = array<i32>} : memref<64x128xf32, #tpu.memory_space<vmem>>, vector<1x16xf32>,
        %get3A_568 = vector.shape_cast %get3A_567 : vector<1x16xf32> to vector<16xf32>
        %add3A_569 = arith.addf %add3A_564, %get3A_568 : vector<16xf32>
        %get3A_570 = arith.index_cast %scan3A_551 : i32 to index
        %get3A_571 = arith.constant 48 : index
        %get3A_572 = tpu.vector_load %arg6[%get3A_570, %get3A_571] {strides = array<i32>} : memref<64x128xf32, #tpu.memory_space<vmem>>, vector<1x16xf32>,
        %get3A_573 = vector.shape_cast %get3A_572 : vector<1x16xf32> to vector<16xf32>
        %add3A_574 = arith.addf %add3A_569, %get3A_573 : vector<16xf32>
        %get3A_575 = arith.index_cast %scan3A_551 : i32 to index
        %get3A_576 = arith.constant 64 : index
        %get3A_577 = tpu.vector_load %arg6[%get3A_575, %get3A_576] {strides = array<i32>} : memref<64x128xf32, #tpu.memory_space<vmem>>, vector<1x16xf32>,
        %get3A_578 = vector.shape_cast %get3A_577 : vector<1x16xf32> to vector<16xf32>
        %add3A_579 = arith.addf %add3A_574, %get3A_578 : vector<16xf32>
        %get3A_580 = arith.index_cast %scan3A_551 : i32 to index
        %get3A_581 = arith.constant 80 : index
        %get3A_582 = tpu.vector_load %arg6[%get3A_580, %get3A_581] {strides = array<i32>} : memref<64x128xf32, #tpu.memory_space<vmem>>, vector<1x16xf32>,
        %get3A_583 = vector.shape_cast %get3A_582 : vector<1x16xf32> to vector<16xf32>
        %add3A_584 = arith.addf %add3A_579, %get3A_583 : vector<16xf32>
        %get3A_585 = arith.index_cast %scan3A_551 : i32 to index
        %get3A_586 = arith.constant 96 : index
        %get3A_587 = tpu.vector_load %arg6[%get3A_585, %get3A_586] {strides = array<i32>} : memref<64x128xf32, #tpu.memory_space<vmem>>, vector<1x16xf32>,
        %get3A_588 = vector.shape_cast %get3A_587 : vector<1x16xf32> to vector<16xf32>
        %add3A_589 = arith.addf %add3A_584, %get3A_588 : vector<16xf32>
        %get3A_590 = arith.index_cast %scan3A_551 : i32 to index
        %get3A_591 = arith.constant 112 : index
        %get3A_592 = tpu.vector_load %arg6[%get3A_590, %get3A_591] {strides = array<i32>} : memref<64x128xf32, #tpu.memory_space<vmem>>, vector<1x16xf32>,
        %get3A_593 = vector.shape_cast %get3A_592 : vector<1x16xf32> to vector<16xf32>
        %add3A_594 = arith.addf %add3A_589, %get3A_593 : vector<16xf32>
        %iota3A = tpu.iota {dimensions = array<i32: 0>} : vector<16xi32>
        %xor3A = arith.constant 8 : i32
        %xor3A_595 = vector.broadcast %xor3A : i32 to vector<16xi32>
        %xor3A_596 = arith.xori %iota3A, %xor3A_595 : vector<16xi32>
        %broadcast_in_dim3A_597 = vector.shape_cast %xor3A_596 : vector<16xi32> to vector<16x1xi32>
        %gather3A = vector.shape_cast %broadcast_in_dim3A_597 : vector<16x1xi32> to vector<16xi32>
        %gather3A_598 = tpu.dynamic_gather %add3A_594[%gather3A] in [0] : vector<16xf32>, vector<16xi32> -> vector<16xf32>
        %add3A_599 = arith.addf %add3A_594, %gather3A_598 : vector<16xf32>
        %xor3A_600 = arith.constant 4 : i32
        %xor3A_601 = vector.broadcast %xor3A_600 : i32 to vector<16xi32>
        %xor3A_602 = arith.xori %iota3A, %xor3A_601 : vector<16xi32>
        %broadcast_in_dim3A_603 = vector.shape_cast %xor3A_602 : vector<16xi32> to vector<16x1xi32>
        %gather3A_604 = vector.shape_cast %broadcast_in_dim3A_603 : vector<16x1xi32> to vector<16xi32>
        %gather3A_605 = tpu.dynamic_gather %add3A_599[%gather3A_604] in [0] : vector<16xf32>, vector<16xi32> -> vector<16xf32>
        %add3A_606 = arith.addf %add3A_599, %gather3A_605 : vector<16xf32>
        %xor3A_607 = arith.constant 2 : i32
        %xor3A_608 = vector.broadcast %xor3A_607 : i32 to vector<16xi32>
        %xor3A_609 = arith.xori %iota3A, %xor3A_608 : vector<16xi32>
        %broadcast_in_dim3A_610 = vector.shape_cast %xor3A_609 : vector<16xi32> to vector<16x1xi32>
        %gather3A_611 = vector.shape_cast %broadcast_in_dim3A_610 : vector<16x1xi32> to vector<16xi32>
        %gather3A_612 = tpu.dynamic_gather %add3A_606[%gather3A_611] in [0] : vector<16xf32>, vector<16xi32> -> vector<16xf32>
        %add3A_613 = arith.addf %add3A_606, %gather3A_612 : vector<16xf32>
        %xor3A_614 = arith.constant 1 : i32
        %xor3A_615 = vector.broadcast %xor3A_614 : i32 to vector<16xi32>
        %xor3A_616 = arith.xori %iota3A, %xor3A_615 : vector<16xi32>
        %broadcast_in_dim3A_617 = vector.shape_cast %xor3A_616 : vector<16xi32> to vector<16x1xi32>
        %gather3A_618 = vector.shape_cast %broadcast_in_dim3A_617 : vector<16x1xi32> to vector<16xi32>
        %gather3A_619 = tpu.dynamic_gather %add3A_613[%gather3A_618] in [0] : vector<16xf32>, vector<16xi32> -> vector<16xf32>
        %add3A_620 = arith.addf %add3A_613, %gather3A_619 : vector<16xf32>
        %get3A_621 = arith.index_cast %scan3A_551 : i32 to index
        %get3A_622 = arith.constant 0 : index
        %get3A_623 = tpu.vector_load %arg8[%get3A_621, %get3A_622] {strides = array<i32>} : memref<64x64xf32, #tpu.memory_space<vmem>>, vector<1x16xf32>,
        %get3A_624 = vector.shape_cast %get3A_623 : vector<1x16xf32> to vector<16xf32>
        %mul3A_625 = arith.mulf %add3A_620, %get3A_624 : vector<16xf32>
        %add3A_626 = arith.addf %scan3A_552, %mul3A_625 : vector<16xf32>
        %get3A_627 = arith.index_cast %scan3A_551 : i32 to index
        %get3A_628 = arith.constant 16 : index
        %get3A_629 = tpu.vector_load %arg8[%get3A_627, %get3A_628] {strides = array<i32>} : memref<64x64xf32, #tpu.memory_space<vmem>>, vector<1x16xf32>,
        %get3A_630 = vector.shape_cast %get3A_629 : vector<1x16xf32> to vector<16xf32>
        %mul3A_631 = arith.mulf %add3A_620, %get3A_630 : vector<16xf32>
        %add3A_632 = arith.addf %scan3A_553, %mul3A_631 : vector<16xf32>
        %get3A_633 = arith.index_cast %scan3A_551 : i32 to index
        %get3A_634 = arith.constant 32 : index
        %get3A_635 = tpu.vector_load %arg8[%get3A_633, %get3A_634] {strides = array<i32>} : memref<64x64xf32, #tpu.memory_space<vmem>>, vector<1x16xf32>,
        %get3A_636 = vector.shape_cast %get3A_635 : vector<1x16xf32> to vector<16xf32>
        %mul3A_637 = arith.mulf %add3A_620, %get3A_636 : vector<16xf32>
        %add3A_638 = arith.addf %scan3A_554, %mul3A_637 : vector<16xf32>
        %get3A_639 = arith.index_cast %scan3A_551 : i32 to index
        %get3A_640 = arith.constant 48 : index
        %get3A_641 = tpu.vector_load %arg8[%get3A_639, %get3A_640] {strides = array<i32>} : memref<64x64xf32, #tpu.memory_space<vmem>>, vector<1x16xf32>,
        %get3A_642 = vector.shape_cast %get3A_641 : vector<1x16xf32> to vector<16xf32>
        %mul3A_643 = arith.mulf %add3A_620, %get3A_642 : vector<16xf32>
        %add3A_644 = arith.addf %scan3A_555, %mul3A_643 : vector<16xf32>
        scf.yield %add3A_626, %add3A_632, %add3A_638, %add3A_644 : vector<16xf32>, vector<16xf32>, vector<16xf32>, vector<16xf32>
      }
      %scan3A_395 = arith.constant 64 : i32
      %slice3A_396 = vector.extract_strided_slice %get3A_24 {offsets = [11], sizes = [1], strides = [1]} : vector<16xi32> to vector<1xi32>
      %squeeze3A_397 = vector.extract %slice3A_396[0] : i32 from vector<1xi32>
      %swap3A_398 = arith.index_cast %squeeze3A_397 : i32 to index
      %swap3A_399 = arith.constant 0 : index
      %swap3A_400 = tpu.vector_load %arg9[%swap3A_398, %swap3A_399] {strides = array<i32>} : memref<64x64xf32, #tpu.memory_space<vmem>>, vector<1x16xf32>,
      %swap3A_401 = vector.shape_cast %swap3A_400 : vector<1x16xf32> to vector<16xf32>
      %swap3A_402 = vector.shape_cast %scan3A_394#0 : vector<16xf32> to vector<1x16xf32>
      tpu.vector_store %arg9[%swap3A_398, %swap3A_399], %swap3A_402 {add = true, strides = array<i32>} : memref<64x64xf32, #tpu.memory_space<vmem>>, vector<1x16xf32>,
      %swap3A_403 = arith.index_cast %squeeze3A_397 : i32 to index
      %swap3A_404 = arith.constant 16 : index
      %swap3A_405 = tpu.vector_load %arg9[%swap3A_403, %swap3A_404] {strides = array<i32>} : memref<64x64xf32, #tpu.memory_space<vmem>>, vector<1x16xf32>,
      %swap3A_406 = vector.shape_cast %swap3A_405 : vector<1x16xf32> to vector<16xf32>
      %swap3A_407 = vector.shape_cast %scan3A_394#1 : vector<16xf32> to vector<1x16xf32>
      tpu.vector_store %arg9[%swap3A_403, %swap3A_404], %swap3A_407 {add = true, strides = array<i32>} : memref<64x64xf32, #tpu.memory_space<vmem>>, vector<1x16xf32>,
      %swap3A_408 = arith.index_cast %squeeze3A_397 : i32 to index
      %swap3A_409 = arith.constant 32 : index
      %swap3A_410 = tpu.vector_load %arg9[%swap3A_408, %swap3A_409] {strides = array<i32>} : memref<64x64xf32, #tpu.memory_space<vmem>>, vector<1x16xf32>,
      %swap3A_411 = vector.shape_cast %swap3A_410 : vector<1x16xf32> to vector<16xf32>
      %swap3A_412 = vector.shape_cast %scan3A_394#2 : vector<16xf32> to vector<1x16xf32>
      tpu.vector_store %arg9[%swap3A_408, %swap3A_409], %swap3A_412 {add = true, strides = array<i32>} : memref<64x64xf32, #tpu.memory_space<vmem>>, vector<1x16xf32>,
      %swap3A_413 = arith.index_cast %squeeze3A_397 : i32 to index
      %swap3A_414 = arith.constant 48 : index
      %swap3A_415 = tpu.vector_load %arg9[%swap3A_413, %swap3A_414] {strides = array<i32>} : memref<64x64xf32, #tpu.memory_space<vmem>>, vector<1x16xf32>,
      %swap3A_416 = vector.shape_cast %swap3A_415 : vector<1x16xf32> to vector<16xf32>
      %swap3A_417 = vector.shape_cast %scan3A_394#3 : vector<16xf32> to vector<1x16xf32>
      tpu.vector_store %arg9[%swap3A_413, %swap3A_414], %swap3A_417 {add = true, strides = array<i32>} : memref<64x64xf32, #tpu.memory_space<vmem>>, vector<1x16xf32>,
      %mul3A_418 = arith.constant 16 : i32
      %mul3A_419 = arith.muli %scan3A_19, %mul3A_418 : i32
      %add3A_420 = arith.constant 12 : i32
      %add3A_421 = arith.addi %mul3A_419, %add3A_420 : i32
      %add3A_422 = arith.addi %add3A_4, %add3A_421 : i32
      "tpu.region"() ({
        %run_scoped3A = tpu.sem_alloc : memref<!tpu.dma_semaphore, #tpu.memory_space<semaphore_mem>>
        %dma_start3A = arith.constant 0 : i32
        %dma_start3A_551 = arith.constant 0 : i32
        %dma_start3A_552 = tpu.memref_slice %arg2[%add3A_422, %dma_start3A, %dma_start3A_551] : memref<4096x64x128xf32, #tpu.memory_space<hbm>> -> memref<1x64x128xf32, #tpu.memory_space<hbm>>
        %dma_start3A_553 = tpu.memref_squeeze %dma_start3A_552 : memref<1x64x128xf32, #tpu.memory_space<hbm>> -> memref<64x128xf32, #tpu.memory_space<hbm>>
        %dma_start3A_554 = arith.constant 0 : i32
        %dma_start3A_555 = arith.constant 0 : i32
        %dma_start3A_556 = tpu.memref_slice %arg2[%add3A_422, %dma_start3A_554, %dma_start3A_555] : memref<4096x64x128xf32, #tpu.memory_space<hbm>> -> memref<1x64x128xf32, #tpu.memory_space<hbm>>
        %dma_start3A_557 = tpu.memref_squeeze %dma_start3A_556 : memref<1x64x128xf32, #tpu.memory_space<hbm>> -> memref<64x128xf32, #tpu.memory_space<hbm>>
        tpu.enqueue_dma source(%dma_start3A_557 : memref<64x128xf32, #tpu.memory_space<hbm>>) target(%arg6 : memref<64x128xf32, #tpu.memory_space<vmem>>) target_semaphore(%run_scoped3A : memref<!tpu.dma_semaphore, #tpu.memory_space<semaphore_mem>>)
        %dma_wait3A = arith.constant 0 : i32
        %dma_wait3A_558 = arith.constant 0 : i32
        %dma_wait3A_559 = tpu.memref_slice %arg2[%add3A_422, %dma_wait3A, %dma_wait3A_558] : memref<4096x64x128xf32, #tpu.memory_space<hbm>> -> memref<1x64x128xf32, #tpu.memory_space<hbm>>
        %dma_wait3A_560 = tpu.memref_squeeze %dma_wait3A_559 : memref<1x64x128xf32, #tpu.memory_space<hbm>> -> memref<64x128xf32, #tpu.memory_space<hbm>>
        %dma_wait3A_561 = arith.constant 0 : i32
        %dma_wait3A_562 = arith.constant 0 : i32
        %dma_wait3A_563 = tpu.memref_slice %arg2[%add3A_422, %dma_wait3A_561, %dma_wait3A_562] : memref<4096x64x128xf32, #tpu.memory_space<hbm>> -> memref<1x64x128xf32, #tpu.memory_space<hbm>>
        %dma_wait3A_564 = tpu.memref_squeeze %dma_wait3A_563 : memref<1x64x128xf32, #tpu.memory_space<hbm>> -> memref<64x128xf32, #tpu.memory_space<hbm>>
        tpu.wait_dma2 semaphore(%run_scoped3A : memref<!tpu.dma_semaphore, #tpu.memory_space<semaphore_mem>>) src(%dma_wait3A_564 : memref<64x128xf32, #tpu.memory_space<hbm>>) dst(%arg6 : memref<64x128xf32, #tpu.memory_space<vmem>>)
        tpu.yield
      }) : () -> ()
      %scan3A_423 = arith.constant 0 : i32
      %scan3A_424 = arith.constant 64 : i32
      %scan3A_425 = arith.addi %scan3A_423, %scan3A_424 : i32
      %scan3A_426 = arith.constant 1 : i32
      %scan3A_427:4 = scf.for %scan3A_551 = %scan3A_423 to %scan3A_425 step %scan3A_426 iter_args(%scan3A_552 = %broadcast_in_dim3A_5, %scan3A_553 = %broadcast_in_dim3A_5, %scan3A_554 = %broadcast_in_dim3A_5, %scan3A_555 = %broadcast_in_dim3A_5) -> (vector<16xf32>, vector<16xf32>, vector<16xf32>, vector<16xf32>)  : i32 {
        %get3A_556 = arith.index_cast %scan3A_551 : i32 to index
        %get3A_557 = arith.constant 0 : index
        %get3A_558 = tpu.vector_load %arg6[%get3A_556, %get3A_557] {strides = array<i32>} : memref<64x128xf32, #tpu.memory_space<vmem>>, vector<1x16xf32>,
        %get3A_559 = vector.shape_cast %get3A_558 : vector<1x16xf32> to vector<16xf32>
        %get3A_560 = arith.index_cast %scan3A_551 : i32 to index
        %get3A_561 = arith.constant 16 : index
        %get3A_562 = tpu.vector_load %arg6[%get3A_560, %get3A_561] {strides = array<i32>} : memref<64x128xf32, #tpu.memory_space<vmem>>, vector<1x16xf32>,
        %get3A_563 = vector.shape_cast %get3A_562 : vector<1x16xf32> to vector<16xf32>
        %add3A_564 = arith.addf %get3A_559, %get3A_563 : vector<16xf32>
        %get3A_565 = arith.index_cast %scan3A_551 : i32 to index
        %get3A_566 = arith.constant 32 : index
        %get3A_567 = tpu.vector_load %arg6[%get3A_565, %get3A_566] {strides = array<i32>} : memref<64x128xf32, #tpu.memory_space<vmem>>, vector<1x16xf32>,
        %get3A_568 = vector.shape_cast %get3A_567 : vector<1x16xf32> to vector<16xf32>
        %add3A_569 = arith.addf %add3A_564, %get3A_568 : vector<16xf32>
        %get3A_570 = arith.index_cast %scan3A_551 : i32 to index
        %get3A_571 = arith.constant 48 : index
        %get3A_572 = tpu.vector_load %arg6[%get3A_570, %get3A_571] {strides = array<i32>} : memref<64x128xf32, #tpu.memory_space<vmem>>, vector<1x16xf32>,
        %get3A_573 = vector.shape_cast %get3A_572 : vector<1x16xf32> to vector<16xf32>
        %add3A_574 = arith.addf %add3A_569, %get3A_573 : vector<16xf32>
        %get3A_575 = arith.index_cast %scan3A_551 : i32 to index
        %get3A_576 = arith.constant 64 : index
        %get3A_577 = tpu.vector_load %arg6[%get3A_575, %get3A_576] {strides = array<i32>} : memref<64x128xf32, #tpu.memory_space<vmem>>, vector<1x16xf32>,
        %get3A_578 = vector.shape_cast %get3A_577 : vector<1x16xf32> to vector<16xf32>
        %add3A_579 = arith.addf %add3A_574, %get3A_578 : vector<16xf32>
        %get3A_580 = arith.index_cast %scan3A_551 : i32 to index
        %get3A_581 = arith.constant 80 : index
        %get3A_582 = tpu.vector_load %arg6[%get3A_580, %get3A_581] {strides = array<i32>} : memref<64x128xf32, #tpu.memory_space<vmem>>, vector<1x16xf32>,
        %get3A_583 = vector.shape_cast %get3A_582 : vector<1x16xf32> to vector<16xf32>
        %add3A_584 = arith.addf %add3A_579, %get3A_583 : vector<16xf32>
        %get3A_585 = arith.index_cast %scan3A_551 : i32 to index
        %get3A_586 = arith.constant 96 : index
        %get3A_587 = tpu.vector_load %arg6[%get3A_585, %get3A_586] {strides = array<i32>} : memref<64x128xf32, #tpu.memory_space<vmem>>, vector<1x16xf32>,
        %get3A_588 = vector.shape_cast %get3A_587 : vector<1x16xf32> to vector<16xf32>
        %add3A_589 = arith.addf %add3A_584, %get3A_588 : vector<16xf32>
        %get3A_590 = arith.index_cast %scan3A_551 : i32 to index
        %get3A_591 = arith.constant 112 : index
        %get3A_592 = tpu.vector_load %arg6[%get3A_590, %get3A_591] {strides = array<i32>} : memref<64x128xf32, #tpu.memory_space<vmem>>, vector<1x16xf32>,
        %get3A_593 = vector.shape_cast %get3A_592 : vector<1x16xf32> to vector<16xf32>
        %add3A_594 = arith.addf %add3A_589, %get3A_593 : vector<16xf32>
        %iota3A = tpu.iota {dimensions = array<i32: 0>} : vector<16xi32>
        %xor3A = arith.constant 8 : i32
        %xor3A_595 = vector.broadcast %xor3A : i32 to vector<16xi32>
        %xor3A_596 = arith.xori %iota3A, %xor3A_595 : vector<16xi32>
        %broadcast_in_dim3A_597 = vector.shape_cast %xor3A_596 : vector<16xi32> to vector<16x1xi32>
        %gather3A = vector.shape_cast %broadcast_in_dim3A_597 : vector<16x1xi32> to vector<16xi32>
        %gather3A_598 = tpu.dynamic_gather %add3A_594[%gather3A] in [0] : vector<16xf32>, vector<16xi32> -> vector<16xf32>
        %add3A_599 = arith.addf %add3A_594, %gather3A_598 : vector<16xf32>
        %xor3A_600 = arith.constant 4 : i32
        %xor3A_601 = vector.broadcast %xor3A_600 : i32 to vector<16xi32>
        %xor3A_602 = arith.xori %iota3A, %xor3A_601 : vector<16xi32>
        %broadcast_in_dim3A_603 = vector.shape_cast %xor3A_602 : vector<16xi32> to vector<16x1xi32>
        %gather3A_604 = vector.shape_cast %broadcast_in_dim3A_603 : vector<16x1xi32> to vector<16xi32>
        %gather3A_605 = tpu.dynamic_gather %add3A_599[%gather3A_604] in [0] : vector<16xf32>, vector<16xi32> -> vector<16xf32>
        %add3A_606 = arith.addf %add3A_599, %gather3A_605 : vector<16xf32>
        %xor3A_607 = arith.constant 2 : i32
        %xor3A_608 = vector.broadcast %xor3A_607 : i32 to vector<16xi32>
        %xor3A_609 = arith.xori %iota3A, %xor3A_608 : vector<16xi32>
        %broadcast_in_dim3A_610 = vector.shape_cast %xor3A_609 : vector<16xi32> to vector<16x1xi32>
        %gather3A_611 = vector.shape_cast %broadcast_in_dim3A_610 : vector<16x1xi32> to vector<16xi32>
        %gather3A_612 = tpu.dynamic_gather %add3A_606[%gather3A_611] in [0] : vector<16xf32>, vector<16xi32> -> vector<16xf32>
        %add3A_613 = arith.addf %add3A_606, %gather3A_612 : vector<16xf32>
        %xor3A_614 = arith.constant 1 : i32
        %xor3A_615 = vector.broadcast %xor3A_614 : i32 to vector<16xi32>
        %xor3A_616 = arith.xori %iota3A, %xor3A_615 : vector<16xi32>
        %broadcast_in_dim3A_617 = vector.shape_cast %xor3A_616 : vector<16xi32> to vector<16x1xi32>
        %gather3A_618 = vector.shape_cast %broadcast_in_dim3A_617 : vector<16x1xi32> to vector<16xi32>
        %gather3A_619 = tpu.dynamic_gather %add3A_613[%gather3A_618] in [0] : vector<16xf32>, vector<16xi32> -> vector<16xf32>
        %add3A_620 = arith.addf %add3A_613, %gather3A_619 : vector<16xf32>
        %get3A_621 = arith.index_cast %scan3A_551 : i32 to index
        %get3A_622 = arith.constant 0 : index
        %get3A_623 = tpu.vector_load %arg8[%get3A_621, %get3A_622] {strides = array<i32>} : memref<64x64xf32, #tpu.memory_space<vmem>>, vector<1x16xf32>,
        %get3A_624 = vector.shape_cast %get3A_623 : vector<1x16xf32> to vector<16xf32>
        %mul3A_625 = arith.mulf %add3A_620, %get3A_624 : vector<16xf32>
        %add3A_626 = arith.addf %scan3A_552, %mul3A_625 : vector<16xf32>
        %get3A_627 = arith.index_cast %scan3A_551 : i32 to index
        %get3A_628 = arith.constant 16 : index
        %get3A_629 = tpu.vector_load %arg8[%get3A_627, %get3A_628] {strides = array<i32>} : memref<64x64xf32, #tpu.memory_space<vmem>>, vector<1x16xf32>,
        %get3A_630 = vector.shape_cast %get3A_629 : vector<1x16xf32> to vector<16xf32>
        %mul3A_631 = arith.mulf %add3A_620, %get3A_630 : vector<16xf32>
        %add3A_632 = arith.addf %scan3A_553, %mul3A_631 : vector<16xf32>
        %get3A_633 = arith.index_cast %scan3A_551 : i32 to index
        %get3A_634 = arith.constant 32 : index
        %get3A_635 = tpu.vector_load %arg8[%get3A_633, %get3A_634] {strides = array<i32>} : memref<64x64xf32, #tpu.memory_space<vmem>>, vector<1x16xf32>,
        %get3A_636 = vector.shape_cast %get3A_635 : vector<1x16xf32> to vector<16xf32>
        %mul3A_637 = arith.mulf %add3A_620, %get3A_636 : vector<16xf32>
        %add3A_638 = arith.addf %scan3A_554, %mul3A_637 : vector<16xf32>
        %get3A_639 = arith.index_cast %scan3A_551 : i32 to index
        %get3A_640 = arith.constant 48 : index
        %get3A_641 = tpu.vector_load %arg8[%get3A_639, %get3A_640] {strides = array<i32>} : memref<64x64xf32, #tpu.memory_space<vmem>>, vector<1x16xf32>,
        %get3A_642 = vector.shape_cast %get3A_641 : vector<1x16xf32> to vector<16xf32>
        %mul3A_643 = arith.mulf %add3A_620, %get3A_642 : vector<16xf32>
        %add3A_644 = arith.addf %scan3A_555, %mul3A_643 : vector<16xf32>
        scf.yield %add3A_626, %add3A_632, %add3A_638, %add3A_644 : vector<16xf32>, vector<16xf32>, vector<16xf32>, vector<16xf32>
      }
      %scan3A_428 = arith.constant 64 : i32
      %slice3A_429 = vector.extract_strided_slice %get3A_24 {offsets = [12], sizes = [1], strides = [1]} : vector<16xi32> to vector<1xi32>
      %squeeze3A_430 = vector.extract %slice3A_429[0] : i32 from vector<1xi32>
      %swap3A_431 = arith.index_cast %squeeze3A_430 : i32 to index
      %swap3A_432 = arith.constant 0 : index
      %swap3A_433 = tpu.vector_load %arg9[%swap3A_431, %swap3A_432] {strides = array<i32>} : memref<64x64xf32, #tpu.memory_space<vmem>>, vector<1x16xf32>,
      %swap3A_434 = vector.shape_cast %swap3A_433 : vector<1x16xf32> to vector<16xf32>
      %swap3A_435 = vector.shape_cast %scan3A_427#0 : vector<16xf32> to vector<1x16xf32>
      tpu.vector_store %arg9[%swap3A_431, %swap3A_432], %swap3A_435 {add = true, strides = array<i32>} : memref<64x64xf32, #tpu.memory_space<vmem>>, vector<1x16xf32>,
      %swap3A_436 = arith.index_cast %squeeze3A_430 : i32 to index
      %swap3A_437 = arith.constant 16 : index
      %swap3A_438 = tpu.vector_load %arg9[%swap3A_436, %swap3A_437] {strides = array<i32>} : memref<64x64xf32, #tpu.memory_space<vmem>>, vector<1x16xf32>,
      %swap3A_439 = vector.shape_cast %swap3A_438 : vector<1x16xf32> to vector<16xf32>
      %swap3A_440 = vector.shape_cast %scan3A_427#1 : vector<16xf32> to vector<1x16xf32>
      tpu.vector_store %arg9[%swap3A_436, %swap3A_437], %swap3A_440 {add = true, strides = array<i32>} : memref<64x64xf32, #tpu.memory_space<vmem>>, vector<1x16xf32>,
      %swap3A_441 = arith.index_cast %squeeze3A_430 : i32 to index
      %swap3A_442 = arith.constant 32 : index
      %swap3A_443 = tpu.vector_load %arg9[%swap3A_441, %swap3A_442] {strides = array<i32>} : memref<64x64xf32, #tpu.memory_space<vmem>>, vector<1x16xf32>,
      %swap3A_444 = vector.shape_cast %swap3A_443 : vector<1x16xf32> to vector<16xf32>
      %swap3A_445 = vector.shape_cast %scan3A_427#2 : vector<16xf32> to vector<1x16xf32>
      tpu.vector_store %arg9[%swap3A_441, %swap3A_442], %swap3A_445 {add = true, strides = array<i32>} : memref<64x64xf32, #tpu.memory_space<vmem>>, vector<1x16xf32>,
      %swap3A_446 = arith.index_cast %squeeze3A_430 : i32 to index
      %swap3A_447 = arith.constant 48 : index
      %swap3A_448 = tpu.vector_load %arg9[%swap3A_446, %swap3A_447] {strides = array<i32>} : memref<64x64xf32, #tpu.memory_space<vmem>>, vector<1x16xf32>,
      %swap3A_449 = vector.shape_cast %swap3A_448 : vector<1x16xf32> to vector<16xf32>
      %swap3A_450 = vector.shape_cast %scan3A_427#3 : vector<16xf32> to vector<1x16xf32>
      tpu.vector_store %arg9[%swap3A_446, %swap3A_447], %swap3A_450 {add = true, strides = array<i32>} : memref<64x64xf32, #tpu.memory_space<vmem>>, vector<1x16xf32>,
      %mul3A_451 = arith.constant 16 : i32
      %mul3A_452 = arith.muli %scan3A_19, %mul3A_451 : i32
      %add3A_453 = arith.constant 13 : i32
      %add3A_454 = arith.addi %mul3A_452, %add3A_453 : i32
      %add3A_455 = arith.addi %add3A_4, %add3A_454 : i32
      "tpu.region"() ({
        %run_scoped3A = tpu.sem_alloc : memref<!tpu.dma_semaphore, #tpu.memory_space<semaphore_mem>>
        %dma_start3A = arith.constant 0 : i32
        %dma_start3A_551 = arith.constant 0 : i32
        %dma_start3A_552 = tpu.memref_slice %arg2[%add3A_455, %dma_start3A, %dma_start3A_551] : memref<4096x64x128xf32, #tpu.memory_space<hbm>> -> memref<1x64x128xf32, #tpu.memory_space<hbm>>
        %dma_start3A_553 = tpu.memref_squeeze %dma_start3A_552 : memref<1x64x128xf32, #tpu.memory_space<hbm>> -> memref<64x128xf32, #tpu.memory_space<hbm>>
        %dma_start3A_554 = arith.constant 0 : i32
        %dma_start3A_555 = arith.constant 0 : i32
        %dma_start3A_556 = tpu.memref_slice %arg2[%add3A_455, %dma_start3A_554, %dma_start3A_555] : memref<4096x64x128xf32, #tpu.memory_space<hbm>> -> memref<1x64x128xf32, #tpu.memory_space<hbm>>
        %dma_start3A_557 = tpu.memref_squeeze %dma_start3A_556 : memref<1x64x128xf32, #tpu.memory_space<hbm>> -> memref<64x128xf32, #tpu.memory_space<hbm>>
        tpu.enqueue_dma source(%dma_start3A_557 : memref<64x128xf32, #tpu.memory_space<hbm>>) target(%arg6 : memref<64x128xf32, #tpu.memory_space<vmem>>) target_semaphore(%run_scoped3A : memref<!tpu.dma_semaphore, #tpu.memory_space<semaphore_mem>>)
        %dma_wait3A = arith.constant 0 : i32
        %dma_wait3A_558 = arith.constant 0 : i32
        %dma_wait3A_559 = tpu.memref_slice %arg2[%add3A_455, %dma_wait3A, %dma_wait3A_558] : memref<4096x64x128xf32, #tpu.memory_space<hbm>> -> memref<1x64x128xf32, #tpu.memory_space<hbm>>
        %dma_wait3A_560 = tpu.memref_squeeze %dma_wait3A_559 : memref<1x64x128xf32, #tpu.memory_space<hbm>> -> memref<64x128xf32, #tpu.memory_space<hbm>>
        %dma_wait3A_561 = arith.constant 0 : i32
        %dma_wait3A_562 = arith.constant 0 : i32
        %dma_wait3A_563 = tpu.memref_slice %arg2[%add3A_455, %dma_wait3A_561, %dma_wait3A_562] : memref<4096x64x128xf32, #tpu.memory_space<hbm>> -> memref<1x64x128xf32, #tpu.memory_space<hbm>>
        %dma_wait3A_564 = tpu.memref_squeeze %dma_wait3A_563 : memref<1x64x128xf32, #tpu.memory_space<hbm>> -> memref<64x128xf32, #tpu.memory_space<hbm>>
        tpu.wait_dma2 semaphore(%run_scoped3A : memref<!tpu.dma_semaphore, #tpu.memory_space<semaphore_mem>>) src(%dma_wait3A_564 : memref<64x128xf32, #tpu.memory_space<hbm>>) dst(%arg6 : memref<64x128xf32, #tpu.memory_space<vmem>>)
        tpu.yield
      }) : () -> ()
      %scan3A_456 = arith.constant 0 : i32
      %scan3A_457 = arith.constant 64 : i32
      %scan3A_458 = arith.addi %scan3A_456, %scan3A_457 : i32
      %scan3A_459 = arith.constant 1 : i32
      %scan3A_460:4 = scf.for %scan3A_551 = %scan3A_456 to %scan3A_458 step %scan3A_459 iter_args(%scan3A_552 = %broadcast_in_dim3A_5, %scan3A_553 = %broadcast_in_dim3A_5, %scan3A_554 = %broadcast_in_dim3A_5, %scan3A_555 = %broadcast_in_dim3A_5) -> (vector<16xf32>, vector<16xf32>, vector<16xf32>, vector<16xf32>)  : i32 {
        %get3A_556 = arith.index_cast %scan3A_551 : i32 to index
        %get3A_557 = arith.constant 0 : index
        %get3A_558 = tpu.vector_load %arg6[%get3A_556, %get3A_557] {strides = array<i32>} : memref<64x128xf32, #tpu.memory_space<vmem>>, vector<1x16xf32>,
        %get3A_559 = vector.shape_cast %get3A_558 : vector<1x16xf32> to vector<16xf32>
        %get3A_560 = arith.index_cast %scan3A_551 : i32 to index
        %get3A_561 = arith.constant 16 : index
        %get3A_562 = tpu.vector_load %arg6[%get3A_560, %get3A_561] {strides = array<i32>} : memref<64x128xf32, #tpu.memory_space<vmem>>, vector<1x16xf32>,
        %get3A_563 = vector.shape_cast %get3A_562 : vector<1x16xf32> to vector<16xf32>
        %add3A_564 = arith.addf %get3A_559, %get3A_563 : vector<16xf32>
        %get3A_565 = arith.index_cast %scan3A_551 : i32 to index
        %get3A_566 = arith.constant 32 : index
        %get3A_567 = tpu.vector_load %arg6[%get3A_565, %get3A_566] {strides = array<i32>} : memref<64x128xf32, #tpu.memory_space<vmem>>, vector<1x16xf32>,
        %get3A_568 = vector.shape_cast %get3A_567 : vector<1x16xf32> to vector<16xf32>
        %add3A_569 = arith.addf %add3A_564, %get3A_568 : vector<16xf32>
        %get3A_570 = arith.index_cast %scan3A_551 : i32 to index
        %get3A_571 = arith.constant 48 : index
        %get3A_572 = tpu.vector_load %arg6[%get3A_570, %get3A_571] {strides = array<i32>} : memref<64x128xf32, #tpu.memory_space<vmem>>, vector<1x16xf32>,
        %get3A_573 = vector.shape_cast %get3A_572 : vector<1x16xf32> to vector<16xf32>
        %add3A_574 = arith.addf %add3A_569, %get3A_573 : vector<16xf32>
        %get3A_575 = arith.index_cast %scan3A_551 : i32 to index
        %get3A_576 = arith.constant 64 : index
        %get3A_577 = tpu.vector_load %arg6[%get3A_575, %get3A_576] {strides = array<i32>} : memref<64x128xf32, #tpu.memory_space<vmem>>, vector<1x16xf32>,
        %get3A_578 = vector.shape_cast %get3A_577 : vector<1x16xf32> to vector<16xf32>
        %add3A_579 = arith.addf %add3A_574, %get3A_578 : vector<16xf32>
        %get3A_580 = arith.index_cast %scan3A_551 : i32 to index
        %get3A_581 = arith.constant 80 : index
        %get3A_582 = tpu.vector_load %arg6[%get3A_580, %get3A_581] {strides = array<i32>} : memref<64x128xf32, #tpu.memory_space<vmem>>, vector<1x16xf32>,
        %get3A_583 = vector.shape_cast %get3A_582 : vector<1x16xf32> to vector<16xf32>
        %add3A_584 = arith.addf %add3A_579, %get3A_583 : vector<16xf32>
        %get3A_585 = arith.index_cast %scan3A_551 : i32 to index
        %get3A_586 = arith.constant 96 : index
        %get3A_587 = tpu.vector_load %arg6[%get3A_585, %get3A_586] {strides = array<i32>} : memref<64x128xf32, #tpu.memory_space<vmem>>, vector<1x16xf32>,
        %get3A_588 = vector.shape_cast %get3A_587 : vector<1x16xf32> to vector<16xf32>
        %add3A_589 = arith.addf %add3A_584, %get3A_588 : vector<16xf32>
        %get3A_590 = arith.index_cast %scan3A_551 : i32 to index
        %get3A_591 = arith.constant 112 : index
        %get3A_592 = tpu.vector_load %arg6[%get3A_590, %get3A_591] {strides = array<i32>} : memref<64x128xf32, #tpu.memory_space<vmem>>, vector<1x16xf32>,
        %get3A_593 = vector.shape_cast %get3A_592 : vector<1x16xf32> to vector<16xf32>
        %add3A_594 = arith.addf %add3A_589, %get3A_593 : vector<16xf32>
        %iota3A = tpu.iota {dimensions = array<i32: 0>} : vector<16xi32>
        %xor3A = arith.constant 8 : i32
        %xor3A_595 = vector.broadcast %xor3A : i32 to vector<16xi32>
        %xor3A_596 = arith.xori %iota3A, %xor3A_595 : vector<16xi32>
        %broadcast_in_dim3A_597 = vector.shape_cast %xor3A_596 : vector<16xi32> to vector<16x1xi32>
        %gather3A = vector.shape_cast %broadcast_in_dim3A_597 : vector<16x1xi32> to vector<16xi32>
        %gather3A_598 = tpu.dynamic_gather %add3A_594[%gather3A] in [0] : vector<16xf32>, vector<16xi32> -> vector<16xf32>
        %add3A_599 = arith.addf %add3A_594, %gather3A_598 : vector<16xf32>
        %xor3A_600 = arith.constant 4 : i32
        %xor3A_601 = vector.broadcast %xor3A_600 : i32 to vector<16xi32>
        %xor3A_602 = arith.xori %iota3A, %xor3A_601 : vector<16xi32>
        %broadcast_in_dim3A_603 = vector.shape_cast %xor3A_602 : vector<16xi32> to vector<16x1xi32>
        %gather3A_604 = vector.shape_cast %broadcast_in_dim3A_603 : vector<16x1xi32> to vector<16xi32>
        %gather3A_605 = tpu.dynamic_gather %add3A_599[%gather3A_604] in [0] : vector<16xf32>, vector<16xi32> -> vector<16xf32>
        %add3A_606 = arith.addf %add3A_599, %gather3A_605 : vector<16xf32>
        %xor3A_607 = arith.constant 2 : i32
        %xor3A_608 = vector.broadcast %xor3A_607 : i32 to vector<16xi32>
        %xor3A_609 = arith.xori %iota3A, %xor3A_608 : vector<16xi32>
        %broadcast_in_dim3A_610 = vector.shape_cast %xor3A_609 : vector<16xi32> to vector<16x1xi32>
        %gather3A_611 = vector.shape_cast %broadcast_in_dim3A_610 : vector<16x1xi32> to vector<16xi32>
        %gather3A_612 = tpu.dynamic_gather %add3A_606[%gather3A_611] in [0] : vector<16xf32>, vector<16xi32> -> vector<16xf32>
        %add3A_613 = arith.addf %add3A_606, %gather3A_612 : vector<16xf32>
        %xor3A_614 = arith.constant 1 : i32
        %xor3A_615 = vector.broadcast %xor3A_614 : i32 to vector<16xi32>
        %xor3A_616 = arith.xori %iota3A, %xor3A_615 : vector<16xi32>
        %broadcast_in_dim3A_617 = vector.shape_cast %xor3A_616 : vector<16xi32> to vector<16x1xi32>
        %gather3A_618 = vector.shape_cast %broadcast_in_dim3A_617 : vector<16x1xi32> to vector<16xi32>
        %gather3A_619 = tpu.dynamic_gather %add3A_613[%gather3A_618] in [0] : vector<16xf32>, vector<16xi32> -> vector<16xf32>
        %add3A_620 = arith.addf %add3A_613, %gather3A_619 : vector<16xf32>
        %get3A_621 = arith.index_cast %scan3A_551 : i32 to index
        %get3A_622 = arith.constant 0 : index
        %get3A_623 = tpu.vector_load %arg8[%get3A_621, %get3A_622] {strides = array<i32>} : memref<64x64xf32, #tpu.memory_space<vmem>>, vector<1x16xf32>,
        %get3A_624 = vector.shape_cast %get3A_623 : vector<1x16xf32> to vector<16xf32>
        %mul3A_625 = arith.mulf %add3A_620, %get3A_624 : vector<16xf32>
        %add3A_626 = arith.addf %scan3A_552, %mul3A_625 : vector<16xf32>
        %get3A_627 = arith.index_cast %scan3A_551 : i32 to index
        %get3A_628 = arith.constant 16 : index
        %get3A_629 = tpu.vector_load %arg8[%get3A_627, %get3A_628] {strides = array<i32>} : memref<64x64xf32, #tpu.memory_space<vmem>>, vector<1x16xf32>,
        %get3A_630 = vector.shape_cast %get3A_629 : vector<1x16xf32> to vector<16xf32>
        %mul3A_631 = arith.mulf %add3A_620, %get3A_630 : vector<16xf32>
        %add3A_632 = arith.addf %scan3A_553, %mul3A_631 : vector<16xf32>
        %get3A_633 = arith.index_cast %scan3A_551 : i32 to index
        %get3A_634 = arith.constant 32 : index
        %get3A_635 = tpu.vector_load %arg8[%get3A_633, %get3A_634] {strides = array<i32>} : memref<64x64xf32, #tpu.memory_space<vmem>>, vector<1x16xf32>,
        %get3A_636 = vector.shape_cast %get3A_635 : vector<1x16xf32> to vector<16xf32>
        %mul3A_637 = arith.mulf %add3A_620, %get3A_636 : vector<16xf32>
        %add3A_638 = arith.addf %scan3A_554, %mul3A_637 : vector<16xf32>
        %get3A_639 = arith.index_cast %scan3A_551 : i32 to index
        %get3A_640 = arith.constant 48 : index
        %get3A_641 = tpu.vector_load %arg8[%get3A_639, %get3A_640] {strides = array<i32>} : memref<64x64xf32, #tpu.memory_space<vmem>>, vector<1x16xf32>,
        %get3A_642 = vector.shape_cast %get3A_641 : vector<1x16xf32> to vector<16xf32>
        %mul3A_643 = arith.mulf %add3A_620, %get3A_642 : vector<16xf32>
        %add3A_644 = arith.addf %scan3A_555, %mul3A_643 : vector<16xf32>
        scf.yield %add3A_626, %add3A_632, %add3A_638, %add3A_644 : vector<16xf32>, vector<16xf32>, vector<16xf32>, vector<16xf32>
      }
      %scan3A_461 = arith.constant 64 : i32
      %slice3A_462 = vector.extract_strided_slice %get3A_24 {offsets = [13], sizes = [1], strides = [1]} : vector<16xi32> to vector<1xi32>
      %squeeze3A_463 = vector.extract %slice3A_462[0] : i32 from vector<1xi32>
      %swap3A_464 = arith.index_cast %squeeze3A_463 : i32 to index
      %swap3A_465 = arith.constant 0 : index
      %swap3A_466 = tpu.vector_load %arg9[%swap3A_464, %swap3A_465] {strides = array<i32>} : memref<64x64xf32, #tpu.memory_space<vmem>>, vector<1x16xf32>,
      %swap3A_467 = vector.shape_cast %swap3A_466 : vector<1x16xf32> to vector<16xf32>
      %swap3A_468 = vector.shape_cast %scan3A_460#0 : vector<16xf32> to vector<1x16xf32>
      tpu.vector_store %arg9[%swap3A_464, %swap3A_465], %swap3A_468 {add = true, strides = array<i32>} : memref<64x64xf32, #tpu.memory_space<vmem>>, vector<1x16xf32>,
      %swap3A_469 = arith.index_cast %squeeze3A_463 : i32 to index
      %swap3A_470 = arith.constant 16 : index
      %swap3A_471 = tpu.vector_load %arg9[%swap3A_469, %swap3A_470] {strides = array<i32>} : memref<64x64xf32, #tpu.memory_space<vmem>>, vector<1x16xf32>,
      %swap3A_472 = vector.shape_cast %swap3A_471 : vector<1x16xf32> to vector<16xf32>
      %swap3A_473 = vector.shape_cast %scan3A_460#1 : vector<16xf32> to vector<1x16xf32>
      tpu.vector_store %arg9[%swap3A_469, %swap3A_470], %swap3A_473 {add = true, strides = array<i32>} : memref<64x64xf32, #tpu.memory_space<vmem>>, vector<1x16xf32>,
      %swap3A_474 = arith.index_cast %squeeze3A_463 : i32 to index
      %swap3A_475 = arith.constant 32 : index
      %swap3A_476 = tpu.vector_load %arg9[%swap3A_474, %swap3A_475] {strides = array<i32>} : memref<64x64xf32, #tpu.memory_space<vmem>>, vector<1x16xf32>,
      %swap3A_477 = vector.shape_cast %swap3A_476 : vector<1x16xf32> to vector<16xf32>
      %swap3A_478 = vector.shape_cast %scan3A_460#2 : vector<16xf32> to vector<1x16xf32>
      tpu.vector_store %arg9[%swap3A_474, %swap3A_475], %swap3A_478 {add = true, strides = array<i32>} : memref<64x64xf32, #tpu.memory_space<vmem>>, vector<1x16xf32>,
      %swap3A_479 = arith.index_cast %squeeze3A_463 : i32 to index
      %swap3A_480 = arith.constant 48 : index
      %swap3A_481 = tpu.vector_load %arg9[%swap3A_479, %swap3A_480] {strides = array<i32>} : memref<64x64xf32, #tpu.memory_space<vmem>>, vector<1x16xf32>,
      %swap3A_482 = vector.shape_cast %swap3A_481 : vector<1x16xf32> to vector<16xf32>
      %swap3A_483 = vector.shape_cast %scan3A_460#3 : vector<16xf32> to vector<1x16xf32>
      tpu.vector_store %arg9[%swap3A_479, %swap3A_480], %swap3A_483 {add = true, strides = array<i32>} : memref<64x64xf32, #tpu.memory_space<vmem>>, vector<1x16xf32>,
      %mul3A_484 = arith.constant 16 : i32
      %mul3A_485 = arith.muli %scan3A_19, %mul3A_484 : i32
      %add3A_486 = arith.constant 14 : i32
      %add3A_487 = arith.addi %mul3A_485, %add3A_486 : i32
      %add3A_488 = arith.addi %add3A_4, %add3A_487 : i32
      "tpu.region"() ({
        %run_scoped3A = tpu.sem_alloc : memref<!tpu.dma_semaphore, #tpu.memory_space<semaphore_mem>>
        %dma_start3A = arith.constant 0 : i32
        %dma_start3A_551 = arith.constant 0 : i32
        %dma_start3A_552 = tpu.memref_slice %arg2[%add3A_488, %dma_start3A, %dma_start3A_551] : memref<4096x64x128xf32, #tpu.memory_space<hbm>> -> memref<1x64x128xf32, #tpu.memory_space<hbm>>
        %dma_start3A_553 = tpu.memref_squeeze %dma_start3A_552 : memref<1x64x128xf32, #tpu.memory_space<hbm>> -> memref<64x128xf32, #tpu.memory_space<hbm>>
        %dma_start3A_554 = arith.constant 0 : i32
        %dma_start3A_555 = arith.constant 0 : i32
        %dma_start3A_556 = tpu.memref_slice %arg2[%add3A_488, %dma_start3A_554, %dma_start3A_555] : memref<4096x64x128xf32, #tpu.memory_space<hbm>> -> memref<1x64x128xf32, #tpu.memory_space<hbm>>
        %dma_start3A_557 = tpu.memref_squeeze %dma_start3A_556 : memref<1x64x128xf32, #tpu.memory_space<hbm>> -> memref<64x128xf32, #tpu.memory_space<hbm>>
        tpu.enqueue_dma source(%dma_start3A_557 : memref<64x128xf32, #tpu.memory_space<hbm>>) target(%arg6 : memref<64x128xf32, #tpu.memory_space<vmem>>) target_semaphore(%run_scoped3A : memref<!tpu.dma_semaphore, #tpu.memory_space<semaphore_mem>>)
        %dma_wait3A = arith.constant 0 : i32
        %dma_wait3A_558 = arith.constant 0 : i32
        %dma_wait3A_559 = tpu.memref_slice %arg2[%add3A_488, %dma_wait3A, %dma_wait3A_558] : memref<4096x64x128xf32, #tpu.memory_space<hbm>> -> memref<1x64x128xf32, #tpu.memory_space<hbm>>
        %dma_wait3A_560 = tpu.memref_squeeze %dma_wait3A_559 : memref<1x64x128xf32, #tpu.memory_space<hbm>> -> memref<64x128xf32, #tpu.memory_space<hbm>>
        %dma_wait3A_561 = arith.constant 0 : i32
        %dma_wait3A_562 = arith.constant 0 : i32
        %dma_wait3A_563 = tpu.memref_slice %arg2[%add3A_488, %dma_wait3A_561, %dma_wait3A_562] : memref<4096x64x128xf32, #tpu.memory_space<hbm>> -> memref<1x64x128xf32, #tpu.memory_space<hbm>>
        %dma_wait3A_564 = tpu.memref_squeeze %dma_wait3A_563 : memref<1x64x128xf32, #tpu.memory_space<hbm>> -> memref<64x128xf32, #tpu.memory_space<hbm>>
        tpu.wait_dma2 semaphore(%run_scoped3A : memref<!tpu.dma_semaphore, #tpu.memory_space<semaphore_mem>>) src(%dma_wait3A_564 : memref<64x128xf32, #tpu.memory_space<hbm>>) dst(%arg6 : memref<64x128xf32, #tpu.memory_space<vmem>>)
        tpu.yield
      }) : () -> ()
      %scan3A_489 = arith.constant 0 : i32
      %scan3A_490 = arith.constant 64 : i32
      %scan3A_491 = arith.addi %scan3A_489, %scan3A_490 : i32
      %scan3A_492 = arith.constant 1 : i32
      %scan3A_493:4 = scf.for %scan3A_551 = %scan3A_489 to %scan3A_491 step %scan3A_492 iter_args(%scan3A_552 = %broadcast_in_dim3A_5, %scan3A_553 = %broadcast_in_dim3A_5, %scan3A_554 = %broadcast_in_dim3A_5, %scan3A_555 = %broadcast_in_dim3A_5) -> (vector<16xf32>, vector<16xf32>, vector<16xf32>, vector<16xf32>)  : i32 {
        %get3A_556 = arith.index_cast %scan3A_551 : i32 to index
        %get3A_557 = arith.constant 0 : index
        %get3A_558 = tpu.vector_load %arg6[%get3A_556, %get3A_557] {strides = array<i32>} : memref<64x128xf32, #tpu.memory_space<vmem>>, vector<1x16xf32>,
        %get3A_559 = vector.shape_cast %get3A_558 : vector<1x16xf32> to vector<16xf32>
        %get3A_560 = arith.index_cast %scan3A_551 : i32 to index
        %get3A_561 = arith.constant 16 : index
        %get3A_562 = tpu.vector_load %arg6[%get3A_560, %get3A_561] {strides = array<i32>} : memref<64x128xf32, #tpu.memory_space<vmem>>, vector<1x16xf32>,
        %get3A_563 = vector.shape_cast %get3A_562 : vector<1x16xf32> to vector<16xf32>
        %add3A_564 = arith.addf %get3A_559, %get3A_563 : vector<16xf32>
        %get3A_565 = arith.index_cast %scan3A_551 : i32 to index
        %get3A_566 = arith.constant 32 : index
        %get3A_567 = tpu.vector_load %arg6[%get3A_565, %get3A_566] {strides = array<i32>} : memref<64x128xf32, #tpu.memory_space<vmem>>, vector<1x16xf32>,
        %get3A_568 = vector.shape_cast %get3A_567 : vector<1x16xf32> to vector<16xf32>
        %add3A_569 = arith.addf %add3A_564, %get3A_568 : vector<16xf32>
        %get3A_570 = arith.index_cast %scan3A_551 : i32 to index
        %get3A_571 = arith.constant 48 : index
        %get3A_572 = tpu.vector_load %arg6[%get3A_570, %get3A_571] {strides = array<i32>} : memref<64x128xf32, #tpu.memory_space<vmem>>, vector<1x16xf32>,
        %get3A_573 = vector.shape_cast %get3A_572 : vector<1x16xf32> to vector<16xf32>
        %add3A_574 = arith.addf %add3A_569, %get3A_573 : vector<16xf32>
        %get3A_575 = arith.index_cast %scan3A_551 : i32 to index
        %get3A_576 = arith.constant 64 : index
        %get3A_577 = tpu.vector_load %arg6[%get3A_575, %get3A_576] {strides = array<i32>} : memref<64x128xf32, #tpu.memory_space<vmem>>, vector<1x16xf32>,
        %get3A_578 = vector.shape_cast %get3A_577 : vector<1x16xf32> to vector<16xf32>
        %add3A_579 = arith.addf %add3A_574, %get3A_578 : vector<16xf32>
        %get3A_580 = arith.index_cast %scan3A_551 : i32 to index
        %get3A_581 = arith.constant 80 : index
        %get3A_582 = tpu.vector_load %arg6[%get3A_580, %get3A_581] {strides = array<i32>} : memref<64x128xf32, #tpu.memory_space<vmem>>, vector<1x16xf32>,
        %get3A_583 = vector.shape_cast %get3A_582 : vector<1x16xf32> to vector<16xf32>
        %add3A_584 = arith.addf %add3A_579, %get3A_583 : vector<16xf32>
        %get3A_585 = arith.index_cast %scan3A_551 : i32 to index
        %get3A_586 = arith.constant 96 : index
        %get3A_587 = tpu.vector_load %arg6[%get3A_585, %get3A_586] {strides = array<i32>} : memref<64x128xf32, #tpu.memory_space<vmem>>, vector<1x16xf32>,
        %get3A_588 = vector.shape_cast %get3A_587 : vector<1x16xf32> to vector<16xf32>
        %add3A_589 = arith.addf %add3A_584, %get3A_588 : vector<16xf32>
        %get3A_590 = arith.index_cast %scan3A_551 : i32 to index
        %get3A_591 = arith.constant 112 : index
        %get3A_592 = tpu.vector_load %arg6[%get3A_590, %get3A_591] {strides = array<i32>} : memref<64x128xf32, #tpu.memory_space<vmem>>, vector<1x16xf32>,
        %get3A_593 = vector.shape_cast %get3A_592 : vector<1x16xf32> to vector<16xf32>
        %add3A_594 = arith.addf %add3A_589, %get3A_593 : vector<16xf32>
        %iota3A = tpu.iota {dimensions = array<i32: 0>} : vector<16xi32>
        %xor3A = arith.constant 8 : i32
        %xor3A_595 = vector.broadcast %xor3A : i32 to vector<16xi32>
        %xor3A_596 = arith.xori %iota3A, %xor3A_595 : vector<16xi32>
        %broadcast_in_dim3A_597 = vector.shape_cast %xor3A_596 : vector<16xi32> to vector<16x1xi32>
        %gather3A = vector.shape_cast %broadcast_in_dim3A_597 : vector<16x1xi32> to vector<16xi32>
        %gather3A_598 = tpu.dynamic_gather %add3A_594[%gather3A] in [0] : vector<16xf32>, vector<16xi32> -> vector<16xf32>
        %add3A_599 = arith.addf %add3A_594, %gather3A_598 : vector<16xf32>
        %xor3A_600 = arith.constant 4 : i32
        %xor3A_601 = vector.broadcast %xor3A_600 : i32 to vector<16xi32>
        %xor3A_602 = arith.xori %iota3A, %xor3A_601 : vector<16xi32>
        %broadcast_in_dim3A_603 = vector.shape_cast %xor3A_602 : vector<16xi32> to vector<16x1xi32>
        %gather3A_604 = vector.shape_cast %broadcast_in_dim3A_603 : vector<16x1xi32> to vector<16xi32>
        %gather3A_605 = tpu.dynamic_gather %add3A_599[%gather3A_604] in [0] : vector<16xf32>, vector<16xi32> -> vector<16xf32>
        %add3A_606 = arith.addf %add3A_599, %gather3A_605 : vector<16xf32>
        %xor3A_607 = arith.constant 2 : i32
        %xor3A_608 = vector.broadcast %xor3A_607 : i32 to vector<16xi32>
        %xor3A_609 = arith.xori %iota3A, %xor3A_608 : vector<16xi32>
        %broadcast_in_dim3A_610 = vector.shape_cast %xor3A_609 : vector<16xi32> to vector<16x1xi32>
        %gather3A_611 = vector.shape_cast %broadcast_in_dim3A_610 : vector<16x1xi32> to vector<16xi32>
        %gather3A_612 = tpu.dynamic_gather %add3A_606[%gather3A_611] in [0] : vector<16xf32>, vector<16xi32> -> vector<16xf32>
        %add3A_613 = arith.addf %add3A_606, %gather3A_612 : vector<16xf32>
        %xor3A_614 = arith.constant 1 : i32
        %xor3A_615 = vector.broadcast %xor3A_614 : i32 to vector<16xi32>
        %xor3A_616 = arith.xori %iota3A, %xor3A_615 : vector<16xi32>
        %broadcast_in_dim3A_617 = vector.shape_cast %xor3A_616 : vector<16xi32> to vector<16x1xi32>
        %gather3A_618 = vector.shape_cast %broadcast_in_dim3A_617 : vector<16x1xi32> to vector<16xi32>
        %gather3A_619 = tpu.dynamic_gather %add3A_613[%gather3A_618] in [0] : vector<16xf32>, vector<16xi32> -> vector<16xf32>
        %add3A_620 = arith.addf %add3A_613, %gather3A_619 : vector<16xf32>
        %get3A_621 = arith.index_cast %scan3A_551 : i32 to index
        %get3A_622 = arith.constant 0 : index
        %get3A_623 = tpu.vector_load %arg8[%get3A_621, %get3A_622] {strides = array<i32>} : memref<64x64xf32, #tpu.memory_space<vmem>>, vector<1x16xf32>,
        %get3A_624 = vector.shape_cast %get3A_623 : vector<1x16xf32> to vector<16xf32>
        %mul3A_625 = arith.mulf %add3A_620, %get3A_624 : vector<16xf32>
        %add3A_626 = arith.addf %scan3A_552, %mul3A_625 : vector<16xf32>
        %get3A_627 = arith.index_cast %scan3A_551 : i32 to index
        %get3A_628 = arith.constant 16 : index
        %get3A_629 = tpu.vector_load %arg8[%get3A_627, %get3A_628] {strides = array<i32>} : memref<64x64xf32, #tpu.memory_space<vmem>>, vector<1x16xf32>,
        %get3A_630 = vector.shape_cast %get3A_629 : vector<1x16xf32> to vector<16xf32>
        %mul3A_631 = arith.mulf %add3A_620, %get3A_630 : vector<16xf32>
        %add3A_632 = arith.addf %scan3A_553, %mul3A_631 : vector<16xf32>
        %get3A_633 = arith.index_cast %scan3A_551 : i32 to index
        %get3A_634 = arith.constant 32 : index
        %get3A_635 = tpu.vector_load %arg8[%get3A_633, %get3A_634] {strides = array<i32>} : memref<64x64xf32, #tpu.memory_space<vmem>>, vector<1x16xf32>,
        %get3A_636 = vector.shape_cast %get3A_635 : vector<1x16xf32> to vector<16xf32>
        %mul3A_637 = arith.mulf %add3A_620, %get3A_636 : vector<16xf32>
        %add3A_638 = arith.addf %scan3A_554, %mul3A_637 : vector<16xf32>
        %get3A_639 = arith.index_cast %scan3A_551 : i32 to index
        %get3A_640 = arith.constant 48 : index
        %get3A_641 = tpu.vector_load %arg8[%get3A_639, %get3A_640] {strides = array<i32>} : memref<64x64xf32, #tpu.memory_space<vmem>>, vector<1x16xf32>,
        %get3A_642 = vector.shape_cast %get3A_641 : vector<1x16xf32> to vector<16xf32>
        %mul3A_643 = arith.mulf %add3A_620, %get3A_642 : vector<16xf32>
        %add3A_644 = arith.addf %scan3A_555, %mul3A_643 : vector<16xf32>
        scf.yield %add3A_626, %add3A_632, %add3A_638, %add3A_644 : vector<16xf32>, vector<16xf32>, vector<16xf32>, vector<16xf32>
      }
      %scan3A_494 = arith.constant 64 : i32
      %slice3A_495 = vector.extract_strided_slice %get3A_24 {offsets = [14], sizes = [1], strides = [1]} : vector<16xi32> to vector<1xi32>
      %squeeze3A_496 = vector.extract %slice3A_495[0] : i32 from vector<1xi32>
      %swap3A_497 = arith.index_cast %squeeze3A_496 : i32 to index
      %swap3A_498 = arith.constant 0 : index
      %swap3A_499 = tpu.vector_load %arg9[%swap3A_497, %swap3A_498] {strides = array<i32>} : memref<64x64xf32, #tpu.memory_space<vmem>>, vector<1x16xf32>,
      %swap3A_500 = vector.shape_cast %swap3A_499 : vector<1x16xf32> to vector<16xf32>
      %swap3A_501 = vector.shape_cast %scan3A_493#0 : vector<16xf32> to vector<1x16xf32>
      tpu.vector_store %arg9[%swap3A_497, %swap3A_498], %swap3A_501 {add = true, strides = array<i32>} : memref<64x64xf32, #tpu.memory_space<vmem>>, vector<1x16xf32>,
      %swap3A_502 = arith.index_cast %squeeze3A_496 : i32 to index
      %swap3A_503 = arith.constant 16 : index
      %swap3A_504 = tpu.vector_load %arg9[%swap3A_502, %swap3A_503] {strides = array<i32>} : memref<64x64xf32, #tpu.memory_space<vmem>>, vector<1x16xf32>,
      %swap3A_505 = vector.shape_cast %swap3A_504 : vector<1x16xf32> to vector<16xf32>
      %swap3A_506 = vector.shape_cast %scan3A_493#1 : vector<16xf32> to vector<1x16xf32>
      tpu.vector_store %arg9[%swap3A_502, %swap3A_503], %swap3A_506 {add = true, strides = array<i32>} : memref<64x64xf32, #tpu.memory_space<vmem>>, vector<1x16xf32>,
      %swap3A_507 = arith.index_cast %squeeze3A_496 : i32 to index
      %swap3A_508 = arith.constant 32 : index
      %swap3A_509 = tpu.vector_load %arg9[%swap3A_507, %swap3A_508] {strides = array<i32>} : memref<64x64xf32, #tpu.memory_space<vmem>>, vector<1x16xf32>,
      %swap3A_510 = vector.shape_cast %swap3A_509 : vector<1x16xf32> to vector<16xf32>
      %swap3A_511 = vector.shape_cast %scan3A_493#2 : vector<16xf32> to vector<1x16xf32>
      tpu.vector_store %arg9[%swap3A_507, %swap3A_508], %swap3A_511 {add = true, strides = array<i32>} : memref<64x64xf32, #tpu.memory_space<vmem>>, vector<1x16xf32>,
      %swap3A_512 = arith.index_cast %squeeze3A_496 : i32 to index
      %swap3A_513 = arith.constant 48 : index
      %swap3A_514 = tpu.vector_load %arg9[%swap3A_512, %swap3A_513] {strides = array<i32>} : memref<64x64xf32, #tpu.memory_space<vmem>>, vector<1x16xf32>,
      %swap3A_515 = vector.shape_cast %swap3A_514 : vector<1x16xf32> to vector<16xf32>
      %swap3A_516 = vector.shape_cast %scan3A_493#3 : vector<16xf32> to vector<1x16xf32>
      tpu.vector_store %arg9[%swap3A_512, %swap3A_513], %swap3A_516 {add = true, strides = array<i32>} : memref<64x64xf32, #tpu.memory_space<vmem>>, vector<1x16xf32>,
      %mul3A_517 = arith.constant 16 : i32
      %mul3A_518 = arith.muli %scan3A_19, %mul3A_517 : i32
      %add3A_519 = arith.constant 15 : i32
      %add3A_520 = arith.addi %mul3A_518, %add3A_519 : i32
      %add3A_521 = arith.addi %add3A_4, %add3A_520 : i32
      "tpu.region"() ({
        %run_scoped3A = tpu.sem_alloc : memref<!tpu.dma_semaphore, #tpu.memory_space<semaphore_mem>>
        %dma_start3A = arith.constant 0 : i32
        %dma_start3A_551 = arith.constant 0 : i32
        %dma_start3A_552 = tpu.memref_slice %arg2[%add3A_521, %dma_start3A, %dma_start3A_551] : memref<4096x64x128xf32, #tpu.memory_space<hbm>> -> memref<1x64x128xf32, #tpu.memory_space<hbm>>
        %dma_start3A_553 = tpu.memref_squeeze %dma_start3A_552 : memref<1x64x128xf32, #tpu.memory_space<hbm>> -> memref<64x128xf32, #tpu.memory_space<hbm>>
        %dma_start3A_554 = arith.constant 0 : i32
        %dma_start3A_555 = arith.constant 0 : i32
        %dma_start3A_556 = tpu.memref_slice %arg2[%add3A_521, %dma_start3A_554, %dma_start3A_555] : memref<4096x64x128xf32, #tpu.memory_space<hbm>> -> memref<1x64x128xf32, #tpu.memory_space<hbm>>
        %dma_start3A_557 = tpu.memref_squeeze %dma_start3A_556 : memref<1x64x128xf32, #tpu.memory_space<hbm>> -> memref<64x128xf32, #tpu.memory_space<hbm>>
        tpu.enqueue_dma source(%dma_start3A_557 : memref<64x128xf32, #tpu.memory_space<hbm>>) target(%arg6 : memref<64x128xf32, #tpu.memory_space<vmem>>) target_semaphore(%run_scoped3A : memref<!tpu.dma_semaphore, #tpu.memory_space<semaphore_mem>>)
        %dma_wait3A = arith.constant 0 : i32
        %dma_wait3A_558 = arith.constant 0 : i32
        %dma_wait3A_559 = tpu.memref_slice %arg2[%add3A_521, %dma_wait3A, %dma_wait3A_558] : memref<4096x64x128xf32, #tpu.memory_space<hbm>> -> memref<1x64x128xf32, #tpu.memory_space<hbm>>
        %dma_wait3A_560 = tpu.memref_squeeze %dma_wait3A_559 : memref<1x64x128xf32, #tpu.memory_space<hbm>> -> memref<64x128xf32, #tpu.memory_space<hbm>>
        %dma_wait3A_561 = arith.constant 0 : i32
        %dma_wait3A_562 = arith.constant 0 : i32
        %dma_wait3A_563 = tpu.memref_slice %arg2[%add3A_521, %dma_wait3A_561, %dma_wait3A_562] : memref<4096x64x128xf32, #tpu.memory_space<hbm>> -> memref<1x64x128xf32, #tpu.memory_space<hbm>>
        %dma_wait3A_564 = tpu.memref_squeeze %dma_wait3A_563 : memref<1x64x128xf32, #tpu.memory_space<hbm>> -> memref<64x128xf32, #tpu.memory_space<hbm>>
        tpu.wait_dma2 semaphore(%run_scoped3A : memref<!tpu.dma_semaphore, #tpu.memory_space<semaphore_mem>>) src(%dma_wait3A_564 : memref<64x128xf32, #tpu.memory_space<hbm>>) dst(%arg6 : memref<64x128xf32, #tpu.memory_space<vmem>>)
        tpu.yield
      }) : () -> ()
      %scan3A_522 = arith.constant 0 : i32
      %scan3A_523 = arith.constant 64 : i32
      %scan3A_524 = arith.addi %scan3A_522, %scan3A_523 : i32
      %scan3A_525 = arith.constant 1 : i32
      %scan3A_526:4 = scf.for %scan3A_551 = %scan3A_522 to %scan3A_524 step %scan3A_525 iter_args(%scan3A_552 = %broadcast_in_dim3A_5, %scan3A_553 = %broadcast_in_dim3A_5, %scan3A_554 = %broadcast_in_dim3A_5, %scan3A_555 = %broadcast_in_dim3A_5) -> (vector<16xf32>, vector<16xf32>, vector<16xf32>, vector<16xf32>)  : i32 {
        %get3A_556 = arith.index_cast %scan3A_551 : i32 to index
        %get3A_557 = arith.constant 0 : index
        %get3A_558 = tpu.vector_load %arg6[%get3A_556, %get3A_557] {strides = array<i32>} : memref<64x128xf32, #tpu.memory_space<vmem>>, vector<1x16xf32>,
        %get3A_559 = vector.shape_cast %get3A_558 : vector<1x16xf32> to vector<16xf32>
        %get3A_560 = arith.index_cast %scan3A_551 : i32 to index
        %get3A_561 = arith.constant 16 : index
        %get3A_562 = tpu.vector_load %arg6[%get3A_560, %get3A_561] {strides = array<i32>} : memref<64x128xf32, #tpu.memory_space<vmem>>, vector<1x16xf32>,
        %get3A_563 = vector.shape_cast %get3A_562 : vector<1x16xf32> to vector<16xf32>
        %add3A_564 = arith.addf %get3A_559, %get3A_563 : vector<16xf32>
        %get3A_565 = arith.index_cast %scan3A_551 : i32 to index
        %get3A_566 = arith.constant 32 : index
        %get3A_567 = tpu.vector_load %arg6[%get3A_565, %get3A_566] {strides = array<i32>} : memref<64x128xf32, #tpu.memory_space<vmem>>, vector<1x16xf32>,
        %get3A_568 = vector.shape_cast %get3A_567 : vector<1x16xf32> to vector<16xf32>
        %add3A_569 = arith.addf %add3A_564, %get3A_568 : vector<16xf32>
        %get3A_570 = arith.index_cast %scan3A_551 : i32 to index
        %get3A_571 = arith.constant 48 : index
        %get3A_572 = tpu.vector_load %arg6[%get3A_570, %get3A_571] {strides = array<i32>} : memref<64x128xf32, #tpu.memory_space<vmem>>, vector<1x16xf32>,
        %get3A_573 = vector.shape_cast %get3A_572 : vector<1x16xf32> to vector<16xf32>
        %add3A_574 = arith.addf %add3A_569, %get3A_573 : vector<16xf32>
        %get3A_575 = arith.index_cast %scan3A_551 : i32 to index
        %get3A_576 = arith.constant 64 : index
        %get3A_577 = tpu.vector_load %arg6[%get3A_575, %get3A_576] {strides = array<i32>} : memref<64x128xf32, #tpu.memory_space<vmem>>, vector<1x16xf32>,
        %get3A_578 = vector.shape_cast %get3A_577 : vector<1x16xf32> to vector<16xf32>
        %add3A_579 = arith.addf %add3A_574, %get3A_578 : vector<16xf32>
        %get3A_580 = arith.index_cast %scan3A_551 : i32 to index
        %get3A_581 = arith.constant 80 : index
        %get3A_582 = tpu.vector_load %arg6[%get3A_580, %get3A_581] {strides = array<i32>} : memref<64x128xf32, #tpu.memory_space<vmem>>, vector<1x16xf32>,
        %get3A_583 = vector.shape_cast %get3A_582 : vector<1x16xf32> to vector<16xf32>
        %add3A_584 = arith.addf %add3A_579, %get3A_583 : vector<16xf32>
        %get3A_585 = arith.index_cast %scan3A_551 : i32 to index
        %get3A_586 = arith.constant 96 : index
        %get3A_587 = tpu.vector_load %arg6[%get3A_585, %get3A_586] {strides = array<i32>} : memref<64x128xf32, #tpu.memory_space<vmem>>, vector<1x16xf32>,
        %get3A_588 = vector.shape_cast %get3A_587 : vector<1x16xf32> to vector<16xf32>
        %add3A_589 = arith.addf %add3A_584, %get3A_588 : vector<16xf32>
        %get3A_590 = arith.index_cast %scan3A_551 : i32 to index
        %get3A_591 = arith.constant 112 : index
        %get3A_592 = tpu.vector_load %arg6[%get3A_590, %get3A_591] {strides = array<i32>} : memref<64x128xf32, #tpu.memory_space<vmem>>, vector<1x16xf32>,
        %get3A_593 = vector.shape_cast %get3A_592 : vector<1x16xf32> to vector<16xf32>
        %add3A_594 = arith.addf %add3A_589, %get3A_593 : vector<16xf32>
        %iota3A = tpu.iota {dimensions = array<i32: 0>} : vector<16xi32>
        %xor3A = arith.constant 8 : i32
        %xor3A_595 = vector.broadcast %xor3A : i32 to vector<16xi32>
        %xor3A_596 = arith.xori %iota3A, %xor3A_595 : vector<16xi32>
        %broadcast_in_dim3A_597 = vector.shape_cast %xor3A_596 : vector<16xi32> to vector<16x1xi32>
        %gather3A = vector.shape_cast %broadcast_in_dim3A_597 : vector<16x1xi32> to vector<16xi32>
        %gather3A_598 = tpu.dynamic_gather %add3A_594[%gather3A] in [0] : vector<16xf32>, vector<16xi32> -> vector<16xf32>
        %add3A_599 = arith.addf %add3A_594, %gather3A_598 : vector<16xf32>
        %xor3A_600 = arith.constant 4 : i32
        %xor3A_601 = vector.broadcast %xor3A_600 : i32 to vector<16xi32>
        %xor3A_602 = arith.xori %iota3A, %xor3A_601 : vector<16xi32>
        %broadcast_in_dim3A_603 = vector.shape_cast %xor3A_602 : vector<16xi32> to vector<16x1xi32>
        %gather3A_604 = vector.shape_cast %broadcast_in_dim3A_603 : vector<16x1xi32> to vector<16xi32>
        %gather3A_605 = tpu.dynamic_gather %add3A_599[%gather3A_604] in [0] : vector<16xf32>, vector<16xi32> -> vector<16xf32>
        %add3A_606 = arith.addf %add3A_599, %gather3A_605 : vector<16xf32>
        %xor3A_607 = arith.constant 2 : i32
        %xor3A_608 = vector.broadcast %xor3A_607 : i32 to vector<16xi32>
        %xor3A_609 = arith.xori %iota3A, %xor3A_608 : vector<16xi32>
        %broadcast_in_dim3A_610 = vector.shape_cast %xor3A_609 : vector<16xi32> to vector<16x1xi32>
        %gather3A_611 = vector.shape_cast %broadcast_in_dim3A_610 : vector<16x1xi32> to vector<16xi32>
        %gather3A_612 = tpu.dynamic_gather %add3A_606[%gather3A_611] in [0] : vector<16xf32>, vector<16xi32> -> vector<16xf32>
        %add3A_613 = arith.addf %add3A_606, %gather3A_612 : vector<16xf32>
        %xor3A_614 = arith.constant 1 : i32
        %xor3A_615 = vector.broadcast %xor3A_614 : i32 to vector<16xi32>
        %xor3A_616 = arith.xori %iota3A, %xor3A_615 : vector<16xi32>
        %broadcast_in_dim3A_617 = vector.shape_cast %xor3A_616 : vector<16xi32> to vector<16x1xi32>
        %gather3A_618 = vector.shape_cast %broadcast_in_dim3A_617 : vector<16x1xi32> to vector<16xi32>
        %gather3A_619 = tpu.dynamic_gather %add3A_613[%gather3A_618] in [0] : vector<16xf32>, vector<16xi32> -> vector<16xf32>
        %add3A_620 = arith.addf %add3A_613, %gather3A_619 : vector<16xf32>
        %get3A_621 = arith.index_cast %scan3A_551 : i32 to index
        %get3A_622 = arith.constant 0 : index
        %get3A_623 = tpu.vector_load %arg8[%get3A_621, %get3A_622] {strides = array<i32>} : memref<64x64xf32, #tpu.memory_space<vmem>>, vector<1x16xf32>,
        %get3A_624 = vector.shape_cast %get3A_623 : vector<1x16xf32> to vector<16xf32>
        %mul3A_625 = arith.mulf %add3A_620, %get3A_624 : vector<16xf32>
        %add3A_626 = arith.addf %scan3A_552, %mul3A_625 : vector<16xf32>
        %get3A_627 = arith.index_cast %scan3A_551 : i32 to index
        %get3A_628 = arith.constant 16 : index
        %get3A_629 = tpu.vector_load %arg8[%get3A_627, %get3A_628] {strides = array<i32>} : memref<64x64xf32, #tpu.memory_space<vmem>>, vector<1x16xf32>,
        %get3A_630 = vector.shape_cast %get3A_629 : vector<1x16xf32> to vector<16xf32>
        %mul3A_631 = arith.mulf %add3A_620, %get3A_630 : vector<16xf32>
        %add3A_632 = arith.addf %scan3A_553, %mul3A_631 : vector<16xf32>
        %get3A_633 = arith.index_cast %scan3A_551 : i32 to index
        %get3A_634 = arith.constant 32 : index
        %get3A_635 = tpu.vector_load %arg8[%get3A_633, %get3A_634] {strides = array<i32>} : memref<64x64xf32, #tpu.memory_space<vmem>>, vector<1x16xf32>,
        %get3A_636 = vector.shape_cast %get3A_635 : vector<1x16xf32> to vector<16xf32>
        %mul3A_637 = arith.mulf %add3A_620, %get3A_636 : vector<16xf32>
        %add3A_638 = arith.addf %scan3A_554, %mul3A_637 : vector<16xf32>
        %get3A_639 = arith.index_cast %scan3A_551 : i32 to index
        %get3A_640 = arith.constant 48 : index
        %get3A_641 = tpu.vector_load %arg8[%get3A_639, %get3A_640] {strides = array<i32>} : memref<64x64xf32, #tpu.memory_space<vmem>>, vector<1x16xf32>,
        %get3A_642 = vector.shape_cast %get3A_641 : vector<1x16xf32> to vector<16xf32>
        %mul3A_643 = arith.mulf %add3A_620, %get3A_642 : vector<16xf32>
        %add3A_644 = arith.addf %scan3A_555, %mul3A_643 : vector<16xf32>
        scf.yield %add3A_626, %add3A_632, %add3A_638, %add3A_644 : vector<16xf32>, vector<16xf32>, vector<16xf32>, vector<16xf32>
      }
      %scan3A_527 = arith.constant 64 : i32
      %slice3A_528 = vector.extract_strided_slice %get3A_24 {offsets = [15], sizes = [1], strides = [1]} : vector<16xi32> to vector<1xi32>
      %squeeze3A_529 = vector.extract %slice3A_528[0] : i32 from vector<1xi32>
      %swap3A_530 = arith.index_cast %squeeze3A_529 : i32 to index
      %swap3A_531 = arith.constant 0 : index
      %swap3A_532 = tpu.vector_load %arg9[%swap3A_530, %swap3A_531] {strides = array<i32>} : memref<64x64xf32, #tpu.memory_space<vmem>>, vector<1x16xf32>,
      %swap3A_533 = vector.shape_cast %swap3A_532 : vector<1x16xf32> to vector<16xf32>
      %swap3A_534 = vector.shape_cast %scan3A_526#0 : vector<16xf32> to vector<1x16xf32>
      tpu.vector_store %arg9[%swap3A_530, %swap3A_531], %swap3A_534 {add = true, strides = array<i32>} : memref<64x64xf32, #tpu.memory_space<vmem>>, vector<1x16xf32>,
      %swap3A_535 = arith.index_cast %squeeze3A_529 : i32 to index
      %swap3A_536 = arith.constant 16 : index
      %swap3A_537 = tpu.vector_load %arg9[%swap3A_535, %swap3A_536] {strides = array<i32>} : memref<64x64xf32, #tpu.memory_space<vmem>>, vector<1x16xf32>,
      %swap3A_538 = vector.shape_cast %swap3A_537 : vector<1x16xf32> to vector<16xf32>
      %swap3A_539 = vector.shape_cast %scan3A_526#1 : vector<16xf32> to vector<1x16xf32>
      tpu.vector_store %arg9[%swap3A_535, %swap3A_536], %swap3A_539 {add = true, strides = array<i32>} : memref<64x64xf32, #tpu.memory_space<vmem>>, vector<1x16xf32>,
      %swap3A_540 = arith.index_cast %squeeze3A_529 : i32 to index
      %swap3A_541 = arith.constant 32 : index
      %swap3A_542 = tpu.vector_load %arg9[%swap3A_540, %swap3A_541] {strides = array<i32>} : memref<64x64xf32, #tpu.memory_space<vmem>>, vector<1x16xf32>,
      %swap3A_543 = vector.shape_cast %swap3A_542 : vector<1x16xf32> to vector<16xf32>
      %swap3A_544 = vector.shape_cast %scan3A_526#2 : vector<16xf32> to vector<1x16xf32>
      tpu.vector_store %arg9[%swap3A_540, %swap3A_541], %swap3A_544 {add = true, strides = array<i32>} : memref<64x64xf32, #tpu.memory_space<vmem>>, vector<1x16xf32>,
      %swap3A_545 = arith.index_cast %squeeze3A_529 : i32 to index
      %swap3A_546 = arith.constant 48 : index
      %swap3A_547 = tpu.vector_load %arg9[%swap3A_545, %swap3A_546] {strides = array<i32>} : memref<64x64xf32, #tpu.memory_space<vmem>>, vector<1x16xf32>,
      %swap3A_548 = vector.shape_cast %swap3A_547 : vector<1x16xf32> to vector<16xf32>
      %swap3A_549 = vector.shape_cast %scan3A_526#3 : vector<16xf32> to vector<1x16xf32>
      tpu.vector_store %arg9[%swap3A_545, %swap3A_546], %swap3A_549 {add = true, strides = array<i32>} : memref<64x64xf32, #tpu.memory_space<vmem>>, vector<1x16xf32>,
      %scan3A_550 = arith.constant 0 : i32
      scf.yield %scan3A_550 : i32
    }
    %scan3A_18 = arith.constant 2 : i32
    "tpu.region"() ({
      %run_scoped3A = tpu.sem_alloc : memref<!tpu.dma_semaphore, #tpu.memory_space<semaphore_mem>>
      %dma_start3A = arith.constant 0 : i32
      %dma_start3A_19 = arith.constant 0 : i32
      %dma_start3A_20 = tpu.memref_slice %arg5[%add3A, %dma_start3A, %dma_start3A_19] : memref<32x64x64xf32, #tpu.memory_space<hbm>> -> memref<1x64x64xf32, #tpu.memory_space<hbm>>
      %dma_start3A_21 = tpu.memref_squeeze %dma_start3A_20 : memref<1x64x64xf32, #tpu.memory_space<hbm>> -> memref<64x64xf32, #tpu.memory_space<hbm>>
      %dma_start3A_22 = arith.constant 0 : i32
      %dma_start3A_23 = arith.constant 0 : i32
      %dma_start3A_24 = tpu.memref_slice %arg5[%add3A, %dma_start3A_22, %dma_start3A_23] : memref<32x64x64xf32, #tpu.memory_space<hbm>> -> memref<1x64x64xf32, #tpu.memory_space<hbm>>
      %dma_start3A_25 = tpu.memref_squeeze %dma_start3A_24 : memref<1x64x64xf32, #tpu.memory_space<hbm>> -> memref<64x64xf32, #tpu.memory_space<hbm>>
      tpu.enqueue_dma source(%arg9 : memref<64x64xf32, #tpu.memory_space<vmem>>) target(%dma_start3A_25 : memref<64x64xf32, #tpu.memory_space<hbm>>) target_semaphore(%run_scoped3A : memref<!tpu.dma_semaphore, #tpu.memory_space<semaphore_mem>>)
      %dma_wait3A = arith.constant 0 : i32
      %dma_wait3A_26 = arith.constant 0 : i32
      %dma_wait3A_27 = tpu.memref_slice %arg5[%add3A, %dma_wait3A, %dma_wait3A_26] : memref<32x64x64xf32, #tpu.memory_space<hbm>> -> memref<1x64x64xf32, #tpu.memory_space<hbm>>
      %dma_wait3A_28 = tpu.memref_squeeze %dma_wait3A_27 : memref<1x64x64xf32, #tpu.memory_space<hbm>> -> memref<64x64xf32, #tpu.memory_space<hbm>>
      %dma_wait3A_29 = arith.constant 0 : i32
      %dma_wait3A_30 = arith.constant 0 : i32
      %dma_wait3A_31 = tpu.memref_slice %arg5[%add3A, %dma_wait3A_29, %dma_wait3A_30] : memref<32x64x64xf32, #tpu.memory_space<hbm>> -> memref<1x64x64xf32, #tpu.memory_space<hbm>>
      %dma_wait3A_32 = tpu.memref_squeeze %dma_wait3A_31 : memref<1x64x64xf32, #tpu.memory_space<hbm>> -> memref<64x64xf32, #tpu.memory_space<hbm>>
      tpu.wait_dma2 semaphore(%run_scoped3A : memref<!tpu.dma_semaphore, #tpu.memory_space<semaphore_mem>>) src(%arg9 : memref<64x64xf32, #tpu.memory_space<vmem>>) dst(%dma_wait3A_32 : memref<64x64xf32, #tpu.memory_space<hbm>>)
      tpu.yield
    }) : () -> ()
    return
  }
}

module attributes {stable_mosaic.version = 14 : i64} {
  func.func @_support_body(%arg0: i32, %arg1: memref<1x1x256xi32, #tpu.memory_space<vmem>>, %arg2: memref<256x64x128xf32, #tpu.memory_space<vmem>>, %arg3: memref<64x64xf32, #tpu.memory_space<vmem>>, %arg4: memref<64x64xf32, #tpu.memory_space<vmem>>, %arg5: memref<64x1xf32, #tpu.memory_space<vmem>>) attributes {dimension_semantics = [#tpu.dimension_semantics<arbitrary>], iteration_bounds = array<i64: 16>, scalar_prefetch = 0 : i64, scratch_operands = 0 : i64, tpu.core_type = #tpu.core_type<tc>, window_params = [{transform_indices = @transform_0, window_bounds = array<i64: 1, 1, 256>}, {transform_indices = @transform_1, window_bounds = array<i64: 256, 64, 128>}, {pipeline_mode = #tpu.pipeline_mode<synchronous>, transform_indices = @transform_2, window_bounds = array<i64: 64, 64>}, {pipeline_mode = #tpu.pipeline_mode<synchronous>, transform_indices = @transform_3, window_bounds = array<i64: 64, 64>}, {pipeline_mode = #tpu.pipeline_mode<synchronous>, transform_indices = @transform_4, window_bounds = array<i64: 64, 1>}]} {
    %get3A = arith.constant 0 : index
    %get3A_0 = arith.constant 0 : index
    %get3A_1 = arith.constant 0 : index
    %get3A_2 = vector.load %arg1[%get3A, %get3A_0, %get3A_1] : memref<1x1x256xi32, #tpu.memory_space<vmem>>, vector<1x1x256xi32>
    %get3A_3 = vector.shape_cast %get3A_2 : vector<1x1x256xi32> to vector<256xi32>
    %broadcast_in_dim3A = vector.shape_cast %get3A_3 : vector<256xi32> to vector<256x1xi32>
    %iota3A = tpu.iota {dimensions = array<i32: 1>} : vector<256x64xi32>
    %eq3A = vector.broadcast %broadcast_in_dim3A : vector<256x1xi32> to vector<256x64xi32>
    %eq3A_4 = arith.cmpi eq, %eq3A, %iota3A : vector<256x64xi32>
    %convert_element_type3A = arith.extui %eq3A_4 : vector<256x64xi1> to vector<256x64xi32>
    %convert_element_type3A_5 = arith.sitofp %convert_element_type3A : vector<256x64xi32> to vector<256x64xf32>
    %broadcast_in_dim3A_6 = arith.constant 1.000000e+00 : f32
    %broadcast_in_dim3A_7 = vector.broadcast %broadcast_in_dim3A_6 : f32 to vector<256x1xf32>
    %dot_general3A = arith.constant dense<0.000000e+00> : vector<64x1xf32>
    %dot_general3A_8 = tpu.matmul %convert_element_type3A_5, %broadcast_in_dim3A_7, %dot_general3A {dimension_numbers = #tpu.dot_dimension_numbers<[0], [0], [1], [1], [0, 1, 1, 1], [], []>, transpose_lhs_hint = false} : vector<256x64xf32>, vector<256x1xf32>, vector<64x1xf32> -> vector<64x1xf32>
    %eq3A_9 = arith.constant 0 : i32
    %eq3A_10 = arith.cmpi eq, %arg0, %eq3A_9 : i32
    %convert_element_type3A_11 = arith.extui %eq3A_10 : i1 to i32
    %cond3A = arith.constant 0 : i32
    %cond3A_12 = arith.cmpi ne, %convert_element_type3A_11, %cond3A : i32
    scf.if %cond3A_12 {
      %broadcast_in_dim3A_21 = arith.constant 0.000000e+00 : f32
      %broadcast_in_dim3A_22 = vector.broadcast %broadcast_in_dim3A_21 : f32 to vector<64x64xf32>
      %swap3A = arith.constant 0 : index
      %swap3A_23 = arith.constant 0 : index
      %swap3A_24 = vector.load %arg4[%swap3A, %swap3A_23] : memref<64x64xf32, #tpu.memory_space<vmem>>, vector<64x64xf32>
      tpu.vector_store %arg4[%swap3A, %swap3A_23], %broadcast_in_dim3A_22 {strides = array<i32>} : memref<64x64xf32, #tpu.memory_space<vmem>>, vector<64x64xf32>,
      %swap3A_25 = arith.constant 0 : index
      %swap3A_26 = arith.constant 0 : index
      %swap3A_27 = vector.load %arg5[%swap3A_25, %swap3A_26] : memref<64x1xf32, #tpu.memory_space<vmem>>, vector<64x1xf32>
      tpu.vector_store %arg5[%swap3A_25, %swap3A_26], %dot_general3A_8 {strides = array<i32>} : memref<64x1xf32, #tpu.memory_space<vmem>>, vector<64x1xf32>,
    } else {
    }
    %gt3A = arith.constant 0 : i32
    %gt3A_13 = arith.cmpi sgt, %arg0, %gt3A : i32
    %convert_element_type3A_14 = arith.extui %gt3A_13 : i1 to i32
    %cond3A_15 = arith.constant 0 : i32
    %cond3A_16 = arith.cmpi ne, %convert_element_type3A_14, %cond3A_15 : i32
    scf.if %cond3A_16 {
      %get3A_21 = arith.constant 0 : index
      %get3A_22 = arith.constant 0 : index
      %get3A_23 = vector.load %arg5[%get3A_21, %get3A_22] : memref<64x1xf32, #tpu.memory_space<vmem>>, vector<64x1xf32>
      %add3A = arith.addf %get3A_23, %dot_general3A_8 : vector<64x1xf32>
      %swap3A = arith.constant 0 : index
      %swap3A_24 = arith.constant 0 : index
      %swap3A_25 = vector.load %arg5[%swap3A, %swap3A_24] : memref<64x1xf32, #tpu.memory_space<vmem>>, vector<64x1xf32>
      tpu.vector_store %arg5[%swap3A, %swap3A_24], %add3A {strides = array<i32>} : memref<64x1xf32, #tpu.memory_space<vmem>>, vector<64x1xf32>,
    } else {
    }
    %lt3A = arith.constant 12 : i32
    %lt3A_17 = arith.cmpi slt, %arg0, %lt3A : i32
    %convert_element_type3A_18 = arith.extui %lt3A_17 : i1 to i32
    %cond3A_19 = arith.constant 0 : i32
    %cond3A_20 = arith.cmpi ne, %convert_element_type3A_18, %cond3A_19 : i32
    scf.if %cond3A_20 {
      %get3A_21 = arith.constant 0 : index
      %get3A_22 = arith.constant 0 : index
      %get3A_23 = arith.constant 0 : index
      %get3A_24 = vector.load %arg2[%get3A_21, %get3A_22, %get3A_23] : memref<256x64x128xf32, #tpu.memory_space<vmem>>, vector<256x64x128xf32>
      %get3A_25 = arith.constant 0 : index
      %get3A_26 = arith.constant 0 : index
      %get3A_27 = vector.load %arg3[%get3A_25, %get3A_26] : memref<64x64xf32, #tpu.memory_space<vmem>>, vector<64x64xf32>
      %reduce_sum3A = arith.constant dense<0.000000e+00> : vector<256x64xf32>
      %reduce_sum3A_28 = vector.multi_reduction <add>, %get3A_24, %reduce_sum3A [2] : vector<256x64x128xf32> to vector<256x64xf32>
      %mul3A = arith.constant 7.812500e-03 : f32
      %mul3A_29 = vector.broadcast %mul3A : f32 to vector<256x64xf32>
      %mul3A_30 = arith.mulf %reduce_sum3A_28, %mul3A_29 : vector<256x64xf32>
      %dot_general3A_31 = arith.constant dense<0.000000e+00> : vector<256x64xf32>
      %dot_general3A_32 = tpu.matmul %mul3A_30, %get3A_27, %dot_general3A_31 {dimension_numbers = #tpu.dot_dimension_numbers<[1], [0], [0], [1], [0, 0, 1, 1], [], []>, transpose_lhs_hint = false} : vector<256x64xf32>, vector<64x64xf32>, vector<256x64xf32> -> vector<256x64xf32>
      %dot_general3A_33 = arith.constant dense<0.000000e+00> : vector<64x64xf32>
      %dot_general3A_34 = tpu.matmul %convert_element_type3A_5, %dot_general3A_32, %dot_general3A_33 {dimension_numbers = #tpu.dot_dimension_numbers<[0], [0], [1], [1], [0, 1, 1, 1], [], []>, transpose_lhs_hint = false} : vector<256x64xf32>, vector<256x64xf32>, vector<64x64xf32> -> vector<64x64xf32>
      %get3A_35 = arith.constant 0 : index
      %get3A_36 = arith.constant 0 : index
      %get3A_37 = vector.load %arg4[%get3A_35, %get3A_36] : memref<64x64xf32, #tpu.memory_space<vmem>>, vector<64x64xf32>
      %add3A = arith.addf %get3A_37, %dot_general3A_34 : vector<64x64xf32>
      %swap3A = arith.constant 0 : index
      %swap3A_38 = arith.constant 0 : index
      %swap3A_39 = vector.load %arg4[%swap3A, %swap3A_38] : memref<64x64xf32, #tpu.memory_space<vmem>>, vector<64x64xf32>
      tpu.vector_store %arg4[%swap3A, %swap3A_38], %add3A {strides = array<i32>} : memref<64x64xf32, #tpu.memory_space<vmem>>, vector<64x64xf32>,
    } else {
    }
    return
  }
  func.func @transform_0(%arg0: i32) -> (i32, i32, i32) {
    %c0_i32 = arith.constant 0 : i32
    %c0_i32_0 = arith.constant 0 : i32
    %c0_i32_1 = arith.constant 0 : i32
    return %arg0, %c0_i32, %c0_i32_0 : i32, i32, i32
  }
  func.func @transform_1(%arg0: i32) -> (i32, i32, i32) {
    %min3A = arith.constant 11 : i32
    %min3A_0 = arith.minsi %arg0, %min3A : i32
    %c0_i32 = arith.constant 0 : i32
    %c0_i32_1 = arith.constant 0 : i32
    %c0_i32_2 = arith.constant 0 : i32
    return %min3A_0, %c0_i32, %c0_i32_1 : i32, i32, i32
  }
  func.func @transform_2(%arg0: i32) -> (i32, i32) {
    %c0_i32 = arith.constant 0 : i32
    %c0_i32_0 = arith.constant 0 : i32
    %c0_i32_1 = arith.constant 0 : i32
    return %c0_i32, %c0_i32_0 : i32, i32
  }
  func.func @transform_3(%arg0: i32) -> (i32, i32) {
    %c0_i32 = arith.constant 0 : i32
    %c0_i32_0 = arith.constant 0 : i32
    %c0_i32_1 = arith.constant 0 : i32
    return %c0_i32, %c0_i32_0 : i32, i32
  }
  func.func @transform_4(%arg0: i32) -> (i32, i32) {
    %c0_i32 = arith.constant 0 : i32
    %c0_i32_0 = arith.constant 0 : i32
    %c0_i32_1 = arith.constant 0 : i32
    return %c0_i32, %c0_i32_0 : i32, i32
  }
}

module attributes {stable_mosaic.version = 14 : i64} {
  func.func @_query_body(%arg0: i32, %arg1: memref<256x64x128xf32, #tpu.memory_space<vmem>>, %arg2: memref<64x64xf32, #tpu.memory_space<vmem>>, %arg3: memref<1x64xf32, #tpu.memory_space<vmem>>, %arg4: memref<64x64xf32, #tpu.memory_space<vmem>>, %arg5: memref<64x1xf32, #tpu.memory_space<vmem>>, %arg6: memref<32x64x64xf32, #tpu.memory_space<vmem>>, %arg7: memref<64x256xf32, #tpu.memory_space<vmem>>, %arg8: memref<64x64xf32, #tpu.memory_space<vmem>>) attributes {dimension_semantics = [#tpu.dimension_semantics<arbitrary>], iteration_bounds = array<i64: 8>, scalar_prefetch = 0 : i64, scratch_operands = 0 : i64, tpu.core_type = #tpu.core_type<tc>, window_params = [{transform_indices = @transform_0, window_bounds = array<i64: 256, 64, 128>}, {pipeline_mode = #tpu.pipeline_mode<synchronous>, transform_indices = @transform_1, window_bounds = array<i64: 64, 64>}, {pipeline_mode = #tpu.pipeline_mode<synchronous>, transform_indices = @transform_2, window_bounds = array<i64: 1, 64>}, {pipeline_mode = #tpu.pipeline_mode<synchronous>, transform_indices = @transform_3, window_bounds = array<i64: 64, 64>}, {pipeline_mode = #tpu.pipeline_mode<synchronous>, transform_indices = @transform_4, window_bounds = array<i64: 64, 1>}, {pipeline_mode = #tpu.pipeline_mode<synchronous>, transform_indices = @transform_5, window_bounds = array<i64: 32, 64, 64>}, {transform_indices = @transform_6, window_bounds = array<i64: 64, 256>}, {pipeline_mode = #tpu.pipeline_mode<synchronous>, transform_indices = @transform_7, window_bounds = array<i64: 64, 64>}]} {
    %get3A = arith.constant 0 : index
    %get3A_0 = arith.constant 0 : index
    %get3A_1 = vector.load %arg5[%get3A, %get3A_0] : memref<64x1xf32, #tpu.memory_space<vmem>>, vector<64x1xf32>
    %max3A = arith.constant 1.000000e+00 : f32
    %max3A_2 = vector.broadcast %max3A : f32 to vector<64x1xf32>
    %max3A_3 = arith.maximumf %get3A_1, %max3A_2 : vector<64x1xf32>
    %get3A_4 = arith.constant 0 : index
    %get3A_5 = arith.constant 0 : index
    %get3A_6 = vector.load %arg4[%get3A_4, %get3A_5] : memref<64x64xf32, #tpu.memory_space<vmem>>, vector<64x64xf32>
    %get3A_7 = arith.constant 0 : index
    %get3A_8 = arith.constant 0 : index
    %get3A_9 = arith.constant 0 : index
    %get3A_10 = vector.load %arg6[%get3A_7, %get3A_8, %get3A_9] : memref<32x64x64xf32, #tpu.memory_space<vmem>>, vector<32x64x64xf32>
    %reduce_sum3A = arith.constant dense<0.000000e+00> : vector<64x64xf32>
    %reduce_sum3A_11 = vector.multi_reduction <add>, %get3A_10, %reduce_sum3A [0] : vector<32x64x64xf32> to vector<64x64xf32>
    %add3A = arith.addf %get3A_6, %reduce_sum3A_11 : vector<64x64xf32>
    %get3A_12 = arith.constant 0 : index
    %get3A_13 = arith.constant 0 : index
    %get3A_14 = vector.load %arg3[%get3A_12, %get3A_13] : memref<1x64xf32, #tpu.memory_space<vmem>>, vector<1x64xf32>
    %mul3A = vector.broadcast %get3A_1 : vector<64x1xf32> to vector<64x64xf32>
    %mul3A_15 = vector.broadcast %get3A_14 : vector<1x64xf32> to vector<64x64xf32>
    %mul3A_16 = arith.mulf %mul3A, %mul3A_15 : vector<64x64xf32>
    %add3A_17 = arith.addf %add3A, %mul3A_16 : vector<64x64xf32>
    %div3A = vector.broadcast %max3A_3 : vector<64x1xf32> to vector<64x64xf32>
    %div3A_18 = arith.divf %add3A_17, %div3A : vector<64x64xf32>
    %eq3A = arith.constant 0 : i32
    %eq3A_19 = arith.cmpi eq, %arg0, %eq3A : i32
    %convert_element_type3A = arith.extui %eq3A_19 : i1 to i32
    %cond3A = arith.constant 0 : i32
    %cond3A_20 = arith.cmpi ne, %convert_element_type3A, %cond3A : i32
    scf.if %cond3A_20 {
      %swap3A_62 = arith.constant 0 : index
      %swap3A_63 = arith.constant 0 : index
      %swap3A_64 = vector.load %arg8[%swap3A_62, %swap3A_63] : memref<64x64xf32, #tpu.memory_space<vmem>>, vector<64x64xf32>
      tpu.vector_store %arg8[%swap3A_62, %swap3A_63], %div3A_18 {strides = array<i32>} : memref<64x64xf32, #tpu.memory_space<vmem>>, vector<64x64xf32>,
    } else {
    }
    %get3A_21 = arith.constant 0 : index
    %get3A_22 = arith.constant 0 : index
    %get3A_23 = arith.constant 0 : index
    %get3A_24 = vector.load %arg1[%get3A_21, %get3A_22, %get3A_23] : memref<256x64x128xf32, #tpu.memory_space<vmem>>, vector<256x64x128xf32>
    %get3A_25 = arith.constant 0 : index
    %get3A_26 = arith.constant 0 : index
    %get3A_27 = vector.load %arg2[%get3A_25, %get3A_26] : memref<64x64xf32, #tpu.memory_space<vmem>>, vector<64x64xf32>
    %reduce_sum3A_28 = arith.constant dense<0.000000e+00> : vector<256x64xf32>
    %reduce_sum3A_29 = vector.multi_reduction <add>, %get3A_24, %reduce_sum3A_28 [2] : vector<256x64x128xf32> to vector<256x64xf32>
    %mul3A_30 = arith.constant 7.812500e-03 : f32
    %mul3A_31 = vector.broadcast %mul3A_30 : f32 to vector<256x64xf32>
    %mul3A_32 = arith.mulf %reduce_sum3A_29, %mul3A_31 : vector<256x64xf32>
    %dot_general3A = arith.constant dense<0.000000e+00> : vector<256x64xf32>
    %dot_general3A_33 = tpu.matmul %mul3A_32, %get3A_27, %dot_general3A {dimension_numbers = #tpu.dot_dimension_numbers<[1], [0], [0], [1], [0, 0, 1, 1], [], []>, transpose_lhs_hint = false} : vector<256x64xf32>, vector<64x64xf32>, vector<256x64xf32> -> vector<256x64xf32>
    %get3A_34 = arith.constant 0 : index
    %get3A_35 = arith.constant 0 : index
    %get3A_36 = vector.load %arg3[%get3A_34, %get3A_35] : memref<1x64xf32, #tpu.memory_space<vmem>>, vector<1x64xf32>
    %add3A_37 = vector.broadcast %get3A_36 : vector<1x64xf32> to vector<256x64xf32>
    %add3A_38 = arith.addf %dot_general3A_33, %add3A_37 : vector<256x64xf32>
    %mul3A_39 = arith.mulf %div3A_18, %div3A_18 : vector<64x64xf32>
    %reduce_sum3A_40 = arith.constant dense<0.000000e+00> : vector<64xf32>
    %reduce_sum3A_41 = vector.multi_reduction <add>, %mul3A_39, %reduce_sum3A_40 [1] : vector<64x64xf32> to vector<64xf32>
    %broadcast_in_dim3A = vector.shape_cast %reduce_sum3A_41 : vector<64xf32> to vector<64x1xf32>
    %broadcast_in_dim3A_42 = arith.constant 1.000000e+00 : f32
    %broadcast_in_dim3A_43 = vector.broadcast %broadcast_in_dim3A_42 : f32 to vector<1x64xf32>
    %mul3A_44 = arith.mulf %add3A_38, %add3A_38 : vector<256x64xf32>
    %dot_general3A_45 = arith.constant dense<0.000000e+00> : vector<1x256xf32>
    %dot_general3A_46 = tpu.matmul %broadcast_in_dim3A_43, %mul3A_44, %dot_general3A_45 {dimension_numbers = #tpu.dot_dimension_numbers<[1], [1], [0], [0], [0, 0, 1, 0], [], []>, transpose_lhs_hint = false} : vector<1x64xf32>, vector<256x64xf32>, vector<1x256xf32> -> vector<1x256xf32>
    %dot_general3A_47 = arith.constant dense<0.000000e+00> : vector<64x256xf32>
    %dot_general3A_48 = tpu.matmul %div3A_18, %add3A_38, %dot_general3A_47 {dimension_numbers = #tpu.dot_dimension_numbers<[1], [1], [0], [0], [0, 0, 1, 0], [], []>, transpose_lhs_hint = false} : vector<64x64xf32>, vector<256x64xf32>, vector<64x256xf32> -> vector<64x256xf32>
    %add3A_49 = vector.broadcast %broadcast_in_dim3A : vector<64x1xf32> to vector<64x256xf32>
    %add3A_50 = vector.broadcast %dot_general3A_46 : vector<1x256xf32> to vector<64x256xf32>
    %add3A_51 = arith.addf %add3A_49, %add3A_50 : vector<64x256xf32>
    %mul3A_52 = arith.constant 2.000000e+00 : f32
    %mul3A_53 = vector.broadcast %mul3A_52 : f32 to vector<64x256xf32>
    %mul3A_54 = arith.mulf %mul3A_53, %dot_general3A_48 : vector<64x256xf32>
    %sub3A = arith.subf %add3A_51, %mul3A_54 : vector<64x256xf32>
    %add3A_55 = arith.constant 9.99999993E-9 : f32
    %add3A_56 = vector.broadcast %add3A_55 : f32 to vector<64x256xf32>
    %add3A_57 = arith.addf %sub3A, %add3A_56 : vector<64x256xf32>
    %neg3A = arith.constant 0.000000e+00 : f32
    %neg3A_58 = vector.broadcast %neg3A : f32 to vector<64x256xf32>
    %neg3A_59 = arith.subf %neg3A_58, %add3A_57 : vector<64x256xf32>
    %swap3A = arith.constant 0 : index
    %swap3A_60 = arith.constant 0 : index
    %swap3A_61 = vector.load %arg7[%swap3A, %swap3A_60] : memref<64x256xf32, #tpu.memory_space<vmem>>, vector<64x256xf32>
    tpu.vector_store %arg7[%swap3A, %swap3A_60], %neg3A_59 {strides = array<i32>} : memref<64x256xf32, #tpu.memory_space<vmem>>, vector<64x256xf32>,
    return
  }
  func.func @transform_0(%arg0: i32) -> (i32, i32, i32) {
    %c0_i32 = arith.constant 0 : i32
    %c0_i32_0 = arith.constant 0 : i32
    %c0_i32_1 = arith.constant 0 : i32
    return %arg0, %c0_i32, %c0_i32_0 : i32, i32, i32
  }
  func.func @transform_1(%arg0: i32) -> (i32, i32) {
    %c0_i32 = arith.constant 0 : i32
    %c0_i32_0 = arith.constant 0 : i32
    %c0_i32_1 = arith.constant 0 : i32
    return %c0_i32, %c0_i32_0 : i32, i32
  }
  func.func @transform_2(%arg0: i32) -> (i32, i32) {
    %c0_i32 = arith.constant 0 : i32
    %c0_i32_0 = arith.constant 0 : i32
    %c0_i32_1 = arith.constant 0 : i32
    return %c0_i32, %c0_i32_0 : i32, i32
  }
  func.func @transform_3(%arg0: i32) -> (i32, i32) {
    %c0_i32 = arith.constant 0 : i32
    %c0_i32_0 = arith.constant 0 : i32
    %c0_i32_1 = arith.constant 0 : i32
    return %c0_i32, %c0_i32_0 : i32, i32
  }
  func.func @transform_4(%arg0: i32) -> (i32, i32) {
    %c0_i32 = arith.constant 0 : i32
    %c0_i32_0 = arith.constant 0 : i32
    %c0_i32_1 = arith.constant 0 : i32
    return %c0_i32, %c0_i32_0 : i32, i32
  }
  func.func @transform_5(%arg0: i32) -> (i32, i32, i32) {
    %c0_i32 = arith.constant 0 : i32
    %c0_i32_0 = arith.constant 0 : i32
    %c0_i32_1 = arith.constant 0 : i32
    %c0_i32_2 = arith.constant 0 : i32
    return %c0_i32, %c0_i32_0, %c0_i32_1 : i32, i32, i32
  }
  func.func @transform_6(%arg0: i32) -> (i32, i32) {
    %c0_i32 = arith.constant 0 : i32
    %c0_i32_0 = arith.constant 0 : i32
    return %c0_i32, %arg0 : i32, i32
  }
  func.func @transform_7(%arg0: i32) -> (i32, i32) {
    %c0_i32 = arith.constant 0 : i32
    %c0_i32_0 = arith.constant 0 : i32
    %c0_i32_1 = arith.constant 0 : i32
    return %c0_i32, %c0_i32_0 : i32, i32
  }
}

</mosaic_0001>

<sc_bundles>
// kernel: kernel.5.cloned.1.call-start
scs
__scs_entry_jumppad:
0x0: {  	(pc) =	sbr.rel $0x88, $3  }
0x1: {  	(tag) =	ssettag $0x0;
	lr =	simm.s32 $0x1  }
0x2: {  	[smem:$0x3F9C] =	sst lr;
	_ =	strace $0xD0000000  }
0x3: {  	_ = 	snop  }
0x4: {  	_ = 	snop  }
0x5: {  	_ = 	snop  }
0x6: {  	_ = 	snop  }
0x7: {  	_ = 	snop  }
__scs_overlays_trampoline_lowered:
0x8: {  	[smem:$0x3FAB] =	sst s0  }
0x9: {  	[smem:$0x3FAC] =	sst s1  }
0xa: {  	[smem:$0x3FAD] =	sst s2  }
0xb: {  	[smem:$0x3FAE] =	sst s3  }
0xc: {  	[smem:$0x3FAF] =	sst s4  }
0xd: {  	[smem:$0x3FB0] =	sst s5  }
0xe: {  	[smem:$0x3FB1] =	sst s6  }
0xf: {  	[smem:$0x3FB2] =	sst s7  }
0x10: {  	[smem:$0x3FB3] =	sst s8  }
0x11: {  	[smem:$0x3FB4] =	sst s9;
	s0 =	simm.s32 @!p0 $0x0  }
0x12: {  	s1 =	sld [smem:$0x3F9A];
	s0 =	simm.s32 @p0 $0x1  }
0x13: {  	[smem:$0x3FB5] =	sst s0;
	s0 =	simm.s32 @!p1 $0x0  }
0x14: {  	s2 =	sld [smem:$0x3F99];
	s0 =	simm.s32 @p1 $0x1  }
0x15: {  	[smem:$0x3FB6] =	sst s0;
	s0 =	simm.s32 @!p2 $0x0  }
0x16: {  	s3 =	sld [smem:$0x3FDB];
	s0 =	simm.s32 @p2 $0x1  }
0x17: {  	s4 =	simm.s32 $0x1BF5;
	[smem:$0x3FB8] =	sst s0  }
0x18: {  	s0 =	sld [smem:$0x3F9B];
	_ =	swait.ge [sflag:s4], $0x0  }
0x19: {  	s7 =	sld [smem:$0x3F9C]  }
0x1a: {  	s8 =	sadd.s32 $0xFFFFE003, lr  }
0x1b: {  	s9 =	sadd.s32 $0xFFFFFEF7, lr;
	s5 =	simm.s32 $0xFFFFFFFF;
	p2 =	slt.u32 s8, $0xFFFFF086  }
0x1c: {  	p1 =	slt.u32 s9, $0xF7A;
	s5 =	simm.s32 @!p2 $0x0  }
0x1d: {  	s5 =	simm.s32 @p1 $0x1;
	p0 =	seq.s32 s7, s2  }
0x1e: {  	s7 =	smul.u32 @!p0 $0xF7A, s2;
	p2 =	seq.s32 @!p0 s5, $0x0  }
0x1f: {  	s9 =	smul.u32 $0xF7A, s1;
	s8 =	simm.s32 @!p0 $0x1BF5;
	p2 =	por !p2, p0  }
0x20: {  	[sflag:s8] =	ssyncset.s32 @!p0 $0xFFFFF086;
	s6 =	sadd.s32 @!p0 s3, s7;
	s7 =	simm.s32 @!p0 $0x108  }
0x21: {  	s3 =	sadd.s32 s3, s9;
	s6 =	sadd.s32 @!p0 $0x88, s6;
	s7 =	simm.s32 @p2 $0x1082  }
0x22: {  	[simem:s7], [sflag:s8] =	dma.local @!p0 [hbm:s6], $0xF7A  }
0x23: {  	s9 =	sor.u32 $0xD0000000, s2;
	s6 =	simm.s32 $0x108;
	_ =	swait.ge @!p0 [sflag:s8], $0x0  }
0x24: {  	s3 =	sadd.s32 $0x88, s3;
	s6 =	simm.s32 @!p1 $0x1082;
	[sflag:s4] =	ssyncset.s32 $0xFFFFF086  }
0x25: {  	[simem:s6], [sflag:s4] =	dma.local [hbm:s3], $0xF7A  }
0x26: {  	[smem:$0x3F9C] =	sst s1;
	(tag) =	ssettag s2;
	_ =	strace s9  }
0x27: {  	s1 =	sld [smem:$0x3FAC]  }
0x28: {  	s2 =	sld [smem:$0x3FAD]  }
0x29: {  	s4 =	sld [smem:$0x3FAF]  }
0x2a: {  	p0 =	seq.s32 s5, $0x0;
	s5 =	sld [smem:$0x3FB0]  }
0x2b: {  	s6 =	sld [smem:$0x3FB1]  }
0x2c: {  	s7 =	sld [smem:$0x3FB2]  }
0x2d: {  	s3 =	simm.s32 $0x108;
	s8 =	sld [smem:$0x3FB3]  }
0x2e: {  	s3 =	simm.s32 @!p0 $0x1082;
	s9 =	sld [smem:$0x3FB4]  }
0x2f: {  	lr =	sadd.s32 s0, s3;
	s0 =	sld [smem:$0x3FAB]  }
0x30: {  	s3 =	sld [smem:$0x3FAE]  }
0x31: {  	[smem:$0x3FB7] =	sst s10  }
0x32: {  	s10 =	sld [smem:$0x3FB5];
	_ =	sdelay $0x3  }
0x33: {  	p0 =	seq.s32 s10, $0x1;
	s10 =	sld [smem:$0x3FB7];
	_ =	sdelay $0x3  }
0x34: {  	[smem:$0x3FB7] =	sst s10  }
0x35: {  	s10 =	sld [smem:$0x3FB6];
	_ =	sdelay $0x3  }
0x36: {  	p1 =	seq.s32 s10, $0x1;
	s10 =	sld [smem:$0x3FB7];
	_ =	sdelay $0x3  }
0x37: {  	[smem:$0x3FB7] =	sst s10  }
0x38: {  	s10 =	sld [smem:$0x3FB8]  }
0x39: {  	_ = 	snop;
	(pc) =	sbr.ind lr, $3  }
0x3a: {  	_ = 	snop  }
0x3b: {  	_ = 	snop  }
0x3c: {  	p2 =	seq.s32 s10, $0x1;
	s10 =	sld [smem:$0x3FB7]  }
0x3d: {  	_ =	shalt  }
0x3e: {  	_ =	shalt  }
0x3f: {  	_ =	shalt  }
0x40: {  	_ =	shalt  }
0x41: {  	_ =	shalt  }
0x42: {  	_ =	shalt  }
0x43: {  	_ =	shalt  }
0x44: {  	_ =	shalt  }
0x45: {  	_ =	shalt  }
0x46: {  	_ =	shalt  }
0x47: {  	_ =	shalt  }
0x48: {  	_ =	shalt  }
0x49: {  	_ =	shalt  }
0x4a: {  	_ =	shalt  }
0x4b: {  	_ =	shalt  }
0x4c: {  	_ =	shalt  }
0x4d: {  	_ =	shalt  }
0x4e: {  	_ =	shalt  }
0x4f: {  	_ =	shalt  }
0x50: {  	_ =	shalt  }
0x51: {  	_ =	shalt  }
0x52: {  	_ =	shalt  }
0x53: {  	_ =	shalt  }
0x54: {  	_ =	shalt  }
0x55: {  	_ =	shalt  }
0x56: {  	_ =	shalt  }
0x57: {  	_ =	shalt  }
0x58: {  	_ =	shalt  }
0x59: {  	_ =	shalt  }
0x5a: {  	_ =	shalt  }
0x5b: {  	_ =	shalt  }
0x5c: {  	_ =	shalt  }
0x5d: {  	_ =	shalt  }
0x5e: {  	_ =	shalt  }
0x5f: {  	_ =	shalt  }
0x60: {  	_ =	shalt  }
0x61: {  	_ =	shalt  }
0x62: {  	_ =	shalt  }
0x63: {  	_ =	shalt  }
0x64: {  	_ =	shalt  }
0x65: {  	_ =	shalt  }
0x66: {  	_ =	shalt  }
0x67: {  	_ =	shalt  }
0x68: {  	_ =	shalt  }
0x69: {  	_ =	shalt  }
0x6a: {  	_ =	shalt  }
0x6b: {  	_ =	shalt  }
0x6c: {  	_ =	shalt  }
0x6d: {  	_ =	shalt  }
0x6e: {  	_ =	shalt  }
0x6f: {  	_ =	shalt  }
0x70: {  	_ =	shalt  }
0x71: {  	_ =	shalt  }
0x72: {  	_ =	shalt  }
0x73: {  	_ =	shalt  }
0x74: {  	_ =	shalt  }
0x75: {  	_ =	shalt  }
0x76: {  	_ =	shalt  }
0x77: {  	_ =	shalt  }
0x78: {  	_ =	shalt  }
0x79: {  	_ =	shalt  }
0x7a: {  	_ =	shalt  }
0x7b: {  	_ =	shalt  }
0x7c: {  	_ =	shalt  }
0x7d: {  	_ =	shalt  }
0x7e: {  	_ =	shalt  }
0x7f: {  	_ =	shalt  }
0x80: {  	_ =	shalt  }
0x81: {  	_ =	shalt  }
0x82: {  	_ =	shalt  }
0x83: {  	_ =	shalt  }
0x84: {  	_ =	shalt  }
0x85: {  	_ =	shalt  }
0x86: {  	_ =	shalt  }
0x87: {  	_ =	shalt  }
.Lfunc_end0:
.L_simem_size_0:
called_computation_lowered:
.L_overlay_start_0:
0x88: {  	s2 =	sld [smem:$0x3FD9]  }
0x89: {  	s3 =	sld [smem:$0x3FFE];
	_ =	sdelay $0x1  }
0x8a: {  	s1 =	srdreg.scid  }
0x8b: {  	s0 =	sand.u32 $0x1, s1  }
0x8c: {  	s14 =	sshll.u32 s0, $0xA;
	s2 =	sadd.s32 s3, s2  }
0x8d: {  	s2 =	sadd.s32 s2, s14  }
0x8e: {  	[smem:$0x3FC3] =	sst s2  }
0x8f: {  	_ = 	snop  }
0x90: {  	s2 =	sld [smem:$0x3FD0];
	_ =	sdelay $0x1  }
0x91: {  	s15 =	sld [smem:$0x3FC9]  }
0x92: {  	s5 =	simm.s32 $0xA;
	s6 =	simm.s32 $0x10;
	s4 =	sld [smem:$0x3FC8]  }
0x93: {  	[smem:s6], [sflag:s5] =	dma.local [hbm:s2], $0x1  }
0x94: {  	_ =	swait.eq [sflag:s5], $0x1  }
0x95: {  	[sflag:s5] =	ssyncset.done $0x0  }
0x96: {  	[sflag:s5] =	ssyncadd.s32 $0xFFFFFFFF  }
0x97: {  	s16 =	sld [smem:$0x11];
	(tm) =	ssettm $0x1  }
0x98: {  	s17 =	sld [smem:$0x3FFB];
	_ =	sdelay $0x3  }
0x99: {  	_ =	strace s17  }
0x9a: {  	s5 =	sld [smem:$0x3FFC];
	_ =	sdelay $0x3  }
0x9b: {  	_ =	strace s5  }
0x9c: {  	s5 =	sld [smem:$0x3FFD];
	_ =	sdelay $0x3  }
0x9d: {  	_ =	strace s5  }
0x9e: {  	_ =	strace $0x8FFFFFFF  }
0x9f: {  	s18 =	sld [smem:$0x3FDB];
	_ =	sdelay $0x1  }
0xa0: {  	s19 =	simm.s32 $_scs_section_size  }
0xa1: {  	s7 =	simm.s32 $_size__tile_overlayer_lowered;
	s8 =	simm.s32 $_tile_overlayer_lowered  }
0xa2: {  	s22 =	simm.s32 $0x1BFF;
	s21 =	sshll.u32 s8, $0x1;
	s5 =	sadd.s32 s19, s18  }
0xa3: {  	s9 =	simm.s32 $0x0;
	s20 =	sshll.u32 s7, $0x1;
	s7 =	sadd.s32 s21, s5  }
0xa4: {  	[timem:s9], [sflag:s22] =	dma.local [hbm:s7], s20  }
0xa5: {  	_ =	swait.ge [sflag:s22], s20  }
0xa6: {  	s6 =	ssub.s32 $0x0, s20;
	[sflag:s22] =	ssyncset.done $0x0  }
0xa7: {  	[sflag:s22] =	ssyncadd.s32 s6;
	_ =	sdelay $0x1  }
0xa8: {  	s23 =	simm.s32 $0x1B8B  }
0xa9: {  	_ =	swait.ge [sflag:s23], $0x1  }
0xaa: {  	[sflag:s23] =	ssyncset.done $0x0  }
0xab: {  	s25 =	simm.s32 $0x1B8E;
	s24 =	sld [smem:$0x3FFE];
	[sflag:s23] =	ssyncadd.s32 $0xFFFFFFFF  }
0xac: {  	s26 =	simm.s32 $execute0_lowered;
	[smem:$0x3FD2] =	sst s25  }
0xad: {  	s7 =	sshll.u32 s26, $0x1;
	_ =	strace $0x80000046;
	[dreg:$0x1] =	wrdreg $0xFFFFFFFF  }
0xae: {  	s28 =	simm.s32 $_size_execute0_lowered;
	s5 =	sadd.s32 s5, s7;
	[dreg:$0x0] =	wrdreg $0x0  }
0xaf: {  	s7 =	sshll.u32 s28, $0x1;
	[dreg:$0x2] =	wrdreg s5  }
0xb0: {  	[dreg:$0x3] =	wrdreg s7  }
0xb1: {  	[dreg:$0x4] =	wrdreg $0xC0  }
0xb2: {  	_ =	task [dreg:s9], $0x5FFFF  }
0xb3: {  	[dreg:$0x1] =	wrdreg $0xFFFFFFFF  }
0xb4: {  	[dreg:$0x0] =	wrdreg $0x60  }
0xb5: {  	[dreg:$0x2] =	wrdreg s15  }
0xb6: {  	[dreg:$0x3] =	wrdreg s4  }
0xb7: {  	[dreg:$0x4] =	wrdreg s16  }
0xb8: {  	[dreg:$0x5] =	wrdreg s24  }
0xb9: {  	[dreg:$0x6] =	wrdreg $0x9  }
0xba: {  	_ =	task.clear_ibuf [dreg:s9], $0x7FFFF;
	_ =	strace $0x90000046  }
0xbb: {  	s29 =	simm.s32 $0x9;
	_ =	strace $0x80000048  }
0xbc: {  	_ =	swait.ge [sflag:s29], $0x1  }
0xbd: {  	[sflag:s29] =	ssyncadd.s32 $0xFFFFFFFF  }
0xbe: {  	_ =	strace $0x90000048  }
0xbf: {  	_ =	sfence  }
0xc0: {  	s30 =	sld [smem:$0x0];
	_ =	sdelay $0x2  }
0xc1: {  	s31 =	sshll.u32 s1, $0xD;
	s1 =	sshrl.u32 s1, $0x2  }
0xc2: {  	s3 =	sand.u32 $0x4000, s31;
	s1 =	sadd.s32 s1, s30  }
0xc3: {  	s0 =	sor.u32 s3, s0;
	s1 =	sshll.u32 s1, $0x11  }
0xc4: {  	s0 =	sor.u32 s1, s0  }
0xc5: {  	s0 =	sadd.s32 $0x8F2B, s0  }
0xc6: {  	[sflag:s0] =	ssyncadd.remote.s32 $0x1  }
0xc7: {  	_ =	sfence.sel $0xFFFF  }
0xc8: {  	[dreg:$0x0] =	wrdreg $0xFFFFFFFF;
	(pc) =	sbr.abs _section_cstart, $3  }
0xc9: {  	[dreg:$0x1] =	wrdreg $0xFFFFFFFF  }
0xca: {  	_ =	task.clear_ibuf [dreg:s9], $0x2FFFF;
	_ =	strace $0x9FFFFFFF  }
0xcb: {  	(tm) =	ssettm $0x7FFFFFFF  }
tec
execute0_lowered:
.L_overlay_start_1:
0x0: {  	(tag) =	ssettag $0x1  }
0x1: {  	s0 =	rddreg [dreg:$0x0]  }
0x2: {  	v0 =	vimm.s32 $0xFEDCBA98;
	s6 =	rddreg [dreg:$0x1]  }
0x3: {  	s1 =	rddreg [dreg:$0x2];
	v1 =	vimm.s32 $0x76543210;
	v2 =	vimm.s32 $0xBA98FEDC;
	v3 =	vimm.s32 $0x32107654  }
0x4: {  	s7 =	rddreg [dreg:$0x3];
	s5 =	srdreg.scid;
	v4 =	vimm.s32 $0xDCFE98BA;
	v5 =	vimm.s32 $0x54761032;
	v6 =	vimm.s32 $0xEFCDAB89  }
0x5: {  	s2 =	simm.s32 $0x0;
	s3 =	stileid.u32;
	s4 =	rddreg [dreg:$0x4];
	v7 =	vimm.s32 $0x67452301;
	v0 =	vunpack.c.l.s4.s8 v0;
	v1 =	vunpack.c.l.s4.s8 v1  }
0x6: {  	s11 =	simm.s32 $0x2000;
	s12 =	simm.s32 $0x4080;
	s13 =	simm.s32 $0x0;
	v2 =	vunpack.c.l.s4.s8 v2;
	v3 =	vunpack.c.l.s4.s8 v3;
	v4 =	vunpack.c.l.s4.s8 v4  }
0x7: {  	[smem:$0x7FF] =	sst s2;
	s5 =	sand.u32 $0x1, s5;
	s8 =	sshll.u32 s3, $0x1;
	v5 =	vunpack.c.l.s4.s8 v5;
	v6 =	vunpack.c.l.s4.s8 v6;
	v7 =	vunpack.c.l.s4.s8 v7  }
0x8: {  	_ =	strace $0x80000047;
	s8 =	sor.u32 s5, s8;
	s10 =	ssub.s32 $0x2, s5;
	v0 =	vunpack.c.0.s8.s32 v0;
	v1 =	vunpack.c.0.s8.s32 v1;
	v2 =	vunpack.c.0.s8.s32 v2  }
0x9: {  	s9 =	sshll.u32 s8, $0x5;
	s8 =	sshll.u32 s8, $0xA;
	s31 =	sshrl.u32 s10, $0x1;
	v3 =	vunpack.c.0.s8.s32 v3;
	v4 =	vunpack.c.0.s8.s32 v4;
	v5 =	vunpack.c.0.s8.s32 v5  }
0xa: {  	v6 =	vunpack.c.0.s8.s32 v6;
	v7 =	vunpack.c.0.s8.s32 v7;
	s5 =	sor.u32 $0xC00, s9;
	s7 =	sadd.s32 s8, s7;
	s8 =	ssub.s32 s10, s31;
	v0 =	vand.u32 $0xF, v0  }
0xb: {  	s10 =	simm.s32 $0x1;
	s9 =	sshrl.u32 s5, $0x3;
	s7 =	sadd.s32 $0x1000, s7;
	v0 =	vcombine.low v0, v1;
	v1 =	vcombine.low v3, v2  }
0xc: {  	s8 =	smax.u32 s8, $0x1;
	s6 =	sadd.s32 s6, s9;
	s9 =	simm.s32 $0x2080;
	v2 =	vcombine.low v5, v4;
	v3 =	vimm.f32 $0.0e+00;
	v4 =	vcombine.low v7, v6  }
.LBB2_1:
0xd: {  	[tilespmem:s9], [sflag:$0x1] =	stream.linear.gather [hbm4b:s1+s2], $0x2000, $0x38;
	[tilespmem:$0x6080] =	vst v63  }
0xe: {  	_ =	swait.ge [sflag:s10], $0x2000  }
0xf: {  	[sflag:s10] =	ssyncset.done $0x0  }
0x10: {  	[sflag:s10] =	ssyncadd.s32 $0xFFFFE000  }
0x11: {  	[tilespmem:s11], [sflag:$0x1] =	stream.linear.gather [hbm4b:s6+s2], $0x20, $0x38;
	[tilespmem:$0x6080] =	vst v63  }
0x12: {  	_ =	swait.ge [sflag:s10], $0x20  }
0x13: {  	[sflag:s10] =	ssyncset.done $0x0  }
0x14: {  	s14 =	simm.s32 $0x0;
	[sflag:s10] =	ssyncadd.s32 $0xFFFFFFE0  }
.LBB2_2:
0x15: {  	p0 =	sne.s32 s14, $0x7E00  }
.Ltmp0:
0x16: {  	s15 =	sshra.s32 s14, $0x2;
	(pc) =	sbr.rel @p0 .LBB2_2-.Ltmp0, $4  }
0x17: {  	[tilespmem:s15+$0x4080] =	vst v3  }
0x18: {  	[tilespmem:s15+$0x4090] =	vst v3  }
0x19: {  	[tilespmem:s15+$0x40A0] =	vst v3  }
0x1a: {  	s14 =	sadd.s32 $0x200, s14;
	[tilespmem:s15+$0x40B0] =	vst v3  }
0x1b: {  	s14 =	simm.s32 $0x0;
	p1 =	por $0x1, $0x1;
	s16 =	simm.s32 $0x0  }
.LBB2_4:
0x1c: {  	s15 =	sor.u32 s5, s16  }
0x1d: {  	s15 =	sshll.u32 s15, $0xA  }
0x1e: {  	s15 =	sand.u32 $0x1FFFC000, s15  }
0x1f: {  	s31 =	sadd.s32 s0, s15  }
0x20: {  	v5 =	vld [tilespmem:s16+$0x2000];
	[tilespmem:s14], [sflag:$0x1] =	stream.linear.gather [hbm4b:s31+s14], $0x2000, $0x38  }
0x21: {  	_ =	swait.ge [sflag:s10], $0x2000  }
0x22: {  	[sflag:s10] =	ssyncset.done $0x0  }
0x23: {  	s18 =	simm.s32 $0x0;
	[sflag:s10] =	ssyncadd.s32 $0xFFFFE000  }
0x24: {  	v6 =	vld [tilespmem:s18+$0x0]  }
0x25: {  	v7 =	vld [tilespmem:s18+$0x10];
	_ =	sdelay $0x1  }
0x26: {  	v8 =	vld [tilespmem:s18+$0x20];
	_ =	sdelay $0x1  }
0x27: {  	v9 =	vld [tilespmem:s18+$0x30]  }
0x28: {  	v10 =	vld [tilespmem:s18+$0x40];
	v6 =	vadd.f32 v7, v6  }
0x29: {  	s16 =	simm.s32 $0x80;
	v12 =	vld [tilespmem:s18+$0x60]  }
0x2a: {  	v13 =	vld [tilespmem:s16+$0x0];
	v6 =	vadd.f32 v8, v6  }
0x2b: {  	v8 =	vld [tilespmem:s18+$0x50]  }
0x2c: {  	v14 =	vld [tilespmem:s18+$0x70];
	v6 =	vadd.f32 v9, v6  }
0x2d: {  	v11 =	vld [tilespmem:s18+$0x2090]  }
0x2e: {  	v15 =	vld [tilespmem:s16+$0x20];
	v6 =	vadd.f32 v10, v6  }
0x2f: {  	v10 =	vld [tilespmem:s16+$0x10]  }
0x30: {  	v16 =	vld [tilespmem:s16+$0x50];
	v6 =	vadd.f32 v8, v6  }
0x31: {  	v17 =	vld [tilespmem:s16+$0x60]  }
0x32: {  	v18 =	vld [tilespmem:s16+$0x70];
	v6 =	vadd.f32 v12, v6  }
0x33: {  	s17 =	simm.s32 $0x100;
	v12 =	vld [tilespmem:s16+$0x30]  }
0x34: {  	v19 =	vld [tilespmem:s17+$0x30];
	v10 =	vadd.f32 v10, v13;
	v13 =	vadd.f32 v14, v6  }
0x35: {  	v14 =	vld [tilespmem:s16+$0x40]  }
0x36: {  	v25 =	vld [tilespmem:s17+$0x40];
	v10 =	vadd.f32 v15, v10;
	v15 =	vperm.xlane v13, v0  }
0x37: {  	v23 =	vld [tilespmem:s17+$0x50]  }
0x38: {  	v21 =	vld [tilespmem:s17+$0x60];
	v10 =	vadd.f32 v12, v10;
	v12 =	vadd.f32 v15, v13  }
0x39: {  	v13 =	vld [tilespmem:s17+$0x0]  }
0x3a: {  	v10 =	vadd.f32 v14, v10;
	v14 =	vld [tilespmem:s17+$0x10];
	v15 =	vperm.xlane v12, v1  }
0x3b: {  	v7 =	vld [tilespmem:s18+$0x2080]  }
0x3c: {  	v10 =	vadd.f32 v16, v10;
	v16 =	vld [tilespmem:s17+$0x20];
	v15 =	vadd.f32 v15, v12  }
0x3d: {  	v9 =	vld [tilespmem:s18+$0x20A0]  }
0x3e: {  	v8 =	vld [tilespmem:s16+$0x2080];
	v17 =	vadd.f32 v17, v10;
	v20 =	vperm.xlane v15, v2  }
0x3f: {  	v6 =	vld [tilespmem:s16+$0x2090];
	v13 =	vadd.f32 v14, v13  }
0x40: {  	v12 =	vld [tilespmem:s16+$0x20A0];
	v17 =	vadd.f32 v18, v17;
	v15 =	vadd.f32 v20, v15  }
0x41: {  	v14 =	vadd.f32 v16, v13;
	v16 =	vld [tilespmem:s18+$0x20B0]  }
0x42: {  	v10 =	vld [tilespmem:s17+$0x2080];
	v18 =	vperm.xlane v17, v0;
	v20 =	vperm.xlane v15, v4  }
0x43: {  	v13 =	vld [tilespmem:s17+$0x2090];
	s18 =	simm.s32 $0x180;
	v26 =	vadd.f32 v19, v14  }
0x44: {  	v24 =	vld [tilespmem:s18+$0x0];
	v22 =	vadd.f32 v18, v17;
	v18 =	vimm.f32 $0.0e+00;
	v19 =	vadd.f32 v20, v15  }
0x45: {  	v14 =	vld [tilespmem:s17+$0x20A0];
	v17 =	vimm.f32 $0.0e+00;
	v15 =	vimm.f32 $0.0e+00;
	v27 =	vadd.f32 v25, v26  }
0x46: {  	p0 =	por p1, p1;
	s19 =	simm.s32 $0x800;
	v26 =	vld [tilespmem:s18+$0x10];
	v25 =	vperm.xlane v22, v1;
	v20 =	vmul.f32 v16, v19;
	v16 =	vimm.f32 $0.0e+00  }
.LBB2_5:
0x47: {  	p1 =	sne.s32 s19, $0x7E00;
	v23 =	vadd.f32 v23, v27;
	v27 =	vld [tilespmem:s17+$0x70];
	v28 =	vmul.f32 v7, v19;
	v30 =	vmul.f32 v11, v19;
	v7 =	vmovc v8  }
0x48: {  	v19 =	vmul.f32 v9, v19;
	v8 =	vmovc v10;
	v29 =	vld [tilespmem:s18+$0x20];
	v22 =	vadd.f32 v25, v22;
	v15 =	vadd.f32 v20, v15  }
0x49: {  	v11 =	vmovc v6;
	v6 =	vmovc v13;
	v9 =	vmov v12;
	v10 =	vld [tilespmem:s18+$0x2080];
	v18 =	vadd.f32 v28, v18;
	v16 =	vadd.f32 v30, v16  }
0x4a: {  	v12 =	vmovc v14;
	v21 =	vadd.f32 v21, v23;
	v17 =	vadd.f32 v19, v17;
	v20 =	vld [tilespmem:s18+$0x30];
	v23 =	vperm.xlane v22, v2  }
0x4b: {  	v14 =	vadd.f32 v26, v24;
	v13 =	vld [tilespmem:s18+$0x2090]  }
0x4c: {  	v25 =	vld [tilespmem:s18+$0x40];
	v19 =	vadd.f32 v27, v21;
	v24 =	vadd.f32 v23, v22  }
0x4d: {  	v14 =	vadd.f32 v29, v14;
	v28 =	vld [tilespmem:s16+$0x20B0];
	s16 =	smov.u32 s17;
	s17 =	smov.u32 s18  }
.Ltmp1:
0x4e: {  	v23 =	vld [tilespmem:s17+$0x50];
	v22 =	vperm.xlane v19, v0;
	v26 =	vperm.xlane v24, v4;
	(pc) =	sbr.rel @p1 .LBB2_5-.Ltmp1, $4  }
0x4f: {  	v20 =	vadd.f32 v20, v14;
	v14 =	vld [tilespmem:s17+$0x20A0]  }
0x50: {  	s18 =	sshra.s32 s19, $0x2;
	v21 =	vld [tilespmem:s17+$0x60];
	v22 =	vadd.f32 v22, v19;
	v19 =	vadd.f32 v26, v24  }
0x51: {  	v24 =	vld [tilespmem:s18+$0x0];
	v27 =	vadd.f32 v25, v20  }
0x52: {  	s19 =	sadd.s32 $0x200, s19;
	v26 =	vld [tilespmem:s18+$0x10];
	v25 =	vperm.xlane v22, v1;
	v20 =	vmul.f32 v28, v19  }
0x53: {  	_ = 	snop  }
0x54: {  	v28 =	vld [tilespmem:s18+$0x20];
	_ =	sdelay $0x1  }
0x55: {  	v29 =	vld [tilespmem:s18+$0x30]  }
0x56: {  	v24 =	vadd.f32 v26, v24  }
0x57: {  	v26 =	vld [tilespmem:s18+$0x40]  }
0x58: {  	v24 =	vadd.f32 v28, v24  }
0x59: {  	v28 =	vld [tilespmem:s18+$0x50]  }
0x5a: {  	v30 =	vld [tilespmem:s17+$0x70];
	v24 =	vadd.f32 v29, v24  }
0x5b: {  	v29 =	vld [tilespmem:s18+$0x60]  }
0x5c: {  	v23 =	vadd.f32 v23, v27;
	v24 =	vadd.f32 v26, v24  }
0x5d: {  	v26 =	vld [tilespmem:s18+$0x70]  }
0x5e: {  	v21 =	vadd.f32 v21, v23;
	v23 =	vadd.f32 v28, v24;
	_ =	sdelay $0x1  }
0x5f: {  	v21 =	vadd.f32 v30, v21;
	v23 =	vadd.f32 v29, v23;
	_ =	sdelay $0x1  }
0x60: {  	v24 =	vperm.xlane v21, v0;
	v23 =	vadd.f32 v26, v23;
	_ =	sdelay $0x1  }
0x61: {  	v21 =	vadd.f32 v24, v21;
	v24 =	vperm.xlane v23, v0  }
0x62: {  	v22 =	vadd.f32 v25, v22  }
0x63: {  	(v2sf) =	vpush v5, $0x0;
	v25 =	vperm.xlane v21, v1;
	v23 =	vadd.f32 v24, v23  }
0x64: {  	v24 =	vperm.xlane v22, v2  }
0x65: {  	v21 =	vadd.f32 v25, v21;
	v25 =	vperm.xlane v23, v1  }
0x66: {  	v22 =	vadd.f32 v24, v22  }
0x67: {  	v26 =	vperm.xlane v21, v2;
	v24 =	vld [tilespmem:s16+$0x20B0];
	v23 =	vadd.f32 v25, v23  }
0x68: {  	v7 =	vmul.f32 v7, v19;
	v25 =	vperm.xlane v22, v4  }
0x69: {  	v11 =	vmul.f32 v11, v19;
	v21 =	vadd.f32 v26, v21;
	v26 =	vperm.xlane v23, v2  }
0x6a: {  	v9 =	vmul.f32 v9, v19;
	v15 =	vadd.f32 v20, v15;
	v19 =	vadd.f32 v25, v22  }
0x6b: {  	v20 =	vld [tilespmem:s18+$0x2080];
	v7 =	vadd.f32 v7, v18;
	v18 =	vperm.xlane v21, v4;
	v22 =	vadd.f32 v26, v23  }
0x6c: {  	v11 =	vadd.f32 v11, v16;
	v9 =	vadd.f32 v9, v17;
	v16 =	vld [tilespmem:s18+$0x2090];
	v17 =	vmul.f32 v24, v19  }
0x6d: {  	v18 =	vadd.f32 v18, v21;
	v8 =	vmul.f32 v8, v19;
	v23 =	vld [tilespmem:s17+$0x20B0];
	v21 =	vperm.xlane v22, v4  }
0x6e: {  	v24 =	vld [tilespmem:s18+$0x20A0];
	v6 =	vmul.f32 v6, v19;
	v12 =	vmul.f32 v12, v19;
	v15 =	vadd.f32 v17, v15  }
0x6f: {  	v7 =	vadd.f32 v8, v7;
	v8 =	vmul.f32 v10, v18;
	v10 =	vld [tilespmem:s18+$0x20B0];
	v17 =	vadd.f32 v21, v22  }
0x70: {  	v6 =	vadd.f32 v6, v11;
	v9 =	vadd.f32 v12, v9;
	v11 =	vmul.f32 v13, v18  }
0x71: {  	v12 =	vmul.f32 v14, v18;
	v7 =	vadd.f32 v8, v7;
	v8 =	vmul.f32 v20, v17  }
0x72: {  	s28 =	spop (v2sf);
	v6 =	vadd.f32 v11, v6;
	v13 =	vmul.f32 v23, v18;
	v11 =	vmul.f32 v16, v17  }
0x73: {  	s16 =	sshll.u32 s28, $0x9;
	v9 =	vadd.f32 v12, v9;
	v12 =	vmul.f32 v24, v17;
	v7 =	vadd.f32 v8, v7  }
0x74: {  	s16 =	sshra.s32 s16, $0x2;
	v10 =	vmul.f32 v10, v17;
	v8 =	vadd.f32 v13, v15;
	v6 =	vadd.f32 v11, v6  }
0x75: {  	v9 =	vadd.f32 v12, v9;
	[tilespmem:s16+$0x4080] =	vst.add.f32.msk $0xffff, v7  }
0x76: {  	v7 =	vadd.f32 v10, v8;
	[tilespmem:s16+$0x4090] =	vst.add.f32.msk $0xffff, v6  }
0x77: {  	s15 =	sadd.s32 s15, s0;
	[tilespmem:s16+$0x40A0] =	vst.add.f32.msk $0xffff, v9  }
0x78: {  	s30 =	simm.s32 $0x0;
	s29 =	sadd.s32 $0x400, s15;
	[tilespmem:s16+$0x40B0] =	vst.add.f32.msk $0xffff, v7  }
0x79: {  	[tilespmem:s30], [sflag:$0x1] =	stream.linear.gather [hbm4b:s29+s30], $0x2000, $0x38;
	[tilespmem:$0x6080] =	vst v63  }
0x7a: {  	_ =	swait.ge [sflag:s10], $0x2000  }
0x7b: {  	[sflag:s10] =	ssyncset.done $0x0  }
0x7c: {  	s31 =	simm.s32 $0x0;
	[sflag:s10] =	ssyncadd.s32 $0xFFFFE000  }
0x7d: {  	v6 =	vld [tilespmem:s31+$0x0]  }
0x7e: {  	v7 =	vld [tilespmem:s31+$0x10];
	_ =	sdelay $0x1  }
0x7f: {  	v8 =	vld [tilespmem:s31+$0x20];
	_ =	sdelay $0x1  }
0x80: {  	v9 =	vld [tilespmem:s31+$0x30]  }
0x81: {  	v10 =	vld [tilespmem:s31+$0x40];
	v6 =	vadd.f32 v7, v6  }
0x82: {  	s16 =	simm.s32 $0x80;
	v12 =	vld [tilespmem:s31+$0x60]  }
0x83: {  	v13 =	vld [tilespmem:s16+$0x0];
	v6 =	vadd.f32 v8, v6  }
0x84: {  	v8 =	vld [tilespmem:s31+$0x50]  }
0x85: {  	v14 =	vld [tilespmem:s31+$0x70];
	v6 =	vadd.f32 v9, v6  }
0x86: {  	v11 =	vld [tilespmem:s31+$0x2090]  }
0x87: {  	v15 =	vld [tilespmem:s16+$0x20];
	v6 =	vadd.f32 v10, v6  }
0x88: {  	v10 =	vld [tilespmem:s16+$0x10]  }
0x89: {  	v16 =	vld [tilespmem:s16+$0x50];
	v6 =	vadd.f32 v8, v6  }
0x8a: {  	v17 =	vld [tilespmem:s16+$0x60]  }
0x8b: {  	v18 =	vld [tilespmem:s16+$0x70];
	v6 =	vadd.f32 v12, v6  }
0x8c: {  	s17 =	simm.s32 $0x100;
	v12 =	vld [tilespmem:s16+$0x30]  }
0x8d: {  	v19 =	vld [tilespmem:s17+$0x30];
	v10 =	vadd.f32 v10, v13;
	v13 =	vadd.f32 v14, v6  }
0x8e: {  	v14 =	vld [tilespmem:s16+$0x40]  }
0x8f: {  	v25 =	vld [tilespmem:s17+$0x40];
	v10 =	vadd.f32 v15, v10;
	v15 =	vperm.xlane v13, v0  }
0x90: {  	v23 =	vld [tilespmem:s17+$0x50]  }
0x91: {  	v21 =	vld [tilespmem:s17+$0x60];
	v10 =	vadd.f32 v12, v10;
	v12 =	vadd.f32 v15, v13  }
0x92: {  	v13 =	vld [tilespmem:s17+$0x0]  }
0x93: {  	s18 =	simm.s32 $0x180;
	v10 =	vadd.f32 v14, v10;
	v14 =	vld [tilespmem:s17+$0x10];
	v15 =	vperm.xlane v12, v1  }
0x94: {  	v24 =	vld [tilespmem:s18+$0x0]  }
0x95: {  	v10 =	vadd.f32 v16, v10;
	v16 =	vld [tilespmem:s17+$0x20];
	v15 =	vadd.f32 v15, v12  }
0x96: {  	v7 =	vld [tilespmem:s31+$0x2080]  }
0x97: {  	v9 =	vld [tilespmem:s31+$0x20A0];
	v17 =	vadd.f32 v17, v10;
	v20 =	vperm.xlane v15, v2  }
0x98: {  	v8 =	vld [tilespmem:s16+$0x2080];
	v13 =	vadd.f32 v14, v13  }
0x99: {  	v6 =	vld [tilespmem:s16+$0x2090];
	v17 =	vadd.f32 v18, v17;
	v15 =	vadd.f32 v20, v15  }
0x9a: {  	v14 =	vadd.f32 v16, v13;
	v16 =	vld [tilespmem:s31+$0x20B0]  }
0x9b: {  	v12 =	vld [tilespmem:s16+$0x20A0];
	v18 =	vperm.xlane v17, v0;
	v20 =	vperm.xlane v15, v4  }
0x9c: {  	v10 =	vld [tilespmem:s17+$0x2080];
	v26 =	vadd.f32 v19, v14  }
0x9d: {  	v13 =	vld [tilespmem:s17+$0x2090];
	v22 =	vadd.f32 v18, v17;
	v18 =	vimm.f32 $0.0e+00;
	v19 =	vadd.f32 v20, v15  }
0x9e: {  	v14 =	vld [tilespmem:s17+$0x20A0];
	v17 =	vimm.f32 $0.0e+00;
	v15 =	vimm.f32 $0.0e+00;
	v27 =	vadd.f32 v25, v26  }
0x9f: {  	s19 =	simm.s32 $0x800;
	v26 =	vld [tilespmem:s18+$0x10];
	v25 =	vperm.xlane v22, v1;
	v20 =	vmul.f32 v16, v19;
	v16 =	vimm.f32 $0.0e+00  }
.LBB2_7:
0xa0: {  	p1 =	sne.s32 s19, $0x7E00;
	v23 =	vadd.f32 v23, v27;
	v27 =	vld [tilespmem:s17+$0x70];
	v28 =	vmul.f32 v7, v19;
	v30 =	vmul.f32 v11, v19;
	v7 =	vmovc v8  }
0xa1: {  	v19 =	vmul.f32 v9, v19;
	v8 =	vmovc v10;
	v29 =	vld [tilespmem:s18+$0x20];
	v22 =	vadd.f32 v25, v22;
	v15 =	vadd.f32 v20, v15  }
0xa2: {  	v11 =	vmovc v6;
	v6 =	vmovc v13;
	v9 =	vmov v12;
	v10 =	vld [tilespmem:s18+$0x2080];
	v18 =	vadd.f32 v28, v18;
	v16 =	vadd.f32 v30, v16  }
0xa3: {  	v12 =	vmovc v14;
	v21 =	vadd.f32 v21, v23;
	v17 =	vadd.f32 v19, v17;
	v20 =	vld [tilespmem:s18+$0x30];
	v23 =	vperm.xlane v22, v2  }
0xa4: {  	v14 =	vadd.f32 v26, v24;
	v13 =	vld [tilespmem:s18+$0x2090]  }
0xa5: {  	v25 =	vld [tilespmem:s18+$0x40];
	v19 =	vadd.f32 v27, v21;
	v24 =	vadd.f32 v23, v22  }
0xa6: {  	v14 =	vadd.f32 v29, v14;
	v28 =	vld [tilespmem:s16+$0x20B0];
	s16 =	smov.u32 s17;
	s17 =	smov.u32 s18  }
.Ltmp2:
0xa7: {  	v23 =	vld [tilespmem:s17+$0x50];
	v22 =	vperm.xlane v19, v0;
	v26 =	vperm.xlane v24, v4;
	(pc) =	sbr.rel @p1 .LBB2_7-.Ltmp2, $4  }
0xa8: {  	v20 =	vadd.f32 v20, v14;
	v14 =	vld [tilespmem:s17+$0x20A0]  }
0xa9: {  	s18 =	sshra.s32 s19, $0x2;
	v21 =	vld [tilespmem:s17+$0x60];
	v22 =	vadd.f32 v22, v19;
	v19 =	vadd.f32 v26, v24  }
0xaa: {  	v24 =	vld [tilespmem:s18+$0x0];
	v27 =	vadd.f32 v25, v20  }
0xab: {  	s19 =	sadd.s32 $0x200, s19;
	v26 =	vld [tilespmem:s18+$0x10];
	v25 =	vperm.xlane v22, v1;
	v20 =	vmul.f32 v28, v19  }
0xac: {  	_ = 	snop  }
0xad: {  	v28 =	vld [tilespmem:s18+$0x20];
	_ =	sdelay $0x1  }
0xae: {  	v29 =	vld [tilespmem:s18+$0x30]  }
0xaf: {  	v24 =	vadd.f32 v26, v24  }
0xb0: {  	v26 =	vld [tilespmem:s18+$0x40]  }
0xb1: {  	v24 =	vadd.f32 v28, v24  }
0xb2: {  	v28 =	vld [tilespmem:s18+$0x50]  }
0xb3: {  	v30 =	vld [tilespmem:s17+$0x70];
	v24 =	vadd.f32 v29, v24  }
0xb4: {  	v29 =	vld [tilespmem:s18+$0x60]  }
0xb5: {  	v23 =	vadd.f32 v23, v27;
	v24 =	vadd.f32 v26, v24  }
0xb6: {  	v26 =	vld [tilespmem:s18+$0x70]  }
0xb7: {  	v21 =	vadd.f32 v21, v23;
	v23 =	vadd.f32 v28, v24;
	_ =	sdelay $0x1  }
0xb8: {  	v21 =	vadd.f32 v30, v21;
	v23 =	vadd.f32 v29, v23;
	_ =	sdelay $0x1  }
0xb9: {  	v24 =	vperm.xlane v21, v0;
	v23 =	vadd.f32 v26, v23;
	_ =	sdelay $0x1  }
0xba: {  	v21 =	vadd.f32 v24, v21;
	v24 =	vperm.xlane v23, v0  }
0xbb: {  	v22 =	vadd.f32 v25, v22  }
0xbc: {  	(v2sf) =	vpush v5, $0x1;
	v25 =	vperm.xlane v21, v1;
	v23 =	vadd.f32 v24, v23  }
0xbd: {  	v24 =	vperm.xlane v22, v2  }
0xbe: {  	v21 =	vadd.f32 v25, v21;
	v25 =	vperm.xlane v23, v1  }
0xbf: {  	v22 =	vadd.f32 v24, v22  }
0xc0: {  	v26 =	vperm.xlane v21, v2;
	v24 =	vld [tilespmem:s16+$0x20B0];
	v23 =	vadd.f32 v25, v23  }
0xc1: {  	v7 =	vmul.f32 v7, v19;
	v25 =	vperm.xlane v22, v4  }
0xc2: {  	v11 =	vmul.f32 v11, v19;
	v21 =	vadd.f32 v26, v21;
	v26 =	vperm.xlane v23, v2  }
0xc3: {  	v9 =	vmul.f32 v9, v19;
	v15 =	vadd.f32 v20, v15;
	v19 =	vadd.f32 v25, v22  }
0xc4: {  	v20 =	vld [tilespmem:s18+$0x2080];
	v7 =	vadd.f32 v7, v18;
	v18 =	vperm.xlane v21, v4;
	v22 =	vadd.f32 v26, v23  }
0xc5: {  	v11 =	vadd.f32 v11, v16;
	v9 =	vadd.f32 v9, v17;
	v16 =	vld [tilespmem:s18+$0x2090];
	v17 =	vmul.f32 v24, v19  }
0xc6: {  	v18 =	vadd.f32 v18, v21;
	v8 =	vmul.f32 v8, v19;
	v23 =	vld [tilespmem:s17+$0x20B0];
	v21 =	vperm.xlane v22, v4  }
0xc7: {  	v24 =	vld [tilespmem:s18+$0x20A0];
	v6 =	vmul.f32 v6, v19;
	v12 =	vmul.f32 v12, v19;
	v15 =	vadd.f32 v17, v15  }
0xc8: {  	v7 =	vadd.f32 v8, v7;
	v8 =	vmul.f32 v10, v18;
	v10 =	vld [tilespmem:s18+$0x20B0];
	v17 =	vadd.f32 v21, v22  }
0xc9: {  	v6 =	vadd.f32 v6, v11;
	v9 =	vadd.f32 v12, v9;
	v11 =	vmul.f32 v13, v18  }
0xca: {  	v12 =	vmul.f32 v14, v18;
	v7 =	vadd.f32 v8, v7;
	v8 =	vmul.f32 v20, v17  }
0xcb: {  	s28 =	spop (v2sf);
	v6 =	vadd.f32 v11, v6;
	v13 =	vmul.f32 v23, v18;
	v11 =	vmul.f32 v16, v17  }
0xcc: {  	s16 =	sshll.u32 s28, $0x9;
	v9 =	vadd.f32 v12, v9;
	v12 =	vmul.f32 v24, v17;
	v7 =	vadd.f32 v8, v7  }
0xcd: {  	s16 =	sshra.s32 s16, $0x2;
	v10 =	vmul.f32 v10, v17;
	v8 =	vadd.f32 v13, v15;
	v6 =	vadd.f32 v11, v6  }
0xce: {  	v9 =	vadd.f32 v12, v9;
	[tilespmem:s16+$0x4080] =	vst.add.f32.msk $0xffff, v7  }
0xcf: {  	v7 =	vadd.f32 v10, v8;
	[tilespmem:s16+$0x4090] =	vst.add.f32.msk $0xffff, v6  }
0xd0: {  	[tilespmem:s16+$0x40A0] =	vst.add.f32.msk $0xffff, v9  }
0xd1: {  	s29 =	sadd.s32 $0x800, s15;
	s30 =	simm.s32 $0x0;
	[tilespmem:s16+$0x40B0] =	vst.add.f32.msk $0xffff, v7  }
0xd2: {  	[tilespmem:s30], [sflag:$0x1] =	stream.linear.gather [hbm4b:s29+s30], $0x2000, $0x38;
	[tilespmem:$0x6080] =	vst v63  }
0xd3: {  	_ =	swait.ge [sflag:s10], $0x2000  }
0xd4: {  	[sflag:s10] =	ssyncset.done $0x0  }
0xd5: {  	s31 =	simm.s32 $0x0;
	[sflag:s10] =	ssyncadd.s32 $0xFFFFE000  }
0xd6: {  	v6 =	vld [tilespmem:s31+$0x0]  }
0xd7: {  	v7 =	vld [tilespmem:s31+$0x10];
	_ =	sdelay $0x1  }
0xd8: {  	v8 =	vld [tilespmem:s31+$0x20];
	_ =	sdelay $0x1  }
0xd9: {  	v9 =	vld [tilespmem:s31+$0x30]  }
0xda: {  	v10 =	vld [tilespmem:s31+$0x40];
	v6 =	vadd.f32 v7, v6  }
0xdb: {  	s16 =	simm.s32 $0x80;
	v12 =	vld [tilespmem:s31+$0x60]  }
0xdc: {  	v13 =	vld [tilespmem:s16+$0x0];
	v6 =	vadd.f32 v8, v6  }
0xdd: {  	v8 =	vld [tilespmem:s31+$0x50]  }
0xde: {  	v14 =	vld [tilespmem:s31+$0x70];
	v6 =	vadd.f32 v9, v6  }
0xdf: {  	v11 =	vld [tilespmem:s31+$0x2090]  }
0xe0: {  	v15 =	vld [tilespmem:s16+$0x20];
	v6 =	vadd.f32 v10, v6  }
0xe1: {  	v10 =	vld [tilespmem:s16+$0x10]  }
0xe2: {  	v16 =	vld [tilespmem:s16+$0x50];
	v6 =	vadd.f32 v8, v6  }
0xe3: {  	v17 =	vld [tilespmem:s16+$0x60]  }
0xe4: {  	v18 =	vld [tilespmem:s16+$0x70];
	v6 =	vadd.f32 v12, v6  }
0xe5: {  	s17 =	simm.s32 $0x100;
	v12 =	vld [tilespmem:s16+$0x30]  }
0xe6: {  	v19 =	vld [tilespmem:s17+$0x30];
	v10 =	vadd.f32 v10, v13;
	v13 =	vadd.f32 v14, v6  }
0xe7: {  	v14 =	vld [tilespmem:s16+$0x40]  }
0xe8: {  	v25 =	vld [tilespmem:s17+$0x40];
	v10 =	vadd.f32 v15, v10;
	v15 =	vperm.xlane v13, v0  }
0xe9: {  	v23 =	vld [tilespmem:s17+$0x50]  }
0xea: {  	v21 =	vld [tilespmem:s17+$0x60];
	v10 =	vadd.f32 v12, v10;
	v12 =	vadd.f32 v15, v13  }
0xeb: {  	v13 =	vld [tilespmem:s17+$0x0]  }
0xec: {  	s18 =	simm.s32 $0x180;
	v10 =	vadd.f32 v14, v10;
	v14 =	vld [tilespmem:s17+$0x10];
	v15 =	vperm.xlane v12, v1  }
0xed: {  	v24 =	vld [tilespmem:s18+$0x0]  }
0xee: {  	v10 =	vadd.f32 v16, v10;
	v16 =	vld [tilespmem:s17+$0x20];
	v15 =	vadd.f32 v15, v12  }
0xef: {  	v7 =	vld [tilespmem:s31+$0x2080]  }
0xf0: {  	v9 =	vld [tilespmem:s31+$0x20A0];
	v17 =	vadd.f32 v17, v10;
	v20 =	vperm.xlane v15, v2  }
0xf1: {  	v8 =	vld [tilespmem:s16+$0x2080];
	v13 =	vadd.f32 v14, v13  }
0xf2: {  	v6 =	vld [tilespmem:s16+$0x2090];
	v17 =	vadd.f32 v18, v17;
	v15 =	vadd.f32 v20, v15  }
0xf3: {  	v14 =	vadd.f32 v16, v13;
	v16 =	vld [tilespmem:s31+$0x20B0]  }
0xf4: {  	v12 =	vld [tilespmem:s16+$0x20A0];
	v18 =	vperm.xlane v17, v0;
	v20 =	vperm.xlane v15, v4  }
0xf5: {  	v10 =	vld [tilespmem:s17+$0x2080];
	v26 =	vadd.f32 v19, v14  }
0xf6: {  	v13 =	vld [tilespmem:s17+$0x2090];
	v22 =	vadd.f32 v18, v17;
	v18 =	vimm.f32 $0.0e+00;
	v19 =	vadd.f32 v20, v15  }
0xf7: {  	v14 =	vld [tilespmem:s17+$0x20A0];
	v17 =	vimm.f32 $0.0e+00;
	v15 =	vimm.f32 $0.0e+00;
	v27 =	vadd.f32 v25, v26  }
0xf8: {  	s19 =	simm.s32 $0x800;
	v26 =	vld [tilespmem:s18+$0x10];
	v25 =	vperm.xlane v22, v1;
	v20 =	vmul.f32 v16, v19;
	v16 =	vimm.f32 $0.0e+00  }
.LBB2_9:
0xf9: {  	p1 =	sne.s32 s19, $0x7E00;
	v23 =	vadd.f32 v23, v27;
	v27 =	vld [tilespmem:s17+$0x70];
	v28 =	vmul.f32 v7, v19;
	v30 =	vmul.f32 v11, v19;
	v7 =	vmovc v8  }
0xfa: {  	v19 =	vmul.f32 v9, v19;
	v8 =	vmovc v10;
	v29 =	vld [tilespmem:s18+$0x20];
	v22 =	vadd.f32 v25, v22;
	v15 =	vadd.f32 v20, v15  }
0xfb: {  	v11 =	vmovc v6;
	v6 =	vmovc v13;
	v9 =	vmov v12;
	v10 =	vld [tilespmem:s18+$0x2080];
	v18 =	vadd.f32 v28, v18;
	v16 =	vadd.f32 v30, v16  }
0xfc: {  	v12 =	vmovc v14;
	v21 =	vadd.f32 v21, v23;
	v17 =	vadd.f32 v19, v17;
	v20 =	vld [tilespmem:s18+$0x30];
	v23 =	vperm.xlane v22, v2  }
0xfd: {  	v14 =	vadd.f32 v26, v24;
	v13 =	vld [tilespmem:s18+$0x2090]  }
0xfe: {  	v25 =	vld [tilespmem:s18+$0x40];
	v19 =	vadd.f32 v27, v21;
	v24 =	vadd.f32 v23, v22  }
0xff: {  	v14 =	vadd.f32 v29, v14;
	v28 =	vld [tilespmem:s16+$0x20B0];
	s16 =	smov.u32 s17;
	s17 =	smov.u32 s18  }
.Ltmp3:
0x100: {  	v23 =	vld [tilespmem:s17+$0x50];
	v22 =	vperm.xlane v19, v0;
	v26 =	vperm.xlane v24, v4;
	(pc) =	sbr.rel @p1 .LBB2_9-.Ltmp3, $4  }
0x101: {  	v20 =	vadd.f32 v20, v14;
	v14 =	vld [tilespmem:s17+$0x20A0]  }
0x102: {  	s18 =	sshra.s32 s19, $0x2;
	v21 =	vld [tilespmem:s17+$0x60];
	v22 =	vadd.f32 v22, v19;
	v19 =	vadd.f32 v26, v24  }
0x103: {  	v24 =	vld [tilespmem:s18+$0x0];
	v27 =	vadd.f32 v25, v20  }
0x104: {  	s19 =	sadd.s32 $0x200, s19;
	v26 =	vld [tilespmem:s18+$0x10];
	v25 =	vperm.xlane v22, v1;
	v20 =	vmul.f32 v28, v19  }
0x105: {  	_ = 	snop  }
0x106: {  	v28 =	vld [tilespmem:s18+$0x20];
	_ =	sdelay $0x1  }
0x107: {  	v29 =	vld [tilespmem:s18+$0x30]  }
0x108: {  	v24 =	vadd.f32 v26, v24  }
0x109: {  	v26 =	vld [tilespmem:s18+$0x40]  }
0x10a: {  	v24 =	vadd.f32 v28, v24  }
0x10b: {  	v28 =	vld [tilespmem:s18+$0x50]  }
0x10c: {  	v30 =	vld [tilespmem:s17+$0x70];
	v24 =	vadd.f32 v29, v24  }
0x10d: {  	v29 =	vld [tilespmem:s18+$0x60]  }
0x10e: {  	v23 =	vadd.f32 v23, v27;
	v24 =	vadd.f32 v26, v24  }
0x10f: {  	v26 =	vld [tilespmem:s18+$0x70]  }
0x110: {  	v21 =	vadd.f32 v21, v23;
	v23 =	vadd.f32 v28, v24;
	_ =	sdelay $0x1  }
0x111: {  	v21 =	vadd.f32 v30, v21;
	v23 =	vadd.f32 v29, v23;
	_ =	sdelay $0x1  }
0x112: {  	v24 =	vperm.xlane v21, v0;
	v23 =	vadd.f32 v26, v23;
	_ =	sdelay $0x1  }
0x113: {  	v21 =	vadd.f32 v24, v21;
	v24 =	vperm.xlane v23, v0  }
0x114: {  	v22 =	vadd.f32 v25, v22  }
0x115: {  	(v2sf) =	vpush v5, $0x2;
	v25 =	vperm.xlane v21, v1;
	v23 =	vadd.f32 v24, v23  }
0x116: {  	v24 =	vperm.xlane v22, v2  }
0x117: {  	v21 =	vadd.f32 v25, v21;
	v25 =	vperm.xlane v23, v1  }
0x118: {  	v22 =	vadd.f32 v24, v22  }
0x119: {  	v26 =	vperm.xlane v21, v2;
	v24 =	vld [tilespmem:s16+$0x20B0];
	v23 =	vadd.f32 v25, v23  }
0x11a: {  	v7 =	vmul.f32 v7, v19;
	v25 =	vperm.xlane v22, v4  }
0x11b: {  	v11 =	vmul.f32 v11, v19;
	v21 =	vadd.f32 v26, v21;
	v26 =	vperm.xlane v23, v2  }
0x11c: {  	v9 =	vmul.f32 v9, v19;
	v15 =	vadd.f32 v20, v15;
	v19 =	vadd.f32 v25, v22  }
0x11d: {  	v20 =	vld [tilespmem:s18+$0x2080];
	v7 =	vadd.f32 v7, v18;
	v18 =	vperm.xlane v21, v4;
	v22 =	vadd.f32 v26, v23  }
0x11e: {  	v11 =	vadd.f32 v11, v16;
	v9 =	vadd.f32 v9, v17;
	v16 =	vld [tilespmem:s18+$0x2090];
	v17 =	vmul.f32 v24, v19  }
0x11f: {  	v18 =	vadd.f32 v18, v21;
	v8 =	vmul.f32 v8, v19;
	v23 =	vld [tilespmem:s17+$0x20B0];
	v21 =	vperm.xlane v22, v4  }
0x120: {  	v24 =	vld [tilespmem:s18+$0x20A0];
	v6 =	vmul.f32 v6, v19;
	v12 =	vmul.f32 v12, v19;
	v15 =	vadd.f32 v17, v15  }
0x121: {  	v7 =	vadd.f32 v8, v7;
	v8 =	vmul.f32 v10, v18;
	v10 =	vld [tilespmem:s18+$0x20B0];
	v17 =	vadd.f32 v21, v22  }
0x122: {  	v6 =	vadd.f32 v6, v11;
	v9 =	vadd.f32 v12, v9;
	v11 =	vmul.f32 v13, v18  }
0x123: {  	v12 =	vmul.f32 v14, v18;
	v7 =	vadd.f32 v8, v7;
	v8 =	vmul.f32 v20, v17  }
0x124: {  	s28 =	spop (v2sf);
	v6 =	vadd.f32 v11, v6;
	v13 =	vmul.f32 v23, v18;
	v11 =	vmul.f32 v16, v17  }
0x125: {  	s16 =	sshll.u32 s28, $0x9;
	v9 =	vadd.f32 v12, v9;
	v12 =	vmul.f32 v24, v17;
	v7 =	vadd.f32 v8, v7  }
0x126: {  	s16 =	sshra.s32 s16, $0x2;
	v10 =	vmul.f32 v10, v17;
	v8 =	vadd.f32 v13, v15;
	v6 =	vadd.f32 v11, v6  }
0x127: {  	v9 =	vadd.f32 v12, v9;
	[tilespmem:s16+$0x4080] =	vst.add.f32.msk $0xffff, v7  }
0x128: {  	v7 =	vadd.f32 v10, v8;
	[tilespmem:s16+$0x4090] =	vst.add.f32.msk $0xffff, v6  }
0x129: {  	[tilespmem:s16+$0x40A0] =	vst.add.f32.msk $0xffff, v9  }
0x12a: {  	s29 =	sadd.s32 $0xC00, s15;
	s30 =	simm.s32 $0x0;
	[tilespmem:s16+$0x40B0] =	vst.add.f32.msk $0xffff, v7  }
0x12b: {  	[tilespmem:s30], [sflag:$0x1] =	stream.linear.gather [hbm4b:s29+s30], $0x2000, $0x38;
	[tilespmem:$0x6080] =	vst v63  }
0x12c: {  	_ =	swait.ge [sflag:s10], $0x2000  }
0x12d: {  	[sflag:s10] =	ssyncset.done $0x0  }
0x12e: {  	s31 =	simm.s32 $0x0;
	[sflag:s10] =	ssyncadd.s32 $0xFFFFE000  }
0x12f: {  	v6 =	vld [tilespmem:s31+$0x0]  }
0x130: {  	v7 =	vld [tilespmem:s31+$0x10];
	_ =	sdelay $0x1  }
0x131: {  	v8 =	vld [tilespmem:s31+$0x20];
	_ =	sdelay $0x1  }
0x132: {  	v9 =	vld [tilespmem:s31+$0x30]  }
0x133: {  	v10 =	vld [tilespmem:s31+$0x40];
	v6 =	vadd.f32 v7, v6  }
0x134: {  	s16 =	simm.s32 $0x80;
	v12 =	vld [tilespmem:s31+$0x60]  }
0x135: {  	v13 =	vld [tilespmem:s16+$0x0];
	v6 =	vadd.f32 v8, v6  }
0x136: {  	v8 =	vld [tilespmem:s31+$0x50]  }
0x137: {  	v14 =	vld [tilespmem:s31+$0x70];
	v6 =	vadd.f32 v9, v6  }
0x138: {  	v11 =	vld [tilespmem:s31+$0x2090]  }
0x139: {  	v15 =	vld [tilespmem:s16+$0x20];
	v6 =	vadd.f32 v10, v6  }
0x13a: {  	v10 =	vld [tilespmem:s16+$0x10]  }
0x13b: {  	v16 =	vld [tilespmem:s16+$0x50];
	v6 =	vadd.f32 v8, v6  }
0x13c: {  	v17 =	vld [tilespmem:s16+$0x60]  }
0x13d: {  	v18 =	vld [tilespmem:s16+$0x70];
	v6 =	vadd.f32 v12, v6  }
0x13e: {  	s17 =	simm.s32 $0x100;
	v12 =	vld [tilespmem:s16+$0x30]  }
0x13f: {  	v19 =	vld [tilespmem:s17+$0x30];
	v10 =	vadd.f32 v10, v13;
	v13 =	vadd.f32 v14, v6  }
0x140: {  	v14 =	vld [tilespmem:s16+$0x40]  }
0x141: {  	v25 =	vld [tilespmem:s17+$0x40];
	v10 =	vadd.f32 v15, v10;
	v15 =	vperm.xlane v13, v0  }
0x142: {  	v23 =	vld [tilespmem:s17+$0x50]  }
0x143: {  	v21 =	vld [tilespmem:s17+$0x60];
	v10 =	vadd.f32 v12, v10;
	v12 =	vadd.f32 v15, v13  }
0x144: {  	v13 =	vld [tilespmem:s17+$0x0]  }
0x145: {  	s18 =	simm.s32 $0x180;
	v10 =	vadd.f32 v14, v10;
	v14 =	vld [tilespmem:s17+$0x10];
	v15 =	vperm.xlane v12, v1  }
0x146: {  	v24 =	vld [tilespmem:s18+$0x0]  }
0x147: {  	v10 =	vadd.f32 v16, v10;
	v16 =	vld [tilespmem:s17+$0x20];
	v15 =	vadd.f32 v15, v12  }
0x148: {  	v7 =	vld [tilespmem:s31+$0x2080]  }
0x149: {  	v9 =	vld [tilespmem:s31+$0x20A0];
	v17 =	vadd.f32 v17, v10;
	v20 =	vperm.xlane v15, v2  }
0x14a: {  	v8 =	vld [tilespmem:s16+$0x2080];
	v13 =	vadd.f32 v14, v13  }
0x14b: {  	v6 =	vld [tilespmem:s16+$0x2090];
	v17 =	vadd.f32 v18, v17;
	v15 =	vadd.f32 v20, v15  }
0x14c: {  	v14 =	vadd.f32 v16, v13;
	v16 =	vld [tilespmem:s31+$0x20B0]  }
0x14d: {  	v12 =	vld [tilespmem:s16+$0x20A0];
	v18 =	vperm.xlane v17, v0;
	v20 =	vperm.xlane v15, v4  }
0x14e: {  	v10 =	vld [tilespmem:s17+$0x2080];
	v26 =	vadd.f32 v19, v14  }
0x14f: {  	v13 =	vld [tilespmem:s17+$0x2090];
	v22 =	vadd.f32 v18, v17;
	v18 =	vimm.f32 $0.0e+00;
	v19 =	vadd.f32 v20, v15  }
0x150: {  	v14 =	vld [tilespmem:s17+$0x20A0];
	v17 =	vimm.f32 $0.0e+00;
	v15 =	vimm.f32 $0.0e+00;
	v27 =	vadd.f32 v25, v26  }
0x151: {  	s19 =	simm.s32 $0x800;
	v26 =	vld [tilespmem:s18+$0x10];
	v25 =	vperm.xlane v22, v1;
	v20 =	vmul.f32 v16, v19;
	v16 =	vimm.f32 $0.0e+00  }
.LBB2_11:
0x152: {  	p1 =	sne.s32 s19, $0x7E00;
	v23 =	vadd.f32 v23, v27;
	v27 =	vld [tilespmem:s17+$0x70];
	v28 =	vmul.f32 v7, v19;
	v30 =	vmul.f32 v11, v19;
	v7 =	vmovc v8  }
0x153: {  	v19 =	vmul.f32 v9, v19;
	v8 =	vmovc v10;
	v29 =	vld [tilespmem:s18+$0x20];
	v22 =	vadd.f32 v25, v22;
	v15 =	vadd.f32 v20, v15  }
0x154: {  	v11 =	vmovc v6;
	v6 =	vmovc v13;
	v9 =	vmov v12;
	v10 =	vld [tilespmem:s18+$0x2080];
	v18 =	vadd.f32 v28, v18;
	v16 =	vadd.f32 v30, v16  }
0x155: {  	v12 =	vmovc v14;
	v21 =	vadd.f32 v21, v23;
	v17 =	vadd.f32 v19, v17;
	v20 =	vld [tilespmem:s18+$0x30];
	v23 =	vperm.xlane v22, v2  }
0x156: {  	v14 =	vadd.f32 v26, v24;
	v13 =	vld [tilespmem:s18+$0x2090]  }
0x157: {  	v25 =	vld [tilespmem:s18+$0x40];
	v19 =	vadd.f32 v27, v21;
	v24 =	vadd.f32 v23, v22  }
0x158: {  	v14 =	vadd.f32 v29, v14;
	v28 =	vld [tilespmem:s16+$0x20B0];
	s16 =	smov.u32 s17;
	s17 =	smov.u32 s18  }
.Ltmp4:
0x159: {  	v23 =	vld [tilespmem:s17+$0x50];
	v22 =	vperm.xlane v19, v0;
	v26 =	vperm.xlane v24, v4;
	(pc) =	sbr.rel @p1 .LBB2_11-.Ltmp4, $4  }
0x15a: {  	v20 =	vadd.f32 v20, v14;
	v14 =	vld [tilespmem:s17+$0x20A0]  }
0x15b: {  	s18 =	sshra.s32 s19, $0x2;
	v21 =	vld [tilespmem:s17+$0x60];
	v22 =	vadd.f32 v22, v19;
	v19 =	vadd.f32 v26, v24  }
0x15c: {  	v24 =	vld [tilespmem:s18+$0x0];
	v27 =	vadd.f32 v25, v20  }
0x15d: {  	s19 =	sadd.s32 $0x200, s19;
	v26 =	vld [tilespmem:s18+$0x10];
	v25 =	vperm.xlane v22, v1;
	v20 =	vmul.f32 v28, v19  }
0x15e: {  	_ = 	snop  }
0x15f: {  	v28 =	vld [tilespmem:s18+$0x20];
	_ =	sdelay $0x1  }
0x160: {  	v29 =	vld [tilespmem:s18+$0x30]  }
0x161: {  	v24 =	vadd.f32 v26, v24  }
0x162: {  	v26 =	vld [tilespmem:s18+$0x40]  }
0x163: {  	v24 =	vadd.f32 v28, v24  }
0x164: {  	v28 =	vld [tilespmem:s18+$0x50]  }
0x165: {  	v30 =	vld [tilespmem:s17+$0x70];
	v24 =	vadd.f32 v29, v24  }
0x166: {  	v29 =	vld [tilespmem:s18+$0x60]  }
0x167: {  	v23 =	vadd.f32 v23, v27;
	v24 =	vadd.f32 v26, v24  }
0x168: {  	v26 =	vld [tilespmem:s18+$0x70]  }
0x169: {  	v21 =	vadd.f32 v21, v23;
	v23 =	vadd.f32 v28, v24;
	_ =	sdelay $0x1  }
0x16a: {  	v21 =	vadd.f32 v30, v21;
	v23 =	vadd.f32 v29, v23;
	_ =	sdelay $0x1  }
0x16b: {  	v24 =	vperm.xlane v21, v0;
	v23 =	vadd.f32 v26, v23;
	_ =	sdelay $0x1  }
0x16c: {  	v21 =	vadd.f32 v24, v21;
	v24 =	vperm.xlane v23, v0  }
0x16d: {  	v22 =	vadd.f32 v25, v22  }
0x16e: {  	(v2sf) =	vpush v5, $0x3;
	v25 =	vperm.xlane v21, v1;
	v23 =	vadd.f32 v24, v23  }
0x16f: {  	v24 =	vperm.xlane v22, v2  }
0x170: {  	v21 =	vadd.f32 v25, v21;
	v25 =	vperm.xlane v23, v1  }
0x171: {  	v22 =	vadd.f32 v24, v22  }
0x172: {  	v26 =	vperm.xlane v21, v2;
	v24 =	vld [tilespmem:s16+$0x20B0];
	v23 =	vadd.f32 v25, v23  }
0x173: {  	v7 =	vmul.f32 v7, v19;
	v25 =	vperm.xlane v22, v4  }
0x174: {  	v11 =	vmul.f32 v11, v19;
	v21 =	vadd.f32 v26, v21;
	v26 =	vperm.xlane v23, v2  }
0x175: {  	v9 =	vmul.f32 v9, v19;
	v15 =	vadd.f32 v20, v15;
	v19 =	vadd.f32 v25, v22  }
0x176: {  	v20 =	vld [tilespmem:s18+$0x2080];
	v7 =	vadd.f32 v7, v18;
	v18 =	vperm.xlane v21, v4;
	v22 =	vadd.f32 v26, v23  }
0x177: {  	v11 =	vadd.f32 v11, v16;
	v9 =	vadd.f32 v9, v17;
	v16 =	vld [tilespmem:s18+$0x2090];
	v17 =	vmul.f32 v24, v19  }
0x178: {  	v18 =	vadd.f32 v18, v21;
	v8 =	vmul.f32 v8, v19;
	v23 =	vld [tilespmem:s17+$0x20B0];
	v21 =	vperm.xlane v22, v4  }
0x179: {  	v24 =	vld [tilespmem:s18+$0x20A0];
	v6 =	vmul.f32 v6, v19;
	v12 =	vmul.f32 v12, v19;
	v15 =	vadd.f32 v17, v15  }
0x17a: {  	v7 =	vadd.f32 v8, v7;
	v8 =	vmul.f32 v10, v18;
	v10 =	vld [tilespmem:s18+$0x20B0];
	v17 =	vadd.f32 v21, v22  }
0x17b: {  	v6 =	vadd.f32 v6, v11;
	v9 =	vadd.f32 v12, v9;
	v11 =	vmul.f32 v13, v18  }
0x17c: {  	v12 =	vmul.f32 v14, v18;
	v7 =	vadd.f32 v8, v7;
	v8 =	vmul.f32 v20, v17  }
0x17d: {  	s28 =	spop (v2sf);
	v6 =	vadd.f32 v11, v6;
	v13 =	vmul.f32 v23, v18;
	v11 =	vmul.f32 v16, v17  }
0x17e: {  	s16 =	sshll.u32 s28, $0x9;
	v9 =	vadd.f32 v12, v9;
	v12 =	vmul.f32 v24, v17;
	v7 =	vadd.f32 v8, v7  }
0x17f: {  	s16 =	sshra.s32 s16, $0x2;
	v10 =	vmul.f32 v10, v17;
	v8 =	vadd.f32 v13, v15;
	v6 =	vadd.f32 v11, v6  }
0x180: {  	v9 =	vadd.f32 v12, v9;
	[tilespmem:s16+$0x4080] =	vst.add.f32.msk $0xffff, v7  }
0x181: {  	v7 =	vadd.f32 v10, v8;
	[tilespmem:s16+$0x4090] =	vst.add.f32.msk $0xffff, v6  }
0x182: {  	[tilespmem:s16+$0x40A0] =	vst.add.f32.msk $0xffff, v9  }
0x183: {  	s29 =	sadd.s32 $0x1000, s15;
	s30 =	simm.s32 $0x0;
	[tilespmem:s16+$0x40B0] =	vst.add.f32.msk $0xffff, v7  }
0x184: {  	[tilespmem:s30], [sflag:$0x1] =	stream.linear.gather [hbm4b:s29+s30], $0x2000, $0x38;
	[tilespmem:$0x6080] =	vst v63  }
0x185: {  	_ =	swait.ge [sflag:s10], $0x2000  }
0x186: {  	[sflag:s10] =	ssyncset.done $0x0  }
0x187: {  	s31 =	simm.s32 $0x0;
	[sflag:s10] =	ssyncadd.s32 $0xFFFFE000  }
0x188: {  	v6 =	vld [tilespmem:s31+$0x0]  }
0x189: {  	v7 =	vld [tilespmem:s31+$0x10];
	_ =	sdelay $0x1  }
0x18a: {  	v8 =	vld [tilespmem:s31+$0x20];
	_ =	sdelay $0x1  }
0x18b: {  	v9 =	vld [tilespmem:s31+$0x30]  }
0x18c: {  	v10 =	vld [tilespmem:s31+$0x40];
	v6 =	vadd.f32 v7, v6  }
0x18d: {  	s16 =	simm.s32 $0x80;
	v12 =	vld [tilespmem:s31+$0x60]  }
0x18e: {  	v13 =	vld [tilespmem:s16+$0x0];
	v6 =	vadd.f32 v8, v6  }
0x18f: {  	v8 =	vld [tilespmem:s31+$0x50]  }
0x190: {  	v14 =	vld [tilespmem:s31+$0x70];
	v6 =	vadd.f32 v9, v6  }
0x191: {  	v11 =	vld [tilespmem:s31+$0x2090]  }
0x192: {  	v15 =	vld [tilespmem:s16+$0x20];
	v6 =	vadd.f32 v10, v6  }
0x193: {  	v10 =	vld [tilespmem:s16+$0x10]  }
0x194: {  	v16 =	vld [tilespmem:s16+$0x50];
	v6 =	vadd.f32 v8, v6  }
0x195: {  	v17 =	vld [tilespmem:s16+$0x60]  }
0x196: {  	v18 =	vld [tilespmem:s16+$0x70];
	v6 =	vadd.f32 v12, v6  }
0x197: {  	s17 =	simm.s32 $0x100;
	v12 =	vld [tilespmem:s16+$0x30]  }
0x198: {  	v19 =	vld [tilespmem:s17+$0x30];
	v10 =	vadd.f32 v10, v13;
	v13 =	vadd.f32 v14, v6  }
0x199: {  	v14 =	vld [tilespmem:s16+$0x40]  }
0x19a: {  	v25 =	vld [tilespmem:s17+$0x40];
	v10 =	vadd.f32 v15, v10;
	v15 =	vperm.xlane v13, v0  }
0x19b: {  	v23 =	vld [tilespmem:s17+$0x50]  }
0x19c: {  	v21 =	vld [tilespmem:s17+$0x60];
	v10 =	vadd.f32 v12, v10;
	v12 =	vadd.f32 v15, v13  }
0x19d: {  	v13 =	vld [tilespmem:s17+$0x0]  }
0x19e: {  	s18 =	simm.s32 $0x180;
	v10 =	vadd.f32 v14, v10;
	v14 =	vld [tilespmem:s17+$0x10];
	v15 =	vperm.xlane v12, v1  }
0x19f: {  	v24 =	vld [tilespmem:s18+$0x0]  }
0x1a0: {  	v10 =	vadd.f32 v16, v10;
	v16 =	vld [tilespmem:s17+$0x20];
	v15 =	vadd.f32 v15, v12  }
0x1a1: {  	v7 =	vld [tilespmem:s31+$0x2080]  }
0x1a2: {  	v9 =	vld [tilespmem:s31+$0x20A0];
	v17 =	vadd.f32 v17, v10;
	v20 =	vperm.xlane v15, v2  }
0x1a3: {  	v8 =	vld [tilespmem:s16+$0x2080];
	v13 =	vadd.f32 v14, v13  }
0x1a4: {  	v6 =	vld [tilespmem:s16+$0x2090];
	v17 =	vadd.f32 v18, v17;
	v15 =	vadd.f32 v20, v15  }
0x1a5: {  	v14 =	vadd.f32 v16, v13;
	v16 =	vld [tilespmem:s31+$0x20B0]  }
0x1a6: {  	v12 =	vld [tilespmem:s16+$0x20A0];
	v18 =	vperm.xlane v17, v0;
	v20 =	vperm.xlane v15, v4  }
0x1a7: {  	v10 =	vld [tilespmem:s17+$0x2080];
	v26 =	vadd.f32 v19, v14  }
0x1a8: {  	v13 =	vld [tilespmem:s17+$0x2090];
	v22 =	vadd.f32 v18, v17;
	v18 =	vimm.f32 $0.0e+00;
	v19 =	vadd.f32 v20, v15  }
0x1a9: {  	v14 =	vld [tilespmem:s17+$0x20A0];
	v17 =	vimm.f32 $0.0e+00;
	v15 =	vimm.f32 $0.0e+00;
	v27 =	vadd.f32 v25, v26  }
0x1aa: {  	s19 =	simm.s32 $0x800;
	v26 =	vld [tilespmem:s18+$0x10];
	v25 =	vperm.xlane v22, v1;
	v20 =	vmul.f32 v16, v19;
	v16 =	vimm.f32 $0.0e+00  }
.LBB2_13:
0x1ab: {  	p1 =	sne.s32 s19, $0x7E00;
	v23 =	vadd.f32 v23, v27;
	v27 =	vld [tilespmem:s17+$0x70];
	v28 =	vmul.f32 v7, v19;
	v30 =	vmul.f32 v11, v19;
	v7 =	vmovc v8  }
0x1ac: {  	v19 =	vmul.f32 v9, v19;
	v8 =	vmovc v10;
	v29 =	vld [tilespmem:s18+$0x20];
	v22 =	vadd.f32 v25, v22;
	v15 =	vadd.f32 v20, v15  }
0x1ad: {  	v11 =	vmovc v6;
	v6 =	vmovc v13;
	v9 =	vmov v12;
	v10 =	vld [tilespmem:s18+$0x2080];
	v18 =	vadd.f32 v28, v18;
	v16 =	vadd.f32 v30, v16  }
0x1ae: {  	v12 =	vmovc v14;
	v21 =	vadd.f32 v21, v23;
	v17 =	vadd.f32 v19, v17;
	v20 =	vld [tilespmem:s18+$0x30];
	v23 =	vperm.xlane v22, v2  }
0x1af: {  	v14 =	vadd.f32 v26, v24;
	v13 =	vld [tilespmem:s18+$0x2090]  }
0x1b0: {  	v25 =	vld [tilespmem:s18+$0x40];
	v19 =	vadd.f32 v27, v21;
	v24 =	vadd.f32 v23, v22  }
0x1b1: {  	v14 =	vadd.f32 v29, v14;
	v28 =	vld [tilespmem:s16+$0x20B0];
	s16 =	smov.u32 s17;
	s17 =	smov.u32 s18  }
.Ltmp5:
0x1b2: {  	v23 =	vld [tilespmem:s17+$0x50];
	v22 =	vperm.xlane v19, v0;
	v26 =	vperm.xlane v24, v4;
	(pc) =	sbr.rel @p1 .LBB2_13-.Ltmp5, $4  }
0x1b3: {  	v20 =	vadd.f32 v20, v14;
	v14 =	vld [tilespmem:s17+$0x20A0]  }
0x1b4: {  	s18 =	sshra.s32 s19, $0x2;
	v21 =	vld [tilespmem:s17+$0x60];
	v22 =	vadd.f32 v22, v19;
	v19 =	vadd.f32 v26, v24  }
0x1b5: {  	v24 =	vld [tilespmem:s18+$0x0];
	v27 =	vadd.f32 v25, v20  }
0x1b6: {  	s19 =	sadd.s32 $0x200, s19;
	v26 =	vld [tilespmem:s18+$0x10];
	v25 =	vperm.xlane v22, v1;
	v20 =	vmul.f32 v28, v19  }
0x1b7: {  	_ = 	snop  }
0x1b8: {  	v28 =	vld [tilespmem:s18+$0x20];
	_ =	sdelay $0x1  }
0x1b9: {  	v29 =	vld [tilespmem:s18+$0x30]  }
0x1ba: {  	v24 =	vadd.f32 v26, v24  }
0x1bb: {  	v26 =	vld [tilespmem:s18+$0x40]  }
0x1bc: {  	v24 =	vadd.f32 v28, v24  }
0x1bd: {  	v28 =	vld [tilespmem:s18+$0x50]  }
0x1be: {  	v30 =	vld [tilespmem:s17+$0x70];
	v24 =	vadd.f32 v29, v24  }
0x1bf: {  	v29 =	vld [tilespmem:s18+$0x60]  }
0x1c0: {  	v23 =	vadd.f32 v23, v27;
	v24 =	vadd.f32 v26, v24  }
0x1c1: {  	v26 =	vld [tilespmem:s18+$0x70]  }
0x1c2: {  	v21 =	vadd.f32 v21, v23;
	v23 =	vadd.f32 v28, v24;
	_ =	sdelay $0x1  }
0x1c3: {  	v21 =	vadd.f32 v30, v21;
	v23 =	vadd.f32 v29, v23;
	_ =	sdelay $0x1  }
0x1c4: {  	v24 =	vperm.xlane v21, v0;
	v23 =	vadd.f32 v26, v23;
	_ =	sdelay $0x1  }
0x1c5: {  	v21 =	vadd.f32 v24, v21;
	v24 =	vperm.xlane v23, v0  }
0x1c6: {  	v22 =	vadd.f32 v25, v22  }
0x1c7: {  	(v2sf) =	vpush v5, $0x4;
	v25 =	vperm.xlane v21, v1;
	v23 =	vadd.f32 v24, v23  }
0x1c8: {  	v24 =	vperm.xlane v22, v2  }
0x1c9: {  	v21 =	vadd.f32 v25, v21;
	v25 =	vperm.xlane v23, v1  }
0x1ca: {  	v22 =	vadd.f32 v24, v22  }
0x1cb: {  	v26 =	vperm.xlane v21, v2;
	v24 =	vld [tilespmem:s16+$0x20B0];
	v23 =	vadd.f32 v25, v23  }
0x1cc: {  	v7 =	vmul.f32 v7, v19;
	v25 =	vperm.xlane v22, v4  }
0x1cd: {  	v11 =	vmul.f32 v11, v19;
	v21 =	vadd.f32 v26, v21;
	v26 =	vperm.xlane v23, v2  }
0x1ce: {  	v9 =	vmul.f32 v9, v19;
	v15 =	vadd.f32 v20, v15;
	v19 =	vadd.f32 v25, v22  }
0x1cf: {  	v20 =	vld [tilespmem:s18+$0x2080];
	v7 =	vadd.f32 v7, v18;
	v18 =	vperm.xlane v21, v4;
	v22 =	vadd.f32 v26, v23  }
0x1d0: {  	v11 =	vadd.f32 v11, v16;
	v9 =	vadd.f32 v9, v17;
	v16 =	vld [tilespmem:s18+$0x2090];
	v17 =	vmul.f32 v24, v19  }
0x1d1: {  	v18 =	vadd.f32 v18, v21;
	v8 =	vmul.f32 v8, v19;
	v23 =	vld [tilespmem:s17+$0x20B0];
	v21 =	vperm.xlane v22, v4  }
0x1d2: {  	v24 =	vld [tilespmem:s18+$0x20A0];
	v6 =	vmul.f32 v6, v19;
	v12 =	vmul.f32 v12, v19;
	v15 =	vadd.f32 v17, v15  }
0x1d3: {  	v7 =	vadd.f32 v8, v7;
	v8 =	vmul.f32 v10, v18;
	v10 =	vld [tilespmem:s18+$0x20B0];
	v17 =	vadd.f32 v21, v22  }
0x1d4: {  	v6 =	vadd.f32 v6, v11;
	v9 =	vadd.f32 v12, v9;
	v11 =	vmul.f32 v13, v18  }
0x1d5: {  	v12 =	vmul.f32 v14, v18;
	v7 =	vadd.f32 v8, v7;
	v8 =	vmul.f32 v20, v17  }
0x1d6: {  	s28 =	spop (v2sf);
	v6 =	vadd.f32 v11, v6;
	v13 =	vmul.f32 v23, v18;
	v11 =	vmul.f32 v16, v17  }
0x1d7: {  	s16 =	sshll.u32 s28, $0x9;
	v9 =	vadd.f32 v12, v9;
	v12 =	vmul.f32 v24, v17;
	v7 =	vadd.f32 v8, v7  }
0x1d8: {  	s16 =	sshra.s32 s16, $0x2;
	v10 =	vmul.f32 v10, v17;
	v8 =	vadd.f32 v13, v15;
	v6 =	vadd.f32 v11, v6  }
0x1d9: {  	v9 =	vadd.f32 v12, v9;
	[tilespmem:s16+$0x4080] =	vst.add.f32.msk $0xffff, v7  }
0x1da: {  	v7 =	vadd.f32 v10, v8;
	[tilespmem:s16+$0x4090] =	vst.add.f32.msk $0xffff, v6  }
0x1db: {  	[tilespmem:s16+$0x40A0] =	vst.add.f32.msk $0xffff, v9  }
0x1dc: {  	s29 =	sadd.s32 $0x1400, s15;
	s30 =	simm.s32 $0x0;
	[tilespmem:s16+$0x40B0] =	vst.add.f32.msk $0xffff, v7  }
0x1dd: {  	[tilespmem:s30], [sflag:$0x1] =	stream.linear.gather [hbm4b:s29+s30], $0x2000, $0x38;
	[tilespmem:$0x6080] =	vst v63  }
0x1de: {  	_ =	swait.ge [sflag:s10], $0x2000  }
0x1df: {  	[sflag:s10] =	ssyncset.done $0x0  }
0x1e0: {  	s31 =	simm.s32 $0x0;
	[sflag:s10] =	ssyncadd.s32 $0xFFFFE000  }
0x1e1: {  	v6 =	vld [tilespmem:s31+$0x0]  }
0x1e2: {  	v7 =	vld [tilespmem:s31+$0x10];
	_ =	sdelay $0x1  }
0x1e3: {  	v8 =	vld [tilespmem:s31+$0x20];
	_ =	sdelay $0x1  }
0x1e4: {  	v9 =	vld [tilespmem:s31+$0x30]  }
0x1e5: {  	v10 =	vld [tilespmem:s31+$0x40];
	v6 =	vadd.f32 v7, v6  }
0x1e6: {  	s16 =	simm.s32 $0x80;
	v12 =	vld [tilespmem:s31+$0x60]  }
0x1e7: {  	v13 =	vld [tilespmem:s16+$0x0];
	v6 =	vadd.f32 v8, v6  }
0x1e8: {  	v8 =	vld [tilespmem:s31+$0x50]  }
0x1e9: {  	v14 =	vld [tilespmem:s31+$0x70];
	v6 =	vadd.f32 v9, v6  }
0x1ea: {  	v11 =	vld [tilespmem:s31+$0x2090]  }
0x1eb: {  	v15 =	vld [tilespmem:s16+$0x20];
	v6 =	vadd.f32 v10, v6  }
0x1ec: {  	v10 =	vld [tilespmem:s16+$0x10]  }
0x1ed: {  	v16 =	vld [tilespmem:s16+$0x50];
	v6 =	vadd.f32 v8, v6  }
0x1ee: {  	v17 =	vld [tilespmem:s16+$0x60]  }
0x1ef: {  	v18 =	vld [tilespmem:s16+$0x70];
	v6 =	vadd.f32 v12, v6  }
0x1f0: {  	s17 =	simm.s32 $0x100;
	v12 =	vld [tilespmem:s16+$0x30]  }
0x1f1: {  	v19 =	vld [tilespmem:s17+$0x30];
	v10 =	vadd.f32 v10, v13;
	v13 =	vadd.f32 v14, v6  }
0x1f2: {  	v14 =	vld [tilespmem:s16+$0x40]  }
0x1f3: {  	v25 =	vld [tilespmem:s17+$0x40];
	v10 =	vadd.f32 v15, v10;
	v15 =	vperm.xlane v13, v0  }
0x1f4: {  	v23 =	vld [tilespmem:s17+$0x50]  }
0x1f5: {  	v21 =	vld [tilespmem:s17+$0x60];
	v10 =	vadd.f32 v12, v10;
	v12 =	vadd.f32 v15, v13  }
0x1f6: {  	v13 =	vld [tilespmem:s17+$0x0]  }
0x1f7: {  	s18 =	simm.s32 $0x180;
	v10 =	vadd.f32 v14, v10;
	v14 =	vld [tilespmem:s17+$0x10];
	v15 =	vperm.xlane v12, v1  }
0x1f8: {  	v24 =	vld [tilespmem:s18+$0x0]  }
0x1f9: {  	v10 =	vadd.f32 v16, v10;
	v16 =	vld [tilespmem:s17+$0x20];
	v15 =	vadd.f32 v15, v12  }
0x1fa: {  	v7 =	vld [tilespmem:s31+$0x2080]  }
0x1fb: {  	v9 =	vld [tilespmem:s31+$0x20A0];
	v17 =	vadd.f32 v17, v10;
	v20 =	vperm.xlane v15, v2  }
0x1fc: {  	v8 =	vld [tilespmem:s16+$0x2080];
	v13 =	vadd.f32 v14, v13  }
0x1fd: {  	v6 =	vld [tilespmem:s16+$0x2090];
	v17 =	vadd.f32 v18, v17;
	v15 =	vadd.f32 v20, v15  }
0x1fe: {  	v14 =	vadd.f32 v16, v13;
	v16 =	vld [tilespmem:s31+$0x20B0]  }
0x1ff: {  	v12 =	vld [tilespmem:s16+$0x20A0];
	v18 =	vperm.xlane v17, v0;
	v20 =	vperm.xlane v15, v4  }
0x200: {  	v10 =	vld [tilespmem:s17+$0x2080];
	v26 =	vadd.f32 v19, v14  }
0x201: {  	v13 =	vld [tilespmem:s17+$0x2090];
	v22 =	vadd.f32 v18, v17;
	v18 =	vimm.f32 $0.0e+00;
	v19 =	vadd.f32 v20, v15  }
0x202: {  	v14 =	vld [tilespmem:s17+$0x20A0];
	v17 =	vimm.f32 $0.0e+00;
	v15 =	vimm.f32 $0.0e+00;
	v27 =	vadd.f32 v25, v26  }
0x203: {  	s19 =	simm.s32 $0x800;
	v26 =	vld [tilespmem:s18+$0x10];
	v25 =	vperm.xlane v22, v1;
	v20 =	vmul.f32 v16, v19;
	v16 =	vimm.f32 $0.0e+00  }
.LBB2_15:
0x204: {  	p1 =	sne.s32 s19, $0x7E00;
	v23 =	vadd.f32 v23, v27;
	v27 =	vld [tilespmem:s17+$0x70];
	v28 =	vmul.f32 v7, v19;
	v30 =	vmul.f32 v11, v19;
	v7 =	vmovc v8  }
0x205: {  	v19 =	vmul.f32 v9, v19;
	v8 =	vmovc v10;
	v29 =	vld [tilespmem:s18+$0x20];
	v22 =	vadd.f32 v25, v22;
	v15 =	vadd.f32 v20, v15  }
0x206: {  	v11 =	vmovc v6;
	v6 =	vmovc v13;
	v9 =	vmov v12;
	v10 =	vld [tilespmem:s18+$0x2080];
	v18 =	vadd.f32 v28, v18;
	v16 =	vadd.f32 v30, v16  }
0x207: {  	v12 =	vmovc v14;
	v21 =	vadd.f32 v21, v23;
	v17 =	vadd.f32 v19, v17;
	v20 =	vld [tilespmem:s18+$0x30];
	v23 =	vperm.xlane v22, v2  }
0x208: {  	v14 =	vadd.f32 v26, v24;
	v13 =	vld [tilespmem:s18+$0x2090]  }
0x209: {  	v25 =	vld [tilespmem:s18+$0x40];
	v19 =	vadd.f32 v27, v21;
	v24 =	vadd.f32 v23, v22  }
0x20a: {  	v14 =	vadd.f32 v29, v14;
	v28 =	vld [tilespmem:s16+$0x20B0];
	s16 =	smov.u32 s17;
	s17 =	smov.u32 s18  }
.Ltmp6:
0x20b: {  	v23 =	vld [tilespmem:s17+$0x50];
	v22 =	vperm.xlane v19, v0;
	v26 =	vperm.xlane v24, v4;
	(pc) =	sbr.rel @p1 .LBB2_15-.Ltmp6, $4  }
0x20c: {  	v20 =	vadd.f32 v20, v14;
	v14 =	vld [tilespmem:s17+$0x20A0]  }
0x20d: {  	s18 =	sshra.s32 s19, $0x2;
	v21 =	vld [tilespmem:s17+$0x60];
	v22 =	vadd.f32 v22, v19;
	v19 =	vadd.f32 v26, v24  }
0x20e: {  	v24 =	vld [tilespmem:s18+$0x0];
	v27 =	vadd.f32 v25, v20  }
0x20f: {  	s19 =	sadd.s32 $0x200, s19;
	v26 =	vld [tilespmem:s18+$0x10];
	v25 =	vperm.xlane v22, v1;
	v20 =	vmul.f32 v28, v19  }
0x210: {  	_ = 	snop  }
0x211: {  	v28 =	vld [tilespmem:s18+$0x20];
	_ =	sdelay $0x1  }
0x212: {  	v29 =	vld [tilespmem:s18+$0x30]  }
0x213: {  	v24 =	vadd.f32 v26, v24  }
0x214: {  	v26 =	vld [tilespmem:s18+$0x40]  }
0x215: {  	v24 =	vadd.f32 v28, v24  }
0x216: {  	v28 =	vld [tilespmem:s18+$0x50]  }
0x217: {  	v30 =	vld [tilespmem:s17+$0x70];
	v24 =	vadd.f32 v29, v24  }
0x218: {  	v29 =	vld [tilespmem:s18+$0x60]  }
0x219: {  	v23 =	vadd.f32 v23, v27;
	v24 =	vadd.f32 v26, v24  }
0x21a: {  	v26 =	vld [tilespmem:s18+$0x70]  }
0x21b: {  	v21 =	vadd.f32 v21, v23;
	v23 =	vadd.f32 v28, v24;
	_ =	sdelay $0x1  }
0x21c: {  	v21 =	vadd.f32 v30, v21;
	v23 =	vadd.f32 v29, v23;
	_ =	sdelay $0x1  }
0x21d: {  	v24 =	vperm.xlane v21, v0;
	v23 =	vadd.f32 v26, v23;
	_ =	sdelay $0x1  }
0x21e: {  	v21 =	vadd.f32 v24, v21;
	v24 =	vperm.xlane v23, v0  }
0x21f: {  	v22 =	vadd.f32 v25, v22  }
0x220: {  	(v2sf) =	vpush v5, $0x5;
	v25 =	vperm.xlane v21, v1;
	v23 =	vadd.f32 v24, v23  }
0x221: {  	v24 =	vperm.xlane v22, v2  }
0x222: {  	v21 =	vadd.f32 v25, v21;
	v25 =	vperm.xlane v23, v1  }
0x223: {  	v22 =	vadd.f32 v24, v22  }
0x224: {  	v26 =	vperm.xlane v21, v2;
	v24 =	vld [tilespmem:s16+$0x20B0];
	v23 =	vadd.f32 v25, v23  }
0x225: {  	v7 =	vmul.f32 v7, v19;
	v25 =	vperm.xlane v22, v4  }
0x226: {  	v11 =	vmul.f32 v11, v19;
	v21 =	vadd.f32 v26, v21;
	v26 =	vperm.xlane v23, v2  }
0x227: {  	v9 =	vmul.f32 v9, v19;
	v15 =	vadd.f32 v20, v15;
	v19 =	vadd.f32 v25, v22  }
0x228: {  	v20 =	vld [tilespmem:s18+$0x2080];
	v7 =	vadd.f32 v7, v18;
	v18 =	vperm.xlane v21, v4;
	v22 =	vadd.f32 v26, v23  }
0x229: {  	v11 =	vadd.f32 v11, v16;
	v9 =	vadd.f32 v9, v17;
	v16 =	vld [tilespmem:s18+$0x2090];
	v17 =	vmul.f32 v24, v19  }
0x22a: {  	v18 =	vadd.f32 v18, v21;
	v8 =	vmul.f32 v8, v19;
	v23 =	vld [tilespmem:s17+$0x20B0];
	v21 =	vperm.xlane v22, v4  }
0x22b: {  	v24 =	vld [tilespmem:s18+$0x20A0];
	v6 =	vmul.f32 v6, v19;
	v12 =	vmul.f32 v12, v19;
	v15 =	vadd.f32 v17, v15  }
0x22c: {  	v7 =	vadd.f32 v8, v7;
	v8 =	vmul.f32 v10, v18;
	v10 =	vld [tilespmem:s18+$0x20B0];
	v17 =	vadd.f32 v21, v22  }
0x22d: {  	v6 =	vadd.f32 v6, v11;
	v9 =	vadd.f32 v12, v9;
	v11 =	vmul.f32 v13, v18  }
0x22e: {  	v12 =	vmul.f32 v14, v18;
	v7 =	vadd.f32 v8, v7;
	v8 =	vmul.f32 v20, v17  }
0x22f: {  	s28 =	spop (v2sf);
	v6 =	vadd.f32 v11, v6;
	v13 =	vmul.f32 v23, v18;
	v11 =	vmul.f32 v16, v17  }
0x230: {  	s16 =	sshll.u32 s28, $0x9;
	v9 =	vadd.f32 v12, v9;
	v12 =	vmul.f32 v24, v17;
	v7 =	vadd.f32 v8, v7  }
0x231: {  	s16 =	sshra.s32 s16, $0x2;
	v10 =	vmul.f32 v10, v17;
	v8 =	vadd.f32 v13, v15;
	v6 =	vadd.f32 v11, v6  }
0x232: {  	v9 =	vadd.f32 v12, v9;
	[tilespmem:s16+$0x4080] =	vst.add.f32.msk $0xffff, v7  }
0x233: {  	v7 =	vadd.f32 v10, v8;
	[tilespmem:s16+$0x4090] =	vst.add.f32.msk $0xffff, v6  }
0x234: {  	[tilespmem:s16+$0x40A0] =	vst.add.f32.msk $0xffff, v9  }
0x235: {  	s29 =	sadd.s32 $0x1800, s15;
	s30 =	simm.s32 $0x0;
	[tilespmem:s16+$0x40B0] =	vst.add.f32.msk $0xffff, v7  }
0x236: {  	[tilespmem:s30], [sflag:$0x1] =	stream.linear.gather [hbm4b:s29+s30], $0x2000, $0x38;
	[tilespmem:$0x6080] =	vst v63  }
0x237: {  	_ =	swait.ge [sflag:s10], $0x2000  }
0x238: {  	[sflag:s10] =	ssyncset.done $0x0  }
0x239: {  	s31 =	simm.s32 $0x0;
	[sflag:s10] =	ssyncadd.s32 $0xFFFFE000  }
0x23a: {  	v6 =	vld [tilespmem:s31+$0x0]  }
0x23b: {  	v7 =	vld [tilespmem:s31+$0x10];
	_ =	sdelay $0x1  }
0x23c: {  	v8 =	vld [tilespmem:s31+$0x20];
	_ =	sdelay $0x1  }
0x23d: {  	v9 =	vld [tilespmem:s31+$0x30]  }
0x23e: {  	v10 =	vld [tilespmem:s31+$0x40];
	v6 =	vadd.f32 v7, v6  }
0x23f: {  	s16 =	simm.s32 $0x80;
	v12 =	vld [tilespmem:s31+$0x60]  }
0x240: {  	v13 =	vld [tilespmem:s16+$0x0];
	v6 =	vadd.f32 v8, v6  }
0x241: {  	v8 =	vld [tilespmem:s31+$0x50]  }
0x242: {  	v14 =	vld [tilespmem:s31+$0x70];
	v6 =	vadd.f32 v9, v6  }
0x243: {  	v11 =	vld [tilespmem:s31+$0x2090]  }
0x244: {  	v15 =	vld [tilespmem:s16+$0x20];
	v6 =	vadd.f32 v10, v6  }
0x245: {  	v10 =	vld [tilespmem:s16+$0x10]  }
0x246: {  	v16 =	vld [tilespmem:s16+$0x50];
	v6 =	vadd.f32 v8, v6  }
0x247: {  	v17 =	vld [tilespmem:s16+$0x60]  }
0x248: {  	v18 =	vld [tilespmem:s16+$0x70];
	v6 =	vadd.f32 v12, v6  }
0x249: {  	s17 =	simm.s32 $0x100;
	v12 =	vld [tilespmem:s16+$0x30]  }
0x24a: {  	v19 =	vld [tilespmem:s17+$0x30];
	v10 =	vadd.f32 v10, v13;
	v13 =	vadd.f32 v14, v6  }
0x24b: {  	v14 =	vld [tilespmem:s16+$0x40]  }
0x24c: {  	v25 =	vld [tilespmem:s17+$0x40];
	v10 =	vadd.f32 v15, v10;
	v15 =	vperm.xlane v13, v0  }
0x24d: {  	v23 =	vld [tilespmem:s17+$0x50]  }
0x24e: {  	v21 =	vld [tilespmem:s17+$0x60];
	v10 =	vadd.f32 v12, v10;
	v12 =	vadd.f32 v15, v13  }
0x24f: {  	v13 =	vld [tilespmem:s17+$0x0]  }
0x250: {  	s18 =	simm.s32 $0x180;
	v10 =	vadd.f32 v14, v10;
	v14 =	vld [tilespmem:s17+$0x10];
	v15 =	vperm.xlane v12, v1  }
0x251: {  	v24 =	vld [tilespmem:s18+$0x0]  }
0x252: {  	v10 =	vadd.f32 v16, v10;
	v16 =	vld [tilespmem:s17+$0x20];
	v15 =	vadd.f32 v15, v12  }
0x253: {  	v7 =	vld [tilespmem:s31+$0x2080]  }
0x254: {  	v9 =	vld [tilespmem:s31+$0x20A0];
	v17 =	vadd.f32 v17, v10;
	v20 =	vperm.xlane v15, v2  }
0x255: {  	v8 =	vld [tilespmem:s16+$0x2080];
	v13 =	vadd.f32 v14, v13  }
0x256: {  	v6 =	vld [tilespmem:s16+$0x2090];
	v17 =	vadd.f32 v18, v17;
	v15 =	vadd.f32 v20, v15  }
0x257: {  	v14 =	vadd.f32 v16, v13;
	v16 =	vld [tilespmem:s31+$0x20B0]  }
0x258: {  	v12 =	vld [tilespmem:s16+$0x20A0];
	v18 =	vperm.xlane v17, v0;
	v20 =	vperm.xlane v15, v4  }
0x259: {  	v10 =	vld [tilespmem:s17+$0x2080];
	v26 =	vadd.f32 v19, v14  }
0x25a: {  	v13 =	vld [tilespmem:s17+$0x2090];
	v22 =	vadd.f32 v18, v17;
	v18 =	vimm.f32 $0.0e+00;
	v19 =	vadd.f32 v20, v15  }
0x25b: {  	v14 =	vld [tilespmem:s17+$0x20A0];
	v17 =	vimm.f32 $0.0e+00;
	v15 =	vimm.f32 $0.0e+00;
	v27 =	vadd.f32 v25, v26  }
0x25c: {  	s19 =	simm.s32 $0x800;
	v26 =	vld [tilespmem:s18+$0x10];
	v25 =	vperm.xlane v22, v1;
	v20 =	vmul.f32 v16, v19;
	v16 =	vimm.f32 $0.0e+00  }
.LBB2_17:
0x25d: {  	p1 =	sne.s32 s19, $0x7E00;
	v23 =	vadd.f32 v23, v27;
	v27 =	vld [tilespmem:s17+$0x70];
	v28 =	vmul.f32 v7, v19;
	v30 =	vmul.f32 v11, v19;
	v7 =	vmovc v8  }
0x25e: {  	v19 =	vmul.f32 v9, v19;
	v8 =	vmovc v10;
	v29 =	vld [tilespmem:s18+$0x20];
	v22 =	vadd.f32 v25, v22;
	v15 =	vadd.f32 v20, v15  }
0x25f: {  	v11 =	vmovc v6;
	v6 =	vmovc v13;
	v9 =	vmov v12;
	v10 =	vld [tilespmem:s18+$0x2080];
	v18 =	vadd.f32 v28, v18;
	v16 =	vadd.f32 v30, v16  }
0x260: {  	v12 =	vmovc v14;
	v21 =	vadd.f32 v21, v23;
	v17 =	vadd.f32 v19, v17;
	v20 =	vld [tilespmem:s18+$0x30];
	v23 =	vperm.xlane v22, v2  }
0x261: {  	v14 =	vadd.f32 v26, v24;
	v13 =	vld [tilespmem:s18+$0x2090]  }
0x262: {  	v25 =	vld [tilespmem:s18+$0x40];
	v19 =	vadd.f32 v27, v21;
	v24 =	vadd.f32 v23, v22  }
0x263: {  	v14 =	vadd.f32 v29, v14;
	v28 =	vld [tilespmem:s16+$0x20B0];
	s16 =	smov.u32 s17;
	s17 =	smov.u32 s18  }
.Ltmp7:
0x264: {  	v23 =	vld [tilespmem:s17+$0x50];
	v22 =	vperm.xlane v19, v0;
	v26 =	vperm.xlane v24, v4;
	(pc) =	sbr.rel @p1 .LBB2_17-.Ltmp7, $4  }
0x265: {  	v20 =	vadd.f32 v20, v14;
	v14 =	vld [tilespmem:s17+$0x20A0]  }
0x266: {  	s18 =	sshra.s32 s19, $0x2;
	v21 =	vld [tilespmem:s17+$0x60];
	v22 =	vadd.f32 v22, v19;
	v19 =	vadd.f32 v26, v24  }
0x267: {  	v24 =	vld [tilespmem:s18+$0x0];
	v27 =	vadd.f32 v25, v20  }
0x268: {  	s19 =	sadd.s32 $0x200, s19;
	v26 =	vld [tilespmem:s18+$0x10];
	v25 =	vperm.xlane v22, v1;
	v20 =	vmul.f32 v28, v19  }
0x269: {  	_ = 	snop  }
0x26a: {  	v28 =	vld [tilespmem:s18+$0x20];
	_ =	sdelay $0x1  }
0x26b: {  	v29 =	vld [tilespmem:s18+$0x30]  }
0x26c: {  	v24 =	vadd.f32 v26, v24  }
0x26d: {  	v26 =	vld [tilespmem:s18+$0x40]  }
0x26e: {  	v24 =	vadd.f32 v28, v24  }
0x26f: {  	v28 =	vld [tilespmem:s18+$0x50]  }
0x270: {  	v30 =	vld [tilespmem:s17+$0x70];
	v24 =	vadd.f32 v29, v24  }
0x271: {  	v29 =	vld [tilespmem:s18+$0x60]  }
0x272: {  	v23 =	vadd.f32 v23, v27;
	v24 =	vadd.f32 v26, v24  }
0x273: {  	v26 =	vld [tilespmem:s18+$0x70]  }
0x274: {  	v21 =	vadd.f32 v21, v23;
	v23 =	vadd.f32 v28, v24;
	_ =	sdelay $0x1  }
0x275: {  	v21 =	vadd.f32 v30, v21;
	v23 =	vadd.f32 v29, v23;
	_ =	sdelay $0x1  }
0x276: {  	v24 =	vperm.xlane v21, v0;
	v23 =	vadd.f32 v26, v23;
	_ =	sdelay $0x1  }
0x277: {  	v21 =	vadd.f32 v24, v21;
	v24 =	vperm.xlane v23, v0  }
0x278: {  	v22 =	vadd.f32 v25, v22  }
0x279: {  	(v2sf) =	vpush v5, $0x6;
	v25 =	vperm.xlane v21, v1;
	v23 =	vadd.f32 v24, v23  }
0x27a: {  	v24 =	vperm.xlane v22, v2  }
0x27b: {  	v21 =	vadd.f32 v25, v21;
	v25 =	vperm.xlane v23, v1  }
0x27c: {  	v22 =	vadd.f32 v24, v22  }
0x27d: {  	v26 =	vperm.xlane v21, v2;
	v24 =	vld [tilespmem:s16+$0x20B0];
	v23 =	vadd.f32 v25, v23  }
0x27e: {  	v7 =	vmul.f32 v7, v19;
	v25 =	vperm.xlane v22, v4  }
0x27f: {  	v11 =	vmul.f32 v11, v19;
	v21 =	vadd.f32 v26, v21;
	v26 =	vperm.xlane v23, v2  }
0x280: {  	v9 =	vmul.f32 v9, v19;
	v15 =	vadd.f32 v20, v15;
	v19 =	vadd.f32 v25, v22  }
0x281: {  	v20 =	vld [tilespmem:s18+$0x2080];
	v7 =	vadd.f32 v7, v18;
	v18 =	vperm.xlane v21, v4;
	v22 =	vadd.f32 v26, v23  }
0x282: {  	v11 =	vadd.f32 v11, v16;
	v9 =	vadd.f32 v9, v17;
	v16 =	vld [tilespmem:s18+$0x2090];
	v17 =	vmul.f32 v24, v19  }
0x283: {  	v18 =	vadd.f32 v18, v21;
	v8 =	vmul.f32 v8, v19;
	v23 =	vld [tilespmem:s17+$0x20B0];
	v21 =	vperm.xlane v22, v4  }
0x284: {  	v24 =	vld [tilespmem:s18+$0x20A0];
	v6 =	vmul.f32 v6, v19;
	v12 =	vmul.f32 v12, v19;
	v15 =	vadd.f32 v17, v15  }
0x285: {  	v7 =	vadd.f32 v8, v7;
	v8 =	vmul.f32 v10, v18;
	v10 =	vld [tilespmem:s18+$0x20B0];
	v17 =	vadd.f32 v21, v22  }
0x286: {  	v6 =	vadd.f32 v6, v11;
	v9 =	vadd.f32 v12, v9;
	v11 =	vmul.f32 v13, v18  }
0x287: {  	v12 =	vmul.f32 v14, v18;
	v7 =	vadd.f32 v8, v7;
	v8 =	vmul.f32 v20, v17  }
0x288: {  	s28 =	spop (v2sf);
	v6 =	vadd.f32 v11, v6;
	v13 =	vmul.f32 v23, v18;
	v11 =	vmul.f32 v16, v17  }
0x289: {  	s16 =	sshll.u32 s28, $0x9;
	v9 =	vadd.f32 v12, v9;
	v12 =	vmul.f32 v24, v17;
	v7 =	vadd.f32 v8, v7  }
0x28a: {  	s16 =	sshra.s32 s16, $0x2;
	v10 =	vmul.f32 v10, v17;
	v8 =	vadd.f32 v13, v15;
	v6 =	vadd.f32 v11, v6  }
0x28b: {  	v9 =	vadd.f32 v12, v9;
	[tilespmem:s16+$0x4080] =	vst.add.f32.msk $0xffff, v7  }
0x28c: {  	v7 =	vadd.f32 v10, v8;
	[tilespmem:s16+$0x4090] =	vst.add.f32.msk $0xffff, v6  }
0x28d: {  	[tilespmem:s16+$0x40A0] =	vst.add.f32.msk $0xffff, v9  }
0x28e: {  	s29 =	sadd.s32 $0x1C00, s15;
	s30 =	simm.s32 $0x0;
	[tilespmem:s16+$0x40B0] =	vst.add.f32.msk $0xffff, v7  }
0x28f: {  	[tilespmem:s30], [sflag:$0x1] =	stream.linear.gather [hbm4b:s29+s30], $0x2000, $0x38;
	[tilespmem:$0x6080] =	vst v63  }
0x290: {  	_ =	swait.ge [sflag:s10], $0x2000  }
0x291: {  	[sflag:s10] =	ssyncset.done $0x0  }
0x292: {  	s31 =	simm.s32 $0x0;
	[sflag:s10] =	ssyncadd.s32 $0xFFFFE000  }
0x293: {  	v6 =	vld [tilespmem:s31+$0x0]  }
0x294: {  	v7 =	vld [tilespmem:s31+$0x10];
	_ =	sdelay $0x1  }
0x295: {  	v8 =	vld [tilespmem:s31+$0x20];
	_ =	sdelay $0x1  }
0x296: {  	v9 =	vld [tilespmem:s31+$0x30]  }
0x297: {  	v10 =	vld [tilespmem:s31+$0x40];
	v6 =	vadd.f32 v7, v6  }
0x298: {  	s16 =	simm.s32 $0x80;
	v12 =	vld [tilespmem:s31+$0x60]  }
0x299: {  	v13 =	vld [tilespmem:s16+$0x0];
	v6 =	vadd.f32 v8, v6  }
0x29a: {  	v8 =	vld [tilespmem:s31+$0x50]  }
0x29b: {  	v14 =	vld [tilespmem:s31+$0x70];
	v6 =	vadd.f32 v9, v6  }
0x29c: {  	v11 =	vld [tilespmem:s31+$0x2090]  }
0x29d: {  	v15 =	vld [tilespmem:s16+$0x20];
	v6 =	vadd.f32 v10, v6  }
0x29e: {  	v10 =	vld [tilespmem:s16+$0x10]  }
0x29f: {  	v16 =	vld [tilespmem:s16+$0x50];
	v6 =	vadd.f32 v8, v6  }
0x2a0: {  	v17 =	vld [tilespmem:s16+$0x60]  }
0x2a1: {  	v18 =	vld [tilespmem:s16+$0x70];
	v6 =	vadd.f32 v12, v6  }
0x2a2: {  	s17 =	simm.s32 $0x100;
	v12 =	vld [tilespmem:s16+$0x30]  }
0x2a3: {  	v19 =	vld [tilespmem:s17+$0x30];
	v10 =	vadd.f32 v10, v13;
	v13 =	vadd.f32 v14, v6  }
0x2a4: {  	v14 =	vld [tilespmem:s16+$0x40]  }
0x2a5: {  	v25 =	vld [tilespmem:s17+$0x40];
	v10 =	vadd.f32 v15, v10;
	v15 =	vperm.xlane v13, v0  }
0x2a6: {  	v23 =	vld [tilespmem:s17+$0x50]  }
0x2a7: {  	v21 =	vld [tilespmem:s17+$0x60];
	v10 =	vadd.f32 v12, v10;
	v12 =	vadd.f32 v15, v13  }
0x2a8: {  	v13 =	vld [tilespmem:s17+$0x0]  }
0x2a9: {  	s18 =	simm.s32 $0x180;
	v10 =	vadd.f32 v14, v10;
	v14 =	vld [tilespmem:s17+$0x10];
	v15 =	vperm.xlane v12, v1  }
0x2aa: {  	v24 =	vld [tilespmem:s18+$0x0]  }
0x2ab: {  	v10 =	vadd.f32 v16, v10;
	v16 =	vld [tilespmem:s17+$0x20];
	v15 =	vadd.f32 v15, v12  }
0x2ac: {  	v7 =	vld [tilespmem:s31+$0x2080]  }
0x2ad: {  	v9 =	vld [tilespmem:s31+$0x20A0];
	v17 =	vadd.f32 v17, v10;
	v20 =	vperm.xlane v15, v2  }
0x2ae: {  	v8 =	vld [tilespmem:s16+$0x2080];
	v13 =	vadd.f32 v14, v13  }
0x2af: {  	v6 =	vld [tilespmem:s16+$0x2090];
	v17 =	vadd.f32 v18, v17;
	v15 =	vadd.f32 v20, v15  }
0x2b0: {  	v14 =	vadd.f32 v16, v13;
	v16 =	vld [tilespmem:s31+$0x20B0]  }
0x2b1: {  	v12 =	vld [tilespmem:s16+$0x20A0];
	v18 =	vperm.xlane v17, v0;
	v20 =	vperm.xlane v15, v4  }
0x2b2: {  	v10 =	vld [tilespmem:s17+$0x2080];
	v26 =	vadd.f32 v19, v14  }
0x2b3: {  	v13 =	vld [tilespmem:s17+$0x2090];
	v22 =	vadd.f32 v18, v17;
	v18 =	vimm.f32 $0.0e+00;
	v19 =	vadd.f32 v20, v15  }
0x2b4: {  	v14 =	vld [tilespmem:s17+$0x20A0];
	v17 =	vimm.f32 $0.0e+00;
	v15 =	vimm.f32 $0.0e+00;
	v27 =	vadd.f32 v25, v26  }
0x2b5: {  	s19 =	simm.s32 $0x800;
	v26 =	vld [tilespmem:s18+$0x10];
	v25 =	vperm.xlane v22, v1;
	v20 =	vmul.f32 v16, v19;
	v16 =	vimm.f32 $0.0e+00  }
.LBB2_19:
0x2b6: {  	p1 =	sne.s32 s19, $0x7E00;
	v23 =	vadd.f32 v23, v27;
	v27 =	vld [tilespmem:s17+$0x70];
	v28 =	vmul.f32 v7, v19;
	v30 =	vmul.f32 v11, v19;
	v7 =	vmovc v8  }
0x2b7: {  	v19 =	vmul.f32 v9, v19;
	v8 =	vmovc v10;
	v29 =	vld [tilespmem:s18+$0x20];
	v22 =	vadd.f32 v25, v22;
	v15 =	vadd.f32 v20, v15  }
0x2b8: {  	v11 =	vmovc v6;
	v6 =	vmovc v13;
	v9 =	vmov v12;
	v10 =	vld [tilespmem:s18+$0x2080];
	v18 =	vadd.f32 v28, v18;
	v16 =	vadd.f32 v30, v16  }
0x2b9: {  	v12 =	vmovc v14;
	v21 =	vadd.f32 v21, v23;
	v17 =	vadd.f32 v19, v17;
	v20 =	vld [tilespmem:s18+$0x30];
	v23 =	vperm.xlane v22, v2  }
0x2ba: {  	v14 =	vadd.f32 v26, v24;
	v13 =	vld [tilespmem:s18+$0x2090]  }
0x2bb: {  	v25 =	vld [tilespmem:s18+$0x40];
	v19 =	vadd.f32 v27, v21;
	v24 =	vadd.f32 v23, v22  }
0x2bc: {  	v14 =	vadd.f32 v29, v14;
	v28 =	vld [tilespmem:s16+$0x20B0];
	s16 =	smov.u32 s17;
	s17 =	smov.u32 s18  }
.Ltmp8:
0x2bd: {  	v23 =	vld [tilespmem:s17+$0x50];
	v22 =	vperm.xlane v19, v0;
	v26 =	vperm.xlane v24, v4;
	(pc) =	sbr.rel @p1 .LBB2_19-.Ltmp8, $4  }
0x2be: {  	v20 =	vadd.f32 v20, v14;
	v14 =	vld [tilespmem:s17+$0x20A0]  }
0x2bf: {  	s18 =	sshra.s32 s19, $0x2;
	v21 =	vld [tilespmem:s17+$0x60];
	v22 =	vadd.f32 v22, v19;
	v19 =	vadd.f32 v26, v24  }
0x2c0: {  	v24 =	vld [tilespmem:s18+$0x0];
	v27 =	vadd.f32 v25, v20  }
0x2c1: {  	s19 =	sadd.s32 $0x200, s19;
	v26 =	vld [tilespmem:s18+$0x10];
	v25 =	vperm.xlane v22, v1;
	v20 =	vmul.f32 v28, v19  }
0x2c2: {  	_ = 	snop  }
0x2c3: {  	v28 =	vld [tilespmem:s18+$0x20];
	_ =	sdelay $0x1  }
0x2c4: {  	v29 =	vld [tilespmem:s18+$0x30]  }
0x2c5: {  	v24 =	vadd.f32 v26, v24  }
0x2c6: {  	v26 =	vld [tilespmem:s18+$0x40]  }
0x2c7: {  	v24 =	vadd.f32 v28, v24  }
0x2c8: {  	v28 =	vld [tilespmem:s18+$0x50]  }
0x2c9: {  	v30 =	vld [tilespmem:s17+$0x70];
	v24 =	vadd.f32 v29, v24  }
0x2ca: {  	v29 =	vld [tilespmem:s18+$0x60]  }
0x2cb: {  	v23 =	vadd.f32 v23, v27;
	v24 =	vadd.f32 v26, v24  }
0x2cc: {  	v26 =	vld [tilespmem:s18+$0x70]  }
0x2cd: {  	v21 =	vadd.f32 v21, v23;
	v23 =	vadd.f32 v28, v24;
	_ =	sdelay $0x1  }
0x2ce: {  	v21 =	vadd.f32 v30, v21;
	v23 =	vadd.f32 v29, v23;
	_ =	sdelay $0x1  }
0x2cf: {  	v24 =	vperm.xlane v21, v0;
	v23 =	vadd.f32 v26, v23;
	_ =	sdelay $0x1  }
0x2d0: {  	v21 =	vadd.f32 v24, v21;
	v24 =	vperm.xlane v23, v0  }
0x2d1: {  	v22 =	vadd.f32 v25, v22  }
0x2d2: {  	(v2sf) =	vpush v5, $0x7;
	v25 =	vperm.xlane v21, v1;
	v23 =	vadd.f32 v24, v23  }
0x2d3: {  	v24 =	vperm.xlane v22, v2  }
0x2d4: {  	v21 =	vadd.f32 v25, v21;
	v25 =	vperm.xlane v23, v1  }
0x2d5: {  	v22 =	vadd.f32 v24, v22  }
0x2d6: {  	v26 =	vperm.xlane v21, v2;
	v24 =	vld [tilespmem:s16+$0x20B0];
	v23 =	vadd.f32 v25, v23  }
0x2d7: {  	v7 =	vmul.f32 v7, v19;
	v25 =	vperm.xlane v22, v4  }
0x2d8: {  	v11 =	vmul.f32 v11, v19;
	v21 =	vadd.f32 v26, v21;
	v26 =	vperm.xlane v23, v2  }
0x2d9: {  	v9 =	vmul.f32 v9, v19;
	v15 =	vadd.f32 v20, v15;
	v19 =	vadd.f32 v25, v22  }
0x2da: {  	v20 =	vld [tilespmem:s18+$0x2080];
	v7 =	vadd.f32 v7, v18;
	v18 =	vperm.xlane v21, v4;
	v22 =	vadd.f32 v26, v23  }
0x2db: {  	v11 =	vadd.f32 v11, v16;
	v9 =	vadd.f32 v9, v17;
	v16 =	vld [tilespmem:s18+$0x2090];
	v17 =	vmul.f32 v24, v19  }
0x2dc: {  	v18 =	vadd.f32 v18, v21;
	v8 =	vmul.f32 v8, v19;
	v23 =	vld [tilespmem:s17+$0x20B0];
	v21 =	vperm.xlane v22, v4  }
0x2dd: {  	v24 =	vld [tilespmem:s18+$0x20A0];
	v6 =	vmul.f32 v6, v19;
	v12 =	vmul.f32 v12, v19;
	v15 =	vadd.f32 v17, v15  }
0x2de: {  	v7 =	vadd.f32 v8, v7;
	v8 =	vmul.f32 v10, v18;
	v10 =	vld [tilespmem:s18+$0x20B0];
	v17 =	vadd.f32 v21, v22  }
0x2df: {  	v6 =	vadd.f32 v6, v11;
	v9 =	vadd.f32 v12, v9;
	v11 =	vmul.f32 v13, v18  }
0x2e0: {  	v12 =	vmul.f32 v14, v18;
	v7 =	vadd.f32 v8, v7;
	v8 =	vmul.f32 v20, v17  }
0x2e1: {  	s28 =	spop (v2sf);
	v6 =	vadd.f32 v11, v6;
	v13 =	vmul.f32 v23, v18;
	v11 =	vmul.f32 v16, v17  }
0x2e2: {  	s16 =	sshll.u32 s28, $0x9;
	v9 =	vadd.f32 v12, v9;
	v12 =	vmul.f32 v24, v17;
	v7 =	vadd.f32 v8, v7  }
0x2e3: {  	s16 =	sshra.s32 s16, $0x2;
	v10 =	vmul.f32 v10, v17;
	v8 =	vadd.f32 v13, v15;
	v6 =	vadd.f32 v11, v6  }
0x2e4: {  	v9 =	vadd.f32 v12, v9;
	[tilespmem:s16+$0x4080] =	vst.add.f32.msk $0xffff, v7  }
0x2e5: {  	v7 =	vadd.f32 v10, v8;
	[tilespmem:s16+$0x4090] =	vst.add.f32.msk $0xffff, v6  }
0x2e6: {  	[tilespmem:s16+$0x40A0] =	vst.add.f32.msk $0xffff, v9  }
0x2e7: {  	s29 =	sadd.s32 $0x2000, s15;
	s30 =	simm.s32 $0x0;
	[tilespmem:s16+$0x40B0] =	vst.add.f32.msk $0xffff, v7  }
0x2e8: {  	[tilespmem:s30], [sflag:$0x1] =	stream.linear.gather [hbm4b:s29+s30], $0x2000, $0x38;
	[tilespmem:$0x6080] =	vst v63  }
0x2e9: {  	_ =	swait.ge [sflag:s10], $0x2000  }
0x2ea: {  	[sflag:s10] =	ssyncset.done $0x0  }
0x2eb: {  	s31 =	simm.s32 $0x0;
	[sflag:s10] =	ssyncadd.s32 $0xFFFFE000  }
0x2ec: {  	v6 =	vld [tilespmem:s31+$0x0]  }
0x2ed: {  	v7 =	vld [tilespmem:s31+$0x10];
	_ =	sdelay $0x1  }
0x2ee: {  	v8 =	vld [tilespmem:s31+$0x20];
	_ =	sdelay $0x1  }
0x2ef: {  	v9 =	vld [tilespmem:s31+$0x30]  }
0x2f0: {  	v10 =	vld [tilespmem:s31+$0x40];
	v6 =	vadd.f32 v7, v6  }
0x2f1: {  	s16 =	simm.s32 $0x80;
	v12 =	vld [tilespmem:s31+$0x60]  }
0x2f2: {  	v13 =	vld [tilespmem:s16+$0x0];
	v6 =	vadd.f32 v8, v6  }
0x2f3: {  	v8 =	vld [tilespmem:s31+$0x50]  }
0x2f4: {  	v14 =	vld [tilespmem:s31+$0x70];
	v6 =	vadd.f32 v9, v6  }
0x2f5: {  	v11 =	vld [tilespmem:s31+$0x2090]  }
0x2f6: {  	v15 =	vld [tilespmem:s16+$0x20];
	v6 =	vadd.f32 v10, v6  }
0x2f7: {  	v10 =	vld [tilespmem:s16+$0x10]  }
0x2f8: {  	v16 =	vld [tilespmem:s16+$0x50];
	v6 =	vadd.f32 v8, v6  }
0x2f9: {  	v17 =	vld [tilespmem:s16+$0x60]  }
0x2fa: {  	v18 =	vld [tilespmem:s16+$0x70];
	v6 =	vadd.f32 v12, v6  }
0x2fb: {  	s17 =	simm.s32 $0x100;
	v12 =	vld [tilespmem:s16+$0x30]  }
0x2fc: {  	v19 =	vld [tilespmem:s17+$0x30];
	v10 =	vadd.f32 v10, v13;
	v13 =	vadd.f32 v14, v6  }
0x2fd: {  	v14 =	vld [tilespmem:s16+$0x40]  }
0x2fe: {  	v25 =	vld [tilespmem:s17+$0x40];
	v10 =	vadd.f32 v15, v10;
	v15 =	vperm.xlane v13, v0  }
0x2ff: {  	v23 =	vld [tilespmem:s17+$0x50]  }
0x300: {  	v21 =	vld [tilespmem:s17+$0x60];
	v10 =	vadd.f32 v12, v10;
	v12 =	vadd.f32 v15, v13  }
0x301: {  	v13 =	vld [tilespmem:s17+$0x0]  }
0x302: {  	s18 =	simm.s32 $0x180;
	v10 =	vadd.f32 v14, v10;
	v14 =	vld [tilespmem:s17+$0x10];
	v15 =	vperm.xlane v12, v1  }
0x303: {  	v24 =	vld [tilespmem:s18+$0x0]  }
0x304: {  	v10 =	vadd.f32 v16, v10;
	v16 =	vld [tilespmem:s17+$0x20];
	v15 =	vadd.f32 v15, v12  }
0x305: {  	v7 =	vld [tilespmem:s31+$0x2080]  }
0x306: {  	v9 =	vld [tilespmem:s31+$0x20A0];
	v17 =	vadd.f32 v17, v10;
	v20 =	vperm.xlane v15, v2  }
0x307: {  	v8 =	vld [tilespmem:s16+$0x2080];
	v13 =	vadd.f32 v14, v13  }
0x308: {  	v6 =	vld [tilespmem:s16+$0x2090];
	v17 =	vadd.f32 v18, v17;
	v15 =	vadd.f32 v20, v15  }
0x309: {  	v14 =	vadd.f32 v16, v13;
	v16 =	vld [tilespmem:s31+$0x20B0]  }
0x30a: {  	v12 =	vld [tilespmem:s16+$0x20A0];
	v18 =	vperm.xlane v17, v0;
	v20 =	vperm.xlane v15, v4  }
0x30b: {  	v10 =	vld [tilespmem:s17+$0x2080];
	v26 =	vadd.f32 v19, v14  }
0x30c: {  	v13 =	vld [tilespmem:s17+$0x2090];
	v22 =	vadd.f32 v18, v17;
	v18 =	vimm.f32 $0.0e+00;
	v19 =	vadd.f32 v20, v15  }
0x30d: {  	v14 =	vld [tilespmem:s17+$0x20A0];
	v17 =	vimm.f32 $0.0e+00;
	v15 =	vimm.f32 $0.0e+00;
	v27 =	vadd.f32 v25, v26  }
0x30e: {  	s19 =	simm.s32 $0x800;
	v26 =	vld [tilespmem:s18+$0x10];
	v25 =	vperm.xlane v22, v1;
	v20 =	vmul.f32 v16, v19;
	v16 =	vimm.f32 $0.0e+00  }
.LBB2_21:
0x30f: {  	p1 =	sne.s32 s19, $0x7E00;
	v23 =	vadd.f32 v23, v27;
	v27 =	vld [tilespmem:s17+$0x70];
	v28 =	vmul.f32 v7, v19;
	v30 =	vmul.f32 v11, v19;
	v7 =	vmovc v8  }
0x310: {  	v19 =	vmul.f32 v9, v19;
	v8 =	vmovc v10;
	v29 =	vld [tilespmem:s18+$0x20];
	v22 =	vadd.f32 v25, v22;
	v15 =	vadd.f32 v20, v15  }
0x311: {  	v11 =	vmovc v6;
	v6 =	vmovc v13;
	v9 =	vmov v12;
	v10 =	vld [tilespmem:s18+$0x2080];
	v18 =	vadd.f32 v28, v18;
	v16 =	vadd.f32 v30, v16  }
0x312: {  	v12 =	vmovc v14;
	v21 =	vadd.f32 v21, v23;
	v17 =	vadd.f32 v19, v17;
	v20 =	vld [tilespmem:s18+$0x30];
	v23 =	vperm.xlane v22, v2  }
0x313: {  	v14 =	vadd.f32 v26, v24;
	v13 =	vld [tilespmem:s18+$0x2090]  }
0x314: {  	v25 =	vld [tilespmem:s18+$0x40];
	v19 =	vadd.f32 v27, v21;
	v24 =	vadd.f32 v23, v22  }
0x315: {  	v14 =	vadd.f32 v29, v14;
	v28 =	vld [tilespmem:s16+$0x20B0];
	s16 =	smov.u32 s17;
	s17 =	smov.u32 s18  }
.Ltmp9:
0x316: {  	v23 =	vld [tilespmem:s17+$0x50];
	v22 =	vperm.xlane v19, v0;
	v26 =	vperm.xlane v24, v4;
	(pc) =	sbr.rel @p1 .LBB2_21-.Ltmp9, $4  }
0x317: {  	v20 =	vadd.f32 v20, v14;
	v14 =	vld [tilespmem:s17+$0x20A0]  }
0x318: {  	s18 =	sshra.s32 s19, $0x2;
	v21 =	vld [tilespmem:s17+$0x60];
	v22 =	vadd.f32 v22, v19;
	v19 =	vadd.f32 v26, v24  }
0x319: {  	v24 =	vld [tilespmem:s18+$0x0];
	v27 =	vadd.f32 v25, v20  }
0x31a: {  	s19 =	sadd.s32 $0x200, s19;
	v26 =	vld [tilespmem:s18+$0x10];
	v25 =	vperm.xlane v22, v1;
	v20 =	vmul.f32 v28, v19  }
0x31b: {  	_ = 	snop  }
0x31c: {  	v28 =	vld [tilespmem:s18+$0x20];
	_ =	sdelay $0x1  }
0x31d: {  	v29 =	vld [tilespmem:s18+$0x30]  }
0x31e: {  	v24 =	vadd.f32 v26, v24  }
0x31f: {  	v26 =	vld [tilespmem:s18+$0x40]  }
0x320: {  	v24 =	vadd.f32 v28, v24  }
0x321: {  	v28 =	vld [tilespmem:s18+$0x50]  }
0x322: {  	v30 =	vld [tilespmem:s17+$0x70];
	v24 =	vadd.f32 v29, v24  }
0x323: {  	v29 =	vld [tilespmem:s18+$0x60]  }
0x324: {  	v23 =	vadd.f32 v23, v27;
	v24 =	vadd.f32 v26, v24  }
0x325: {  	v26 =	vld [tilespmem:s18+$0x70]  }
0x326: {  	v21 =	vadd.f32 v21, v23;
	v23 =	vadd.f32 v28, v24;
	_ =	sdelay $0x1  }
0x327: {  	v21 =	vadd.f32 v30, v21;
	v23 =	vadd.f32 v29, v23;
	_ =	sdelay $0x1  }
0x328: {  	v24 =	vperm.xlane v21, v0;
	v23 =	vadd.f32 v26, v23;
	_ =	sdelay $0x1  }
0x329: {  	v21 =	vadd.f32 v24, v21;
	v24 =	vperm.xlane v23, v0  }
0x32a: {  	v22 =	vadd.f32 v25, v22  }
0x32b: {  	(v2sf) =	vpush v5, $0x8;
	v25 =	vperm.xlane v21, v1;
	v23 =	vadd.f32 v24, v23  }
0x32c: {  	v24 =	vperm.xlane v22, v2  }
0x32d: {  	v21 =	vadd.f32 v25, v21;
	v25 =	vperm.xlane v23, v1  }
0x32e: {  	v22 =	vadd.f32 v24, v22  }
0x32f: {  	v26 =	vperm.xlane v21, v2;
	v24 =	vld [tilespmem:s16+$0x20B0];
	v23 =	vadd.f32 v25, v23  }
0x330: {  	v7 =	vmul.f32 v7, v19;
	v25 =	vperm.xlane v22, v4  }
0x331: {  	v11 =	vmul.f32 v11, v19;
	v21 =	vadd.f32 v26, v21;
	v26 =	vperm.xlane v23, v2  }
0x332: {  	v9 =	vmul.f32 v9, v19;
	v15 =	vadd.f32 v20, v15;
	v19 =	vadd.f32 v25, v22  }
0x333: {  	v20 =	vld [tilespmem:s18+$0x2080];
	v7 =	vadd.f32 v7, v18;
	v18 =	vperm.xlane v21, v4;
	v22 =	vadd.f32 v26, v23  }
0x334: {  	v11 =	vadd.f32 v11, v16;
	v9 =	vadd.f32 v9, v17;
	v16 =	vld [tilespmem:s18+$0x2090];
	v17 =	vmul.f32 v24, v19  }
0x335: {  	v18 =	vadd.f32 v18, v21;
	v8 =	vmul.f32 v8, v19;
	v23 =	vld [tilespmem:s17+$0x20B0];
	v21 =	vperm.xlane v22, v4  }
0x336: {  	v24 =	vld [tilespmem:s18+$0x20A0];
	v6 =	vmul.f32 v6, v19;
	v12 =	vmul.f32 v12, v19;
	v15 =	vadd.f32 v17, v15  }
0x337: {  	v7 =	vadd.f32 v8, v7;
	v8 =	vmul.f32 v10, v18;
	v10 =	vld [tilespmem:s18+$0x20B0];
	v17 =	vadd.f32 v21, v22  }
0x338: {  	v6 =	vadd.f32 v6, v11;
	v9 =	vadd.f32 v12, v9;
	v11 =	vmul.f32 v13, v18  }
0x339: {  	v12 =	vmul.f32 v14, v18;
	v7 =	vadd.f32 v8, v7;
	v8 =	vmul.f32 v20, v17  }
0x33a: {  	s28 =	spop (v2sf);
	v6 =	vadd.f32 v11, v6;
	v13 =	vmul.f32 v23, v18;
	v11 =	vmul.f32 v16, v17  }
0x33b: {  	s16 =	sshll.u32 s28, $0x9;
	v9 =	vadd.f32 v12, v9;
	v12 =	vmul.f32 v24, v17;
	v7 =	vadd.f32 v8, v7  }
0x33c: {  	s16 =	sshra.s32 s16, $0x2;
	v10 =	vmul.f32 v10, v17;
	v8 =	vadd.f32 v13, v15;
	v6 =	vadd.f32 v11, v6  }
0x33d: {  	v9 =	vadd.f32 v12, v9;
	[tilespmem:s16+$0x4080] =	vst.add.f32.msk $0xffff, v7  }
0x33e: {  	v7 =	vadd.f32 v10, v8;
	[tilespmem:s16+$0x4090] =	vst.add.f32.msk $0xffff, v6  }
0x33f: {  	[tilespmem:s16+$0x40A0] =	vst.add.f32.msk $0xffff, v9  }
0x340: {  	s29 =	sadd.s32 $0x2400, s15;
	s30 =	simm.s32 $0x0;
	[tilespmem:s16+$0x40B0] =	vst.add.f32.msk $0xffff, v7  }
0x341: {  	[tilespmem:s30], [sflag:$0x1] =	stream.linear.gather [hbm4b:s29+s30], $0x2000, $0x38;
	[tilespmem:$0x6080] =	vst v63  }
0x342: {  	_ =	swait.ge [sflag:s10], $0x2000  }
0x343: {  	[sflag:s10] =	ssyncset.done $0x0  }
0x344: {  	s31 =	simm.s32 $0x0;
	[sflag:s10] =	ssyncadd.s32 $0xFFFFE000  }
0x345: {  	v6 =	vld [tilespmem:s31+$0x0]  }
0x346: {  	v7 =	vld [tilespmem:s31+$0x10];
	_ =	sdelay $0x1  }
0x347: {  	v8 =	vld [tilespmem:s31+$0x20];
	_ =	sdelay $0x1  }
0x348: {  	v9 =	vld [tilespmem:s31+$0x30]  }
0x349: {  	v10 =	vld [tilespmem:s31+$0x40];
	v6 =	vadd.f32 v7, v6  }
0x34a: {  	s16 =	simm.s32 $0x80;
	v12 =	vld [tilespmem:s31+$0x60]  }
0x34b: {  	v13 =	vld [tilespmem:s16+$0x0];
	v6 =	vadd.f32 v8, v6  }
0x34c: {  	v8 =	vld [tilespmem:s31+$0x50]  }
0x34d: {  	v14 =	vld [tilespmem:s31+$0x70];
	v6 =	vadd.f32 v9, v6  }
0x34e: {  	v11 =	vld [tilespmem:s31+$0x2090]  }
0x34f: {  	v15 =	vld [tilespmem:s16+$0x20];
	v6 =	vadd.f32 v10, v6  }
0x350: {  	v10 =	vld [tilespmem:s16+$0x10]  }
0x351: {  	v16 =	vld [tilespmem:s16+$0x50];
	v6 =	vadd.f32 v8, v6  }
0x352: {  	v17 =	vld [tilespmem:s16+$0x60]  }
0x353: {  	v18 =	vld [tilespmem:s16+$0x70];
	v6 =	vadd.f32 v12, v6  }
0x354: {  	s17 =	simm.s32 $0x100;
	v12 =	vld [tilespmem:s16+$0x30]  }
0x355: {  	v19 =	vld [tilespmem:s17+$0x30];
	v10 =	vadd.f32 v10, v13;
	v13 =	vadd.f32 v14, v6  }
0x356: {  	v14 =	vld [tilespmem:s16+$0x40]  }
0x357: {  	v25 =	vld [tilespmem:s17+$0x40];
	v10 =	vadd.f32 v15, v10;
	v15 =	vperm.xlane v13, v0  }
0x358: {  	v23 =	vld [tilespmem:s17+$0x50]  }
0x359: {  	v21 =	vld [tilespmem:s17+$0x60];
	v10 =	vadd.f32 v12, v10;
	v12 =	vadd.f32 v15, v13  }
0x35a: {  	v13 =	vld [tilespmem:s17+$0x0]  }
0x35b: {  	s18 =	simm.s32 $0x180;
	v10 =	vadd.f32 v14, v10;
	v14 =	vld [tilespmem:s17+$0x10];
	v15 =	vperm.xlane v12, v1  }
0x35c: {  	v24 =	vld [tilespmem:s18+$0x0]  }
0x35d: {  	v10 =	vadd.f32 v16, v10;
	v16 =	vld [tilespmem:s17+$0x20];
	v15 =	vadd.f32 v15, v12  }
0x35e: {  	v7 =	vld [tilespmem:s31+$0x2080]  }
0x35f: {  	v9 =	vld [tilespmem:s31+$0x20A0];
	v17 =	vadd.f32 v17, v10;
	v20 =	vperm.xlane v15, v2  }
0x360: {  	v8 =	vld [tilespmem:s16+$0x2080];
	v13 =	vadd.f32 v14, v13  }
0x361: {  	v6 =	vld [tilespmem:s16+$0x2090];
	v17 =	vadd.f32 v18, v17;
	v15 =	vadd.f32 v20, v15  }
0x362: {  	v14 =	vadd.f32 v16, v13;
	v16 =	vld [tilespmem:s31+$0x20B0]  }
0x363: {  	v12 =	vld [tilespmem:s16+$0x20A0];
	v18 =	vperm.xlane v17, v0;
	v20 =	vperm.xlane v15, v4  }
0x364: {  	v10 =	vld [tilespmem:s17+$0x2080];
	v26 =	vadd.f32 v19, v14  }
0x365: {  	v13 =	vld [tilespmem:s17+$0x2090];
	v22 =	vadd.f32 v18, v17;
	v18 =	vimm.f32 $0.0e+00;
	v19 =	vadd.f32 v20, v15  }
0x366: {  	v14 =	vld [tilespmem:s17+$0x20A0];
	v17 =	vimm.f32 $0.0e+00;
	v15 =	vimm.f32 $0.0e+00;
	v27 =	vadd.f32 v25, v26  }
0x367: {  	s19 =	simm.s32 $0x800;
	v26 =	vld [tilespmem:s18+$0x10];
	v25 =	vperm.xlane v22, v1;
	v20 =	vmul.f32 v16, v19;
	v16 =	vimm.f32 $0.0e+00  }
.LBB2_23:
0x368: {  	p1 =	sne.s32 s19, $0x7E00;
	v23 =	vadd.f32 v23, v27;
	v27 =	vld [tilespmem:s17+$0x70];
	v28 =	vmul.f32 v7, v19;
	v30 =	vmul.f32 v11, v19;
	v7 =	vmovc v8  }
0x369: {  	v19 =	vmul.f32 v9, v19;
	v8 =	vmovc v10;
	v29 =	vld [tilespmem:s18+$0x20];
	v22 =	vadd.f32 v25, v22;
	v15 =	vadd.f32 v20, v15  }
0x36a: {  	v11 =	vmovc v6;
	v6 =	vmovc v13;
	v9 =	vmov v12;
	v10 =	vld [tilespmem:s18+$0x2080];
	v18 =	vadd.f32 v28, v18;
	v16 =	vadd.f32 v30, v16  }
0x36b: {  	v12 =	vmovc v14;
	v21 =	vadd.f32 v21, v23;
	v17 =	vadd.f32 v19, v17;
	v20 =	vld [tilespmem:s18+$0x30];
	v23 =	vperm.xlane v22, v2  }
0x36c: {  	v14 =	vadd.f32 v26, v24;
	v13 =	vld [tilespmem:s18+$0x2090]  }
0x36d: {  	v25 =	vld [tilespmem:s18+$0x40];
	v19 =	vadd.f32 v27, v21;
	v24 =	vadd.f32 v23, v22  }
0x36e: {  	v14 =	vadd.f32 v29, v14;
	v28 =	vld [tilespmem:s16+$0x20B0];
	s16 =	smov.u32 s17;
	s17 =	smov.u32 s18  }
.Ltmp10:
0x36f: {  	v23 =	vld [tilespmem:s17+$0x50];
	v22 =	vperm.xlane v19, v0;
	v26 =	vperm.xlane v24, v4;
	(pc) =	sbr.rel @p1 .LBB2_23-.Ltmp10, $4  }
0x370: {  	v20 =	vadd.f32 v20, v14;
	v14 =	vld [tilespmem:s17+$0x20A0]  }
0x371: {  	s18 =	sshra.s32 s19, $0x2;
	v21 =	vld [tilespmem:s17+$0x60];
	v22 =	vadd.f32 v22, v19;
	v19 =	vadd.f32 v26, v24  }
0x372: {  	v24 =	vld [tilespmem:s18+$0x0];
	v27 =	vadd.f32 v25, v20  }
0x373: {  	s19 =	sadd.s32 $0x200, s19;
	v26 =	vld [tilespmem:s18+$0x10];
	v25 =	vperm.xlane v22, v1;
	v20 =	vmul.f32 v28, v19  }
0x374: {  	_ = 	snop  }
0x375: {  	v28 =	vld [tilespmem:s18+$0x20];
	_ =	sdelay $0x1  }
0x376: {  	v29 =	vld [tilespmem:s18+$0x30]  }
0x377: {  	v24 =	vadd.f32 v26, v24  }
0x378: {  	v26 =	vld [tilespmem:s18+$0x40]  }
0x379: {  	v24 =	vadd.f32 v28, v24  }
0x37a: {  	v28 =	vld [tilespmem:s18+$0x50]  }
0x37b: {  	v30 =	vld [tilespmem:s17+$0x70];
	v24 =	vadd.f32 v29, v24  }
0x37c: {  	v29 =	vld [tilespmem:s18+$0x60]  }
0x37d: {  	v23 =	vadd.f32 v23, v27;
	v24 =	vadd.f32 v26, v24  }
0x37e: {  	v26 =	vld [tilespmem:s18+$0x70]  }
0x37f: {  	v21 =	vadd.f32 v21, v23;
	v23 =	vadd.f32 v28, v24;
	_ =	sdelay $0x1  }
0x380: {  	v21 =	vadd.f32 v30, v21;
	v23 =	vadd.f32 v29, v23;
	_ =	sdelay $0x1  }
0x381: {  	v24 =	vperm.xlane v21, v0;
	v23 =	vadd.f32 v26, v23;
	_ =	sdelay $0x1  }
0x382: {  	v21 =	vadd.f32 v24, v21;
	v24 =	vperm.xlane v23, v0  }
0x383: {  	v22 =	vadd.f32 v25, v22  }
0x384: {  	(v2sf) =	vpush v5, $0x9;
	v25 =	vperm.xlane v21, v1;
	v23 =	vadd.f32 v24, v23  }
0x385: {  	v24 =	vperm.xlane v22, v2  }
0x386: {  	v21 =	vadd.f32 v25, v21;
	v25 =	vperm.xlane v23, v1  }
0x387: {  	v22 =	vadd.f32 v24, v22  }
0x388: {  	v26 =	vperm.xlane v21, v2;
	v24 =	vld [tilespmem:s16+$0x20B0];
	v23 =	vadd.f32 v25, v23  }
0x389: {  	v7 =	vmul.f32 v7, v19;
	v25 =	vperm.xlane v22, v4  }
0x38a: {  	v11 =	vmul.f32 v11, v19;
	v21 =	vadd.f32 v26, v21;
	v26 =	vperm.xlane v23, v2  }
0x38b: {  	v9 =	vmul.f32 v9, v19;
	v15 =	vadd.f32 v20, v15;
	v19 =	vadd.f32 v25, v22  }
0x38c: {  	v20 =	vld [tilespmem:s18+$0x2080];
	v7 =	vadd.f32 v7, v18;
	v18 =	vperm.xlane v21, v4;
	v22 =	vadd.f32 v26, v23  }
0x38d: {  	v11 =	vadd.f32 v11, v16;
	v9 =	vadd.f32 v9, v17;
	v16 =	vld [tilespmem:s18+$0x2090];
	v17 =	vmul.f32 v24, v19  }
0x38e: {  	v18 =	vadd.f32 v18, v21;
	v8 =	vmul.f32 v8, v19;
	v23 =	vld [tilespmem:s17+$0x20B0];
	v21 =	vperm.xlane v22, v4  }
0x38f: {  	v24 =	vld [tilespmem:s18+$0x20A0];
	v6 =	vmul.f32 v6, v19;
	v12 =	vmul.f32 v12, v19;
	v15 =	vadd.f32 v17, v15  }
0x390: {  	v7 =	vadd.f32 v8, v7;
	v8 =	vmul.f32 v10, v18;
	v10 =	vld [tilespmem:s18+$0x20B0];
	v17 =	vadd.f32 v21, v22  }
0x391: {  	v6 =	vadd.f32 v6, v11;
	v9 =	vadd.f32 v12, v9;
	v11 =	vmul.f32 v13, v18  }
0x392: {  	v12 =	vmul.f32 v14, v18;
	v7 =	vadd.f32 v8, v7;
	v8 =	vmul.f32 v20, v17  }
0x393: {  	s28 =	spop (v2sf);
	v6 =	vadd.f32 v11, v6;
	v13 =	vmul.f32 v23, v18;
	v11 =	vmul.f32 v16, v17  }
0x394: {  	s16 =	sshll.u32 s28, $0x9;
	v9 =	vadd.f32 v12, v9;
	v12 =	vmul.f32 v24, v17;
	v7 =	vadd.f32 v8, v7  }
0x395: {  	s16 =	sshra.s32 s16, $0x2;
	v10 =	vmul.f32 v10, v17;
	v8 =	vadd.f32 v13, v15;
	v6 =	vadd.f32 v11, v6  }
0x396: {  	v9 =	vadd.f32 v12, v9;
	[tilespmem:s16+$0x4080] =	vst.add.f32.msk $0xffff, v7  }
0x397: {  	v7 =	vadd.f32 v10, v8;
	[tilespmem:s16+$0x4090] =	vst.add.f32.msk $0xffff, v6  }
0x398: {  	[tilespmem:s16+$0x40A0] =	vst.add.f32.msk $0xffff, v9  }
0x399: {  	s29 =	sadd.s32 $0x2800, s15;
	s30 =	simm.s32 $0x0;
	[tilespmem:s16+$0x40B0] =	vst.add.f32.msk $0xffff, v7  }
0x39a: {  	[tilespmem:s30], [sflag:$0x1] =	stream.linear.gather [hbm4b:s29+s30], $0x2000, $0x38;
	[tilespmem:$0x6080] =	vst v63  }
0x39b: {  	_ =	swait.ge [sflag:s10], $0x2000  }
0x39c: {  	[sflag:s10] =	ssyncset.done $0x0  }
0x39d: {  	s31 =	simm.s32 $0x0;
	[sflag:s10] =	ssyncadd.s32 $0xFFFFE000  }
0x39e: {  	v6 =	vld [tilespmem:s31+$0x0]  }
0x39f: {  	v7 =	vld [tilespmem:s31+$0x10];
	_ =	sdelay $0x1  }
0x3a0: {  	v8 =	vld [tilespmem:s31+$0x20];
	_ =	sdelay $0x1  }
0x3a1: {  	v9 =	vld [tilespmem:s31+$0x30]  }
0x3a2: {  	v10 =	vld [tilespmem:s31+$0x40];
	v6 =	vadd.f32 v7, v6  }
0x3a3: {  	s16 =	simm.s32 $0x80;
	v12 =	vld [tilespmem:s31+$0x60]  }
0x3a4: {  	v13 =	vld [tilespmem:s16+$0x0];
	v6 =	vadd.f32 v8, v6  }
0x3a5: {  	v8 =	vld [tilespmem:s31+$0x50]  }
0x3a6: {  	v14 =	vld [tilespmem:s31+$0x70];
	v6 =	vadd.f32 v9, v6  }
0x3a7: {  	v11 =	vld [tilespmem:s31+$0x2090]  }
0x3a8: {  	v15 =	vld [tilespmem:s16+$0x20];
	v6 =	vadd.f32 v10, v6  }
0x3a9: {  	v10 =	vld [tilespmem:s16+$0x10]  }
0x3aa: {  	v16 =	vld [tilespmem:s16+$0x50];
	v6 =	vadd.f32 v8, v6  }
0x3ab: {  	v17 =	vld [tilespmem:s16+$0x60]  }
0x3ac: {  	v18 =	vld [tilespmem:s16+$0x70];
	v6 =	vadd.f32 v12, v6  }
0x3ad: {  	s17 =	simm.s32 $0x100;
	v12 =	vld [tilespmem:s16+$0x30]  }
0x3ae: {  	v19 =	vld [tilespmem:s17+$0x30];
	v10 =	vadd.f32 v10, v13;
	v13 =	vadd.f32 v14, v6  }
0x3af: {  	v14 =	vld [tilespmem:s16+$0x40]  }
0x3b0: {  	v25 =	vld [tilespmem:s17+$0x40];
	v10 =	vadd.f32 v15, v10;
	v15 =	vperm.xlane v13, v0  }
0x3b1: {  	v23 =	vld [tilespmem:s17+$0x50]  }
0x3b2: {  	v21 =	vld [tilespmem:s17+$0x60];
	v10 =	vadd.f32 v12, v10;
	v12 =	vadd.f32 v15, v13  }
0x3b3: {  	v13 =	vld [tilespmem:s17+$0x0]  }
0x3b4: {  	s18 =	simm.s32 $0x180;
	v10 =	vadd.f32 v14, v10;
	v14 =	vld [tilespmem:s17+$0x10];
	v15 =	vperm.xlane v12, v1  }
0x3b5: {  	v24 =	vld [tilespmem:s18+$0x0]  }
0x3b6: {  	v10 =	vadd.f32 v16, v10;
	v16 =	vld [tilespmem:s17+$0x20];
	v15 =	vadd.f32 v15, v12  }
0x3b7: {  	v7 =	vld [tilespmem:s31+$0x2080]  }
0x3b8: {  	v9 =	vld [tilespmem:s31+$0x20A0];
	v17 =	vadd.f32 v17, v10;
	v20 =	vperm.xlane v15, v2  }
0x3b9: {  	v8 =	vld [tilespmem:s16+$0x2080];
	v13 =	vadd.f32 v14, v13  }
0x3ba: {  	v6 =	vld [tilespmem:s16+$0x2090];
	v17 =	vadd.f32 v18, v17;
	v15 =	vadd.f32 v20, v15  }
0x3bb: {  	v14 =	vadd.f32 v16, v13;
	v16 =	vld [tilespmem:s31+$0x20B0]  }
0x3bc: {  	v12 =	vld [tilespmem:s16+$0x20A0];
	v18 =	vperm.xlane v17, v0;
	v20 =	vperm.xlane v15, v4  }
0x3bd: {  	v10 =	vld [tilespmem:s17+$0x2080];
	v26 =	vadd.f32 v19, v14  }
0x3be: {  	v13 =	vld [tilespmem:s17+$0x2090];
	v22 =	vadd.f32 v18, v17;
	v18 =	vimm.f32 $0.0e+00;
	v19 =	vadd.f32 v20, v15  }
0x3bf: {  	v14 =	vld [tilespmem:s17+$0x20A0];
	v17 =	vimm.f32 $0.0e+00;
	v15 =	vimm.f32 $0.0e+00;
	v27 =	vadd.f32 v25, v26  }
0x3c0: {  	s19 =	simm.s32 $0x800;
	v26 =	vld [tilespmem:s18+$0x10];
	v25 =	vperm.xlane v22, v1;
	v20 =	vmul.f32 v16, v19;
	v16 =	vimm.f32 $0.0e+00  }
.LBB2_25:
0x3c1: {  	p1 =	sne.s32 s19, $0x7E00;
	v23 =	vadd.f32 v23, v27;
	v27 =	vld [tilespmem:s17+$0x70];
	v28 =	vmul.f32 v7, v19;
	v30 =	vmul.f32 v11, v19;
	v7 =	vmovc v8  }
0x3c2: {  	v19 =	vmul.f32 v9, v19;
	v8 =	vmovc v10;
	v29 =	vld [tilespmem:s18+$0x20];
	v22 =	vadd.f32 v25, v22;
	v15 =	vadd.f32 v20, v15  }
0x3c3: {  	v11 =	vmovc v6;
	v6 =	vmovc v13;
	v9 =	vmov v12;
	v10 =	vld [tilespmem:s18+$0x2080];
	v18 =	vadd.f32 v28, v18;
	v16 =	vadd.f32 v30, v16  }
0x3c4: {  	v12 =	vmovc v14;
	v21 =	vadd.f32 v21, v23;
	v17 =	vadd.f32 v19, v17;
	v20 =	vld [tilespmem:s18+$0x30];
	v23 =	vperm.xlane v22, v2  }
0x3c5: {  	v14 =	vadd.f32 v26, v24;
	v13 =	vld [tilespmem:s18+$0x2090]  }
0x3c6: {  	v25 =	vld [tilespmem:s18+$0x40];
	v19 =	vadd.f32 v27, v21;
	v24 =	vadd.f32 v23, v22  }
0x3c7: {  	v14 =	vadd.f32 v29, v14;
	v28 =	vld [tilespmem:s16+$0x20B0];
	s16 =	smov.u32 s17;
	s17 =	smov.u32 s18  }
.Ltmp11:
0x3c8: {  	v23 =	vld [tilespmem:s17+$0x50];
	v22 =	vperm.xlane v19, v0;
	v26 =	vperm.xlane v24, v4;
	(pc) =	sbr.rel @p1 .LBB2_25-.Ltmp11, $4  }
0x3c9: {  	v20 =	vadd.f32 v20, v14;
	v14 =	vld [tilespmem:s17+$0x20A0]  }
0x3ca: {  	s18 =	sshra.s32 s19, $0x2;
	v21 =	vld [tilespmem:s17+$0x60];
	v22 =	vadd.f32 v22, v19;
	v19 =	vadd.f32 v26, v24  }
0x3cb: {  	v24 =	vld [tilespmem:s18+$0x0];
	v27 =	vadd.f32 v25, v20  }
0x3cc: {  	s19 =	sadd.s32 $0x200, s19;
	v26 =	vld [tilespmem:s18+$0x10];
	v25 =	vperm.xlane v22, v1;
	v20 =	vmul.f32 v28, v19  }
0x3cd: {  	_ = 	snop  }
0x3ce: {  	v28 =	vld [tilespmem:s18+$0x20];
	_ =	sdelay $0x1  }
0x3cf: {  	v29 =	vld [tilespmem:s18+$0x30]  }
0x3d0: {  	v24 =	vadd.f32 v26, v24  }
0x3d1: {  	v26 =	vld [tilespmem:s18+$0x40]  }
0x3d2: {  	v24 =	vadd.f32 v28, v24  }
0x3d3: {  	v28 =	vld [tilespmem:s18+$0x50]  }
0x3d4: {  	v30 =	vld [tilespmem:s17+$0x70];
	v24 =	vadd.f32 v29, v24  }
0x3d5: {  	v29 =	vld [tilespmem:s18+$0x60]  }
0x3d6: {  	v23 =	vadd.f32 v23, v27;
	v24 =	vadd.f32 v26, v24  }
0x3d7: {  	v26 =	vld [tilespmem:s18+$0x70]  }
0x3d8: {  	v21 =	vadd.f32 v21, v23;
	v23 =	vadd.f32 v28, v24;
	_ =	sdelay $0x1  }
0x3d9: {  	v21 =	vadd.f32 v30, v21;
	v23 =	vadd.f32 v29, v23;
	_ =	sdelay $0x1  }
0x3da: {  	v24 =	vperm.xlane v21, v0;
	v23 =	vadd.f32 v26, v23;
	_ =	sdelay $0x1  }
0x3db: {  	v21 =	vadd.f32 v24, v21;
	v24 =	vperm.xlane v23, v0  }
0x3dc: {  	v22 =	vadd.f32 v25, v22  }
0x3dd: {  	(v2sf) =	vpush v5, $0xA;
	v25 =	vperm.xlane v21, v1;
	v23 =	vadd.f32 v24, v23  }
0x3de: {  	v24 =	vperm.xlane v22, v2  }
0x3df: {  	v21 =	vadd.f32 v25, v21;
	v25 =	vperm.xlane v23, v1  }
0x3e0: {  	v22 =	vadd.f32 v24, v22  }
0x3e1: {  	v26 =	vperm.xlane v21, v2;
	v24 =	vld [tilespmem:s16+$0x20B0];
	v23 =	vadd.f32 v25, v23  }
0x3e2: {  	v7 =	vmul.f32 v7, v19;
	v25 =	vperm.xlane v22, v4  }
0x3e3: {  	v11 =	vmul.f32 v11, v19;
	v21 =	vadd.f32 v26, v21;
	v26 =	vperm.xlane v23, v2  }
0x3e4: {  	v9 =	vmul.f32 v9, v19;
	v15 =	vadd.f32 v20, v15;
	v19 =	vadd.f32 v25, v22  }
0x3e5: {  	v20 =	vld [tilespmem:s18+$0x2080];
	v7 =	vadd.f32 v7, v18;
	v18 =	vperm.xlane v21, v4;
	v22 =	vadd.f32 v26, v23  }
0x3e6: {  	v11 =	vadd.f32 v11, v16;
	v9 =	vadd.f32 v9, v17;
	v16 =	vld [tilespmem:s18+$0x2090];
	v17 =	vmul.f32 v24, v19  }
0x3e7: {  	v18 =	vadd.f32 v18, v21;
	v8 =	vmul.f32 v8, v19;
	v23 =	vld [tilespmem:s17+$0x20B0];
	v21 =	vperm.xlane v22, v4  }
0x3e8: {  	v24 =	vld [tilespmem:s18+$0x20A0];
	v6 =	vmul.f32 v6, v19;
	v12 =	vmul.f32 v12, v19;
	v15 =	vadd.f32 v17, v15  }
0x3e9: {  	v7 =	vadd.f32 v8, v7;
	v8 =	vmul.f32 v10, v18;
	v10 =	vld [tilespmem:s18+$0x20B0];
	v17 =	vadd.f32 v21, v22  }
0x3ea: {  	v6 =	vadd.f32 v6, v11;
	v9 =	vadd.f32 v12, v9;
	v11 =	vmul.f32 v13, v18  }
0x3eb: {  	v12 =	vmul.f32 v14, v18;
	v7 =	vadd.f32 v8, v7;
	v8 =	vmul.f32 v20, v17  }
0x3ec: {  	s28 =	spop (v2sf);
	v6 =	vadd.f32 v11, v6;
	v13 =	vmul.f32 v23, v18;
	v11 =	vmul.f32 v16, v17  }
0x3ed: {  	s16 =	sshll.u32 s28, $0x9;
	v9 =	vadd.f32 v12, v9;
	v12 =	vmul.f32 v24, v17;
	v7 =	vadd.f32 v8, v7  }
0x3ee: {  	s16 =	sshra.s32 s16, $0x2;
	v10 =	vmul.f32 v10, v17;
	v8 =	vadd.f32 v13, v15;
	v6 =	vadd.f32 v11, v6  }
0x3ef: {  	v9 =	vadd.f32 v12, v9;
	[tilespmem:s16+$0x4080] =	vst.add.f32.msk $0xffff, v7  }
0x3f0: {  	v7 =	vadd.f32 v10, v8;
	[tilespmem:s16+$0x4090] =	vst.add.f32.msk $0xffff, v6  }
0x3f1: {  	[tilespmem:s16+$0x40A0] =	vst.add.f32.msk $0xffff, v9  }
0x3f2: {  	s29 =	sadd.s32 $0x2C00, s15;
	s30 =	simm.s32 $0x0;
	[tilespmem:s16+$0x40B0] =	vst.add.f32.msk $0xffff, v7  }
0x3f3: {  	[tilespmem:s30], [sflag:$0x1] =	stream.linear.gather [hbm4b:s29+s30], $0x2000, $0x38;
	[tilespmem:$0x6080] =	vst v63  }
0x3f4: {  	_ =	swait.ge [sflag:s10], $0x2000  }
0x3f5: {  	[sflag:s10] =	ssyncset.done $0x0  }
0x3f6: {  	s31 =	simm.s32 $0x0;
	[sflag:s10] =	ssyncadd.s32 $0xFFFFE000  }
0x3f7: {  	v6 =	vld [tilespmem:s31+$0x0]  }
0x3f8: {  	v7 =	vld [tilespmem:s31+$0x10];
	_ =	sdelay $0x1  }
0x3f9: {  	v8 =	vld [tilespmem:s31+$0x20];
	_ =	sdelay $0x1  }
0x3fa: {  	v9 =	vld [tilespmem:s31+$0x30]  }
0x3fb: {  	v10 =	vld [tilespmem:s31+$0x40];
	v6 =	vadd.f32 v7, v6  }
0x3fc: {  	s16 =	simm.s32 $0x80;
	v12 =	vld [tilespmem:s31+$0x60]  }
0x3fd: {  	v13 =	vld [tilespmem:s16+$0x0];
	v6 =	vadd.f32 v8, v6  }
0x3fe: {  	v8 =	vld [tilespmem:s31+$0x50]  }
0x3ff: {  	v14 =	vld [tilespmem:s31+$0x70];
	v6 =	vadd.f32 v9, v6  }
0x400: {  	v11 =	vld [tilespmem:s31+$0x2090]  }
0x401: {  	v15 =	vld [tilespmem:s16+$0x20];
	v6 =	vadd.f32 v10, v6  }
0x402: {  	v10 =	vld [tilespmem:s16+$0x10]  }
0x403: {  	v16 =	vld [tilespmem:s16+$0x50];
	v6 =	vadd.f32 v8, v6  }
0x404: {  	v17 =	vld [tilespmem:s16+$0x60]  }
0x405: {  	v18 =	vld [tilespmem:s16+$0x70];
	v6 =	vadd.f32 v12, v6  }
0x406: {  	s17 =	simm.s32 $0x100;
	v12 =	vld [tilespmem:s16+$0x30]  }
0x407: {  	v19 =	vld [tilespmem:s17+$0x30];
	v10 =	vadd.f32 v10, v13;
	v13 =	vadd.f32 v14, v6  }
0x408: {  	v14 =	vld [tilespmem:s16+$0x40]  }
0x409: {  	v25 =	vld [tilespmem:s17+$0x40];
	v10 =	vadd.f32 v15, v10;
	v15 =	vperm.xlane v13, v0  }
0x40a: {  	v23 =	vld [tilespmem:s17+$0x50]  }
0x40b: {  	v21 =	vld [tilespmem:s17+$0x60];
	v10 =	vadd.f32 v12, v10;
	v12 =	vadd.f32 v15, v13  }
0x40c: {  	v13 =	vld [tilespmem:s17+$0x0]  }
0x40d: {  	s18 =	simm.s32 $0x180;
	v10 =	vadd.f32 v14, v10;
	v14 =	vld [tilespmem:s17+$0x10];
	v15 =	vperm.xlane v12, v1  }
0x40e: {  	v24 =	vld [tilespmem:s18+$0x0]  }
0x40f: {  	v10 =	vadd.f32 v16, v10;
	v16 =	vld [tilespmem:s17+$0x20];
	v15 =	vadd.f32 v15, v12  }
0x410: {  	v7 =	vld [tilespmem:s31+$0x2080]  }
0x411: {  	v9 =	vld [tilespmem:s31+$0x20A0];
	v17 =	vadd.f32 v17, v10;
	v20 =	vperm.xlane v15, v2  }
0x412: {  	v8 =	vld [tilespmem:s16+$0x2080];
	v13 =	vadd.f32 v14, v13  }
0x413: {  	v6 =	vld [tilespmem:s16+$0x2090];
	v17 =	vadd.f32 v18, v17;
	v15 =	vadd.f32 v20, v15  }
0x414: {  	v14 =	vadd.f32 v16, v13;
	v16 =	vld [tilespmem:s31+$0x20B0]  }
0x415: {  	v12 =	vld [tilespmem:s16+$0x20A0];
	v18 =	vperm.xlane v17, v0;
	v20 =	vperm.xlane v15, v4  }
0x416: {  	v10 =	vld [tilespmem:s17+$0x2080];
	v26 =	vadd.f32 v19, v14  }
0x417: {  	v13 =	vld [tilespmem:s17+$0x2090];
	v22 =	vadd.f32 v18, v17;
	v18 =	vimm.f32 $0.0e+00;
	v19 =	vadd.f32 v20, v15  }
0x418: {  	v14 =	vld [tilespmem:s17+$0x20A0];
	v17 =	vimm.f32 $0.0e+00;
	v15 =	vimm.f32 $0.0e+00;
	v27 =	vadd.f32 v25, v26  }
0x419: {  	s19 =	simm.s32 $0x800;
	v26 =	vld [tilespmem:s18+$0x10];
	v25 =	vperm.xlane v22, v1;
	v20 =	vmul.f32 v16, v19;
	v16 =	vimm.f32 $0.0e+00  }
.LBB2_27:
0x41a: {  	p1 =	sne.s32 s19, $0x7E00;
	v23 =	vadd.f32 v23, v27;
	v27 =	vld [tilespmem:s17+$0x70];
	v28 =	vmul.f32 v7, v19;
	v30 =	vmul.f32 v11, v19;
	v7 =	vmovc v8  }
0x41b: {  	v19 =	vmul.f32 v9, v19;
	v8 =	vmovc v10;
	v29 =	vld [tilespmem:s18+$0x20];
	v22 =	vadd.f32 v25, v22;
	v15 =	vadd.f32 v20, v15  }
0x41c: {  	v11 =	vmovc v6;
	v6 =	vmovc v13;
	v9 =	vmov v12;
	v10 =	vld [tilespmem:s18+$0x2080];
	v18 =	vadd.f32 v28, v18;
	v16 =	vadd.f32 v30, v16  }
0x41d: {  	v12 =	vmovc v14;
	v21 =	vadd.f32 v21, v23;
	v17 =	vadd.f32 v19, v17;
	v20 =	vld [tilespmem:s18+$0x30];
	v23 =	vperm.xlane v22, v2  }
0x41e: {  	v14 =	vadd.f32 v26, v24;
	v13 =	vld [tilespmem:s18+$0x2090]  }
0x41f: {  	v25 =	vld [tilespmem:s18+$0x40];
	v19 =	vadd.f32 v27, v21;
	v24 =	vadd.f32 v23, v22  }
0x420: {  	v14 =	vadd.f32 v29, v14;
	v28 =	vld [tilespmem:s16+$0x20B0];
	s16 =	smov.u32 s17;
	s17 =	smov.u32 s18  }
.Ltmp12:
0x421: {  	v23 =	vld [tilespmem:s17+$0x50];
	v22 =	vperm.xlane v19, v0;
	v26 =	vperm.xlane v24, v4;
	(pc) =	sbr.rel @p1 .LBB2_27-.Ltmp12, $4  }
0x422: {  	v20 =	vadd.f32 v20, v14;
	v14 =	vld [tilespmem:s17+$0x20A0]  }
0x423: {  	s18 =	sshra.s32 s19, $0x2;
	v21 =	vld [tilespmem:s17+$0x60];
	v22 =	vadd.f32 v22, v19;
	v19 =	vadd.f32 v26, v24  }
0x424: {  	v24 =	vld [tilespmem:s18+$0x0];
	v27 =	vadd.f32 v25, v20  }
0x425: {  	s19 =	sadd.s32 $0x200, s19;
	v26 =	vld [tilespmem:s18+$0x10];
	v25 =	vperm.xlane v22, v1;
	v20 =	vmul.f32 v28, v19  }
0x426: {  	_ = 	snop  }
0x427: {  	v28 =	vld [tilespmem:s18+$0x20];
	_ =	sdelay $0x1  }
0x428: {  	v29 =	vld [tilespmem:s18+$0x30]  }
0x429: {  	v24 =	vadd.f32 v26, v24  }
0x42a: {  	v26 =	vld [tilespmem:s18+$0x40]  }
0x42b: {  	v24 =	vadd.f32 v28, v24  }
0x42c: {  	v28 =	vld [tilespmem:s18+$0x50]  }
0x42d: {  	v30 =	vld [tilespmem:s17+$0x70];
	v24 =	vadd.f32 v29, v24  }
0x42e: {  	v29 =	vld [tilespmem:s18+$0x60]  }
0x42f: {  	v23 =	vadd.f32 v23, v27;
	v24 =	vadd.f32 v26, v24  }
0x430: {  	v26 =	vld [tilespmem:s18+$0x70]  }
0x431: {  	v21 =	vadd.f32 v21, v23;
	v23 =	vadd.f32 v28, v24;
	_ =	sdelay $0x1  }
0x432: {  	v21 =	vadd.f32 v30, v21;
	v23 =	vadd.f32 v29, v23;
	_ =	sdelay $0x1  }
0x433: {  	v24 =	vperm.xlane v21, v0;
	v23 =	vadd.f32 v26, v23;
	_ =	sdelay $0x1  }
0x434: {  	v21 =	vadd.f32 v24, v21;
	v24 =	vperm.xlane v23, v0  }
0x435: {  	v22 =	vadd.f32 v25, v22  }
0x436: {  	(v2sf) =	vpush v5, $0xB;
	v25 =	vperm.xlane v21, v1;
	v23 =	vadd.f32 v24, v23  }
0x437: {  	v24 =	vperm.xlane v22, v2  }
0x438: {  	v21 =	vadd.f32 v25, v21;
	v25 =	vperm.xlane v23, v1  }
0x439: {  	v22 =	vadd.f32 v24, v22  }
0x43a: {  	v26 =	vperm.xlane v21, v2;
	v24 =	vld [tilespmem:s16+$0x20B0];
	v23 =	vadd.f32 v25, v23  }
0x43b: {  	v7 =	vmul.f32 v7, v19;
	v25 =	vperm.xlane v22, v4  }
0x43c: {  	v11 =	vmul.f32 v11, v19;
	v21 =	vadd.f32 v26, v21;
	v26 =	vperm.xlane v23, v2  }
0x43d: {  	v9 =	vmul.f32 v9, v19;
	v15 =	vadd.f32 v20, v15;
	v19 =	vadd.f32 v25, v22  }
0x43e: {  	v20 =	vld [tilespmem:s18+$0x2080];
	v7 =	vadd.f32 v7, v18;
	v18 =	vperm.xlane v21, v4;
	v22 =	vadd.f32 v26, v23  }
0x43f: {  	v11 =	vadd.f32 v11, v16;
	v9 =	vadd.f32 v9, v17;
	v16 =	vld [tilespmem:s18+$0x2090];
	v17 =	vmul.f32 v24, v19  }
0x440: {  	v18 =	vadd.f32 v18, v21;
	v8 =	vmul.f32 v8, v19;
	v23 =	vld [tilespmem:s17+$0x20B0];
	v21 =	vperm.xlane v22, v4  }
0x441: {  	v24 =	vld [tilespmem:s18+$0x20A0];
	v6 =	vmul.f32 v6, v19;
	v12 =	vmul.f32 v12, v19;
	v15 =	vadd.f32 v17, v15  }
0x442: {  	v7 =	vadd.f32 v8, v7;
	v8 =	vmul.f32 v10, v18;
	v10 =	vld [tilespmem:s18+$0x20B0];
	v17 =	vadd.f32 v21, v22  }
0x443: {  	v6 =	vadd.f32 v6, v11;
	v9 =	vadd.f32 v12, v9;
	v11 =	vmul.f32 v13, v18  }
0x444: {  	v12 =	vmul.f32 v14, v18;
	v7 =	vadd.f32 v8, v7;
	v8 =	vmul.f32 v20, v17  }
0x445: {  	s28 =	spop (v2sf);
	v6 =	vadd.f32 v11, v6;
	v13 =	vmul.f32 v23, v18;
	v11 =	vmul.f32 v16, v17  }
0x446: {  	s16 =	sshll.u32 s28, $0x9;
	v9 =	vadd.f32 v12, v9;
	v12 =	vmul.f32 v24, v17;
	v7 =	vadd.f32 v8, v7  }
0x447: {  	s16 =	sshra.s32 s16, $0x2;
	v10 =	vmul.f32 v10, v17;
	v8 =	vadd.f32 v13, v15;
	v6 =	vadd.f32 v11, v6  }
0x448: {  	v9 =	vadd.f32 v12, v9;
	[tilespmem:s16+$0x4080] =	vst.add.f32.msk $0xffff, v7  }
0x449: {  	v7 =	vadd.f32 v10, v8;
	[tilespmem:s16+$0x4090] =	vst.add.f32.msk $0xffff, v6  }
0x44a: {  	[tilespmem:s16+$0x40A0] =	vst.add.f32.msk $0xffff, v9  }
0x44b: {  	s29 =	sadd.s32 $0x3000, s15;
	s30 =	simm.s32 $0x0;
	[tilespmem:s16+$0x40B0] =	vst.add.f32.msk $0xffff, v7  }
0x44c: {  	[tilespmem:s30], [sflag:$0x1] =	stream.linear.gather [hbm4b:s29+s30], $0x2000, $0x38;
	[tilespmem:$0x6080] =	vst v63  }
0x44d: {  	_ =	swait.ge [sflag:s10], $0x2000  }
0x44e: {  	[sflag:s10] =	ssyncset.done $0x0  }
0x44f: {  	s31 =	simm.s32 $0x0;
	[sflag:s10] =	ssyncadd.s32 $0xFFFFE000  }
0x450: {  	v6 =	vld [tilespmem:s31+$0x0]  }
0x451: {  	v7 =	vld [tilespmem:s31+$0x10];
	_ =	sdelay $0x1  }
0x452: {  	v8 =	vld [tilespmem:s31+$0x20];
	_ =	sdelay $0x1  }
0x453: {  	v9 =	vld [tilespmem:s31+$0x30]  }
0x454: {  	v10 =	vld [tilespmem:s31+$0x40];
	v6 =	vadd.f32 v7, v6  }
0x455: {  	s16 =	simm.s32 $0x80;
	v12 =	vld [tilespmem:s31+$0x60]  }
0x456: {  	v13 =	vld [tilespmem:s16+$0x0];
	v6 =	vadd.f32 v8, v6  }
0x457: {  	v8 =	vld [tilespmem:s31+$0x50]  }
0x458: {  	v14 =	vld [tilespmem:s31+$0x70];
	v6 =	vadd.f32 v9, v6  }
0x459: {  	v11 =	vld [tilespmem:s31+$0x2090]  }
0x45a: {  	v15 =	vld [tilespmem:s16+$0x20];
	v6 =	vadd.f32 v10, v6  }
0x45b: {  	v10 =	vld [tilespmem:s16+$0x10]  }
0x45c: {  	v16 =	vld [tilespmem:s16+$0x50];
	v6 =	vadd.f32 v8, v6  }
0x45d: {  	v17 =	vld [tilespmem:s16+$0x60]  }
0x45e: {  	v18 =	vld [tilespmem:s16+$0x70];
	v6 =	vadd.f32 v12, v6  }
0x45f: {  	s17 =	simm.s32 $0x100;
	v12 =	vld [tilespmem:s16+$0x30]  }
0x460: {  	v19 =	vld [tilespmem:s17+$0x30];
	v10 =	vadd.f32 v10, v13;
	v13 =	vadd.f32 v14, v6  }
0x461: {  	v14 =	vld [tilespmem:s16+$0x40]  }
0x462: {  	v25 =	vld [tilespmem:s17+$0x40];
	v10 =	vadd.f32 v15, v10;
	v15 =	vperm.xlane v13, v0  }
0x463: {  	v23 =	vld [tilespmem:s17+$0x50]  }
0x464: {  	v21 =	vld [tilespmem:s17+$0x60];
	v10 =	vadd.f32 v12, v10;
	v12 =	vadd.f32 v15, v13  }
0x465: {  	v13 =	vld [tilespmem:s17+$0x0]  }
0x466: {  	s18 =	simm.s32 $0x180;
	v10 =	vadd.f32 v14, v10;
	v14 =	vld [tilespmem:s17+$0x10];
	v15 =	vperm.xlane v12, v1  }
0x467: {  	v24 =	vld [tilespmem:s18+$0x0]  }
0x468: {  	v10 =	vadd.f32 v16, v10;
	v16 =	vld [tilespmem:s17+$0x20];
	v15 =	vadd.f32 v15, v12  }
0x469: {  	v7 =	vld [tilespmem:s31+$0x2080]  }
0x46a: {  	v9 =	vld [tilespmem:s31+$0x20A0];
	v17 =	vadd.f32 v17, v10;
	v20 =	vperm.xlane v15, v2  }
0x46b: {  	v8 =	vld [tilespmem:s16+$0x2080];
	v13 =	vadd.f32 v14, v13  }
0x46c: {  	v6 =	vld [tilespmem:s16+$0x2090];
	v17 =	vadd.f32 v18, v17;
	v15 =	vadd.f32 v20, v15  }
0x46d: {  	v14 =	vadd.f32 v16, v13;
	v16 =	vld [tilespmem:s31+$0x20B0]  }
0x46e: {  	v12 =	vld [tilespmem:s16+$0x20A0];
	v18 =	vperm.xlane v17, v0;
	v20 =	vperm.xlane v15, v4  }
0x46f: {  	v10 =	vld [tilespmem:s17+$0x2080];
	v26 =	vadd.f32 v19, v14  }
0x470: {  	v13 =	vld [tilespmem:s17+$0x2090];
	v22 =	vadd.f32 v18, v17;
	v18 =	vimm.f32 $0.0e+00;
	v19 =	vadd.f32 v20, v15  }
0x471: {  	v14 =	vld [tilespmem:s17+$0x20A0];
	v17 =	vimm.f32 $0.0e+00;
	v15 =	vimm.f32 $0.0e+00;
	v27 =	vadd.f32 v25, v26  }
0x472: {  	s19 =	simm.s32 $0x800;
	v26 =	vld [tilespmem:s18+$0x10];
	v25 =	vperm.xlane v22, v1;
	v20 =	vmul.f32 v16, v19;
	v16 =	vimm.f32 $0.0e+00  }
.LBB2_29:
0x473: {  	p1 =	sne.s32 s19, $0x7E00;
	v23 =	vadd.f32 v23, v27;
	v27 =	vld [tilespmem:s17+$0x70];
	v28 =	vmul.f32 v7, v19;
	v30 =	vmul.f32 v11, v19;
	v7 =	vmovc v8  }
0x474: {  	v19 =	vmul.f32 v9, v19;
	v8 =	vmovc v10;
	v29 =	vld [tilespmem:s18+$0x20];
	v22 =	vadd.f32 v25, v22;
	v15 =	vadd.f32 v20, v15  }
0x475: {  	v11 =	vmovc v6;
	v6 =	vmovc v13;
	v9 =	vmov v12;
	v10 =	vld [tilespmem:s18+$0x2080];
	v18 =	vadd.f32 v28, v18;
	v16 =	vadd.f32 v30, v16  }
0x476: {  	v12 =	vmovc v14;
	v21 =	vadd.f32 v21, v23;
	v17 =	vadd.f32 v19, v17;
	v20 =	vld [tilespmem:s18+$0x30];
	v23 =	vperm.xlane v22, v2  }
0x477: {  	v14 =	vadd.f32 v26, v24;
	v13 =	vld [tilespmem:s18+$0x2090]  }
0x478: {  	v25 =	vld [tilespmem:s18+$0x40];
	v19 =	vadd.f32 v27, v21;
	v24 =	vadd.f32 v23, v22  }
0x479: {  	v14 =	vadd.f32 v29, v14;
	v28 =	vld [tilespmem:s16+$0x20B0];
	s16 =	smov.u32 s17;
	s17 =	smov.u32 s18  }
.Ltmp13:
0x47a: {  	v23 =	vld [tilespmem:s17+$0x50];
	v22 =	vperm.xlane v19, v0;
	v26 =	vperm.xlane v24, v4;
	(pc) =	sbr.rel @p1 .LBB2_29-.Ltmp13, $4  }
0x47b: {  	v20 =	vadd.f32 v20, v14;
	v14 =	vld [tilespmem:s17+$0x20A0]  }
0x47c: {  	s18 =	sshra.s32 s19, $0x2;
	v21 =	vld [tilespmem:s17+$0x60];
	v22 =	vadd.f32 v22, v19;
	v19 =	vadd.f32 v26, v24  }
0x47d: {  	v24 =	vld [tilespmem:s18+$0x0];
	v27 =	vadd.f32 v25, v20  }
0x47e: {  	s19 =	sadd.s32 $0x200, s19;
	v26 =	vld [tilespmem:s18+$0x10];
	v25 =	vperm.xlane v22, v1;
	v20 =	vmul.f32 v28, v19  }
0x47f: {  	_ = 	snop  }
0x480: {  	v28 =	vld [tilespmem:s18+$0x20];
	_ =	sdelay $0x1  }
0x481: {  	v29 =	vld [tilespmem:s18+$0x30]  }
0x482: {  	v24 =	vadd.f32 v26, v24  }
0x483: {  	v26 =	vld [tilespmem:s18+$0x40]  }
0x484: {  	v24 =	vadd.f32 v28, v24  }
0x485: {  	v28 =	vld [tilespmem:s18+$0x50]  }
0x486: {  	v30 =	vld [tilespmem:s17+$0x70];
	v24 =	vadd.f32 v29, v24  }
0x487: {  	v29 =	vld [tilespmem:s18+$0x60]  }
0x488: {  	v23 =	vadd.f32 v23, v27;
	v24 =	vadd.f32 v26, v24  }
0x489: {  	v26 =	vld [tilespmem:s18+$0x70]  }
0x48a: {  	v21 =	vadd.f32 v21, v23;
	v23 =	vadd.f32 v28, v24;
	_ =	sdelay $0x1  }
0x48b: {  	v21 =	vadd.f32 v30, v21;
	v23 =	vadd.f32 v29, v23;
	_ =	sdelay $0x1  }
0x48c: {  	v24 =	vperm.xlane v21, v0;
	v23 =	vadd.f32 v26, v23;
	_ =	sdelay $0x1  }
0x48d: {  	v21 =	vadd.f32 v24, v21;
	v24 =	vperm.xlane v23, v0  }
0x48e: {  	v22 =	vadd.f32 v25, v22  }
0x48f: {  	(v2sf) =	vpush v5, $0xC;
	v25 =	vperm.xlane v21, v1;
	v23 =	vadd.f32 v24, v23  }
0x490: {  	v24 =	vperm.xlane v22, v2  }
0x491: {  	v21 =	vadd.f32 v25, v21;
	v25 =	vperm.xlane v23, v1  }
0x492: {  	v22 =	vadd.f32 v24, v22  }
0x493: {  	v26 =	vperm.xlane v21, v2;
	v24 =	vld [tilespmem:s16+$0x20B0];
	v23 =	vadd.f32 v25, v23  }
0x494: {  	v7 =	vmul.f32 v7, v19;
	v25 =	vperm.xlane v22, v4  }
0x495: {  	v11 =	vmul.f32 v11, v19;
	v21 =	vadd.f32 v26, v21;
	v26 =	vperm.xlane v23, v2  }
0x496: {  	v9 =	vmul.f32 v9, v19;
	v15 =	vadd.f32 v20, v15;
	v19 =	vadd.f32 v25, v22  }
0x497: {  	v20 =	vld [tilespmem:s18+$0x2080];
	v7 =	vadd.f32 v7, v18;
	v18 =	vperm.xlane v21, v4;
	v22 =	vadd.f32 v26, v23  }
0x498: {  	v11 =	vadd.f32 v11, v16;
	v9 =	vadd.f32 v9, v17;
	v16 =	vld [tilespmem:s18+$0x2090];
	v17 =	vmul.f32 v24, v19  }
0x499: {  	v18 =	vadd.f32 v18, v21;
	v8 =	vmul.f32 v8, v19;
	v23 =	vld [tilespmem:s17+$0x20B0];
	v21 =	vperm.xlane v22, v4  }
0x49a: {  	v24 =	vld [tilespmem:s18+$0x20A0];
	v6 =	vmul.f32 v6, v19;
	v12 =	vmul.f32 v12, v19;
	v15 =	vadd.f32 v17, v15  }
0x49b: {  	v7 =	vadd.f32 v8, v7;
	v8 =	vmul.f32 v10, v18;
	v10 =	vld [tilespmem:s18+$0x20B0];
	v17 =	vadd.f32 v21, v22  }
0x49c: {  	v6 =	vadd.f32 v6, v11;
	v9 =	vadd.f32 v12, v9;
	v11 =	vmul.f32 v13, v18  }
0x49d: {  	v12 =	vmul.f32 v14, v18;
	v7 =	vadd.f32 v8, v7;
	v8 =	vmul.f32 v20, v17  }
0x49e: {  	s28 =	spop (v2sf);
	v6 =	vadd.f32 v11, v6;
	v13 =	vmul.f32 v23, v18;
	v11 =	vmul.f32 v16, v17  }
0x49f: {  	s16 =	sshll.u32 s28, $0x9;
	v9 =	vadd.f32 v12, v9;
	v12 =	vmul.f32 v24, v17;
	v7 =	vadd.f32 v8, v7  }
0x4a0: {  	s16 =	sshra.s32 s16, $0x2;
	v10 =	vmul.f32 v10, v17;
	v8 =	vadd.f32 v13, v15;
	v6 =	vadd.f32 v11, v6  }
0x4a1: {  	v9 =	vadd.f32 v12, v9;
	[tilespmem:s16+$0x4080] =	vst.add.f32.msk $0xffff, v7  }
0x4a2: {  	v7 =	vadd.f32 v10, v8;
	[tilespmem:s16+$0x4090] =	vst.add.f32.msk $0xffff, v6  }
0x4a3: {  	[tilespmem:s16+$0x40A0] =	vst.add.f32.msk $0xffff, v9  }
0x4a4: {  	s29 =	sadd.s32 $0x3400, s15;
	s30 =	simm.s32 $0x0;
	[tilespmem:s16+$0x40B0] =	vst.add.f32.msk $0xffff, v7  }
0x4a5: {  	[tilespmem:s30], [sflag:$0x1] =	stream.linear.gather [hbm4b:s29+s30], $0x2000, $0x38;
	[tilespmem:$0x6080] =	vst v63  }
0x4a6: {  	_ =	swait.ge [sflag:s10], $0x2000  }
0x4a7: {  	[sflag:s10] =	ssyncset.done $0x0  }
0x4a8: {  	s31 =	simm.s32 $0x0;
	[sflag:s10] =	ssyncadd.s32 $0xFFFFE000  }
0x4a9: {  	v6 =	vld [tilespmem:s31+$0x0]  }
0x4aa: {  	v7 =	vld [tilespmem:s31+$0x10];
	_ =	sdelay $0x1  }
0x4ab: {  	v8 =	vld [tilespmem:s31+$0x20];
	_ =	sdelay $0x1  }
0x4ac: {  	v9 =	vld [tilespmem:s31+$0x30]  }
0x4ad: {  	v10 =	vld [tilespmem:s31+$0x40];
	v6 =	vadd.f32 v7, v6  }
0x4ae: {  	s16 =	simm.s32 $0x80;
	v12 =	vld [tilespmem:s31+$0x60]  }
0x4af: {  	v13 =	vld [tilespmem:s16+$0x0];
	v6 =	vadd.f32 v8, v6  }
0x4b0: {  	v8 =	vld [tilespmem:s31+$0x50]  }
0x4b1: {  	v14 =	vld [tilespmem:s31+$0x70];
	v6 =	vadd.f32 v9, v6  }
0x4b2: {  	v11 =	vld [tilespmem:s31+$0x2090]  }
0x4b3: {  	v15 =	vld [tilespmem:s16+$0x20];
	v6 =	vadd.f32 v10, v6  }
0x4b4: {  	v10 =	vld [tilespmem:s16+$0x10]  }
0x4b5: {  	v16 =	vld [tilespmem:s16+$0x50];
	v6 =	vadd.f32 v8, v6  }
0x4b6: {  	v17 =	vld [tilespmem:s16+$0x60]  }
0x4b7: {  	v18 =	vld [tilespmem:s16+$0x70];
	v6 =	vadd.f32 v12, v6  }
0x4b8: {  	s17 =	simm.s32 $0x100;
	v12 =	vld [tilespmem:s16+$0x30]  }
0x4b9: {  	v19 =	vld [tilespmem:s17+$0x30];
	v10 =	vadd.f32 v10, v13;
	v13 =	vadd.f32 v14, v6  }
0x4ba: {  	v14 =	vld [tilespmem:s16+$0x40]  }
0x4bb: {  	v25 =	vld [tilespmem:s17+$0x40];
	v10 =	vadd.f32 v15, v10;
	v15 =	vperm.xlane v13, v0  }
0x4bc: {  	v23 =	vld [tilespmem:s17+$0x50]  }
0x4bd: {  	v21 =	vld [tilespmem:s17+$0x60];
	v10 =	vadd.f32 v12, v10;
	v12 =	vadd.f32 v15, v13  }
0x4be: {  	v13 =	vld [tilespmem:s17+$0x0]  }
0x4bf: {  	s18 =	simm.s32 $0x180;
	v10 =	vadd.f32 v14, v10;
	v14 =	vld [tilespmem:s17+$0x10];
	v15 =	vperm.xlane v12, v1  }
0x4c0: {  	v24 =	vld [tilespmem:s18+$0x0]  }
0x4c1: {  	v10 =	vadd.f32 v16, v10;
	v16 =	vld [tilespmem:s17+$0x20];
	v15 =	vadd.f32 v15, v12  }
0x4c2: {  	v7 =	vld [tilespmem:s31+$0x2080]  }
0x4c3: {  	v9 =	vld [tilespmem:s31+$0x20A0];
	v17 =	vadd.f32 v17, v10;
	v20 =	vperm.xlane v15, v2  }
0x4c4: {  	v8 =	vld [tilespmem:s16+$0x2080];
	v13 =	vadd.f32 v14, v13  }
0x4c5: {  	v6 =	vld [tilespmem:s16+$0x2090];
	v17 =	vadd.f32 v18, v17;
	v15 =	vadd.f32 v20, v15  }
0x4c6: {  	v14 =	vadd.f32 v16, v13;
	v16 =	vld [tilespmem:s31+$0x20B0]  }
0x4c7: {  	v12 =	vld [tilespmem:s16+$0x20A0];
	v18 =	vperm.xlane v17, v0;
	v20 =	vperm.xlane v15, v4  }
0x4c8: {  	v10 =	vld [tilespmem:s17+$0x2080];
	v26 =	vadd.f32 v19, v14  }
0x4c9: {  	v13 =	vld [tilespmem:s17+$0x2090];
	v22 =	vadd.f32 v18, v17;
	v18 =	vimm.f32 $0.0e+00;
	v19 =	vadd.f32 v20, v15  }
0x4ca: {  	v14 =	vld [tilespmem:s17+$0x20A0];
	v17 =	vimm.f32 $0.0e+00;
	v15 =	vimm.f32 $0.0e+00;
	v27 =	vadd.f32 v25, v26  }
0x4cb: {  	s19 =	simm.s32 $0x800;
	v26 =	vld [tilespmem:s18+$0x10];
	v25 =	vperm.xlane v22, v1;
	v20 =	vmul.f32 v16, v19;
	v16 =	vimm.f32 $0.0e+00  }
.LBB2_31:
0x4cc: {  	p1 =	sne.s32 s19, $0x7E00;
	v23 =	vadd.f32 v23, v27;
	v27 =	vld [tilespmem:s17+$0x70];
	v28 =	vmul.f32 v7, v19;
	v30 =	vmul.f32 v11, v19;
	v7 =	vmovc v8  }
0x4cd: {  	v19 =	vmul.f32 v9, v19;
	v8 =	vmovc v10;
	v29 =	vld [tilespmem:s18+$0x20];
	v22 =	vadd.f32 v25, v22;
	v15 =	vadd.f32 v20, v15  }
0x4ce: {  	v11 =	vmovc v6;
	v6 =	vmovc v13;
	v9 =	vmov v12;
	v10 =	vld [tilespmem:s18+$0x2080];
	v18 =	vadd.f32 v28, v18;
	v16 =	vadd.f32 v30, v16  }
0x4cf: {  	v12 =	vmovc v14;
	v21 =	vadd.f32 v21, v23;
	v17 =	vadd.f32 v19, v17;
	v20 =	vld [tilespmem:s18+$0x30];
	v23 =	vperm.xlane v22, v2  }
0x4d0: {  	v14 =	vadd.f32 v26, v24;
	v13 =	vld [tilespmem:s18+$0x2090]  }
0x4d1: {  	v25 =	vld [tilespmem:s18+$0x40];
	v19 =	vadd.f32 v27, v21;
	v24 =	vadd.f32 v23, v22  }
0x4d2: {  	v14 =	vadd.f32 v29, v14;
	v28 =	vld [tilespmem:s16+$0x20B0];
	s16 =	smov.u32 s17;
	s17 =	smov.u32 s18  }
.Ltmp14:
0x4d3: {  	v23 =	vld [tilespmem:s17+$0x50];
	v22 =	vperm.xlane v19, v0;
	v26 =	vperm.xlane v24, v4;
	(pc) =	sbr.rel @p1 .LBB2_31-.Ltmp14, $4  }
0x4d4: {  	v20 =	vadd.f32 v20, v14;
	v14 =	vld [tilespmem:s17+$0x20A0]  }
0x4d5: {  	s18 =	sshra.s32 s19, $0x2;
	v21 =	vld [tilespmem:s17+$0x60];
	v22 =	vadd.f32 v22, v19;
	v19 =	vadd.f32 v26, v24  }
0x4d6: {  	v24 =	vld [tilespmem:s18+$0x0];
	v27 =	vadd.f32 v25, v20  }
0x4d7: {  	s19 =	sadd.s32 $0x200, s19;
	v26 =	vld [tilespmem:s18+$0x10];
	v25 =	vperm.xlane v22, v1;
	v20 =	vmul.f32 v28, v19  }
0x4d8: {  	_ = 	snop  }
0x4d9: {  	v28 =	vld [tilespmem:s18+$0x20];
	_ =	sdelay $0x1  }
0x4da: {  	v29 =	vld [tilespmem:s18+$0x30]  }
0x4db: {  	v24 =	vadd.f32 v26, v24  }
0x4dc: {  	v26 =	vld [tilespmem:s18+$0x40]  }
0x4dd: {  	v24 =	vadd.f32 v28, v24  }
0x4de: {  	v28 =	vld [tilespmem:s18+$0x50]  }
0x4df: {  	v30 =	vld [tilespmem:s17+$0x70];
	v24 =	vadd.f32 v29, v24  }
0x4e0: {  	v29 =	vld [tilespmem:s18+$0x60]  }
0x4e1: {  	v23 =	vadd.f32 v23, v27;
	v24 =	vadd.f32 v26, v24  }
0x4e2: {  	v26 =	vld [tilespmem:s18+$0x70]  }
0x4e3: {  	v21 =	vadd.f32 v21, v23;
	v23 =	vadd.f32 v28, v24;
	_ =	sdelay $0x1  }
0x4e4: {  	v21 =	vadd.f32 v30, v21;
	v23 =	vadd.f32 v29, v23;
	_ =	sdelay $0x1  }
0x4e5: {  	v24 =	vperm.xlane v21, v0;
	v23 =	vadd.f32 v26, v23;
	_ =	sdelay $0x1  }
0x4e6: {  	v21 =	vadd.f32 v24, v21;
	v24 =	vperm.xlane v23, v0  }
0x4e7: {  	v22 =	vadd.f32 v25, v22  }
0x4e8: {  	(v2sf) =	vpush v5, $0xD;
	v25 =	vperm.xlane v21, v1;
	v23 =	vadd.f32 v24, v23  }
0x4e9: {  	v24 =	vperm.xlane v22, v2  }
0x4ea: {  	v21 =	vadd.f32 v25, v21;
	v25 =	vperm.xlane v23, v1  }
0x4eb: {  	v22 =	vadd.f32 v24, v22  }
0x4ec: {  	v26 =	vperm.xlane v21, v2;
	v24 =	vld [tilespmem:s16+$0x20B0];
	v23 =	vadd.f32 v25, v23  }
0x4ed: {  	v7 =	vmul.f32 v7, v19;
	v25 =	vperm.xlane v22, v4  }
0x4ee: {  	v11 =	vmul.f32 v11, v19;
	v21 =	vadd.f32 v26, v21;
	v26 =	vperm.xlane v23, v2  }
0x4ef: {  	v9 =	vmul.f32 v9, v19;
	v15 =	vadd.f32 v20, v15;
	v19 =	vadd.f32 v25, v22  }
0x4f0: {  	v20 =	vld [tilespmem:s18+$0x2080];
	v7 =	vadd.f32 v7, v18;
	v18 =	vperm.xlane v21, v4;
	v22 =	vadd.f32 v26, v23  }
0x4f1: {  	v11 =	vadd.f32 v11, v16;
	v9 =	vadd.f32 v9, v17;
	v16 =	vld [tilespmem:s18+$0x2090];
	v17 =	vmul.f32 v24, v19  }
0x4f2: {  	v18 =	vadd.f32 v18, v21;
	v8 =	vmul.f32 v8, v19;
	v23 =	vld [tilespmem:s17+$0x20B0];
	v21 =	vperm.xlane v22, v4  }
0x4f3: {  	v24 =	vld [tilespmem:s18+$0x20A0];
	v6 =	vmul.f32 v6, v19;
	v12 =	vmul.f32 v12, v19;
	v15 =	vadd.f32 v17, v15  }
0x4f4: {  	v7 =	vadd.f32 v8, v7;
	v8 =	vmul.f32 v10, v18;
	v10 =	vld [tilespmem:s18+$0x20B0];
	v17 =	vadd.f32 v21, v22  }
0x4f5: {  	v6 =	vadd.f32 v6, v11;
	v9 =	vadd.f32 v12, v9;
	v11 =	vmul.f32 v13, v18  }
0x4f6: {  	v12 =	vmul.f32 v14, v18;
	v7 =	vadd.f32 v8, v7;
	v8 =	vmul.f32 v20, v17  }
0x4f7: {  	s28 =	spop (v2sf);
	v6 =	vadd.f32 v11, v6;
	v13 =	vmul.f32 v23, v18;
	v11 =	vmul.f32 v16, v17  }
0x4f8: {  	s16 =	sshll.u32 s28, $0x9;
	v9 =	vadd.f32 v12, v9;
	v12 =	vmul.f32 v24, v17;
	v7 =	vadd.f32 v8, v7  }
0x4f9: {  	s16 =	sshra.s32 s16, $0x2;
	v10 =	vmul.f32 v10, v17;
	v8 =	vadd.f32 v13, v15;
	v6 =	vadd.f32 v11, v6  }
0x4fa: {  	v9 =	vadd.f32 v12, v9;
	[tilespmem:s16+$0x4080] =	vst.add.f32.msk $0xffff, v7  }
0x4fb: {  	v7 =	vadd.f32 v10, v8;
	[tilespmem:s16+$0x4090] =	vst.add.f32.msk $0xffff, v6  }
0x4fc: {  	[tilespmem:s16+$0x40A0] =	vst.add.f32.msk $0xffff, v9  }
0x4fd: {  	s29 =	sadd.s32 $0x3800, s15;
	s30 =	simm.s32 $0x0;
	[tilespmem:s16+$0x40B0] =	vst.add.f32.msk $0xffff, v7  }
0x4fe: {  	[tilespmem:s30], [sflag:$0x1] =	stream.linear.gather [hbm4b:s29+s30], $0x2000, $0x38;
	[tilespmem:$0x6080] =	vst v63  }
0x4ff: {  	_ =	swait.ge [sflag:s10], $0x2000  }
0x500: {  	[sflag:s10] =	ssyncset.done $0x0  }
0x501: {  	s31 =	simm.s32 $0x0;
	[sflag:s10] =	ssyncadd.s32 $0xFFFFE000  }
0x502: {  	v6 =	vld [tilespmem:s31+$0x0]  }
0x503: {  	v7 =	vld [tilespmem:s31+$0x10];
	_ =	sdelay $0x1  }
0x504: {  	v8 =	vld [tilespmem:s31+$0x20];
	_ =	sdelay $0x1  }
0x505: {  	v9 =	vld [tilespmem:s31+$0x30]  }
0x506: {  	v10 =	vld [tilespmem:s31+$0x40];
	v6 =	vadd.f32 v7, v6  }
0x507: {  	s16 =	simm.s32 $0x80;
	v12 =	vld [tilespmem:s31+$0x60]  }
0x508: {  	v13 =	vld [tilespmem:s16+$0x0];
	v6 =	vadd.f32 v8, v6  }
0x509: {  	v8 =	vld [tilespmem:s31+$0x50]  }
0x50a: {  	v14 =	vld [tilespmem:s31+$0x70];
	v6 =	vadd.f32 v9, v6  }
0x50b: {  	v11 =	vld [tilespmem:s31+$0x2090]  }
0x50c: {  	v15 =	vld [tilespmem:s16+$0x20];
	v6 =	vadd.f32 v10, v6  }
0x50d: {  	v10 =	vld [tilespmem:s16+$0x10]  }
0x50e: {  	v16 =	vld [tilespmem:s16+$0x50];
	v6 =	vadd.f32 v8, v6  }
0x50f: {  	v17 =	vld [tilespmem:s16+$0x60]  }
0x510: {  	v18 =	vld [tilespmem:s16+$0x70];
	v6 =	vadd.f32 v12, v6  }
0x511: {  	s17 =	simm.s32 $0x100;
	v12 =	vld [tilespmem:s16+$0x30]  }
0x512: {  	v19 =	vld [tilespmem:s17+$0x30];
	v10 =	vadd.f32 v10, v13;
	v13 =	vadd.f32 v14, v6  }
0x513: {  	v14 =	vld [tilespmem:s16+$0x40]  }
0x514: {  	v25 =	vld [tilespmem:s17+$0x40];
	v10 =	vadd.f32 v15, v10;
	v15 =	vperm.xlane v13, v0  }
0x515: {  	v23 =	vld [tilespmem:s17+$0x50]  }
0x516: {  	v21 =	vld [tilespmem:s17+$0x60];
	v10 =	vadd.f32 v12, v10;
	v12 =	vadd.f32 v15, v13  }
0x517: {  	v13 =	vld [tilespmem:s17+$0x0]  }
0x518: {  	s18 =	simm.s32 $0x180;
	v10 =	vadd.f32 v14, v10;
	v14 =	vld [tilespmem:s17+$0x10];
	v15 =	vperm.xlane v12, v1  }
0x519: {  	v24 =	vld [tilespmem:s18+$0x0]  }
0x51a: {  	v10 =	vadd.f32 v16, v10;
	v16 =	vld [tilespmem:s17+$0x20];
	v15 =	vadd.f32 v15, v12  }
0x51b: {  	v7 =	vld [tilespmem:s31+$0x2080]  }
0x51c: {  	v9 =	vld [tilespmem:s31+$0x20A0];
	v17 =	vadd.f32 v17, v10;
	v20 =	vperm.xlane v15, v2  }
0x51d: {  	v8 =	vld [tilespmem:s16+$0x2080];
	v13 =	vadd.f32 v14, v13  }
0x51e: {  	v6 =	vld [tilespmem:s16+$0x2090];
	v17 =	vadd.f32 v18, v17;
	v15 =	vadd.f32 v20, v15  }
0x51f: {  	v14 =	vadd.f32 v16, v13;
	v16 =	vld [tilespmem:s31+$0x20B0]  }
0x520: {  	v12 =	vld [tilespmem:s16+$0x20A0];
	v18 =	vperm.xlane v17, v0;
	v20 =	vperm.xlane v15, v4  }
0x521: {  	v10 =	vld [tilespmem:s17+$0x2080];
	v26 =	vadd.f32 v19, v14  }
0x522: {  	v13 =	vld [tilespmem:s17+$0x2090];
	v22 =	vadd.f32 v18, v17;
	v18 =	vimm.f32 $0.0e+00;
	v19 =	vadd.f32 v20, v15  }
0x523: {  	v14 =	vld [tilespmem:s17+$0x20A0];
	v17 =	vimm.f32 $0.0e+00;
	v15 =	vimm.f32 $0.0e+00;
	v27 =	vadd.f32 v25, v26  }
0x524: {  	s19 =	simm.s32 $0x800;
	v26 =	vld [tilespmem:s18+$0x10];
	v25 =	vperm.xlane v22, v1;
	v20 =	vmul.f32 v16, v19;
	v16 =	vimm.f32 $0.0e+00  }
.LBB2_33:
0x525: {  	p1 =	sne.s32 s19, $0x7E00;
	v23 =	vadd.f32 v23, v27;
	v27 =	vld [tilespmem:s17+$0x70];
	v28 =	vmul.f32 v7, v19;
	v30 =	vmul.f32 v11, v19;
	v7 =	vmovc v8  }
0x526: {  	v19 =	vmul.f32 v9, v19;
	v8 =	vmovc v10;
	v29 =	vld [tilespmem:s18+$0x20];
	v22 =	vadd.f32 v25, v22;
	v15 =	vadd.f32 v20, v15  }
0x527: {  	v11 =	vmovc v6;
	v6 =	vmovc v13;
	v9 =	vmov v12;
	v10 =	vld [tilespmem:s18+$0x2080];
	v18 =	vadd.f32 v28, v18;
	v16 =	vadd.f32 v30, v16  }
0x528: {  	v12 =	vmovc v14;
	v21 =	vadd.f32 v21, v23;
	v17 =	vadd.f32 v19, v17;
	v20 =	vld [tilespmem:s18+$0x30];
	v23 =	vperm.xlane v22, v2  }
0x529: {  	v14 =	vadd.f32 v26, v24;
	v13 =	vld [tilespmem:s18+$0x2090]  }
0x52a: {  	v25 =	vld [tilespmem:s18+$0x40];
	v19 =	vadd.f32 v27, v21;
	v24 =	vadd.f32 v23, v22  }
0x52b: {  	v14 =	vadd.f32 v29, v14;
	v28 =	vld [tilespmem:s16+$0x20B0];
	s16 =	smov.u32 s17;
	s17 =	smov.u32 s18  }
.Ltmp15:
0x52c: {  	v23 =	vld [tilespmem:s17+$0x50];
	v22 =	vperm.xlane v19, v0;
	v26 =	vperm.xlane v24, v4;
	(pc) =	sbr.rel @p1 .LBB2_33-.Ltmp15, $4  }
0x52d: {  	v20 =	vadd.f32 v20, v14;
	v14 =	vld [tilespmem:s17+$0x20A0]  }
0x52e: {  	s18 =	sshra.s32 s19, $0x2;
	v21 =	vld [tilespmem:s17+$0x60];
	v22 =	vadd.f32 v22, v19;
	v19 =	vadd.f32 v26, v24  }
0x52f: {  	v24 =	vld [tilespmem:s18+$0x0];
	v27 =	vadd.f32 v25, v20  }
0x530: {  	s19 =	sadd.s32 $0x200, s19;
	v26 =	vld [tilespmem:s18+$0x10];
	v25 =	vperm.xlane v22, v1;
	v20 =	vmul.f32 v28, v19  }
0x531: {  	_ = 	snop  }
0x532: {  	v28 =	vld [tilespmem:s18+$0x20];
	_ =	sdelay $0x1  }
0x533: {  	v29 =	vld [tilespmem:s18+$0x30]  }
0x534: {  	v24 =	vadd.f32 v26, v24  }
0x535: {  	v26 =	vld [tilespmem:s18+$0x40]  }
0x536: {  	v24 =	vadd.f32 v28, v24  }
0x537: {  	v28 =	vld [tilespmem:s18+$0x50]  }
0x538: {  	v30 =	vld [tilespmem:s17+$0x70];
	v24 =	vadd.f32 v29, v24  }
0x539: {  	v29 =	vld [tilespmem:s18+$0x60]  }
0x53a: {  	v23 =	vadd.f32 v23, v27;
	v24 =	vadd.f32 v26, v24  }
0x53b: {  	v26 =	vld [tilespmem:s18+$0x70]  }
0x53c: {  	v21 =	vadd.f32 v21, v23;
	v23 =	vadd.f32 v28, v24;
	_ =	sdelay $0x1  }
0x53d: {  	v21 =	vadd.f32 v30, v21;
	v23 =	vadd.f32 v29, v23;
	_ =	sdelay $0x1  }
0x53e: {  	v24 =	vperm.xlane v21, v0;
	v23 =	vadd.f32 v26, v23;
	_ =	sdelay $0x1  }
0x53f: {  	v21 =	vadd.f32 v24, v21;
	v24 =	vperm.xlane v23, v0  }
0x540: {  	v22 =	vadd.f32 v25, v22  }
0x541: {  	(v2sf) =	vpush v5, $0xE;
	v25 =	vperm.xlane v21, v1;
	v23 =	vadd.f32 v24, v23  }
0x542: {  	v24 =	vperm.xlane v22, v2  }
0x543: {  	v21 =	vadd.f32 v25, v21;
	v25 =	vperm.xlane v23, v1  }
0x544: {  	v22 =	vadd.f32 v24, v22  }
0x545: {  	v26 =	vperm.xlane v21, v2;
	v24 =	vld [tilespmem:s16+$0x20B0];
	v23 =	vadd.f32 v25, v23  }
0x546: {  	v7 =	vmul.f32 v7, v19;
	v25 =	vperm.xlane v22, v4  }
0x547: {  	v11 =	vmul.f32 v11, v19;
	v21 =	vadd.f32 v26, v21;
	v26 =	vperm.xlane v23, v2  }
0x548: {  	v9 =	vmul.f32 v9, v19;
	v15 =	vadd.f32 v20, v15;
	v19 =	vadd.f32 v25, v22  }
0x549: {  	v20 =	vld [tilespmem:s18+$0x2080];
	v7 =	vadd.f32 v7, v18;
	v18 =	vperm.xlane v21, v4;
	v22 =	vadd.f32 v26, v23  }
0x54a: {  	v11 =	vadd.f32 v11, v16;
	v9 =	vadd.f32 v9, v17;
	v16 =	vld [tilespmem:s18+$0x2090];
	v17 =	vmul.f32 v24, v19  }
0x54b: {  	v18 =	vadd.f32 v18, v21;
	v8 =	vmul.f32 v8, v19;
	v23 =	vld [tilespmem:s17+$0x20B0];
	v21 =	vperm.xlane v22, v4  }
0x54c: {  	v24 =	vld [tilespmem:s18+$0x20A0];
	v6 =	vmul.f32 v6, v19;
	v12 =	vmul.f32 v12, v19;
	v15 =	vadd.f32 v17, v15  }
0x54d: {  	v7 =	vadd.f32 v8, v7;
	v8 =	vmul.f32 v10, v18;
	v10 =	vld [tilespmem:s18+$0x20B0];
	v17 =	vadd.f32 v21, v22  }
0x54e: {  	v6 =	vadd.f32 v6, v11;
	v9 =	vadd.f32 v12, v9;
	v11 =	vmul.f32 v13, v18  }
0x54f: {  	v12 =	vmul.f32 v14, v18;
	v7 =	vadd.f32 v8, v7;
	v8 =	vmul.f32 v20, v17  }
0x550: {  	s29 =	spop (v2sf);
	v6 =	vadd.f32 v11, v6;
	v13 =	vmul.f32 v23, v18;
	v11 =	vmul.f32 v16, v17  }
0x551: {  	s16 =	sshll.u32 s29, $0x9;
	v9 =	vadd.f32 v12, v9;
	v12 =	vmul.f32 v24, v17;
	v7 =	vadd.f32 v8, v7  }
0x552: {  	s16 =	sshra.s32 s16, $0x2;
	v10 =	vmul.f32 v10, v17;
	v8 =	vadd.f32 v13, v15;
	v6 =	vadd.f32 v11, v6  }
0x553: {  	v9 =	vadd.f32 v12, v9;
	[tilespmem:s16+$0x4080] =	vst.add.f32.msk $0xffff, v7  }
0x554: {  	v7 =	vadd.f32 v10, v8;
	[tilespmem:s16+$0x4090] =	vst.add.f32.msk $0xffff, v6  }
0x555: {  	[tilespmem:s16+$0x40A0] =	vst.add.f32.msk $0xffff, v9  }
0x556: {  	s15 =	sadd.s32 $0x3C00, s15;
	s30 =	simm.s32 $0x0;
	[tilespmem:s16+$0x40B0] =	vst.add.f32.msk $0xffff, v7  }
0x557: {  	[tilespmem:s30], [sflag:$0x1] =	stream.linear.gather [hbm4b:s15+s30], $0x2000, $0x38;
	[tilespmem:$0x6080] =	vst v63  }
0x558: {  	_ =	swait.ge [sflag:s10], $0x2000  }
0x559: {  	[sflag:s10] =	ssyncset.done $0x0  }
0x55a: {  	s31 =	simm.s32 $0x0;
	[sflag:s10] =	ssyncadd.s32 $0xFFFFE000  }
0x55b: {  	v6 =	vld [tilespmem:s31+$0x0]  }
0x55c: {  	v7 =	vld [tilespmem:s31+$0x10];
	_ =	sdelay $0x1  }
0x55d: {  	v8 =	vld [tilespmem:s31+$0x20];
	_ =	sdelay $0x1  }
0x55e: {  	v9 =	vld [tilespmem:s31+$0x30]  }
0x55f: {  	v10 =	vld [tilespmem:s31+$0x40];
	v6 =	vadd.f32 v7, v6  }
0x560: {  	s15 =	simm.s32 $0x80;
	v12 =	vld [tilespmem:s31+$0x60]  }
0x561: {  	v13 =	vld [tilespmem:s15+$0x0];
	v6 =	vadd.f32 v8, v6  }
0x562: {  	v8 =	vld [tilespmem:s31+$0x50]  }
0x563: {  	v14 =	vld [tilespmem:s31+$0x70];
	v6 =	vadd.f32 v9, v6  }
0x564: {  	v11 =	vld [tilespmem:s31+$0x2090]  }
0x565: {  	v15 =	vld [tilespmem:s15+$0x20];
	v6 =	vadd.f32 v10, v6  }
0x566: {  	v10 =	vld [tilespmem:s15+$0x10]  }
0x567: {  	v16 =	vld [tilespmem:s15+$0x50];
	v6 =	vadd.f32 v8, v6  }
0x568: {  	v17 =	vld [tilespmem:s15+$0x60]  }
0x569: {  	v18 =	vld [tilespmem:s15+$0x70];
	v6 =	vadd.f32 v12, v6  }
0x56a: {  	s16 =	simm.s32 $0x100;
	v12 =	vld [tilespmem:s15+$0x30]  }
0x56b: {  	v19 =	vld [tilespmem:s16+$0x30];
	v10 =	vadd.f32 v10, v13;
	v13 =	vadd.f32 v14, v6  }
0x56c: {  	v14 =	vld [tilespmem:s15+$0x40]  }
0x56d: {  	v25 =	vld [tilespmem:s16+$0x40];
	v10 =	vadd.f32 v15, v10;
	v15 =	vperm.xlane v13, v0  }
0x56e: {  	v23 =	vld [tilespmem:s16+$0x50]  }
0x56f: {  	v21 =	vld [tilespmem:s16+$0x60];
	v10 =	vadd.f32 v12, v10;
	v12 =	vadd.f32 v15, v13  }
0x570: {  	v13 =	vld [tilespmem:s16+$0x0]  }
0x571: {  	s17 =	simm.s32 $0x180;
	v10 =	vadd.f32 v14, v10;
	v14 =	vld [tilespmem:s16+$0x10];
	v15 =	vperm.xlane v12, v1  }
0x572: {  	v24 =	vld [tilespmem:s17+$0x0]  }
0x573: {  	v10 =	vadd.f32 v16, v10;
	v16 =	vld [tilespmem:s16+$0x20];
	v15 =	vadd.f32 v15, v12  }
0x574: {  	v7 =	vld [tilespmem:s31+$0x2080]  }
0x575: {  	v9 =	vld [tilespmem:s31+$0x20A0];
	v17 =	vadd.f32 v17, v10;
	v20 =	vperm.xlane v15, v2  }
0x576: {  	v8 =	vld [tilespmem:s15+$0x2080];
	v13 =	vadd.f32 v14, v13  }
0x577: {  	v6 =	vld [tilespmem:s15+$0x2090];
	v17 =	vadd.f32 v18, v17;
	v15 =	vadd.f32 v20, v15  }
0x578: {  	v14 =	vadd.f32 v16, v13;
	v16 =	vld [tilespmem:s31+$0x20B0]  }
0x579: {  	v12 =	vld [tilespmem:s15+$0x20A0];
	v18 =	vperm.xlane v17, v0;
	v20 =	vperm.xlane v15, v4  }
0x57a: {  	v10 =	vld [tilespmem:s16+$0x2080];
	v26 =	vadd.f32 v19, v14  }
0x57b: {  	v13 =	vld [tilespmem:s16+$0x2090];
	v22 =	vadd.f32 v18, v17;
	v18 =	vimm.f32 $0.0e+00;
	v19 =	vadd.f32 v20, v15  }
0x57c: {  	v14 =	vld [tilespmem:s16+$0x20A0];
	v17 =	vimm.f32 $0.0e+00;
	v15 =	vimm.f32 $0.0e+00;
	v27 =	vadd.f32 v25, v26  }
0x57d: {  	s18 =	simm.s32 $0x800;
	v26 =	vld [tilespmem:s17+$0x10];
	v25 =	vperm.xlane v22, v1;
	v20 =	vmul.f32 v16, v19;
	v16 =	vimm.f32 $0.0e+00  }
.LBB2_35:
0x57e: {  	p1 =	sne.s32 s18, $0x7E00;
	v23 =	vadd.f32 v23, v27;
	v27 =	vld [tilespmem:s16+$0x70];
	v28 =	vmul.f32 v7, v19;
	v30 =	vmul.f32 v11, v19;
	v7 =	vmovc v8  }
0x57f: {  	v19 =	vmul.f32 v9, v19;
	v8 =	vmovc v10;
	v29 =	vld [tilespmem:s17+$0x20];
	v22 =	vadd.f32 v25, v22;
	v15 =	vadd.f32 v20, v15  }
0x580: {  	v11 =	vmovc v6;
	v6 =	vmovc v13;
	v9 =	vmov v12;
	v10 =	vld [tilespmem:s17+$0x2080];
	v18 =	vadd.f32 v28, v18;
	v16 =	vadd.f32 v30, v16  }
0x581: {  	v12 =	vmovc v14;
	v21 =	vadd.f32 v21, v23;
	v17 =	vadd.f32 v19, v17;
	v20 =	vld [tilespmem:s17+$0x30];
	v23 =	vperm.xlane v22, v2  }
0x582: {  	v14 =	vadd.f32 v26, v24;
	v13 =	vld [tilespmem:s17+$0x2090]  }
0x583: {  	v25 =	vld [tilespmem:s17+$0x40];
	v19 =	vadd.f32 v27, v21;
	v24 =	vadd.f32 v23, v22  }
0x584: {  	v14 =	vadd.f32 v29, v14;
	v28 =	vld [tilespmem:s15+$0x20B0];
	s15 =	smov.u32 s16;
	s16 =	smov.u32 s17  }
.Ltmp16:
0x585: {  	v23 =	vld [tilespmem:s16+$0x50];
	v22 =	vperm.xlane v19, v0;
	v26 =	vperm.xlane v24, v4;
	(pc) =	sbr.rel @p1 .LBB2_35-.Ltmp16, $4  }
0x586: {  	v20 =	vadd.f32 v20, v14;
	v14 =	vld [tilespmem:s16+$0x20A0]  }
0x587: {  	s17 =	sshra.s32 s18, $0x2;
	v21 =	vld [tilespmem:s16+$0x60];
	v22 =	vadd.f32 v22, v19;
	v19 =	vadd.f32 v26, v24  }
0x588: {  	v24 =	vld [tilespmem:s17+$0x0];
	v27 =	vadd.f32 v25, v20  }
0x589: {  	s18 =	sadd.s32 $0x200, s18;
	v26 =	vld [tilespmem:s17+$0x10];
	v25 =	vperm.xlane v22, v1;
	v20 =	vmul.f32 v28, v19  }
0x58a: {  	_ = 	snop  }
0x58b: {  	v28 =	vld [tilespmem:s17+$0x20];
	_ =	sdelay $0x1  }
0x58c: {  	v29 =	vld [tilespmem:s17+$0x30]  }
0x58d: {  	v24 =	vadd.f32 v26, v24  }
0x58e: {  	v34 =	vld [tilespmem:s17+$0x40]  }
0x58f: {  	v24 =	vadd.f32 v28, v24  }
0x590: {  	v35 =	vld [tilespmem:s17+$0x50]  }
0x591: {  	v30 =	vld [tilespmem:s16+$0x70];
	v24 =	vadd.f32 v29, v24  }
0x592: {  	v36 =	vld [tilespmem:s17+$0x60]  }
0x593: {  	v23 =	vadd.f32 v23, v27;
	v24 =	vadd.f32 v34, v24  }
0x594: {  	v37 =	vld [tilespmem:s17+$0x70]  }
0x595: {  	v21 =	vadd.f32 v21, v23;
	v38 =	vadd.f32 v35, v24;
	_ =	sdelay $0x1  }
0x596: {  	v21 =	vadd.f32 v30, v21;
	v23 =	vadd.f32 v36, v38;
	_ =	sdelay $0x1  }
0x597: {  	v39 =	vperm.xlane v21, v0;
	v23 =	vadd.f32 v37, v23;
	_ =	sdelay $0x1  }
0x598: {  	v21 =	vadd.f32 v39, v21;
	v40 =	vperm.xlane v23, v0  }
0x599: {  	v22 =	vadd.f32 v25, v22  }
0x59a: {  	(v2sf) =	vpush v5, $0xF;
	v41 =	vperm.xlane v21, v1;
	v23 =	vadd.f32 v40, v23  }
0x59b: {  	v5 =	vperm.xlane v22, v2  }
0x59c: {  	v21 =	vadd.f32 v41, v21;
	v24 =	vperm.xlane v23, v1  }
0x59d: {  	v5 =	vadd.f32 v5, v22  }
0x59e: {  	v42 =	vld [tilespmem:s15+$0x20B0];
	v25 =	vperm.xlane v21, v2;
	v23 =	vadd.f32 v24, v23  }
0x59f: {  	v7 =	vmul.f32 v7, v19;
	v43 =	vperm.xlane v5, v4  }
0x5a0: {  	v11 =	vmul.f32 v11, v19;
	v21 =	vadd.f32 v25, v21;
	v44 =	vperm.xlane v23, v2  }
0x5a1: {  	v9 =	vmul.f32 v9, v19;
	v15 =	vadd.f32 v20, v15;
	v5 =	vadd.f32 v43, v5  }
0x5a2: {  	v45 =	vld [tilespmem:s17+$0x2080];
	v7 =	vadd.f32 v7, v18;
	v46 =	vperm.xlane v21, v4;
	v47 =	vadd.f32 v44, v23  }
0x5a3: {  	v48 =	vld [tilespmem:s17+$0x2090];
	v11 =	vadd.f32 v11, v16;
	v9 =	vadd.f32 v9, v17;
	v49 =	vmul.f32 v42, v5  }
0x5a4: {  	v50 =	vld [tilespmem:s16+$0x20B0];
	v8 =	vmul.f32 v8, v5;
	v18 =	vadd.f32 v46, v21;
	v51 =	vperm.xlane v47, v4  }
0x5a5: {  	v52 =	vld [tilespmem:s17+$0x20A0];
	v6 =	vmul.f32 v6, v5;
	v5 =	vmul.f32 v12, v5;
	v53 =	vadd.f32 v49, v15  }
0x5a6: {  	v55 =	vld [tilespmem:s17+$0x20B0];
	v7 =	vadd.f32 v8, v7;
	v54 =	vmul.f32 v10, v18;
	v56 =	vadd.f32 v51, v47  }
0x5a7: {  	v6 =	vadd.f32 v6, v11;
	v5 =	vadd.f32 v5, v9;
	v57 =	vmul.f32 v13, v18  }
0x5a8: {  	v58 =	vmul.f32 v14, v18;
	v7 =	vadd.f32 v54, v7;
	v59 =	vmul.f32 v45, v56  }
0x5a9: {  	s31 =	spop (v2sf);
	v60 =	vmul.f32 v50, v18;
	v6 =	vadd.f32 v57, v6;
	v61 =	vmul.f32 v48, v56  }
0x5aa: {  	s15 =	sshll.u32 s31, $0x9;
	v5 =	vadd.f32 v58, v5;
	v62 =	vmul.f32 v52, v56;
	v7 =	vadd.f32 v59, v7  }
.Ltmp17:
0x5ab: {  	s15 =	sshra.s32 s15, $0x2;
	v63 =	vadd.f32 v60, v53;
	v10 =	vmul.f32 v55, v56;
	v6 =	vadd.f32 v61, v6;
	(pc) =	sbr.rel @p0 .LBB2_4-.Ltmp17, $4  }
0x5ac: {  	v5 =	vadd.f32 v62, v5;
	[tilespmem:s15+$0x4080] =	vst.add.f32.msk $0xffff, v7  }
0x5ad: {  	v7 =	vadd.f32 v10, v63;
	[tilespmem:s15+$0x4090] =	vst.add.f32.msk $0xffff, v6  }
0x5ae: {  	[tilespmem:s15+$0x40A0] =	vst.add.f32.msk $0xffff, v5  }
0x5af: {  	s16 =	simm.s32 $0x10;
	p1 =	por $0x0, $0x0;
	[tilespmem:s15+$0x40B0] =	vst.add.f32.msk $0xffff, v7  }
0x5b0: {  	s13 =	sadd.s32 $0x1, s13  }
0x5b1: {  	p0 =	sne.s32 s13, s8  }
.Ltmp18:
0x5b2: {  	_ = 	snop;
	(pc) =	sbr.rel @p0 .LBB2_1-.Ltmp18, $4  }
0x5b3: {  	[hbm4b:s7+s2] =	stream.linear.scatter [tilespmem:s12], [sflag:$0x1], $0x2000, $0x38;
	[tilespmem:$0x6080] =	vst v63  }
0x5b4: {  	_ =	swait.ge [sflag:s10], $0x2000  }
0x5b5: {  	[sflag:s10] =	ssyncset.done $0x0  }
0x5b6: {  	[sflag:s10] =	ssyncadd.s32 $0xFFFFE000  }
0x5b7: {  	_ =	sfence.sel $0x180000  }
0x5b8: {  	[bflag:$0x0] =	sbarrier.arrive $0xFFFF  }
0x5b9: {  	p0 =	sne.s32 s3, $0x0;
	_ =	strace $0x90000047  }
0x5ba: {  	s0 =	sadd.s32 @!p0 $0x100000, s4;
	[bflag:$0x2] =	sbarrier.arrive $0xFFFF  }
0x5bb: {  	[sflag:s0] =	ssyncadd.tile.s32 @!p0 $0x1;
	_ =	shalt  }
.Lfunc_end2:
_tile_overlayer_lowered:
.L_overlay_start_2:
0x5bc: {  	(tag) =	ssettag $0x2  }
0x5bd: {  	s0 =	rddreg [dreg:$0x0];
	s2 =	stileid.u32  }
0x5be: {  	s1 =	rddreg [dreg:$0x1];
	p0 =	sne.s32 s2, $0x0  }
0x5bf: {  	s3 =	rddreg [dreg:$0x2];
	[bflag:$0x3] =	sbarrier.arrive $0xFFFF;
	s2 =	simm.s32 @!p0 $0x1C01  }
0x5c0: {  	[timem:s3], [sflag:s2] =	dma.local @!p0 [hbm:s0], s1  }
0x5c1: {  	s0 =	simm.s32 @!p0 $0x1  }
0x5c2: {  	_ =	swait.ge @!p0 [sflag:s0], s1  }
0x5c3: {  	s1 =	ssub.s32 @!p0 $0x0, s1;
	[sflag:s0] =	ssyncset.done @!p0 $0x0  }
0x5c4: {  	[sflag:s0] =	ssyncadd.s32 @!p0 s1  }
0x5c5: {  	[bflag:$0x3] =	sbarrier.arrive $0xFFFF  }
0x5c6: {  	_ =	shalt  }

</sc_bundles>
